<compile_context>
chip_gen: v7x
topology: tpu7x:2x2x1
jax: 0.10.2.dev20260603
libtpu: 0.0.44.dev20260713+nightly
codegen_flags: <defaults>
</compile_context>

<pallas_src>
import functools
import math

import jax
import jax.numpy as jnp
from jax import lax
from jax.experimental import pallas as pl
from jax.experimental.pallas import tpu as pltpu
from jax.experimental.pallas import tpu_sc as plsc

EB = 1024
NBV = 128
NW = 32
CH = 80
KR = 4


def _pack(m):
    c2 = m.shape[1] // 2
    mb = m.astype(jnp.bfloat16).reshape(m.shape[0], 2, c2)
    return pltpu.bitcast(mb, jnp.int32).reshape(m.shape[0], c2)


def _unpack(p):
    b = pltpu.bitcast(p.reshape(p.shape[0], 1, p.shape[1]), jnp.bfloat16)
    return b.reshape(p.shape[0], 2 * p.shape[1])


def _staircase_tables(dst_p, n_eb, nblk, s_max):
    lo = dst_p[0::EB] // NBV
    hi = dst_p[EB - 1::EB] // NBV
    nbs = jnp.arange(nblk, dtype=jnp.int32)
    ebf = jnp.searchsorted(hi, nbs, side="left").astype(jnp.int32)
    ebl = (jnp.searchsorted(lo, nbs, side="right") - 1).astype(jnp.int32)
    cnt = jnp.maximum(ebl - ebf + 1, 1)
    offs = jnp.concatenate([jnp.zeros((1,), jnp.int32),
                            jnp.cumsum(cnt)[:-1].astype(jnp.int32)])
    jj = jnp.arange(s_max, dtype=jnp.int32)
    nb_of = (jnp.searchsorted(offs, jj, side="right") - 1).astype(jnp.int32)
    within = jj - offs[nb_of]
    eb_of = jnp.clip(ebf[nb_of] + within, 0, n_eb - 1).astype(jnp.int32)
    first = (within == 0).astype(jnp.int32)
    last = (within == (cnt[nb_of] - 1)).astype(jnp.int32)
    total = offs[nblk - 1] + cnt[nblk - 1]
    live = (jj < total).astype(jnp.int32)
    return nb_of, eb_of, first, last, live


def _deg_body(n, nb_r, eb_r, fi_r, la_r, li_r, dst_r, out_r):
    s = pl.program_id(0)
    base = nb_r[s] * NBV

    @pl.when(li_r[s] == 1)
    def _():
        dstv = dst_r[0]
        rows = lax.broadcasted_iota(jnp.int32, (NBV, EB), 0) + base
        t = (rows == jnp.broadcast_to(dstv, (NBV, EB))).astype(jnp.float32)
        c = jnp.sum(t, axis=1).reshape(1, 1, NBV)

        @pl.when(fi_r[s] == 1)
        def _():
            out_r[...] = c

        @pl.when(fi_r[s] == 0)
        def _():
            out_r[...] = out_r[...] + c

        @pl.when(la_r[s] == 1)
        def _():
            gidx = lax.broadcasted_iota(jnp.int32, (1, 1, NBV), 2) + base
            out_r[...] = jnp.where(gidx < n,
                                   lax.rsqrt(out_r[...] + 1.0), 0.0)


def _matmul_scale_body(x_r, w_r, d_r, out_r):
    m = jnp.dot(x_r[...].astype(jnp.bfloat16), w_r[...].astype(jnp.bfloat16),
                preferred_element_type=jnp.float32)
    out_r[...] = _pack(d_r[...] * m)


def _seg_body(nb_r, eb_r, fi_r, li_r, dst_r, ev_r, out_r):
    s = pl.program_id(0)
    base = nb_r[s] * NBV

    @pl.when(li_r[s] == 1)
    def _():
        dstv = dst_r[0]
        rows = lax.broadcasted_iota(jnp.int32, (NBV, EB), 0) + base
        t = (rows == jnp.broadcast_to(dstv, (NBV, EB))).astype(jnp.bfloat16)
        evb = _unpack(ev_r[0])
        r = jnp.dot(t, evb, preferred_element_type=jnp.float32)[None]

        @pl.when(fi_r[s] == 1)
        def _():
            out_r[...] = r

        @pl.when(fi_r[s] == 0)
        def _():
            out_r[...] = out_r[...] + r


def _passa_body(n, agg_r, s_r, d_r, b_r, z_r, st_r):
    i = pl.program_id(0)
    sv = _unpack(s_r[...]).astype(jnp.float32)
    zv = d_r[...] * (agg_r[0] + sv) + b_r[...]
    z_r[...] = zv
    gidx = lax.broadcasted_iota(jnp.int32, zv.shape, 0) + i * NBV
    zm = jnp.where(gidx < n, zv, 0.0)
    st = jnp.concatenate([jnp.sum(zm, axis=0, keepdims=True),
                          jnp.sum(zm * zm, axis=0, keepdims=True)])[None]

    @pl.when(i == 0)
    def _():
        st_r[...] = st

    @pl.when(i != 0)
    def _():
        st_r[...] = st_r[...] + st


def _bn_relu(zv, st_r, g_r, be_r, n):
    mu = st_r[0, 0] * (1.0 / n)
    var = st_r[0, 1] * (1.0 / n) - mu * mu
    rstd = lax.rsqrt(var + 1e-5)
    return jnp.maximum((zv - mu) * rstd * g_r[...] + be_r[...], 0.0)


def _passb_body(n, z_r, st_r, g_r, be_r, w_r, d_r, out_r):
    h = _bn_relu(z_r[...], st_r, g_r, be_r, n).astype(jnp.bfloat16)
    m = jnp.dot(h, w_r[...].astype(jnp.bfloat16),
                preferred_element_type=jnp.float32)
    out_r[...] = _pack(d_r[...] * m)


def _bn_only_body(n, z_r, st_r, g_r, be_r, out_r):
    out_r[...] = _bn_relu(z_r[...], st_r, g_r, be_r, n).astype(jnp.bfloat16)


def _head_body(g, h_r, batch_r, pw1_r, pb1_r, pw2_r, pb2_r, pw3_r, pb3_r,
               out_r):
    npad = batch_r.shape[1]
    bvec = batch_r[...]
    gids = lax.broadcasted_iota(jnp.int32, (g, npad), 0)
    p = (gids == jnp.broadcast_to(bvec, (g, npad))).astype(jnp.bfloat16)
    cnt = jnp.sum(p.astype(jnp.float32), axis=1, keepdims=True)
    sums = jnp.dot(p, h_r[...], preferred_element_type=jnp.float32)
    pooled = sums / jnp.maximum(cnt, 1.0)
    o = jnp.maximum(jnp.dot(pooled, pw1_r[...],
                            preferred_element_type=jnp.float32) + pb1_r[...],
                    0.0)
    o = jnp.maximum(jnp.dot(o, pw2_r[...],
                            preferred_element_type=jnp.float32) + pb2_r[...],
                    0.0)
    out_r[...] = jnp.dot(o, pw3_r[...],
                         preferred_element_type=jnp.float32) + pb3_r[...]


def _sc_gather(tab, idx, e_pad, h2):
    per_w = e_pad // NW
    n_ch = per_w // CH
    mesh = plsc.VectorSubcoreMesh(core_axis_name="c", subcore_axis_name="s")

    @functools.partial(
        pl.kernel,
        out_type=jax.ShapeDtypeStruct((e_pad, h2), jnp.int32),
        mesh=mesh,
        scratch_types=(
            [pltpu.VMEM((n_ch, CH), jnp.int32)]
            + [pltpu.VMEM((CH, h2), jnp.int32) for _ in range(KR)]
            + [pltpu.SemaphoreType.DMA for _ in range(2 * KR)]
        ),
    )
    def gather_k(tab_hbm, idx_hbm, out_hbm, idx_all, *scr):
        bufs = scr[:KR]
        gsems = scr[KR:2 * KR]
        osems = scr[2 * KR:]
        wid = lax.axis_index("s") * 2 + lax.axis_index("c")
        base = wid * per_w
        pltpu.sync_copy(idx_hbm.at[pl.ds(wid * n_ch, n_ch)], idx_all)

        def fire(i, b):
            pltpu.async_copy(
                tab_hbm.at[idx_all.at[i]], bufs[b], gsems[b])

        def drain_gather(b):
            pltpu.make_async_copy(
                tab_hbm.at[idx_all.at[0]], bufs[b],
                gsems[b]).wait()

        def flush(i, b):
            pltpu.async_copy(
                bufs[b], out_hbm.at[pl.ds(base + i * CH, CH)], osems[b])

        def drain_flush(b):
            pltpu.make_async_copy(
                bufs[b], out_hbm.at[pl.ds(base, CH)], osems[b]).wait()

        for b in range(KR - 1):
            fire(b, b)

        def grp(gt, carry):
            i = gt * KR
            for b in range(KR):
                cur = i + b
                drain_gather(b)
                flush(cur, b)
                nxt = cur + KR - 1
                bb = (b + KR - 1) % KR

                @pl.when(jnp.logical_and(nxt < n_ch, nxt >= KR))
                def _():
                    drain_flush(bb)
                    fire(nxt, bb)

                @pl.when(jnp.logical_and(nxt < n_ch, nxt < KR))
                def _():
                    fire(nxt, bb)
            return carry

        lax.fori_loop(0, n_ch // KR, grp, 0)
        for b in range(KR):
            drain_flush(b)

    return gather_k(tab, idx.reshape(NW * n_ch, CH))


def kernel(x, edge_index, batch, W1, b1, W2, b2, W3, b3, g1, be1, g2, be2,
           g3, be3, pW1, pb1, pW2, pb2, pW3, pb3):
    n, din = x.shape
    e = edge_index.shape[1]
    h = W1.shape[1]
    h2 = h // 2
    g = 64

    n_pad = ((n + 511) // 512) * 512
    eq = (NW * CH * KR) * EB // math.gcd(NW * CH * KR, EB)
    e_pad = ((e + eq - 1) // eq) * eq
    n_eb = e_pad // EB
    nblk = n_pad // NBV + 1
    s_max = n_eb + 2 * nblk + 8

    src, dst = edge_index[0], edge_index[1]
    comp_u = ((dst.astype(jnp.uint32) << 18)
              | jnp.arange(e, dtype=jnp.uint32)) ^ jnp.uint32(1 << 31)
    comp_s = jnp.sort(lax.bitcast_convert_type(comp_u, jnp.int32))
    comp = lax.bitcast_convert_type(comp_s, jnp.uint32) ^ jnp.uint32(1 << 31)
    order = (comp & jnp.uint32((1 << 18) - 1)).astype(jnp.int32)
    src_p = jnp.concatenate(
        [src[order], jnp.full((e_pad - e,), n, jnp.int32)])
    dst_p = jnp.concatenate(
        [(comp >> 18).astype(jnp.int32),
         jnp.full((e_pad - e,), n - 1, jnp.int32)])
    nb_of, eb_of, first, last, live = _staircase_tables(
        dst_p, n_eb, nblk, s_max)
    dst3 = dst_p.reshape(n_eb, 1, EB)
    batch_p = jnp.concatenate(
        [batch, jnp.full((n_pad - n,), g, jnp.int32)]).reshape(1, n_pad)
    xp = jnp.pad(x, ((0, n_pad - n), (0, 0)))

    arb = pltpu.CompilerParams(dimension_semantics=("arbitrary",))

    dinv3 = pl.pallas_call(
        functools.partial(_deg_body, n),
        grid_spec=pltpu.PrefetchScalarGridSpec(
            num_scalar_prefetch=5,
            grid=(s_max,),
            in_specs=[pl.BlockSpec(
                (1, 1, EB),
                lambda s, nb, ebx, fi, la, li: (ebx[s], 0, 0))],
            out_specs=pl.BlockSpec(
                (1, 1, NBV),
                lambda s, nb, ebx, fi, la, li: (nb[s], 0, 0)),
        ),
        out_shape=jax.ShapeDtypeStruct((nblk, 1, NBV), jnp.float32),
        compiler_params=arb,
    )(nb_of, eb_of, first, last, live, dst3)
    dinv = dinv3.reshape(nblk * NBV)[:n_pad].reshape(n_pad, 1)

    def matmul_scale(hmat, w):
        k = hmat.shape[1]
        return pl.pallas_call(
            _matmul_scale_body,
            grid=(n_pad // 256,),
            in_specs=[
                pl.BlockSpec((256, k), lambda i: (i, 0)),
                pl.BlockSpec((k, h), lambda i: (0, 0)),
                pl.BlockSpec((256, 1), lambda i: (i, 0)),
            ],
            out_specs=pl.BlockSpec((256, h2), lambda i: (i, 0)),
            out_shape=jax.ShapeDtypeStruct((n_pad, h2), jnp.int32),
        )(hmat, w, dinv)

    def seg_sum(ev):
        ev3 = ev.reshape(n_eb, EB, h2)
        return pl.pallas_call(
            _seg_body,
            grid_spec=pltpu.PrefetchScalarGridSpec(
                num_scalar_prefetch=4,
                grid=(s_max,),
                in_specs=[
                    pl.BlockSpec(
                        (1, 1, EB),
                        lambda s, nb, ebx, fi, li: (ebx[s], 0, 0)),
                    pl.BlockSpec(
                        (1, EB, h2),
                        lambda s, nb, ebx, fi, li: (ebx[s], 0, 0)),
                ],
                out_specs=pl.BlockSpec(
                    (1, NBV, h),
                    lambda s, nb, ebx, fi, li: (nb[s], 0, 0)),
            ),
            out_shape=jax.ShapeDtypeStruct((nblk, NBV, h), jnp.float32),
            compiler_params=arb,
        )(nb_of, eb_of, first, live, dst3, ev3)

    def pass_a(agg, sarr, b):
        return pl.pallas_call(
            functools.partial(_passa_body, n),
            grid=(n_pad // NBV,),
            in_specs=[
                pl.BlockSpec((1, NBV, h), lambda i: (i, 0, 0)),
                pl.BlockSpec((NBV, h2), lambda i: (i, 0)),
                pl.BlockSpec((NBV, 1), lambda i: (i, 0)),
                pl.BlockSpec((1, h), lambda i: (0, 0)),
            ],
            out_specs=[
                pl.BlockSpec((NBV, h), lambda i: (i, 0)),
                pl.BlockSpec((1, 2, h), lambda i: (0, 0, 0)),
            ],
            out_shape=[
                jax.ShapeDtypeStruct((n_pad, h), jnp.float32),
                jax.ShapeDtypeStruct((1, 2, h), jnp.float32),
            ],
            compiler_params=arb,
        )(agg, sarr, dinv, b.reshape(1, h))

    def pass_b(z, st, gg, be, w):
        return pl.pallas_call(
            functools.partial(_passb_body, n),
            grid=(n_pad // 256,),
            in_specs=[
                pl.BlockSpec((256, h), lambda i: (i, 0)),
                pl.BlockSpec((1, 2, h), lambda i: (0, 0, 0)),
                pl.BlockSpec((1, h), lambda i: (0, 0)),
                pl.BlockSpec((1, h), lambda i: (0, 0)),
                pl.BlockSpec((h, h), lambda i: (0, 0)),
                pl.BlockSpec((256, 1), lambda i: (i, 0)),
            ],
            out_specs=pl.BlockSpec((256, h2), lambda i: (i, 0)),
            out_shape=jax.ShapeDtypeStruct((n_pad, h2), jnp.int32),
        )(z, st, gg.reshape(1, h), be.reshape(1, h), w, dinv)

    s1 = matmul_scale(xp, W1)
    z1, st1 = pass_a(seg_sum(_sc_gather(s1, src_p, e_pad, h2)), s1, b1)

    s2 = pass_b(z1, st1, g1, be1, W2)
    z2, st2 = pass_a(seg_sum(_sc_gather(s2, src_p, e_pad, h2)), s2, b2)

    s3 = pass_b(z2, st2, g2, be2, W3)
    z3, st3 = pass_a(seg_sum(_sc_gather(s3, src_p, e_pad, h2)), s3, b3)

    h3 = pl.pallas_call(
        functools.partial(_bn_only_body, n),
        grid=(n_pad // 256,),
        in_specs=[
            pl.BlockSpec((256, h), lambda i: (i, 0)),
            pl.BlockSpec((1, 2, h), lambda i: (0, 0, 0)),
            pl.BlockSpec((1, h), lambda i: (0, 0)),
            pl.BlockSpec((1, h), lambda i: (0, 0)),
        ],
        out_specs=pl.BlockSpec((256, h), lambda i: (i, 0)),
        out_shape=jax.ShapeDtypeStruct((n_pad, h), jnp.bfloat16),
    )(z3, st3, g3.reshape(1, h), be3.reshape(1, h))

    out = pl.pallas_call(
        functools.partial(_head_body, g),
        in_specs=[pl.BlockSpec(sh, functools.partial(lambda s: (0,) * len(s),
                                                     sh))
                  for sh in [(n_pad, h), (1, n_pad), (h, h // 2), (1, h // 2),
                             (h // 2, h // 4), (1, h // 4), (h // 4, 1),
                             (1, 1)]],
        out_specs=pl.BlockSpec((g, 1), lambda: (0, 0)),
        out_shape=jax.ShapeDtypeStruct((g, 1), jnp.float32),
    )(h3, batch_p, pW1, pb1.reshape(1, h // 2), pW2, pb2.reshape(1, h // 4),
      pW3, pb3.reshape(1, 1))
    return out

# --- scband reference (transcript-rebuilt; emitter-appended) ---
"""Pipeline reference for scband-gnnmodel-68229850464904 (READ-ONLY COPY).

The authoritative reference and input builder live on the scoring server;
editing this copy changes nothing except your own understanding.
"""

import jax, jax.numpy as jnp
import numpy as np

N = 10000
E = 160000
DIN = 256
H = 512
G = 64

def _xavier(key, shape):
    fan_in, fan_out = shape[0], shape[1]
    limit = (6.0 / (fan_in + fan_out)) ** 0.5
    return jax.random.uniform(key, shape, jnp.float32, -limit, limit)

def setup_inputs(seed: int = 0):
    key = jax.random.key(seed)
    ks = jax.random.split(key, 16)
    x = jax.random.normal(ks[0], (N, DIN), jnp.float32)
    edge_index = jax.random.randint(ks[1], (2, E), 0, N, dtype=jnp.int32)
    batch = jnp.sort(jax.random.randint(ks[2], (N,), 0, G, dtype=jnp.int32))
    inp = {"x": x, "edge_index": edge_index, "batch": batch}
    # GCN layer weights
    inp["W1"] = _xavier(ks[3], (DIN, H)); inp["b1"] = jnp.zeros((H,), jnp.float32)
    inp["W2"] = _xavier(ks[4], (H, H));   inp["b2"] = jnp.zeros((H,), jnp.float32)
    inp["W3"] = _xavier(ks[5], (H, H));   inp["b3"] = jnp.zeros((H,), jnp.float32)
    # BatchNorm affine params
    for i in (1, 2, 3):
        inp[f"g{i}"] = jnp.ones((H,), jnp.float32)
        inp[f"be{i}"] = jnp.zeros((H,), jnp.float32)
    # Predictor MLP: H -> H//2 -> H//4 -> 1
    inp["pW1"] = _xavier(ks[6], (H, H // 2));      inp["pb1"] = jnp.zeros((H // 2,), jnp.float32)
    inp["pW2"] = _xavier(ks[7], (H // 2, H // 4)); inp["pb2"] = jnp.zeros((H // 4,), jnp.float32)
    inp["pW3"] = _xavier(ks[8], (H // 4, 1));      inp["pb3"] = jnp.zeros((1,), jnp.float32)
    return inp

def reference(x, edge_index, batch, W1, b1, W2, b2, W3, b3, g1, be1, g2, be2, g3, be3, pW1, pb1, pW2, pb2, pW3, pb3):
    # GCNConv (PyG semantics): add self loops, symmetric normalization
    self_loop = jnp.arange(N, dtype=edge_index.dtype)
    src = jnp.concatenate([edge_index[0], self_loop])
    dst = jnp.concatenate([edge_index[1], self_loop])
    deg = jnp.zeros((N,), jnp.float32).at[dst].add(1.0)
    dinv = jnp.where(deg > 0, deg ** -0.5, 0.0)
    coef = (dinv[src] * dinv[dst])[:, None]

    def gcn(h, W, b):
        m = h @ W
        agg = jnp.zeros((N, W.shape[1]), jnp.float32).at[dst].add(m[src] * coef)
        return agg + b

    def bn(h, g, be):
        mu = h.mean(axis=0)
        var = h.var(axis=0)
        return (h - mu) / jnp.sqrt(var + 1e-5) * g + be

    h = x
    for (W, b, g, be) in ((W1, b1, g1, be1), (W2, b2, g2, be2), (W3, b3, g3, be3)):
        h = jax.nn.relu(bn(gcn(h, W, b), g, be))
        # dropout is identity in eval mode

    # global_mean_pool over graph ids
    sums = jnp.zeros((G, H), jnp.float32).at[batch].add(h)
    cnt = jnp.zeros((G,), jnp.float32).at[batch].add(1.0)
    pooled = sums / jnp.clip(cnt, 1.0)[:, None]

    o = jax.nn.relu(pooled @ pW1 + pb1)
    o = jax.nn.relu(o @ pW2 + pb2)
    o = o @ pW3 + pb3
    return o

if __name__ == "__main__":
    import jax
    _d = setup_inputs()
    print(jax.jit(kernel)(*tuple(_d.values())))

</pallas_src>

<mosaic_0001>
#map = affine_map<(d0, d1) -> (0, 0)>
module attributes {stable_mosaic.version = 14 : i64} {
  func.func @gather_k(%arg0: i32, %arg1: i32, %arg2: memref<10240x256xi32, #tpu.memory_space<hbm>>, %arg3: memref<2048x80xi32, #tpu.memory_space<hbm>>, %arg4: memref<163840x256xi32, #tpu.memory_space<hbm>>, %arg5: memref<64x80xi32, #tpu.memory_space<vmem>>, %arg6: memref<80x256xi32, #tpu.memory_space<vmem>>, %arg7: memref<80x256xi32, #tpu.memory_space<vmem>>, %arg8: memref<80x256xi32, #tpu.memory_space<vmem>>, %arg9: memref<80x256xi32, #tpu.memory_space<vmem>>, %arg10: memref<!tpu.dma_semaphore, #tpu.memory_space<semaphore_mem>>, %arg11: memref<!tpu.dma_semaphore, #tpu.memory_space<semaphore_mem>>, %arg12: memref<!tpu.dma_semaphore, #tpu.memory_space<semaphore_mem>>, %arg13: memref<!tpu.dma_semaphore, #tpu.memory_space<semaphore_mem>>, %arg14: memref<!tpu.dma_semaphore, #tpu.memory_space<semaphore_mem>>, %arg15: memref<!tpu.dma_semaphore, #tpu.memory_space<semaphore_mem>>, %arg16: memref<!tpu.dma_semaphore, #tpu.memory_space<semaphore_mem>>, %arg17: memref<!tpu.dma_semaphore, #tpu.memory_space<semaphore_mem>>) attributes {dimension_semantics = [#tpu.dimension_semantics<core_parallel>, #tpu.dimension_semantics<subcore_parallel>], iteration_bounds = array<i64: 2, 16>, scalar_prefetch = 0 : i64, scratch_operands = 13 : i64, tpu.core_type = #tpu.core_type<sc_vector_subcore>, window_params = [{transform_indices = #map}, {transform_indices = #map}, {transform_indices = #map}]} {
    %mul3A = arith.constant 2 : i32
    %mul3A_0 = arith.muli %arg1, %mul3A : i32
    %add3A = arith.addi %mul3A_0, %arg0 : i32
    %mul3A_1 = arith.constant 5120 : i32
    %mul3A_2 = arith.muli %add3A, %mul3A_1 : i32
    %mul3A_3 = arith.constant 64 : i32
    %mul3A_4 = arith.muli %add3A, %mul3A_3 : i32
    "tpu.region"() ({
      %run_scoped3A = tpu.sem_alloc : memref<!tpu.dma_semaphore, #tpu.memory_space<semaphore_mem>>
      %dma_start3A_45 = arith.constant 0 : i32
      %dma_start3A_46 = tpu.memref_slice %arg3[%mul3A_4, %dma_start3A_45] : memref<2048x80xi32, #tpu.memory_space<hbm>> -> memref<64x80xi32, #tpu.memory_space<hbm>>
      %dma_start3A_47 = arith.constant 0 : i32
      %dma_start3A_48 = tpu.memref_slice %arg3[%mul3A_4, %dma_start3A_47] : memref<2048x80xi32, #tpu.memory_space<hbm>> -> memref<64x80xi32, #tpu.memory_space<hbm>>
      tpu.enqueue_dma source(%dma_start3A_48 : memref<64x80xi32, #tpu.memory_space<hbm>>) target(%arg5 : memref<64x80xi32, #tpu.memory_space<vmem>>) target_semaphore(%run_scoped3A : memref<!tpu.dma_semaphore, #tpu.memory_space<semaphore_mem>>)
      %dma_wait3A_49 = arith.constant 0 : i32
      %dma_wait3A_50 = tpu.memref_slice %arg3[%mul3A_4, %dma_wait3A_49] : memref<2048x80xi32, #tpu.memory_space<hbm>> -> memref<64x80xi32, #tpu.memory_space<hbm>>
      %dma_wait3A_51 = arith.constant 0 : i32
      %dma_wait3A_52 = tpu.memref_slice %arg3[%mul3A_4, %dma_wait3A_51] : memref<2048x80xi32, #tpu.memory_space<hbm>> -> memref<64x80xi32, #tpu.memory_space<hbm>>
      tpu.wait_dma2 semaphore(%run_scoped3A : memref<!tpu.dma_semaphore, #tpu.memory_space<semaphore_mem>>) src(%dma_wait3A_52 : memref<64x80xi32, #tpu.memory_space<hbm>>) dst(%arg5 : memref<64x80xi32, #tpu.memory_space<vmem>>)
      tpu.yield
    }) : () -> ()
    %dma_start3A = arith.constant 0 : i32
    %dma_start3A_5 = arith.constant 0 : i32
    %dma_start3A_6 = tpu.memref_slice %arg5[%dma_start3A, %dma_start3A_5] : memref<64x80xi32, #tpu.memory_space<vmem>> -> memref<1x80xi32, #tpu.memory_space<vmem>>
    %dma_start3A_7 = tpu.memref_squeeze %dma_start3A_6 : memref<1x80xi32, #tpu.memory_space<vmem>> -> memref<80xi32, #tpu.memory_space<vmem>>
    %dma_start3A_8 = arith.constant 0 : i32
    %dma_start3A_9 = arith.constant 0 : i32
    %dma_start3A_10 = tpu.memref_slice %arg2[%dma_start3A_8, %dma_start3A_9] : memref<10240x256xi32, #tpu.memory_space<hbm>> -> memref<10240x256xi32, #tpu.memory_space<hbm>>
    tpu.enqueue_indirect_dma source(%dma_start3A_10 : memref<10240x256xi32, #tpu.memory_space<hbm>>) target(%arg6 : memref<80x256xi32, #tpu.memory_space<vmem>>) offsets(%dma_start3A_7 : memref<80xi32, #tpu.memory_space<vmem>>) semaphore(%arg10 : memref<!tpu.dma_semaphore, #tpu.memory_space<semaphore_mem>>)
    %dma_start3A_11 = arith.constant 1 : i32
    %dma_start3A_12 = arith.constant 0 : i32
    %dma_start3A_13 = tpu.memref_slice %arg5[%dma_start3A_11, %dma_start3A_12] : memref<64x80xi32, #tpu.memory_space<vmem>> -> memref<1x80xi32, #tpu.memory_space<vmem>>
    %dma_start3A_14 = tpu.memref_squeeze %dma_start3A_13 : memref<1x80xi32, #tpu.memory_space<vmem>> -> memref<80xi32, #tpu.memory_space<vmem>>
    %dma_start3A_15 = arith.constant 0 : i32
    %dma_start3A_16 = arith.constant 0 : i32
    %dma_start3A_17 = tpu.memref_slice %arg2[%dma_start3A_15, %dma_start3A_16] : memref<10240x256xi32, #tpu.memory_space<hbm>> -> memref<10240x256xi32, #tpu.memory_space<hbm>>
    tpu.enqueue_indirect_dma source(%dma_start3A_17 : memref<10240x256xi32, #tpu.memory_space<hbm>>) target(%arg7 : memref<80x256xi32, #tpu.memory_space<vmem>>) offsets(%dma_start3A_14 : memref<80xi32, #tpu.memory_space<vmem>>) semaphore(%arg11 : memref<!tpu.dma_semaphore, #tpu.memory_space<semaphore_mem>>)
    %dma_start3A_18 = arith.constant 2 : i32
    %dma_start3A_19 = arith.constant 0 : i32
    %dma_start3A_20 = tpu.memref_slice %arg5[%dma_start3A_18, %dma_start3A_19] : memref<64x80xi32, #tpu.memory_space<vmem>> -> memref<1x80xi32, #tpu.memory_space<vmem>>
    %dma_start3A_21 = tpu.memref_squeeze %dma_start3A_20 : memref<1x80xi32, #tpu.memory_space<vmem>> -> memref<80xi32, #tpu.memory_space<vmem>>
    %dma_start3A_22 = arith.constant 0 : i32
    %dma_start3A_23 = arith.constant 0 : i32
    %dma_start3A_24 = tpu.memref_slice %arg2[%dma_start3A_22, %dma_start3A_23] : memref<10240x256xi32, #tpu.memory_space<hbm>> -> memref<10240x256xi32, #tpu.memory_space<hbm>>
    tpu.enqueue_indirect_dma source(%dma_start3A_24 : memref<10240x256xi32, #tpu.memory_space<hbm>>) target(%arg8 : memref<80x256xi32, #tpu.memory_space<vmem>>) offsets(%dma_start3A_21 : memref<80xi32, #tpu.memory_space<vmem>>) semaphore(%arg12 : memref<!tpu.dma_semaphore, #tpu.memory_space<semaphore_mem>>)
    %scan3A = arith.constant 0 : i32
    %scan3A_25 = arith.constant 0 : i32
    %scan3A_26 = arith.constant 16 : i32
    %scan3A_27 = arith.addi %scan3A_25, %scan3A_26 : i32
    %scan3A_28 = arith.constant 1 : i32
    scf.for %scan3A_45 = %scan3A_25 to %scan3A_27 step %scan3A_28  : i32 {
      %mul3A_46 = arith.constant 4 : i32
      %mul3A_47 = arith.muli %scan3A_45, %mul3A_46 : i32
      %add3A_48 = arith.constant 0 : i32
      %add3A_49 = arith.addi %mul3A_47, %add3A_48 : i32
      %dma_wait3A_50 = arith.constant 0 : i32
      %dma_wait3A_51 = arith.constant 0 : i32
      %dma_wait3A_52 = tpu.memref_slice %arg5[%dma_wait3A_50, %dma_wait3A_51] : memref<64x80xi32, #tpu.memory_space<vmem>> -> memref<1x80xi32, #tpu.memory_space<vmem>>
      %dma_wait3A_53 = tpu.memref_squeeze %dma_wait3A_52 : memref<1x80xi32, #tpu.memory_space<vmem>> -> memref<80xi32, #tpu.memory_space<vmem>>
      %dma_wait3A_54 = arith.constant 0 : i32
      %dma_wait3A_55 = arith.constant 0 : i32
      %dma_wait3A_56 = tpu.memref_slice %arg2[%dma_wait3A_54, %dma_wait3A_55] : memref<10240x256xi32, #tpu.memory_space<hbm>> -> memref<10240x256xi32, #tpu.memory_space<hbm>>
      tpu.wait_indirect_dma semaphore(%arg10 : memref<!tpu.dma_semaphore, #tpu.memory_space<semaphore_mem>>) src(%dma_wait3A_56 : memref<10240x256xi32, #tpu.memory_space<hbm>>) dst(%arg6 : memref<80x256xi32, #tpu.memory_space<vmem>>)
      %mul3A_57 = arith.constant 80 : i32
      %mul3A_58 = arith.muli %add3A_49, %mul3A_57 : i32
      %add3A_59 = arith.addi %mul3A_2, %mul3A_58 : i32
      %dma_start3A_60 = arith.constant 0 : i32
      %dma_start3A_61 = tpu.memref_slice %arg4[%add3A_59, %dma_start3A_60] : memref<163840x256xi32, #tpu.memory_space<hbm>> -> memref<80x256xi32, #tpu.memory_space<hbm>>
      %dma_start3A_62 = arith.constant 0 : i32
      %dma_start3A_63 = tpu.memref_slice %arg4[%add3A_59, %dma_start3A_62] : memref<163840x256xi32, #tpu.memory_space<hbm>> -> memref<80x256xi32, #tpu.memory_space<hbm>>
      tpu.enqueue_dma source(%arg6 : memref<80x256xi32, #tpu.memory_space<vmem>>) target(%dma_start3A_63 : memref<80x256xi32, #tpu.memory_space<hbm>>) target_semaphore(%arg14 : memref<!tpu.dma_semaphore, #tpu.memory_space<semaphore_mem>>)
      %add3A_64 = arith.constant 4 : i32
      %add3A_65 = arith.addi %add3A_49, %add3A_64 : i32
      %sub3A = arith.constant 1 : i32
      %sub3A_66 = arith.subi %add3A_65, %sub3A : i32
      %lt3A = arith.constant 64 : i32
      %lt3A_67 = arith.cmpi slt, %sub3A_66, %lt3A : i32
      %ge3A = arith.constant 4 : i32
      %ge3A_68 = arith.cmpi sge, %sub3A_66, %ge3A : i32
      %and3A = arith.andi %lt3A_67, %ge3A_68 : i1
      %convert_element_type3A = arith.extui %and3A : i1 to i32
      %cond3A = arith.constant 0 : i32
      %cond3A_69 = arith.cmpi ne, %convert_element_type3A, %cond3A : i32
      scf.if %cond3A_69 {
        %dma_wait3A_186 = arith.constant 0 : i32
        %dma_wait3A_187 = tpu.memref_slice %arg4[%mul3A_2, %dma_wait3A_186] : memref<163840x256xi32, #tpu.memory_space<hbm>> -> memref<80x256xi32, #tpu.memory_space<hbm>>
        %dma_wait3A_188 = arith.constant 0 : i32
        %dma_wait3A_189 = tpu.memref_slice %arg4[%mul3A_2, %dma_wait3A_188] : memref<163840x256xi32, #tpu.memory_space<hbm>> -> memref<80x256xi32, #tpu.memory_space<hbm>>
        tpu.wait_dma2 semaphore(%arg17 : memref<!tpu.dma_semaphore, #tpu.memory_space<semaphore_mem>>) src(%arg9 : memref<80x256xi32, #tpu.memory_space<vmem>>) dst(%dma_wait3A_189 : memref<80x256xi32, #tpu.memory_space<hbm>>)
        %dma_start3A_190 = arith.constant 0 : i32
        %dma_start3A_191 = tpu.memref_slice %arg5[%sub3A_66, %dma_start3A_190] : memref<64x80xi32, #tpu.memory_space<vmem>> -> memref<1x80xi32, #tpu.memory_space<vmem>>
        %dma_start3A_192 = tpu.memref_squeeze %dma_start3A_191 : memref<1x80xi32, #tpu.memory_space<vmem>> -> memref<80xi32, #tpu.memory_space<vmem>>
        %dma_start3A_193 = arith.constant 0 : i32
        %dma_start3A_194 = arith.constant 0 : i32
        %dma_start3A_195 = tpu.memref_slice %arg2[%dma_start3A_193, %dma_start3A_194] : memref<10240x256xi32, #tpu.memory_space<hbm>> -> memref<10240x256xi32, #tpu.memory_space<hbm>>
        tpu.enqueue_indirect_dma source(%dma_start3A_195 : memref<10240x256xi32, #tpu.memory_space<hbm>>) target(%arg9 : memref<80x256xi32, #tpu.memory_space<vmem>>) offsets(%dma_start3A_192 : memref<80xi32, #tpu.memory_space<vmem>>) semaphore(%arg13 : memref<!tpu.dma_semaphore, #tpu.memory_space<semaphore_mem>>)
      } else {
      }
      %lt3A_70 = arith.constant 64 : i32
      %lt3A_71 = arith.cmpi slt, %sub3A_66, %lt3A_70 : i32
      %lt3A_72 = arith.constant 4 : i32
      %lt3A_73 = arith.cmpi slt, %sub3A_66, %lt3A_72 : i32
      %and3A_74 = arith.andi %lt3A_71, %lt3A_73 : i1
      %convert_element_type3A_75 = arith.extui %and3A_74 : i1 to i32
      %cond3A_76 = arith.constant 0 : i32
      %cond3A_77 = arith.cmpi ne, %convert_element_type3A_75, %cond3A_76 : i32
      scf.if %cond3A_77 {
        %dma_start3A_186 = arith.constant 0 : i32
        %dma_start3A_187 = tpu.memref_slice %arg5[%sub3A_66, %dma_start3A_186] : memref<64x80xi32, #tpu.memory_space<vmem>> -> memref<1x80xi32, #tpu.memory_space<vmem>>
        %dma_start3A_188 = tpu.memref_squeeze %dma_start3A_187 : memref<1x80xi32, #tpu.memory_space<vmem>> -> memref<80xi32, #tpu.memory_space<vmem>>
        %dma_start3A_189 = arith.constant 0 : i32
        %dma_start3A_190 = arith.constant 0 : i32
        %dma_start3A_191 = tpu.memref_slice %arg2[%dma_start3A_189, %dma_start3A_190] : memref<10240x256xi32, #tpu.memory_space<hbm>> -> memref<10240x256xi32, #tpu.memory_space<hbm>>
        tpu.enqueue_indirect_dma source(%dma_start3A_191 : memref<10240x256xi32, #tpu.memory_space<hbm>>) target(%arg9 : memref<80x256xi32, #tpu.memory_space<vmem>>) offsets(%dma_start3A_188 : memref<80xi32, #tpu.memory_space<vmem>>) semaphore(%arg13 : memref<!tpu.dma_semaphore, #tpu.memory_space<semaphore_mem>>)
      } else {
      }
      %add3A_78 = arith.constant 1 : i32
      %add3A_79 = arith.addi %mul3A_47, %add3A_78 : i32
      %dma_wait3A_80 = arith.constant 0 : i32
      %dma_wait3A_81 = arith.constant 0 : i32
      %dma_wait3A_82 = tpu.memref_slice %arg5[%dma_wait3A_80, %dma_wait3A_81] : memref<64x80xi32, #tpu.memory_space<vmem>> -> memref<1x80xi32, #tpu.memory_space<vmem>>
      %dma_wait3A_83 = tpu.memref_squeeze %dma_wait3A_82 : memref<1x80xi32, #tpu.memory_space<vmem>> -> memref<80xi32, #tpu.memory_space<vmem>>
      %dma_wait3A_84 = arith.constant 0 : i32
      %dma_wait3A_85 = arith.constant 0 : i32
      %dma_wait3A_86 = tpu.memref_slice %arg2[%dma_wait3A_84, %dma_wait3A_85] : memref<10240x256xi32, #tpu.memory_space<hbm>> -> memref<10240x256xi32, #tpu.memory_space<hbm>>
      tpu.wait_indirect_dma semaphore(%arg11 : memref<!tpu.dma_semaphore, #tpu.memory_space<semaphore_mem>>) src(%dma_wait3A_86 : memref<10240x256xi32, #tpu.memory_space<hbm>>) dst(%arg7 : memref<80x256xi32, #tpu.memory_space<vmem>>)
      %mul3A_87 = arith.constant 80 : i32
      %mul3A_88 = arith.muli %add3A_79, %mul3A_87 : i32
      %add3A_89 = arith.addi %mul3A_2, %mul3A_88 : i32
      %dma_start3A_90 = arith.constant 0 : i32
      %dma_start3A_91 = tpu.memref_slice %arg4[%add3A_89, %dma_start3A_90] : memref<163840x256xi32, #tpu.memory_space<hbm>> -> memref<80x256xi32, #tpu.memory_space<hbm>>
      %dma_start3A_92 = arith.constant 0 : i32
      %dma_start3A_93 = tpu.memref_slice %arg4[%add3A_89, %dma_start3A_92] : memref<163840x256xi32, #tpu.memory_space<hbm>> -> memref<80x256xi32, #tpu.memory_space<hbm>>
      tpu.enqueue_dma source(%arg7 : memref<80x256xi32, #tpu.memory_space<vmem>>) target(%dma_start3A_93 : memref<80x256xi32, #tpu.memory_space<hbm>>) target_semaphore(%arg15 : memref<!tpu.dma_semaphore, #tpu.memory_space<semaphore_mem>>)
      %add3A_94 = arith.constant 4 : i32
      %add3A_95 = arith.addi %add3A_79, %add3A_94 : i32
      %sub3A_96 = arith.constant 1 : i32
      %sub3A_97 = arith.subi %add3A_95, %sub3A_96 : i32
      %lt3A_98 = arith.constant 64 : i32
      %lt3A_99 = arith.cmpi slt, %sub3A_97, %lt3A_98 : i32
      %ge3A_100 = arith.constant 4 : i32
      %ge3A_101 = arith.cmpi sge, %sub3A_97, %ge3A_100 : i32
      %and3A_102 = arith.andi %lt3A_99, %ge3A_101 : i1
      %convert_element_type3A_103 = arith.extui %and3A_102 : i1 to i32
      %cond3A_104 = arith.constant 0 : i32
      %cond3A_105 = arith.cmpi ne, %convert_element_type3A_103, %cond3A_104 : i32
      scf.if %cond3A_105 {
        %dma_wait3A_186 = arith.constant 0 : i32
        %dma_wait3A_187 = tpu.memref_slice %arg4[%mul3A_2, %dma_wait3A_186] : memref<163840x256xi32, #tpu.memory_space<hbm>> -> memref<80x256xi32, #tpu.memory_space<hbm>>
        %dma_wait3A_188 = arith.constant 0 : i32
        %dma_wait3A_189 = tpu.memref_slice %arg4[%mul3A_2, %dma_wait3A_188] : memref<163840x256xi32, #tpu.memory_space<hbm>> -> memref<80x256xi32, #tpu.memory_space<hbm>>
        tpu.wait_dma2 semaphore(%arg14 : memref<!tpu.dma_semaphore, #tpu.memory_space<semaphore_mem>>) src(%arg6 : memref<80x256xi32, #tpu.memory_space<vmem>>) dst(%dma_wait3A_189 : memref<80x256xi32, #tpu.memory_space<hbm>>)
        %dma_start3A_190 = arith.constant 0 : i32
        %dma_start3A_191 = tpu.memref_slice %arg5[%sub3A_97, %dma_start3A_190] : memref<64x80xi32, #tpu.memory_space<vmem>> -> memref<1x80xi32, #tpu.memory_space<vmem>>
        %dma_start3A_192 = tpu.memref_squeeze %dma_start3A_191 : memref<1x80xi32, #tpu.memory_space<vmem>> -> memref<80xi32, #tpu.memory_space<vmem>>
        %dma_start3A_193 = arith.constant 0 : i32
        %dma_start3A_194 = arith.constant 0 : i32
        %dma_start3A_195 = tpu.memref_slice %arg2[%dma_start3A_193, %dma_start3A_194] : memref<10240x256xi32, #tpu.memory_space<hbm>> -> memref<10240x256xi32, #tpu.memory_space<hbm>>
        tpu.enqueue_indirect_dma source(%dma_start3A_195 : memref<10240x256xi32, #tpu.memory_space<hbm>>) target(%arg6 : memref<80x256xi32, #tpu.memory_space<vmem>>) offsets(%dma_start3A_192 : memref<80xi32, #tpu.memory_space<vmem>>) semaphore(%arg10 : memref<!tpu.dma_semaphore, #tpu.memory_space<semaphore_mem>>)
      } else {
      }
      %lt3A_106 = arith.constant 64 : i32
      %lt3A_107 = arith.cmpi slt, %sub3A_97, %lt3A_106 : i32
      %lt3A_108 = arith.constant 4 : i32
      %lt3A_109 = arith.cmpi slt, %sub3A_97, %lt3A_108 : i32
      %and3A_110 = arith.andi %lt3A_107, %lt3A_109 : i1
      %convert_element_type3A_111 = arith.extui %and3A_110 : i1 to i32
      %cond3A_112 = arith.constant 0 : i32
      %cond3A_113 = arith.cmpi ne, %convert_element_type3A_111, %cond3A_112 : i32
      scf.if %cond3A_113 {
        %dma_start3A_186 = arith.constant 0 : i32
        %dma_start3A_187 = tpu.memref_slice %arg5[%sub3A_97, %dma_start3A_186] : memref<64x80xi32, #tpu.memory_space<vmem>> -> memref<1x80xi32, #tpu.memory_space<vmem>>
        %dma_start3A_188 = tpu.memref_squeeze %dma_start3A_187 : memref<1x80xi32, #tpu.memory_space<vmem>> -> memref<80xi32, #tpu.memory_space<vmem>>
        %dma_start3A_189 = arith.constant 0 : i32
        %dma_start3A_190 = arith.constant 0 : i32
        %dma_start3A_191 = tpu.memref_slice %arg2[%dma_start3A_189, %dma_start3A_190] : memref<10240x256xi32, #tpu.memory_space<hbm>> -> memref<10240x256xi32, #tpu.memory_space<hbm>>
        tpu.enqueue_indirect_dma source(%dma_start3A_191 : memref<10240x256xi32, #tpu.memory_space<hbm>>) target(%arg6 : memref<80x256xi32, #tpu.memory_space<vmem>>) offsets(%dma_start3A_188 : memref<80xi32, #tpu.memory_space<vmem>>) semaphore(%arg10 : memref<!tpu.dma_semaphore, #tpu.memory_space<semaphore_mem>>)
      } else {
      }
      %add3A_114 = arith.constant 2 : i32
      %add3A_115 = arith.addi %mul3A_47, %add3A_114 : i32
      %dma_wait3A_116 = arith.constant 0 : i32
      %dma_wait3A_117 = arith.constant 0 : i32
      %dma_wait3A_118 = tpu.memref_slice %arg5[%dma_wait3A_116, %dma_wait3A_117] : memref<64x80xi32, #tpu.memory_space<vmem>> -> memref<1x80xi32, #tpu.memory_space<vmem>>
      %dma_wait3A_119 = tpu.memref_squeeze %dma_wait3A_118 : memref<1x80xi32, #tpu.memory_space<vmem>> -> memref<80xi32, #tpu.memory_space<vmem>>
      %dma_wait3A_120 = arith.constant 0 : i32
      %dma_wait3A_121 = arith.constant 0 : i32
      %dma_wait3A_122 = tpu.memref_slice %arg2[%dma_wait3A_120, %dma_wait3A_121] : memref<10240x256xi32, #tpu.memory_space<hbm>> -> memref<10240x256xi32, #tpu.memory_space<hbm>>
      tpu.wait_indirect_dma semaphore(%arg12 : memref<!tpu.dma_semaphore, #tpu.memory_space<semaphore_mem>>) src(%dma_wait3A_122 : memref<10240x256xi32, #tpu.memory_space<hbm>>) dst(%arg8 : memref<80x256xi32, #tpu.memory_space<vmem>>)
      %mul3A_123 = arith.constant 80 : i32
      %mul3A_124 = arith.muli %add3A_115, %mul3A_123 : i32
      %add3A_125 = arith.addi %mul3A_2, %mul3A_124 : i32
      %dma_start3A_126 = arith.constant 0 : i32
      %dma_start3A_127 = tpu.memref_slice %arg4[%add3A_125, %dma_start3A_126] : memref<163840x256xi32, #tpu.memory_space<hbm>> -> memref<80x256xi32, #tpu.memory_space<hbm>>
      %dma_start3A_128 = arith.constant 0 : i32
      %dma_start3A_129 = tpu.memref_slice %arg4[%add3A_125, %dma_start3A_128] : memref<163840x256xi32, #tpu.memory_space<hbm>> -> memref<80x256xi32, #tpu.memory_space<hbm>>
      tpu.enqueue_dma source(%arg8 : memref<80x256xi32, #tpu.memory_space<vmem>>) target(%dma_start3A_129 : memref<80x256xi32, #tpu.memory_space<hbm>>) target_semaphore(%arg16 : memref<!tpu.dma_semaphore, #tpu.memory_space<semaphore_mem>>)
      %add3A_130 = arith.constant 4 : i32
      %add3A_131 = arith.addi %add3A_115, %add3A_130 : i32
      %sub3A_132 = arith.constant 1 : i32
      %sub3A_133 = arith.subi %add3A_131, %sub3A_132 : i32
      %lt3A_134 = arith.constant 64 : i32
      %lt3A_135 = arith.cmpi slt, %sub3A_133, %lt3A_134 : i32
      %ge3A_136 = arith.constant 4 : i32
      %ge3A_137 = arith.cmpi sge, %sub3A_133, %ge3A_136 : i32
      %and3A_138 = arith.andi %lt3A_135, %ge3A_137 : i1
      %convert_element_type3A_139 = arith.extui %and3A_138 : i1 to i32
      %cond3A_140 = arith.constant 0 : i32
      %cond3A_141 = arith.cmpi ne, %convert_element_type3A_139, %cond3A_140 : i32
      scf.if %cond3A_141 {
        %dma_wait3A_186 = arith.constant 0 : i32
        %dma_wait3A_187 = tpu.memref_slice %arg4[%mul3A_2, %dma_wait3A_186] : memref<163840x256xi32, #tpu.memory_space<hbm>> -> memref<80x256xi32, #tpu.memory_space<hbm>>
        %dma_wait3A_188 = arith.constant 0 : i32
        %dma_wait3A_189 = tpu.memref_slice %arg4[%mul3A_2, %dma_wait3A_188] : memref<163840x256xi32, #tpu.memory_space<hbm>> -> memref<80x256xi32, #tpu.memory_space<hbm>>
        tpu.wait_dma2 semaphore(%arg15 : memref<!tpu.dma_semaphore, #tpu.memory_space<semaphore_mem>>) src(%arg7 : memref<80x256xi32, #tpu.memory_space<vmem>>) dst(%dma_wait3A_189 : memref<80x256xi32, #tpu.memory_space<hbm>>)
        %dma_start3A_190 = arith.constant 0 : i32
        %dma_start3A_191 = tpu.memref_slice %arg5[%sub3A_133, %dma_start3A_190] : memref<64x80xi32, #tpu.memory_space<vmem>> -> memref<1x80xi32, #tpu.memory_space<vmem>>
        %dma_start3A_192 = tpu.memref_squeeze %dma_start3A_191 : memref<1x80xi32, #tpu.memory_space<vmem>> -> memref<80xi32, #tpu.memory_space<vmem>>
        %dma_start3A_193 = arith.constant 0 : i32
        %dma_start3A_194 = arith.constant 0 : i32
        %dma_start3A_195 = tpu.memref_slice %arg2[%dma_start3A_193, %dma_start3A_194] : memref<10240x256xi32, #tpu.memory_space<hbm>> -> memref<10240x256xi32, #tpu.memory_space<hbm>>
        tpu.enqueue_indirect_dma source(%dma_start3A_195 : memref<10240x256xi32, #tpu.memory_space<hbm>>) target(%arg7 : memref<80x256xi32, #tpu.memory_space<vmem>>) offsets(%dma_start3A_192 : memref<80xi32, #tpu.memory_space<vmem>>) semaphore(%arg11 : memref<!tpu.dma_semaphore, #tpu.memory_space<semaphore_mem>>)
      } else {
      }
      %lt3A_142 = arith.constant 64 : i32
      %lt3A_143 = arith.cmpi slt, %sub3A_133, %lt3A_142 : i32
      %lt3A_144 = arith.constant 4 : i32
      %lt3A_145 = arith.cmpi slt, %sub3A_133, %lt3A_144 : i32
      %and3A_146 = arith.andi %lt3A_143, %lt3A_145 : i1
      %convert_element_type3A_147 = arith.extui %and3A_146 : i1 to i32
      %cond3A_148 = arith.constant 0 : i32
      %cond3A_149 = arith.cmpi ne, %convert_element_type3A_147, %cond3A_148 : i32
      scf.if %cond3A_149 {
        %dma_start3A_186 = arith.constant 0 : i32
        %dma_start3A_187 = tpu.memref_slice %arg5[%sub3A_133, %dma_start3A_186] : memref<64x80xi32, #tpu.memory_space<vmem>> -> memref<1x80xi32, #tpu.memory_space<vmem>>
        %dma_start3A_188 = tpu.memref_squeeze %dma_start3A_187 : memref<1x80xi32, #tpu.memory_space<vmem>> -> memref<80xi32, #tpu.memory_space<vmem>>
        %dma_start3A_189 = arith.constant 0 : i32
        %dma_start3A_190 = arith.constant 0 : i32
        %dma_start3A_191 = tpu.memref_slice %arg2[%dma_start3A_189, %dma_start3A_190] : memref<10240x256xi32, #tpu.memory_space<hbm>> -> memref<10240x256xi32, #tpu.memory_space<hbm>>
        tpu.enqueue_indirect_dma source(%dma_start3A_191 : memref<10240x256xi32, #tpu.memory_space<hbm>>) target(%arg7 : memref<80x256xi32, #tpu.memory_space<vmem>>) offsets(%dma_start3A_188 : memref<80xi32, #tpu.memory_space<vmem>>) semaphore(%arg11 : memref<!tpu.dma_semaphore, #tpu.memory_space<semaphore_mem>>)
      } else {
      }
      %add3A_150 = arith.constant 3 : i32
      %add3A_151 = arith.addi %mul3A_47, %add3A_150 : i32
      %dma_wait3A_152 = arith.constant 0 : i32
      %dma_wait3A_153 = arith.constant 0 : i32
      %dma_wait3A_154 = tpu.memref_slice %arg5[%dma_wait3A_152, %dma_wait3A_153] : memref<64x80xi32, #tpu.memory_space<vmem>> -> memref<1x80xi32, #tpu.memory_space<vmem>>
      %dma_wait3A_155 = tpu.memref_squeeze %dma_wait3A_154 : memref<1x80xi32, #tpu.memory_space<vmem>> -> memref<80xi32, #tpu.memory_space<vmem>>
      %dma_wait3A_156 = arith.constant 0 : i32
      %dma_wait3A_157 = arith.constant 0 : i32
      %dma_wait3A_158 = tpu.memref_slice %arg2[%dma_wait3A_156, %dma_wait3A_157] : memref<10240x256xi32, #tpu.memory_space<hbm>> -> memref<10240x256xi32, #tpu.memory_space<hbm>>
      tpu.wait_indirect_dma semaphore(%arg13 : memref<!tpu.dma_semaphore, #tpu.memory_space<semaphore_mem>>) src(%dma_wait3A_158 : memref<10240x256xi32, #tpu.memory_space<hbm>>) dst(%arg9 : memref<80x256xi32, #tpu.memory_space<vmem>>)
      %mul3A_159 = arith.constant 80 : i32
      %mul3A_160 = arith.muli %add3A_151, %mul3A_159 : i32
      %add3A_161 = arith.addi %mul3A_2, %mul3A_160 : i32
      %dma_start3A_162 = arith.constant 0 : i32
      %dma_start3A_163 = tpu.memref_slice %arg4[%add3A_161, %dma_start3A_162] : memref<163840x256xi32, #tpu.memory_space<hbm>> -> memref<80x256xi32, #tpu.memory_space<hbm>>
      %dma_start3A_164 = arith.constant 0 : i32
      %dma_start3A_165 = tpu.memref_slice %arg4[%add3A_161, %dma_start3A_164] : memref<163840x256xi32, #tpu.memory_space<hbm>> -> memref<80x256xi32, #tpu.memory_space<hbm>>
      tpu.enqueue_dma source(%arg9 : memref<80x256xi32, #tpu.memory_space<vmem>>) target(%dma_start3A_165 : memref<80x256xi32, #tpu.memory_space<hbm>>) target_semaphore(%arg17 : memref<!tpu.dma_semaphore, #tpu.memory_space<semaphore_mem>>)
      %add3A_166 = arith.constant 4 : i32
      %add3A_167 = arith.addi %add3A_151, %add3A_166 : i32
      %sub3A_168 = arith.constant 1 : i32
      %sub3A_169 = arith.subi %add3A_167, %sub3A_168 : i32
      %lt3A_170 = arith.constant 64 : i32
      %lt3A_171 = arith.cmpi slt, %sub3A_169, %lt3A_170 : i32
      %ge3A_172 = arith.constant 4 : i32
      %ge3A_173 = arith.cmpi sge, %sub3A_169, %ge3A_172 : i32
      %and3A_174 = arith.andi %lt3A_171, %ge3A_173 : i1
      %convert_element_type3A_175 = arith.extui %and3A_174 : i1 to i32
      %cond3A_176 = arith.constant 0 : i32
      %cond3A_177 = arith.cmpi ne, %convert_element_type3A_175, %cond3A_176 : i32
      scf.if %cond3A_177 {
        %dma_wait3A_186 = arith.constant 0 : i32
        %dma_wait3A_187 = tpu.memref_slice %arg4[%mul3A_2, %dma_wait3A_186] : memref<163840x256xi32, #tpu.memory_space<hbm>> -> memref<80x256xi32, #tpu.memory_space<hbm>>
        %dma_wait3A_188 = arith.constant 0 : i32
        %dma_wait3A_189 = tpu.memref_slice %arg4[%mul3A_2, %dma_wait3A_188] : memref<163840x256xi32, #tpu.memory_space<hbm>> -> memref<80x256xi32, #tpu.memory_space<hbm>>
        tpu.wait_dma2 semaphore(%arg16 : memref<!tpu.dma_semaphore, #tpu.memory_space<semaphore_mem>>) src(%arg8 : memref<80x256xi32, #tpu.memory_space<vmem>>) dst(%dma_wait3A_189 : memref<80x256xi32, #tpu.memory_space<hbm>>)
        %dma_start3A_190 = arith.constant 0 : i32
        %dma_start3A_191 = tpu.memref_slice %arg5[%sub3A_169, %dma_start3A_190] : memref<64x80xi32, #tpu.memory_space<vmem>> -> memref<1x80xi32, #tpu.memory_space<vmem>>
        %dma_start3A_192 = tpu.memref_squeeze %dma_start3A_191 : memref<1x80xi32, #tpu.memory_space<vmem>> -> memref<80xi32, #tpu.memory_space<vmem>>
        %dma_start3A_193 = arith.constant 0 : i32
        %dma_start3A_194 = arith.constant 0 : i32
        %dma_start3A_195 = tpu.memref_slice %arg2[%dma_start3A_193, %dma_start3A_194] : memref<10240x256xi32, #tpu.memory_space<hbm>> -> memref<10240x256xi32, #tpu.memory_space<hbm>>
        tpu.enqueue_indirect_dma source(%dma_start3A_195 : memref<10240x256xi32, #tpu.memory_space<hbm>>) target(%arg8 : memref<80x256xi32, #tpu.memory_space<vmem>>) offsets(%dma_start3A_192 : memref<80xi32, #tpu.memory_space<vmem>>) semaphore(%arg12 : memref<!tpu.dma_semaphore, #tpu.memory_space<semaphore_mem>>)
      } else {
      }
      %lt3A_178 = arith.constant 64 : i32
      %lt3A_179 = arith.cmpi slt, %sub3A_169, %lt3A_178 : i32
      %lt3A_180 = arith.constant 4 : i32
      %lt3A_181 = arith.cmpi slt, %sub3A_169, %lt3A_180 : i32
      %and3A_182 = arith.andi %lt3A_179, %lt3A_181 : i1
      %convert_element_type3A_183 = arith.extui %and3A_182 : i1 to i32
      %cond3A_184 = arith.constant 0 : i32
      %cond3A_185 = arith.cmpi ne, %convert_element_type3A_183, %cond3A_184 : i32
      scf.if %cond3A_185 {
        %dma_start3A_186 = arith.constant 0 : i32
        %dma_start3A_187 = tpu.memref_slice %arg5[%sub3A_169, %dma_start3A_186] : memref<64x80xi32, #tpu.memory_space<vmem>> -> memref<1x80xi32, #tpu.memory_space<vmem>>
        %dma_start3A_188 = tpu.memref_squeeze %dma_start3A_187 : memref<1x80xi32, #tpu.memory_space<vmem>> -> memref<80xi32, #tpu.memory_space<vmem>>
        %dma_start3A_189 = arith.constant 0 : i32
        %dma_start3A_190 = arith.constant 0 : i32
        %dma_start3A_191 = tpu.memref_slice %arg2[%dma_start3A_189, %dma_start3A_190] : memref<10240x256xi32, #tpu.memory_space<hbm>> -> memref<10240x256xi32, #tpu.memory_space<hbm>>
        tpu.enqueue_indirect_dma source(%dma_start3A_191 : memref<10240x256xi32, #tpu.memory_space<hbm>>) target(%arg8 : memref<80x256xi32, #tpu.memory_space<vmem>>) offsets(%dma_start3A_188 : memref<80xi32, #tpu.memory_space<vmem>>) semaphore(%arg12 : memref<!tpu.dma_semaphore, #tpu.memory_space<semaphore_mem>>)
      } else {
      }
    }
    %scan3A_29 = arith.constant 16 : i32
    %dma_wait3A = arith.constant 0 : i32
    %dma_wait3A_30 = tpu.memref_slice %arg4[%mul3A_2, %dma_wait3A] : memref<163840x256xi32, #tpu.memory_space<hbm>> -> memref<80x256xi32, #tpu.memory_space<hbm>>
    %dma_wait3A_31 = arith.constant 0 : i32
    %dma_wait3A_32 = tpu.memref_slice %arg4[%mul3A_2, %dma_wait3A_31] : memref<163840x256xi32, #tpu.memory_space<hbm>> -> memref<80x256xi32, #tpu.memory_space<hbm>>
    tpu.wait_dma2 semaphore(%arg14 : memref<!tpu.dma_semaphore, #tpu.memory_space<semaphore_mem>>) src(%arg6 : memref<80x256xi32, #tpu.memory_space<vmem>>) dst(%dma_wait3A_32 : memref<80x256xi32, #tpu.memory_space<hbm>>)
    %dma_wait3A_33 = arith.constant 0 : i32
    %dma_wait3A_34 = tpu.memref_slice %arg4[%mul3A_2, %dma_wait3A_33] : memref<163840x256xi32, #tpu.memory_space<hbm>> -> memref<80x256xi32, #tpu.memory_space<hbm>>
    %dma_wait3A_35 = arith.constant 0 : i32
    %dma_wait3A_36 = tpu.memref_slice %arg4[%mul3A_2, %dma_wait3A_35] : memref<163840x256xi32, #tpu.memory_space<hbm>> -> memref<80x256xi32, #tpu.memory_space<hbm>>
    tpu.wait_dma2 semaphore(%arg15 : memref<!tpu.dma_semaphore, #tpu.memory_space<semaphore_mem>>) src(%arg7 : memref<80x256xi32, #tpu.memory_space<vmem>>) dst(%dma_wait3A_36 : memref<80x256xi32, #tpu.memory_space<hbm>>)
    %dma_wait3A_37 = arith.constant 0 : i32
    %dma_wait3A_38 = tpu.memref_slice %arg4[%mul3A_2, %dma_wait3A_37] : memref<163840x256xi32, #tpu.memory_space<hbm>> -> memref<80x256xi32, #tpu.memory_space<hbm>>
    %dma_wait3A_39 = arith.constant 0 : i32
    %dma_wait3A_40 = tpu.memref_slice %arg4[%mul3A_2, %dma_wait3A_39] : memref<163840x256xi32, #tpu.memory_space<hbm>> -> memref<80x256xi32, #tpu.memory_space<hbm>>
    tpu.wait_dma2 semaphore(%arg16 : memref<!tpu.dma_semaphore, #tpu.memory_space<semaphore_mem>>) src(%arg8 : memref<80x256xi32, #tpu.memory_space<vmem>>) dst(%dma_wait3A_40 : memref<80x256xi32, #tpu.memory_space<hbm>>)
    %dma_wait3A_41 = arith.constant 0 : i32
    %dma_wait3A_42 = tpu.memref_slice %arg4[%mul3A_2, %dma_wait3A_41] : memref<163840x256xi32, #tpu.memory_space<hbm>> -> memref<80x256xi32, #tpu.memory_space<hbm>>
    %dma_wait3A_43 = arith.constant 0 : i32
    %dma_wait3A_44 = tpu.memref_slice %arg4[%mul3A_2, %dma_wait3A_43] : memref<163840x256xi32, #tpu.memory_space<hbm>> -> memref<80x256xi32, #tpu.memory_space<hbm>>
    tpu.wait_dma2 semaphore(%arg17 : memref<!tpu.dma_semaphore, #tpu.memory_space<semaphore_mem>>) src(%arg9 : memref<80x256xi32, #tpu.memory_space<vmem>>) dst(%dma_wait3A_44 : memref<80x256xi32, #tpu.memory_space<hbm>>)
    return
  }
}

#map = affine_map<(d0, d1) -> (0, 0)>
module attributes {stable_mosaic.version = 14 : i64} {
  func.func @gather_k(%arg0: i32, %arg1: i32, %arg2: memref<10240x256xi32, #tpu.memory_space<hbm>>, %arg3: memref<2048x80xi32, #tpu.memory_space<hbm>>, %arg4: memref<163840x256xi32, #tpu.memory_space<hbm>>, %arg5: memref<64x80xi32, #tpu.memory_space<vmem>>, %arg6: memref<80x256xi32, #tpu.memory_space<vmem>>, %arg7: memref<80x256xi32, #tpu.memory_space<vmem>>, %arg8: memref<80x256xi32, #tpu.memory_space<vmem>>, %arg9: memref<80x256xi32, #tpu.memory_space<vmem>>, %arg10: memref<!tpu.dma_semaphore, #tpu.memory_space<semaphore_mem>>, %arg11: memref<!tpu.dma_semaphore, #tpu.memory_space<semaphore_mem>>, %arg12: memref<!tpu.dma_semaphore, #tpu.memory_space<semaphore_mem>>, %arg13: memref<!tpu.dma_semaphore, #tpu.memory_space<semaphore_mem>>, %arg14: memref<!tpu.dma_semaphore, #tpu.memory_space<semaphore_mem>>, %arg15: memref<!tpu.dma_semaphore, #tpu.memory_space<semaphore_mem>>, %arg16: memref<!tpu.dma_semaphore, #tpu.memory_space<semaphore_mem>>, %arg17: memref<!tpu.dma_semaphore, #tpu.memory_space<semaphore_mem>>) attributes {dimension_semantics = [#tpu.dimension_semantics<core_parallel>, #tpu.dimension_semantics<subcore_parallel>], iteration_bounds = array<i64: 2, 16>, scalar_prefetch = 0 : i64, scratch_operands = 13 : i64, tpu.core_type = #tpu.core_type<sc_vector_subcore>, window_params = [{transform_indices = #map}, {transform_indices = #map}, {transform_indices = #map}]} {
    %mul3A = arith.constant 2 : i32
    %mul3A_0 = arith.muli %arg1, %mul3A : i32
    %add3A = arith.addi %mul3A_0, %arg0 : i32
    %mul3A_1 = arith.constant 5120 : i32
    %mul3A_2 = arith.muli %add3A, %mul3A_1 : i32
    %mul3A_3 = arith.constant 64 : i32
    %mul3A_4 = arith.muli %add3A, %mul3A_3 : i32
    "tpu.region"() ({
      %run_scoped3A = tpu.sem_alloc : memref<!tpu.dma_semaphore, #tpu.memory_space<semaphore_mem>>
      %dma_start3A_45 = arith.constant 0 : i32
      %dma_start3A_46 = tpu.memref_slice %arg3[%mul3A_4, %dma_start3A_45] : memref<2048x80xi32, #tpu.memory_space<hbm>> -> memref<64x80xi32, #tpu.memory_space<hbm>>
      %dma_start3A_47 = arith.constant 0 : i32
      %dma_start3A_48 = tpu.memref_slice %arg3[%mul3A_4, %dma_start3A_47] : memref<2048x80xi32, #tpu.memory_space<hbm>> -> memref<64x80xi32, #tpu.memory_space<hbm>>
      tpu.enqueue_dma source(%dma_start3A_48 : memref<64x80xi32, #tpu.memory_space<hbm>>) target(%arg5 : memref<64x80xi32, #tpu.memory_space<vmem>>) target_semaphore(%run_scoped3A : memref<!tpu.dma_semaphore, #tpu.memory_space<semaphore_mem>>)
      %dma_wait3A_49 = arith.constant 0 : i32
      %dma_wait3A_50 = tpu.memref_slice %arg3[%mul3A_4, %dma_wait3A_49] : memref<2048x80xi32, #tpu.memory_space<hbm>> -> memref<64x80xi32, #tpu.memory_space<hbm>>
      %dma_wait3A_51 = arith.constant 0 : i32
      %dma_wait3A_52 = tpu.memref_slice %arg3[%mul3A_4, %dma_wait3A_51] : memref<2048x80xi32, #tpu.memory_space<hbm>> -> memref<64x80xi32, #tpu.memory_space<hbm>>
      tpu.wait_dma2 semaphore(%run_scoped3A : memref<!tpu.dma_semaphore, #tpu.memory_space<semaphore_mem>>) src(%dma_wait3A_52 : memref<64x80xi32, #tpu.memory_space<hbm>>) dst(%arg5 : memref<64x80xi32, #tpu.memory_space<vmem>>)
      tpu.yield
    }) : () -> ()
    %dma_start3A = arith.constant 0 : i32
    %dma_start3A_5 = arith.constant 0 : i32
    %dma_start3A_6 = tpu.memref_slice %arg5[%dma_start3A, %dma_start3A_5] : memref<64x80xi32, #tpu.memory_space<vmem>> -> memref<1x80xi32, #tpu.memory_space<vmem>>
    %dma_start3A_7 = tpu.memref_squeeze %dma_start3A_6 : memref<1x80xi32, #tpu.memory_space<vmem>> -> memref<80xi32, #tpu.memory_space<vmem>>
    %dma_start3A_8 = arith.constant 0 : i32
    %dma_start3A_9 = arith.constant 0 : i32
    %dma_start3A_10 = tpu.memref_slice %arg2[%dma_start3A_8, %dma_start3A_9] : memref<10240x256xi32, #tpu.memory_space<hbm>> -> memref<10240x256xi32, #tpu.memory_space<hbm>>
    tpu.enqueue_indirect_dma source(%dma_start3A_10 : memref<10240x256xi32, #tpu.memory_space<hbm>>) target(%arg6 : memref<80x256xi32, #tpu.memory_space<vmem>>) offsets(%dma_start3A_7 : memref<80xi32, #tpu.memory_space<vmem>>) semaphore(%arg10 : memref<!tpu.dma_semaphore, #tpu.memory_space<semaphore_mem>>)
    %dma_start3A_11 = arith.constant 1 : i32
    %dma_start3A_12 = arith.constant 0 : i32
    %dma_start3A_13 = tpu.memref_slice %arg5[%dma_start3A_11, %dma_start3A_12] : memref<64x80xi32, #tpu.memory_space<vmem>> -> memref<1x80xi32, #tpu.memory_space<vmem>>
    %dma_start3A_14 = tpu.memref_squeeze %dma_start3A_13 : memref<1x80xi32, #tpu.memory_space<vmem>> -> memref<80xi32, #tpu.memory_space<vmem>>
    %dma_start3A_15 = arith.constant 0 : i32
    %dma_start3A_16 = arith.constant 0 : i32
    %dma_start3A_17 = tpu.memref_slice %arg2[%dma_start3A_15, %dma_start3A_16] : memref<10240x256xi32, #tpu.memory_space<hbm>> -> memref<10240x256xi32, #tpu.memory_space<hbm>>
    tpu.enqueue_indirect_dma source(%dma_start3A_17 : memref<10240x256xi32, #tpu.memory_space<hbm>>) target(%arg7 : memref<80x256xi32, #tpu.memory_space<vmem>>) offsets(%dma_start3A_14 : memref<80xi32, #tpu.memory_space<vmem>>) semaphore(%arg11 : memref<!tpu.dma_semaphore, #tpu.memory_space<semaphore_mem>>)
    %dma_start3A_18 = arith.constant 2 : i32
    %dma_start3A_19 = arith.constant 0 : i32
    %dma_start3A_20 = tpu.memref_slice %arg5[%dma_start3A_18, %dma_start3A_19] : memref<64x80xi32, #tpu.memory_space<vmem>> -> memref<1x80xi32, #tpu.memory_space<vmem>>
    %dma_start3A_21 = tpu.memref_squeeze %dma_start3A_20 : memref<1x80xi32, #tpu.memory_space<vmem>> -> memref<80xi32, #tpu.memory_space<vmem>>
    %dma_start3A_22 = arith.constant 0 : i32
    %dma_start3A_23 = arith.constant 0 : i32
    %dma_start3A_24 = tpu.memref_slice %arg2[%dma_start3A_22, %dma_start3A_23] : memref<10240x256xi32, #tpu.memory_space<hbm>> -> memref<10240x256xi32, #tpu.memory_space<hbm>>
    tpu.enqueue_indirect_dma source(%dma_start3A_24 : memref<10240x256xi32, #tpu.memory_space<hbm>>) target(%arg8 : memref<80x256xi32, #tpu.memory_space<vmem>>) offsets(%dma_start3A_21 : memref<80xi32, #tpu.memory_space<vmem>>) semaphore(%arg12 : memref<!tpu.dma_semaphore, #tpu.memory_space<semaphore_mem>>)
    %scan3A = arith.constant 0 : i32
    %scan3A_25 = arith.constant 0 : i32
    %scan3A_26 = arith.constant 16 : i32
    %scan3A_27 = arith.addi %scan3A_25, %scan3A_26 : i32
    %scan3A_28 = arith.constant 1 : i32
    scf.for %scan3A_45 = %scan3A_25 to %scan3A_27 step %scan3A_28  : i32 {
      %mul3A_46 = arith.constant 4 : i32
      %mul3A_47 = arith.muli %scan3A_45, %mul3A_46 : i32
      %add3A_48 = arith.constant 0 : i32
      %add3A_49 = arith.addi %mul3A_47, %add3A_48 : i32
      %dma_wait3A_50 = arith.constant 0 : i32
      %dma_wait3A_51 = arith.constant 0 : i32
      %dma_wait3A_52 = tpu.memref_slice %arg5[%dma_wait3A_50, %dma_wait3A_51] : memref<64x80xi32, #tpu.memory_space<vmem>> -> memref<1x80xi32, #tpu.memory_space<vmem>>
      %dma_wait3A_53 = tpu.memref_squeeze %dma_wait3A_52 : memref<1x80xi32, #tpu.memory_space<vmem>> -> memref<80xi32, #tpu.memory_space<vmem>>
      %dma_wait3A_54 = arith.constant 0 : i32
      %dma_wait3A_55 = arith.constant 0 : i32
      %dma_wait3A_56 = tpu.memref_slice %arg2[%dma_wait3A_54, %dma_wait3A_55] : memref<10240x256xi32, #tpu.memory_space<hbm>> -> memref<10240x256xi32, #tpu.memory_space<hbm>>
      tpu.wait_indirect_dma semaphore(%arg10 : memref<!tpu.dma_semaphore, #tpu.memory_space<semaphore_mem>>) src(%dma_wait3A_56 : memref<10240x256xi32, #tpu.memory_space<hbm>>) dst(%arg6 : memref<80x256xi32, #tpu.memory_space<vmem>>)
      %mul3A_57 = arith.constant 80 : i32
      %mul3A_58 = arith.muli %add3A_49, %mul3A_57 : i32
      %add3A_59 = arith.addi %mul3A_2, %mul3A_58 : i32
      %dma_start3A_60 = arith.constant 0 : i32
      %dma_start3A_61 = tpu.memref_slice %arg4[%add3A_59, %dma_start3A_60] : memref<163840x256xi32, #tpu.memory_space<hbm>> -> memref<80x256xi32, #tpu.memory_space<hbm>>
      %dma_start3A_62 = arith.constant 0 : i32
      %dma_start3A_63 = tpu.memref_slice %arg4[%add3A_59, %dma_start3A_62] : memref<163840x256xi32, #tpu.memory_space<hbm>> -> memref<80x256xi32, #tpu.memory_space<hbm>>
      tpu.enqueue_dma source(%arg6 : memref<80x256xi32, #tpu.memory_space<vmem>>) target(%dma_start3A_63 : memref<80x256xi32, #tpu.memory_space<hbm>>) target_semaphore(%arg14 : memref<!tpu.dma_semaphore, #tpu.memory_space<semaphore_mem>>)
      %add3A_64 = arith.constant 4 : i32
      %add3A_65 = arith.addi %add3A_49, %add3A_64 : i32
      %sub3A = arith.constant 1 : i32
      %sub3A_66 = arith.subi %add3A_65, %sub3A : i32
      %lt3A = arith.constant 64 : i32
      %lt3A_67 = arith.cmpi slt, %sub3A_66, %lt3A : i32
      %ge3A = arith.constant 4 : i32
      %ge3A_68 = arith.cmpi sge, %sub3A_66, %ge3A : i32
      %and3A = arith.andi %lt3A_67, %ge3A_68 : i1
      %convert_element_type3A = arith.extui %and3A : i1 to i32
      %cond3A = arith.constant 0 : i32
      %cond3A_69 = arith.cmpi ne, %convert_element_type3A, %cond3A : i32
      scf.if %cond3A_69 {
        %dma_wait3A_186 = arith.constant 0 : i32
        %dma_wait3A_187 = tpu.memref_slice %arg4[%mul3A_2, %dma_wait3A_186] : memref<163840x256xi32, #tpu.memory_space<hbm>> -> memref<80x256xi32, #tpu.memory_space<hbm>>
        %dma_wait3A_188 = arith.constant 0 : i32
        %dma_wait3A_189 = tpu.memref_slice %arg4[%mul3A_2, %dma_wait3A_188] : memref<163840x256xi32, #tpu.memory_space<hbm>> -> memref<80x256xi32, #tpu.memory_space<hbm>>
        tpu.wait_dma2 semaphore(%arg17 : memref<!tpu.dma_semaphore, #tpu.memory_space<semaphore_mem>>) src(%arg9 : memref<80x256xi32, #tpu.memory_space<vmem>>) dst(%dma_wait3A_189 : memref<80x256xi32, #tpu.memory_space<hbm>>)
        %dma_start3A_190 = arith.constant 0 : i32
        %dma_start3A_191 = tpu.memref_slice %arg5[%sub3A_66, %dma_start3A_190] : memref<64x80xi32, #tpu.memory_space<vmem>> -> memref<1x80xi32, #tpu.memory_space<vmem>>
        %dma_start3A_192 = tpu.memref_squeeze %dma_start3A_191 : memref<1x80xi32, #tpu.memory_space<vmem>> -> memref<80xi32, #tpu.memory_space<vmem>>
        %dma_start3A_193 = arith.constant 0 : i32
        %dma_start3A_194 = arith.constant 0 : i32
        %dma_start3A_195 = tpu.memref_slice %arg2[%dma_start3A_193, %dma_start3A_194] : memref<10240x256xi32, #tpu.memory_space<hbm>> -> memref<10240x256xi32, #tpu.memory_space<hbm>>
        tpu.enqueue_indirect_dma source(%dma_start3A_195 : memref<10240x256xi32, #tpu.memory_space<hbm>>) target(%arg9 : memref<80x256xi32, #tpu.memory_space<vmem>>) offsets(%dma_start3A_192 : memref<80xi32, #tpu.memory_space<vmem>>) semaphore(%arg13 : memref<!tpu.dma_semaphore, #tpu.memory_space<semaphore_mem>>)
      } else {
      }
      %lt3A_70 = arith.constant 64 : i32
      %lt3A_71 = arith.cmpi slt, %sub3A_66, %lt3A_70 : i32
      %lt3A_72 = arith.constant 4 : i32
      %lt3A_73 = arith.cmpi slt, %sub3A_66, %lt3A_72 : i32
      %and3A_74 = arith.andi %lt3A_71, %lt3A_73 : i1
      %convert_element_type3A_75 = arith.extui %and3A_74 : i1 to i32
      %cond3A_76 = arith.constant 0 : i32
      %cond3A_77 = arith.cmpi ne, %convert_element_type3A_75, %cond3A_76 : i32
      scf.if %cond3A_77 {
        %dma_start3A_186 = arith.constant 0 : i32
        %dma_start3A_187 = tpu.memref_slice %arg5[%sub3A_66, %dma_start3A_186] : memref<64x80xi32, #tpu.memory_space<vmem>> -> memref<1x80xi32, #tpu.memory_space<vmem>>
        %dma_start3A_188 = tpu.memref_squeeze %dma_start3A_187 : memref<1x80xi32, #tpu.memory_space<vmem>> -> memref<80xi32, #tpu.memory_space<vmem>>
        %dma_start3A_189 = arith.constant 0 : i32
        %dma_start3A_190 = arith.constant 0 : i32
        %dma_start3A_191 = tpu.memref_slice %arg2[%dma_start3A_189, %dma_start3A_190] : memref<10240x256xi32, #tpu.memory_space<hbm>> -> memref<10240x256xi32, #tpu.memory_space<hbm>>
        tpu.enqueue_indirect_dma source(%dma_start3A_191 : memref<10240x256xi32, #tpu.memory_space<hbm>>) target(%arg9 : memref<80x256xi32, #tpu.memory_space<vmem>>) offsets(%dma_start3A_188 : memref<80xi32, #tpu.memory_space<vmem>>) semaphore(%arg13 : memref<!tpu.dma_semaphore, #tpu.memory_space<semaphore_mem>>)
      } else {
      }
      %add3A_78 = arith.constant 1 : i32
      %add3A_79 = arith.addi %mul3A_47, %add3A_78 : i32
      %dma_wait3A_80 = arith.constant 0 : i32
      %dma_wait3A_81 = arith.constant 0 : i32
      %dma_wait3A_82 = tpu.memref_slice %arg5[%dma_wait3A_80, %dma_wait3A_81] : memref<64x80xi32, #tpu.memory_space<vmem>> -> memref<1x80xi32, #tpu.memory_space<vmem>>
      %dma_wait3A_83 = tpu.memref_squeeze %dma_wait3A_82 : memref<1x80xi32, #tpu.memory_space<vmem>> -> memref<80xi32, #tpu.memory_space<vmem>>
      %dma_wait3A_84 = arith.constant 0 : i32
      %dma_wait3A_85 = arith.constant 0 : i32
      %dma_wait3A_86 = tpu.memref_slice %arg2[%dma_wait3A_84, %dma_wait3A_85] : memref<10240x256xi32, #tpu.memory_space<hbm>> -> memref<10240x256xi32, #tpu.memory_space<hbm>>
      tpu.wait_indirect_dma semaphore(%arg11 : memref<!tpu.dma_semaphore, #tpu.memory_space<semaphore_mem>>) src(%dma_wait3A_86 : memref<10240x256xi32, #tpu.memory_space<hbm>>) dst(%arg7 : memref<80x256xi32, #tpu.memory_space<vmem>>)
      %mul3A_87 = arith.constant 80 : i32
      %mul3A_88 = arith.muli %add3A_79, %mul3A_87 : i32
      %add3A_89 = arith.addi %mul3A_2, %mul3A_88 : i32
      %dma_start3A_90 = arith.constant 0 : i32
      %dma_start3A_91 = tpu.memref_slice %arg4[%add3A_89, %dma_start3A_90] : memref<163840x256xi32, #tpu.memory_space<hbm>> -> memref<80x256xi32, #tpu.memory_space<hbm>>
      %dma_start3A_92 = arith.constant 0 : i32
      %dma_start3A_93 = tpu.memref_slice %arg4[%add3A_89, %dma_start3A_92] : memref<163840x256xi32, #tpu.memory_space<hbm>> -> memref<80x256xi32, #tpu.memory_space<hbm>>
      tpu.enqueue_dma source(%arg7 : memref<80x256xi32, #tpu.memory_space<vmem>>) target(%dma_start3A_93 : memref<80x256xi32, #tpu.memory_space<hbm>>) target_semaphore(%arg15 : memref<!tpu.dma_semaphore, #tpu.memory_space<semaphore_mem>>)
      %add3A_94 = arith.constant 4 : i32
      %add3A_95 = arith.addi %add3A_79, %add3A_94 : i32
      %sub3A_96 = arith.constant 1 : i32
      %sub3A_97 = arith.subi %add3A_95, %sub3A_96 : i32
      %lt3A_98 = arith.constant 64 : i32
      %lt3A_99 = arith.cmpi slt, %sub3A_97, %lt3A_98 : i32
      %ge3A_100 = arith.constant 4 : i32
      %ge3A_101 = arith.cmpi sge, %sub3A_97, %ge3A_100 : i32
      %and3A_102 = arith.andi %lt3A_99, %ge3A_101 : i1
      %convert_element_type3A_103 = arith.extui %and3A_102 : i1 to i32
      %cond3A_104 = arith.constant 0 : i32
      %cond3A_105 = arith.cmpi ne, %convert_element_type3A_103, %cond3A_104 : i32
      scf.if %cond3A_105 {
        %dma_wait3A_186 = arith.constant 0 : i32
        %dma_wait3A_187 = tpu.memref_slice %arg4[%mul3A_2, %dma_wait3A_186] : memref<163840x256xi32, #tpu.memory_space<hbm>> -> memref<80x256xi32, #tpu.memory_space<hbm>>
        %dma_wait3A_188 = arith.constant 0 : i32
        %dma_wait3A_189 = tpu.memref_slice %arg4[%mul3A_2, %dma_wait3A_188] : memref<163840x256xi32, #tpu.memory_space<hbm>> -> memref<80x256xi32, #tpu.memory_space<hbm>>
        tpu.wait_dma2 semaphore(%arg14 : memref<!tpu.dma_semaphore, #tpu.memory_space<semaphore_mem>>) src(%arg6 : memref<80x256xi32, #tpu.memory_space<vmem>>) dst(%dma_wait3A_189 : memref<80x256xi32, #tpu.memory_space<hbm>>)
        %dma_start3A_190 = arith.constant 0 : i32
        %dma_start3A_191 = tpu.memref_slice %arg5[%sub3A_97, %dma_start3A_190] : memref<64x80xi32, #tpu.memory_space<vmem>> -> memref<1x80xi32, #tpu.memory_space<vmem>>
        %dma_start3A_192 = tpu.memref_squeeze %dma_start3A_191 : memref<1x80xi32, #tpu.memory_space<vmem>> -> memref<80xi32, #tpu.memory_space<vmem>>
        %dma_start3A_193 = arith.constant 0 : i32
        %dma_start3A_194 = arith.constant 0 : i32
        %dma_start3A_195 = tpu.memref_slice %arg2[%dma_start3A_193, %dma_start3A_194] : memref<10240x256xi32, #tpu.memory_space<hbm>> -> memref<10240x256xi32, #tpu.memory_space<hbm>>
        tpu.enqueue_indirect_dma source(%dma_start3A_195 : memref<10240x256xi32, #tpu.memory_space<hbm>>) target(%arg6 : memref<80x256xi32, #tpu.memory_space<vmem>>) offsets(%dma_start3A_192 : memref<80xi32, #tpu.memory_space<vmem>>) semaphore(%arg10 : memref<!tpu.dma_semaphore, #tpu.memory_space<semaphore_mem>>)
      } else {
      }
      %lt3A_106 = arith.constant 64 : i32
      %lt3A_107 = arith.cmpi slt, %sub3A_97, %lt3A_106 : i32
      %lt3A_108 = arith.constant 4 : i32
      %lt3A_109 = arith.cmpi slt, %sub3A_97, %lt3A_108 : i32
      %and3A_110 = arith.andi %lt3A_107, %lt3A_109 : i1
      %convert_element_type3A_111 = arith.extui %and3A_110 : i1 to i32
      %cond3A_112 = arith.constant 0 : i32
      %cond3A_113 = arith.cmpi ne, %convert_element_type3A_111, %cond3A_112 : i32
      scf.if %cond3A_113 {
        %dma_start3A_186 = arith.constant 0 : i32
        %dma_start3A_187 = tpu.memref_slice %arg5[%sub3A_97, %dma_start3A_186] : memref<64x80xi32, #tpu.memory_space<vmem>> -> memref<1x80xi32, #tpu.memory_space<vmem>>
        %dma_start3A_188 = tpu.memref_squeeze %dma_start3A_187 : memref<1x80xi32, #tpu.memory_space<vmem>> -> memref<80xi32, #tpu.memory_space<vmem>>
        %dma_start3A_189 = arith.constant 0 : i32
        %dma_start3A_190 = arith.constant 0 : i32
        %dma_start3A_191 = tpu.memref_slice %arg2[%dma_start3A_189, %dma_start3A_190] : memref<10240x256xi32, #tpu.memory_space<hbm>> -> memref<10240x256xi32, #tpu.memory_space<hbm>>
        tpu.enqueue_indirect_dma source(%dma_start3A_191 : memref<10240x256xi32, #tpu.memory_space<hbm>>) target(%arg6 : memref<80x256xi32, #tpu.memory_space<vmem>>) offsets(%dma_start3A_188 : memref<80xi32, #tpu.memory_space<vmem>>) semaphore(%arg10 : memref<!tpu.dma_semaphore, #tpu.memory_space<semaphore_mem>>)
      } else {
      }
      %add3A_114 = arith.constant 2 : i32
      %add3A_115 = arith.addi %mul3A_47, %add3A_114 : i32
      %dma_wait3A_116 = arith.constant 0 : i32
      %dma_wait3A_117 = arith.constant 0 : i32
      %dma_wait3A_118 = tpu.memref_slice %arg5[%dma_wait3A_116, %dma_wait3A_117] : memref<64x80xi32, #tpu.memory_space<vmem>> -> memref<1x80xi32, #tpu.memory_space<vmem>>
      %dma_wait3A_119 = tpu.memref_squeeze %dma_wait3A_118 : memref<1x80xi32, #tpu.memory_space<vmem>> -> memref<80xi32, #tpu.memory_space<vmem>>
      %dma_wait3A_120 = arith.constant 0 : i32
      %dma_wait3A_121 = arith.constant 0 : i32
      %dma_wait3A_122 = tpu.memref_slice %arg2[%dma_wait3A_120, %dma_wait3A_121] : memref<10240x256xi32, #tpu.memory_space<hbm>> -> memref<10240x256xi32, #tpu.memory_space<hbm>>
      tpu.wait_indirect_dma semaphore(%arg12 : memref<!tpu.dma_semaphore, #tpu.memory_space<semaphore_mem>>) src(%dma_wait3A_122 : memref<10240x256xi32, #tpu.memory_space<hbm>>) dst(%arg8 : memref<80x256xi32, #tpu.memory_space<vmem>>)
      %mul3A_123 = arith.constant 80 : i32
      %mul3A_124 = arith.muli %add3A_115, %mul3A_123 : i32
      %add3A_125 = arith.addi %mul3A_2, %mul3A_124 : i32
      %dma_start3A_126 = arith.constant 0 : i32
      %dma_start3A_127 = tpu.memref_slice %arg4[%add3A_125, %dma_start3A_126] : memref<163840x256xi32, #tpu.memory_space<hbm>> -> memref<80x256xi32, #tpu.memory_space<hbm>>
      %dma_start3A_128 = arith.constant 0 : i32
      %dma_start3A_129 = tpu.memref_slice %arg4[%add3A_125, %dma_start3A_128] : memref<163840x256xi32, #tpu.memory_space<hbm>> -> memref<80x256xi32, #tpu.memory_space<hbm>>
      tpu.enqueue_dma source(%arg8 : memref<80x256xi32, #tpu.memory_space<vmem>>) target(%dma_start3A_129 : memref<80x256xi32, #tpu.memory_space<hbm>>) target_semaphore(%arg16 : memref<!tpu.dma_semaphore, #tpu.memory_space<semaphore_mem>>)
      %add3A_130 = arith.constant 4 : i32
      %add3A_131 = arith.addi %add3A_115, %add3A_130 : i32
      %sub3A_132 = arith.constant 1 : i32
      %sub3A_133 = arith.subi %add3A_131, %sub3A_132 : i32
      %lt3A_134 = arith.constant 64 : i32
      %lt3A_135 = arith.cmpi slt, %sub3A_133, %lt3A_134 : i32
      %ge3A_136 = arith.constant 4 : i32
      %ge3A_137 = arith.cmpi sge, %sub3A_133, %ge3A_136 : i32
      %and3A_138 = arith.andi %lt3A_135, %ge3A_137 : i1
      %convert_element_type3A_139 = arith.extui %and3A_138 : i1 to i32
      %cond3A_140 = arith.constant 0 : i32
      %cond3A_141 = arith.cmpi ne, %convert_element_type3A_139, %cond3A_140 : i32
      scf.if %cond3A_141 {
        %dma_wait3A_186 = arith.constant 0 : i32
        %dma_wait3A_187 = tpu.memref_slice %arg4[%mul3A_2, %dma_wait3A_186] : memref<163840x256xi32, #tpu.memory_space<hbm>> -> memref<80x256xi32, #tpu.memory_space<hbm>>
        %dma_wait3A_188 = arith.constant 0 : i32
        %dma_wait3A_189 = tpu.memref_slice %arg4[%mul3A_2, %dma_wait3A_188] : memref<163840x256xi32, #tpu.memory_space<hbm>> -> memref<80x256xi32, #tpu.memory_space<hbm>>
        tpu.wait_dma2 semaphore(%arg15 : memref<!tpu.dma_semaphore, #tpu.memory_space<semaphore_mem>>) src(%arg7 : memref<80x256xi32, #tpu.memory_space<vmem>>) dst(%dma_wait3A_189 : memref<80x256xi32, #tpu.memory_space<hbm>>)
        %dma_start3A_190 = arith.constant 0 : i32
        %dma_start3A_191 = tpu.memref_slice %arg5[%sub3A_133, %dma_start3A_190] : memref<64x80xi32, #tpu.memory_space<vmem>> -> memref<1x80xi32, #tpu.memory_space<vmem>>
        %dma_start3A_192 = tpu.memref_squeeze %dma_start3A_191 : memref<1x80xi32, #tpu.memory_space<vmem>> -> memref<80xi32, #tpu.memory_space<vmem>>
        %dma_start3A_193 = arith.constant 0 : i32
        %dma_start3A_194 = arith.constant 0 : i32
        %dma_start3A_195 = tpu.memref_slice %arg2[%dma_start3A_193, %dma_start3A_194] : memref<10240x256xi32, #tpu.memory_space<hbm>> -> memref<10240x256xi32, #tpu.memory_space<hbm>>
        tpu.enqueue_indirect_dma source(%dma_start3A_195 : memref<10240x256xi32, #tpu.memory_space<hbm>>) target(%arg7 : memref<80x256xi32, #tpu.memory_space<vmem>>) offsets(%dma_start3A_192 : memref<80xi32, #tpu.memory_space<vmem>>) semaphore(%arg11 : memref<!tpu.dma_semaphore, #tpu.memory_space<semaphore_mem>>)
      } else {
      }
      %lt3A_142 = arith.constant 64 : i32
      %lt3A_143 = arith.cmpi slt, %sub3A_133, %lt3A_142 : i32
      %lt3A_144 = arith.constant 4 : i32
      %lt3A_145 = arith.cmpi slt, %sub3A_133, %lt3A_144 : i32
      %and3A_146 = arith.andi %lt3A_143, %lt3A_145 : i1
      %convert_element_type3A_147 = arith.extui %and3A_146 : i1 to i32
      %cond3A_148 = arith.constant 0 : i32
      %cond3A_149 = arith.cmpi ne, %convert_element_type3A_147, %cond3A_148 : i32
      scf.if %cond3A_149 {
        %dma_start3A_186 = arith.constant 0 : i32
        %dma_start3A_187 = tpu.memref_slice %arg5[%sub3A_133, %dma_start3A_186] : memref<64x80xi32, #tpu.memory_space<vmem>> -> memref<1x80xi32, #tpu.memory_space<vmem>>
        %dma_start3A_188 = tpu.memref_squeeze %dma_start3A_187 : memref<1x80xi32, #tpu.memory_space<vmem>> -> memref<80xi32, #tpu.memory_space<vmem>>
        %dma_start3A_189 = arith.constant 0 : i32
        %dma_start3A_190 = arith.constant 0 : i32
        %dma_start3A_191 = tpu.memref_slice %arg2[%dma_start3A_189, %dma_start3A_190] : memref<10240x256xi32, #tpu.memory_space<hbm>> -> memref<10240x256xi32, #tpu.memory_space<hbm>>
        tpu.enqueue_indirect_dma source(%dma_start3A_191 : memref<10240x256xi32, #tpu.memory_space<hbm>>) target(%arg7 : memref<80x256xi32, #tpu.memory_space<vmem>>) offsets(%dma_start3A_188 : memref<80xi32, #tpu.memory_space<vmem>>) semaphore(%arg11 : memref<!tpu.dma_semaphore, #tpu.memory_space<semaphore_mem>>)
      } else {
      }
      %add3A_150 = arith.constant 3 : i32
      %add3A_151 = arith.addi %mul3A_47, %add3A_150 : i32
      %dma_wait3A_152 = arith.constant 0 : i32
      %dma_wait3A_153 = arith.constant 0 : i32
      %dma_wait3A_154 = tpu.memref_slice %arg5[%dma_wait3A_152, %dma_wait3A_153] : memref<64x80xi32, #tpu.memory_space<vmem>> -> memref<1x80xi32, #tpu.memory_space<vmem>>
      %dma_wait3A_155 = tpu.memref_squeeze %dma_wait3A_154 : memref<1x80xi32, #tpu.memory_space<vmem>> -> memref<80xi32, #tpu.memory_space<vmem>>
      %dma_wait3A_156 = arith.constant 0 : i32
      %dma_wait3A_157 = arith.constant 0 : i32
      %dma_wait3A_158 = tpu.memref_slice %arg2[%dma_wait3A_156, %dma_wait3A_157] : memref<10240x256xi32, #tpu.memory_space<hbm>> -> memref<10240x256xi32, #tpu.memory_space<hbm>>
      tpu.wait_indirect_dma semaphore(%arg13 : memref<!tpu.dma_semaphore, #tpu.memory_space<semaphore_mem>>) src(%dma_wait3A_158 : memref<10240x256xi32, #tpu.memory_space<hbm>>) dst(%arg9 : memref<80x256xi32, #tpu.memory_space<vmem>>)
      %mul3A_159 = arith.constant 80 : i32
      %mul3A_160 = arith.muli %add3A_151, %mul3A_159 : i32
      %add3A_161 = arith.addi %mul3A_2, %mul3A_160 : i32
      %dma_start3A_162 = arith.constant 0 : i32
      %dma_start3A_163 = tpu.memref_slice %arg4[%add3A_161, %dma_start3A_162] : memref<163840x256xi32, #tpu.memory_space<hbm>> -> memref<80x256xi32, #tpu.memory_space<hbm>>
      %dma_start3A_164 = arith.constant 0 : i32
      %dma_start3A_165 = tpu.memref_slice %arg4[%add3A_161, %dma_start3A_164] : memref<163840x256xi32, #tpu.memory_space<hbm>> -> memref<80x256xi32, #tpu.memory_space<hbm>>
      tpu.enqueue_dma source(%arg9 : memref<80x256xi32, #tpu.memory_space<vmem>>) target(%dma_start3A_165 : memref<80x256xi32, #tpu.memory_space<hbm>>) target_semaphore(%arg17 : memref<!tpu.dma_semaphore, #tpu.memory_space<semaphore_mem>>)
      %add3A_166 = arith.constant 4 : i32
      %add3A_167 = arith.addi %add3A_151, %add3A_166 : i32
      %sub3A_168 = arith.constant 1 : i32
      %sub3A_169 = arith.subi %add3A_167, %sub3A_168 : i32
      %lt3A_170 = arith.constant 64 : i32
      %lt3A_171 = arith.cmpi slt, %sub3A_169, %lt3A_170 : i32
      %ge3A_172 = arith.constant 4 : i32
      %ge3A_173 = arith.cmpi sge, %sub3A_169, %ge3A_172 : i32
      %and3A_174 = arith.andi %lt3A_171, %ge3A_173 : i1
      %convert_element_type3A_175 = arith.extui %and3A_174 : i1 to i32
      %cond3A_176 = arith.constant 0 : i32
      %cond3A_177 = arith.cmpi ne, %convert_element_type3A_175, %cond3A_176 : i32
      scf.if %cond3A_177 {
        %dma_wait3A_186 = arith.constant 0 : i32
        %dma_wait3A_187 = tpu.memref_slice %arg4[%mul3A_2, %dma_wait3A_186] : memref<163840x256xi32, #tpu.memory_space<hbm>> -> memref<80x256xi32, #tpu.memory_space<hbm>>
        %dma_wait3A_188 = arith.constant 0 : i32
        %dma_wait3A_189 = tpu.memref_slice %arg4[%mul3A_2, %dma_wait3A_188] : memref<163840x256xi32, #tpu.memory_space<hbm>> -> memref<80x256xi32, #tpu.memory_space<hbm>>
        tpu.wait_dma2 semaphore(%arg16 : memref<!tpu.dma_semaphore, #tpu.memory_space<semaphore_mem>>) src(%arg8 : memref<80x256xi32, #tpu.memory_space<vmem>>) dst(%dma_wait3A_189 : memref<80x256xi32, #tpu.memory_space<hbm>>)
        %dma_start3A_190 = arith.constant 0 : i32
        %dma_start3A_191 = tpu.memref_slice %arg5[%sub3A_169, %dma_start3A_190] : memref<64x80xi32, #tpu.memory_space<vmem>> -> memref<1x80xi32, #tpu.memory_space<vmem>>
        %dma_start3A_192 = tpu.memref_squeeze %dma_start3A_191 : memref<1x80xi32, #tpu.memory_space<vmem>> -> memref<80xi32, #tpu.memory_space<vmem>>
        %dma_start3A_193 = arith.constant 0 : i32
        %dma_start3A_194 = arith.constant 0 : i32
        %dma_start3A_195 = tpu.memref_slice %arg2[%dma_start3A_193, %dma_start3A_194] : memref<10240x256xi32, #tpu.memory_space<hbm>> -> memref<10240x256xi32, #tpu.memory_space<hbm>>
        tpu.enqueue_indirect_dma source(%dma_start3A_195 : memref<10240x256xi32, #tpu.memory_space<hbm>>) target(%arg8 : memref<80x256xi32, #tpu.memory_space<vmem>>) offsets(%dma_start3A_192 : memref<80xi32, #tpu.memory_space<vmem>>) semaphore(%arg12 : memref<!tpu.dma_semaphore, #tpu.memory_space<semaphore_mem>>)
      } else {
      }
      %lt3A_178 = arith.constant 64 : i32
      %lt3A_179 = arith.cmpi slt, %sub3A_169, %lt3A_178 : i32
      %lt3A_180 = arith.constant 4 : i32
      %lt3A_181 = arith.cmpi slt, %sub3A_169, %lt3A_180 : i32
      %and3A_182 = arith.andi %lt3A_179, %lt3A_181 : i1
      %convert_element_type3A_183 = arith.extui %and3A_182 : i1 to i32
      %cond3A_184 = arith.constant 0 : i32
      %cond3A_185 = arith.cmpi ne, %convert_element_type3A_183, %cond3A_184 : i32
      scf.if %cond3A_185 {
        %dma_start3A_186 = arith.constant 0 : i32
        %dma_start3A_187 = tpu.memref_slice %arg5[%sub3A_169, %dma_start3A_186] : memref<64x80xi32, #tpu.memory_space<vmem>> -> memref<1x80xi32, #tpu.memory_space<vmem>>
        %dma_start3A_188 = tpu.memref_squeeze %dma_start3A_187 : memref<1x80xi32, #tpu.memory_space<vmem>> -> memref<80xi32, #tpu.memory_space<vmem>>
        %dma_start3A_189 = arith.constant 0 : i32
        %dma_start3A_190 = arith.constant 0 : i32
        %dma_start3A_191 = tpu.memref_slice %arg2[%dma_start3A_189, %dma_start3A_190] : memref<10240x256xi32, #tpu.memory_space<hbm>> -> memref<10240x256xi32, #tpu.memory_space<hbm>>
        tpu.enqueue_indirect_dma source(%dma_start3A_191 : memref<10240x256xi32, #tpu.memory_space<hbm>>) target(%arg8 : memref<80x256xi32, #tpu.memory_space<vmem>>) offsets(%dma_start3A_188 : memref<80xi32, #tpu.memory_space<vmem>>) semaphore(%arg12 : memref<!tpu.dma_semaphore, #tpu.memory_space<semaphore_mem>>)
      } else {
      }
    }
    %scan3A_29 = arith.constant 16 : i32
    %dma_wait3A = arith.constant 0 : i32
    %dma_wait3A_30 = tpu.memref_slice %arg4[%mul3A_2, %dma_wait3A] : memref<163840x256xi32, #tpu.memory_space<hbm>> -> memref<80x256xi32, #tpu.memory_space<hbm>>
    %dma_wait3A_31 = arith.constant 0 : i32
    %dma_wait3A_32 = tpu.memref_slice %arg4[%mul3A_2, %dma_wait3A_31] : memref<163840x256xi32, #tpu.memory_space<hbm>> -> memref<80x256xi32, #tpu.memory_space<hbm>>
    tpu.wait_dma2 semaphore(%arg14 : memref<!tpu.dma_semaphore, #tpu.memory_space<semaphore_mem>>) src(%arg6 : memref<80x256xi32, #tpu.memory_space<vmem>>) dst(%dma_wait3A_32 : memref<80x256xi32, #tpu.memory_space<hbm>>)
    %dma_wait3A_33 = arith.constant 0 : i32
    %dma_wait3A_34 = tpu.memref_slice %arg4[%mul3A_2, %dma_wait3A_33] : memref<163840x256xi32, #tpu.memory_space<hbm>> -> memref<80x256xi32, #tpu.memory_space<hbm>>
    %dma_wait3A_35 = arith.constant 0 : i32
    %dma_wait3A_36 = tpu.memref_slice %arg4[%mul3A_2, %dma_wait3A_35] : memref<163840x256xi32, #tpu.memory_space<hbm>> -> memref<80x256xi32, #tpu.memory_space<hbm>>
    tpu.wait_dma2 semaphore(%arg15 : memref<!tpu.dma_semaphore, #tpu.memory_space<semaphore_mem>>) src(%arg7 : memref<80x256xi32, #tpu.memory_space<vmem>>) dst(%dma_wait3A_36 : memref<80x256xi32, #tpu.memory_space<hbm>>)
    %dma_wait3A_37 = arith.constant 0 : i32
    %dma_wait3A_38 = tpu.memref_slice %arg4[%mul3A_2, %dma_wait3A_37] : memref<163840x256xi32, #tpu.memory_space<hbm>> -> memref<80x256xi32, #tpu.memory_space<hbm>>
    %dma_wait3A_39 = arith.constant 0 : i32
    %dma_wait3A_40 = tpu.memref_slice %arg4[%mul3A_2, %dma_wait3A_39] : memref<163840x256xi32, #tpu.memory_space<hbm>> -> memref<80x256xi32, #tpu.memory_space<hbm>>
    tpu.wait_dma2 semaphore(%arg16 : memref<!tpu.dma_semaphore, #tpu.memory_space<semaphore_mem>>) src(%arg8 : memref<80x256xi32, #tpu.memory_space<vmem>>) dst(%dma_wait3A_40 : memref<80x256xi32, #tpu.memory_space<hbm>>)
    %dma_wait3A_41 = arith.constant 0 : i32
    %dma_wait3A_42 = tpu.memref_slice %arg4[%mul3A_2, %dma_wait3A_41] : memref<163840x256xi32, #tpu.memory_space<hbm>> -> memref<80x256xi32, #tpu.memory_space<hbm>>
    %dma_wait3A_43 = arith.constant 0 : i32
    %dma_wait3A_44 = tpu.memref_slice %arg4[%mul3A_2, %dma_wait3A_43] : memref<163840x256xi32, #tpu.memory_space<hbm>> -> memref<80x256xi32, #tpu.memory_space<hbm>>
    tpu.wait_dma2 semaphore(%arg17 : memref<!tpu.dma_semaphore, #tpu.memory_space<semaphore_mem>>) src(%arg9 : memref<80x256xi32, #tpu.memory_space<vmem>>) dst(%dma_wait3A_44 : memref<80x256xi32, #tpu.memory_space<hbm>>)
    return
  }
}

#map = affine_map<(d0, d1) -> (0, 0)>
module attributes {stable_mosaic.version = 14 : i64} {
  func.func @gather_k(%arg0: i32, %arg1: i32, %arg2: memref<10240x256xi32, #tpu.memory_space<hbm>>, %arg3: memref<2048x80xi32, #tpu.memory_space<hbm>>, %arg4: memref<163840x256xi32, #tpu.memory_space<hbm>>, %arg5: memref<64x80xi32, #tpu.memory_space<vmem>>, %arg6: memref<80x256xi32, #tpu.memory_space<vmem>>, %arg7: memref<80x256xi32, #tpu.memory_space<vmem>>, %arg8: memref<80x256xi32, #tpu.memory_space<vmem>>, %arg9: memref<80x256xi32, #tpu.memory_space<vmem>>, %arg10: memref<!tpu.dma_semaphore, #tpu.memory_space<semaphore_mem>>, %arg11: memref<!tpu.dma_semaphore, #tpu.memory_space<semaphore_mem>>, %arg12: memref<!tpu.dma_semaphore, #tpu.memory_space<semaphore_mem>>, %arg13: memref<!tpu.dma_semaphore, #tpu.memory_space<semaphore_mem>>, %arg14: memref<!tpu.dma_semaphore, #tpu.memory_space<semaphore_mem>>, %arg15: memref<!tpu.dma_semaphore, #tpu.memory_space<semaphore_mem>>, %arg16: memref<!tpu.dma_semaphore, #tpu.memory_space<semaphore_mem>>, %arg17: memref<!tpu.dma_semaphore, #tpu.memory_space<semaphore_mem>>) attributes {dimension_semantics = [#tpu.dimension_semantics<core_parallel>, #tpu.dimension_semantics<subcore_parallel>], iteration_bounds = array<i64: 2, 16>, scalar_prefetch = 0 : i64, scratch_operands = 13 : i64, tpu.core_type = #tpu.core_type<sc_vector_subcore>, window_params = [{transform_indices = #map}, {transform_indices = #map}, {transform_indices = #map}]} {
    %mul3A = arith.constant 2 : i32
    %mul3A_0 = arith.muli %arg1, %mul3A : i32
    %add3A = arith.addi %mul3A_0, %arg0 : i32
    %mul3A_1 = arith.constant 5120 : i32
    %mul3A_2 = arith.muli %add3A, %mul3A_1 : i32
    %mul3A_3 = arith.constant 64 : i32
    %mul3A_4 = arith.muli %add3A, %mul3A_3 : i32
    "tpu.region"() ({
      %run_scoped3A = tpu.sem_alloc : memref<!tpu.dma_semaphore, #tpu.memory_space<semaphore_mem>>
      %dma_start3A_45 = arith.constant 0 : i32
      %dma_start3A_46 = tpu.memref_slice %arg3[%mul3A_4, %dma_start3A_45] : memref<2048x80xi32, #tpu.memory_space<hbm>> -> memref<64x80xi32, #tpu.memory_space<hbm>>
      %dma_start3A_47 = arith.constant 0 : i32
      %dma_start3A_48 = tpu.memref_slice %arg3[%mul3A_4, %dma_start3A_47] : memref<2048x80xi32, #tpu.memory_space<hbm>> -> memref<64x80xi32, #tpu.memory_space<hbm>>
      tpu.enqueue_dma source(%dma_start3A_48 : memref<64x80xi32, #tpu.memory_space<hbm>>) target(%arg5 : memref<64x80xi32, #tpu.memory_space<vmem>>) target_semaphore(%run_scoped3A : memref<!tpu.dma_semaphore, #tpu.memory_space<semaphore_mem>>)
      %dma_wait3A_49 = arith.constant 0 : i32
      %dma_wait3A_50 = tpu.memref_slice %arg3[%mul3A_4, %dma_wait3A_49] : memref<2048x80xi32, #tpu.memory_space<hbm>> -> memref<64x80xi32, #tpu.memory_space<hbm>>
      %dma_wait3A_51 = arith.constant 0 : i32
      %dma_wait3A_52 = tpu.memref_slice %arg3[%mul3A_4, %dma_wait3A_51] : memref<2048x80xi32, #tpu.memory_space<hbm>> -> memref<64x80xi32, #tpu.memory_space<hbm>>
      tpu.wait_dma2 semaphore(%run_scoped3A : memref<!tpu.dma_semaphore, #tpu.memory_space<semaphore_mem>>) src(%dma_wait3A_52 : memref<64x80xi32, #tpu.memory_space<hbm>>) dst(%arg5 : memref<64x80xi32, #tpu.memory_space<vmem>>)
      tpu.yield
    }) : () -> ()
    %dma_start3A = arith.constant 0 : i32
    %dma_start3A_5 = arith.constant 0 : i32
    %dma_start3A_6 = tpu.memref_slice %arg5[%dma_start3A, %dma_start3A_5] : memref<64x80xi32, #tpu.memory_space<vmem>> -> memref<1x80xi32, #tpu.memory_space<vmem>>
    %dma_start3A_7 = tpu.memref_squeeze %dma_start3A_6 : memref<1x80xi32, #tpu.memory_space<vmem>> -> memref<80xi32, #tpu.memory_space<vmem>>
    %dma_start3A_8 = arith.constant 0 : i32
    %dma_start3A_9 = arith.constant 0 : i32
    %dma_start3A_10 = tpu.memref_slice %arg2[%dma_start3A_8, %dma_start3A_9] : memref<10240x256xi32, #tpu.memory_space<hbm>> -> memref<10240x256xi32, #tpu.memory_space<hbm>>
    tpu.enqueue_indirect_dma source(%dma_start3A_10 : memref<10240x256xi32, #tpu.memory_space<hbm>>) target(%arg6 : memref<80x256xi32, #tpu.memory_space<vmem>>) offsets(%dma_start3A_7 : memref<80xi32, #tpu.memory_space<vmem>>) semaphore(%arg10 : memref<!tpu.dma_semaphore, #tpu.memory_space<semaphore_mem>>)
    %dma_start3A_11 = arith.constant 1 : i32
    %dma_start3A_12 = arith.constant 0 : i32
    %dma_start3A_13 = tpu.memref_slice %arg5[%dma_start3A_11, %dma_start3A_12] : memref<64x80xi32, #tpu.memory_space<vmem>> -> memref<1x80xi32, #tpu.memory_space<vmem>>
    %dma_start3A_14 = tpu.memref_squeeze %dma_start3A_13 : memref<1x80xi32, #tpu.memory_space<vmem>> -> memref<80xi32, #tpu.memory_space<vmem>>
    %dma_start3A_15 = arith.constant 0 : i32
    %dma_start3A_16 = arith.constant 0 : i32
    %dma_start3A_17 = tpu.memref_slice %arg2[%dma_start3A_15, %dma_start3A_16] : memref<10240x256xi32, #tpu.memory_space<hbm>> -> memref<10240x256xi32, #tpu.memory_space<hbm>>
    tpu.enqueue_indirect_dma source(%dma_start3A_17 : memref<10240x256xi32, #tpu.memory_space<hbm>>) target(%arg7 : memref<80x256xi32, #tpu.memory_space<vmem>>) offsets(%dma_start3A_14 : memref<80xi32, #tpu.memory_space<vmem>>) semaphore(%arg11 : memref<!tpu.dma_semaphore, #tpu.memory_space<semaphore_mem>>)
    %dma_start3A_18 = arith.constant 2 : i32
    %dma_start3A_19 = arith.constant 0 : i32
    %dma_start3A_20 = tpu.memref_slice %arg5[%dma_start3A_18, %dma_start3A_19] : memref<64x80xi32, #tpu.memory_space<vmem>> -> memref<1x80xi32, #tpu.memory_space<vmem>>
    %dma_start3A_21 = tpu.memref_squeeze %dma_start3A_20 : memref<1x80xi32, #tpu.memory_space<vmem>> -> memref<80xi32, #tpu.memory_space<vmem>>
    %dma_start3A_22 = arith.constant 0 : i32
    %dma_start3A_23 = arith.constant 0 : i32
    %dma_start3A_24 = tpu.memref_slice %arg2[%dma_start3A_22, %dma_start3A_23] : memref<10240x256xi32, #tpu.memory_space<hbm>> -> memref<10240x256xi32, #tpu.memory_space<hbm>>
    tpu.enqueue_indirect_dma source(%dma_start3A_24 : memref<10240x256xi32, #tpu.memory_space<hbm>>) target(%arg8 : memref<80x256xi32, #tpu.memory_space<vmem>>) offsets(%dma_start3A_21 : memref<80xi32, #tpu.memory_space<vmem>>) semaphore(%arg12 : memref<!tpu.dma_semaphore, #tpu.memory_space<semaphore_mem>>)
    %scan3A = arith.constant 0 : i32
    %scan3A_25 = arith.constant 0 : i32
    %scan3A_26 = arith.constant 16 : i32
    %scan3A_27 = arith.addi %scan3A_25, %scan3A_26 : i32
    %scan3A_28 = arith.constant 1 : i32
    scf.for %scan3A_45 = %scan3A_25 to %scan3A_27 step %scan3A_28  : i32 {
      %mul3A_46 = arith.constant 4 : i32
      %mul3A_47 = arith.muli %scan3A_45, %mul3A_46 : i32
      %add3A_48 = arith.constant 0 : i32
      %add3A_49 = arith.addi %mul3A_47, %add3A_48 : i32
      %dma_wait3A_50 = arith.constant 0 : i32
      %dma_wait3A_51 = arith.constant 0 : i32
      %dma_wait3A_52 = tpu.memref_slice %arg5[%dma_wait3A_50, %dma_wait3A_51] : memref<64x80xi32, #tpu.memory_space<vmem>> -> memref<1x80xi32, #tpu.memory_space<vmem>>
      %dma_wait3A_53 = tpu.memref_squeeze %dma_wait3A_52 : memref<1x80xi32, #tpu.memory_space<vmem>> -> memref<80xi32, #tpu.memory_space<vmem>>
      %dma_wait3A_54 = arith.constant 0 : i32
      %dma_wait3A_55 = arith.constant 0 : i32
      %dma_wait3A_56 = tpu.memref_slice %arg2[%dma_wait3A_54, %dma_wait3A_55] : memref<10240x256xi32, #tpu.memory_space<hbm>> -> memref<10240x256xi32, #tpu.memory_space<hbm>>
      tpu.wait_indirect_dma semaphore(%arg10 : memref<!tpu.dma_semaphore, #tpu.memory_space<semaphore_mem>>) src(%dma_wait3A_56 : memref<10240x256xi32, #tpu.memory_space<hbm>>) dst(%arg6 : memref<80x256xi32, #tpu.memory_space<vmem>>)
      %mul3A_57 = arith.constant 80 : i32
      %mul3A_58 = arith.muli %add3A_49, %mul3A_57 : i32
      %add3A_59 = arith.addi %mul3A_2, %mul3A_58 : i32
      %dma_start3A_60 = arith.constant 0 : i32
      %dma_start3A_61 = tpu.memref_slice %arg4[%add3A_59, %dma_start3A_60] : memref<163840x256xi32, #tpu.memory_space<hbm>> -> memref<80x256xi32, #tpu.memory_space<hbm>>
      %dma_start3A_62 = arith.constant 0 : i32
      %dma_start3A_63 = tpu.memref_slice %arg4[%add3A_59, %dma_start3A_62] : memref<163840x256xi32, #tpu.memory_space<hbm>> -> memref<80x256xi32, #tpu.memory_space<hbm>>
      tpu.enqueue_dma source(%arg6 : memref<80x256xi32, #tpu.memory_space<vmem>>) target(%dma_start3A_63 : memref<80x256xi32, #tpu.memory_space<hbm>>) target_semaphore(%arg14 : memref<!tpu.dma_semaphore, #tpu.memory_space<semaphore_mem>>)
      %add3A_64 = arith.constant 4 : i32
      %add3A_65 = arith.addi %add3A_49, %add3A_64 : i32
      %sub3A = arith.constant 1 : i32
      %sub3A_66 = arith.subi %add3A_65, %sub3A : i32
      %lt3A = arith.constant 64 : i32
      %lt3A_67 = arith.cmpi slt, %sub3A_66, %lt3A : i32
      %ge3A = arith.constant 4 : i32
      %ge3A_68 = arith.cmpi sge, %sub3A_66, %ge3A : i32
      %and3A = arith.andi %lt3A_67, %ge3A_68 : i1
      %convert_element_type3A = arith.extui %and3A : i1 to i32
      %cond3A = arith.constant 0 : i32
      %cond3A_69 = arith.cmpi ne, %convert_element_type3A, %cond3A : i32
      scf.if %cond3A_69 {
        %dma_wait3A_186 = arith.constant 0 : i32
        %dma_wait3A_187 = tpu.memref_slice %arg4[%mul3A_2, %dma_wait3A_186] : memref<163840x256xi32, #tpu.memory_space<hbm>> -> memref<80x256xi32, #tpu.memory_space<hbm>>
        %dma_wait3A_188 = arith.constant 0 : i32
        %dma_wait3A_189 = tpu.memref_slice %arg4[%mul3A_2, %dma_wait3A_188] : memref<163840x256xi32, #tpu.memory_space<hbm>> -> memref<80x256xi32, #tpu.memory_space<hbm>>
        tpu.wait_dma2 semaphore(%arg17 : memref<!tpu.dma_semaphore, #tpu.memory_space<semaphore_mem>>) src(%arg9 : memref<80x256xi32, #tpu.memory_space<vmem>>) dst(%dma_wait3A_189 : memref<80x256xi32, #tpu.memory_space<hbm>>)
        %dma_start3A_190 = arith.constant 0 : i32
        %dma_start3A_191 = tpu.memref_slice %arg5[%sub3A_66, %dma_start3A_190] : memref<64x80xi32, #tpu.memory_space<vmem>> -> memref<1x80xi32, #tpu.memory_space<vmem>>
        %dma_start3A_192 = tpu.memref_squeeze %dma_start3A_191 : memref<1x80xi32, #tpu.memory_space<vmem>> -> memref<80xi32, #tpu.memory_space<vmem>>
        %dma_start3A_193 = arith.constant 0 : i32
        %dma_start3A_194 = arith.constant 0 : i32
        %dma_start3A_195 = tpu.memref_slice %arg2[%dma_start3A_193, %dma_start3A_194] : memref<10240x256xi32, #tpu.memory_space<hbm>> -> memref<10240x256xi32, #tpu.memory_space<hbm>>
        tpu.enqueue_indirect_dma source(%dma_start3A_195 : memref<10240x256xi32, #tpu.memory_space<hbm>>) target(%arg9 : memref<80x256xi32, #tpu.memory_space<vmem>>) offsets(%dma_start3A_192 : memref<80xi32, #tpu.memory_space<vmem>>) semaphore(%arg13 : memref<!tpu.dma_semaphore, #tpu.memory_space<semaphore_mem>>)
      } else {
      }
      %lt3A_70 = arith.constant 64 : i32
      %lt3A_71 = arith.cmpi slt, %sub3A_66, %lt3A_70 : i32
      %lt3A_72 = arith.constant 4 : i32
      %lt3A_73 = arith.cmpi slt, %sub3A_66, %lt3A_72 : i32
      %and3A_74 = arith.andi %lt3A_71, %lt3A_73 : i1
      %convert_element_type3A_75 = arith.extui %and3A_74 : i1 to i32
      %cond3A_76 = arith.constant 0 : i32
      %cond3A_77 = arith.cmpi ne, %convert_element_type3A_75, %cond3A_76 : i32
      scf.if %cond3A_77 {
        %dma_start3A_186 = arith.constant 0 : i32
        %dma_start3A_187 = tpu.memref_slice %arg5[%sub3A_66, %dma_start3A_186] : memref<64x80xi32, #tpu.memory_space<vmem>> -> memref<1x80xi32, #tpu.memory_space<vmem>>
        %dma_start3A_188 = tpu.memref_squeeze %dma_start3A_187 : memref<1x80xi32, #tpu.memory_space<vmem>> -> memref<80xi32, #tpu.memory_space<vmem>>
        %dma_start3A_189 = arith.constant 0 : i32
        %dma_start3A_190 = arith.constant 0 : i32
        %dma_start3A_191 = tpu.memref_slice %arg2[%dma_start3A_189, %dma_start3A_190] : memref<10240x256xi32, #tpu.memory_space<hbm>> -> memref<10240x256xi32, #tpu.memory_space<hbm>>
        tpu.enqueue_indirect_dma source(%dma_start3A_191 : memref<10240x256xi32, #tpu.memory_space<hbm>>) target(%arg9 : memref<80x256xi32, #tpu.memory_space<vmem>>) offsets(%dma_start3A_188 : memref<80xi32, #tpu.memory_space<vmem>>) semaphore(%arg13 : memref<!tpu.dma_semaphore, #tpu.memory_space<semaphore_mem>>)
      } else {
      }
      %add3A_78 = arith.constant 1 : i32
      %add3A_79 = arith.addi %mul3A_47, %add3A_78 : i32
      %dma_wait3A_80 = arith.constant 0 : i32
      %dma_wait3A_81 = arith.constant 0 : i32
      %dma_wait3A_82 = tpu.memref_slice %arg5[%dma_wait3A_80, %dma_wait3A_81] : memref<64x80xi32, #tpu.memory_space<vmem>> -> memref<1x80xi32, #tpu.memory_space<vmem>>
      %dma_wait3A_83 = tpu.memref_squeeze %dma_wait3A_82 : memref<1x80xi32, #tpu.memory_space<vmem>> -> memref<80xi32, #tpu.memory_space<vmem>>
      %dma_wait3A_84 = arith.constant 0 : i32
      %dma_wait3A_85 = arith.constant 0 : i32
      %dma_wait3A_86 = tpu.memref_slice %arg2[%dma_wait3A_84, %dma_wait3A_85] : memref<10240x256xi32, #tpu.memory_space<hbm>> -> memref<10240x256xi32, #tpu.memory_space<hbm>>
      tpu.wait_indirect_dma semaphore(%arg11 : memref<!tpu.dma_semaphore, #tpu.memory_space<semaphore_mem>>) src(%dma_wait3A_86 : memref<10240x256xi32, #tpu.memory_space<hbm>>) dst(%arg7 : memref<80x256xi32, #tpu.memory_space<vmem>>)
      %mul3A_87 = arith.constant 80 : i32
      %mul3A_88 = arith.muli %add3A_79, %mul3A_87 : i32
      %add3A_89 = arith.addi %mul3A_2, %mul3A_88 : i32
      %dma_start3A_90 = arith.constant 0 : i32
      %dma_start3A_91 = tpu.memref_slice %arg4[%add3A_89, %dma_start3A_90] : memref<163840x256xi32, #tpu.memory_space<hbm>> -> memref<80x256xi32, #tpu.memory_space<hbm>>
      %dma_start3A_92 = arith.constant 0 : i32
      %dma_start3A_93 = tpu.memref_slice %arg4[%add3A_89, %dma_start3A_92] : memref<163840x256xi32, #tpu.memory_space<hbm>> -> memref<80x256xi32, #tpu.memory_space<hbm>>
      tpu.enqueue_dma source(%arg7 : memref<80x256xi32, #tpu.memory_space<vmem>>) target(%dma_start3A_93 : memref<80x256xi32, #tpu.memory_space<hbm>>) target_semaphore(%arg15 : memref<!tpu.dma_semaphore, #tpu.memory_space<semaphore_mem>>)
      %add3A_94 = arith.constant 4 : i32
      %add3A_95 = arith.addi %add3A_79, %add3A_94 : i32
      %sub3A_96 = arith.constant 1 : i32
      %sub3A_97 = arith.subi %add3A_95, %sub3A_96 : i32
      %lt3A_98 = arith.constant 64 : i32
      %lt3A_99 = arith.cmpi slt, %sub3A_97, %lt3A_98 : i32
      %ge3A_100 = arith.constant 4 : i32
      %ge3A_101 = arith.cmpi sge, %sub3A_97, %ge3A_100 : i32
      %and3A_102 = arith.andi %lt3A_99, %ge3A_101 : i1
      %convert_element_type3A_103 = arith.extui %and3A_102 : i1 to i32
      %cond3A_104 = arith.constant 0 : i32
      %cond3A_105 = arith.cmpi ne, %convert_element_type3A_103, %cond3A_104 : i32
      scf.if %cond3A_105 {
        %dma_wait3A_186 = arith.constant 0 : i32
        %dma_wait3A_187 = tpu.memref_slice %arg4[%mul3A_2, %dma_wait3A_186] : memref<163840x256xi32, #tpu.memory_space<hbm>> -> memref<80x256xi32, #tpu.memory_space<hbm>>
        %dma_wait3A_188 = arith.constant 0 : i32
        %dma_wait3A_189 = tpu.memref_slice %arg4[%mul3A_2, %dma_wait3A_188] : memref<163840x256xi32, #tpu.memory_space<hbm>> -> memref<80x256xi32, #tpu.memory_space<hbm>>
        tpu.wait_dma2 semaphore(%arg14 : memref<!tpu.dma_semaphore, #tpu.memory_space<semaphore_mem>>) src(%arg6 : memref<80x256xi32, #tpu.memory_space<vmem>>) dst(%dma_wait3A_189 : memref<80x256xi32, #tpu.memory_space<hbm>>)
        %dma_start3A_190 = arith.constant 0 : i32
        %dma_start3A_191 = tpu.memref_slice %arg5[%sub3A_97, %dma_start3A_190] : memref<64x80xi32, #tpu.memory_space<vmem>> -> memref<1x80xi32, #tpu.memory_space<vmem>>
        %dma_start3A_192 = tpu.memref_squeeze %dma_start3A_191 : memref<1x80xi32, #tpu.memory_space<vmem>> -> memref<80xi32, #tpu.memory_space<vmem>>
        %dma_start3A_193 = arith.constant 0 : i32
        %dma_start3A_194 = arith.constant 0 : i32
        %dma_start3A_195 = tpu.memref_slice %arg2[%dma_start3A_193, %dma_start3A_194] : memref<10240x256xi32, #tpu.memory_space<hbm>> -> memref<10240x256xi32, #tpu.memory_space<hbm>>
        tpu.enqueue_indirect_dma source(%dma_start3A_195 : memref<10240x256xi32, #tpu.memory_space<hbm>>) target(%arg6 : memref<80x256xi32, #tpu.memory_space<vmem>>) offsets(%dma_start3A_192 : memref<80xi32, #tpu.memory_space<vmem>>) semaphore(%arg10 : memref<!tpu.dma_semaphore, #tpu.memory_space<semaphore_mem>>)
      } else {
      }
      %lt3A_106 = arith.constant 64 : i32
      %lt3A_107 = arith.cmpi slt, %sub3A_97, %lt3A_106 : i32
      %lt3A_108 = arith.constant 4 : i32
      %lt3A_109 = arith.cmpi slt, %sub3A_97, %lt3A_108 : i32
      %and3A_110 = arith.andi %lt3A_107, %lt3A_109 : i1
      %convert_element_type3A_111 = arith.extui %and3A_110 : i1 to i32
      %cond3A_112 = arith.constant 0 : i32
      %cond3A_113 = arith.cmpi ne, %convert_element_type3A_111, %cond3A_112 : i32
      scf.if %cond3A_113 {
        %dma_start3A_186 = arith.constant 0 : i32
        %dma_start3A_187 = tpu.memref_slice %arg5[%sub3A_97, %dma_start3A_186] : memref<64x80xi32, #tpu.memory_space<vmem>> -> memref<1x80xi32, #tpu.memory_space<vmem>>
        %dma_start3A_188 = tpu.memref_squeeze %dma_start3A_187 : memref<1x80xi32, #tpu.memory_space<vmem>> -> memref<80xi32, #tpu.memory_space<vmem>>
        %dma_start3A_189 = arith.constant 0 : i32
        %dma_start3A_190 = arith.constant 0 : i32
        %dma_start3A_191 = tpu.memref_slice %arg2[%dma_start3A_189, %dma_start3A_190] : memref<10240x256xi32, #tpu.memory_space<hbm>> -> memref<10240x256xi32, #tpu.memory_space<hbm>>
        tpu.enqueue_indirect_dma source(%dma_start3A_191 : memref<10240x256xi32, #tpu.memory_space<hbm>>) target(%arg6 : memref<80x256xi32, #tpu.memory_space<vmem>>) offsets(%dma_start3A_188 : memref<80xi32, #tpu.memory_space<vmem>>) semaphore(%arg10 : memref<!tpu.dma_semaphore, #tpu.memory_space<semaphore_mem>>)
      } else {
      }
      %add3A_114 = arith.constant 2 : i32
      %add3A_115 = arith.addi %mul3A_47, %add3A_114 : i32
      %dma_wait3A_116 = arith.constant 0 : i32
      %dma_wait3A_117 = arith.constant 0 : i32
      %dma_wait3A_118 = tpu.memref_slice %arg5[%dma_wait3A_116, %dma_wait3A_117] : memref<64x80xi32, #tpu.memory_space<vmem>> -> memref<1x80xi32, #tpu.memory_space<vmem>>
      %dma_wait3A_119 = tpu.memref_squeeze %dma_wait3A_118 : memref<1x80xi32, #tpu.memory_space<vmem>> -> memref<80xi32, #tpu.memory_space<vmem>>
      %dma_wait3A_120 = arith.constant 0 : i32
      %dma_wait3A_121 = arith.constant 0 : i32
      %dma_wait3A_122 = tpu.memref_slice %arg2[%dma_wait3A_120, %dma_wait3A_121] : memref<10240x256xi32, #tpu.memory_space<hbm>> -> memref<10240x256xi32, #tpu.memory_space<hbm>>
      tpu.wait_indirect_dma semaphore(%arg12 : memref<!tpu.dma_semaphore, #tpu.memory_space<semaphore_mem>>) src(%dma_wait3A_122 : memref<10240x256xi32, #tpu.memory_space<hbm>>) dst(%arg8 : memref<80x256xi32, #tpu.memory_space<vmem>>)
      %mul3A_123 = arith.constant 80 : i32
      %mul3A_124 = arith.muli %add3A_115, %mul3A_123 : i32
      %add3A_125 = arith.addi %mul3A_2, %mul3A_124 : i32
      %dma_start3A_126 = arith.constant 0 : i32
      %dma_start3A_127 = tpu.memref_slice %arg4[%add3A_125, %dma_start3A_126] : memref<163840x256xi32, #tpu.memory_space<hbm>> -> memref<80x256xi32, #tpu.memory_space<hbm>>
      %dma_start3A_128 = arith.constant 0 : i32
      %dma_start3A_129 = tpu.memref_slice %arg4[%add3A_125, %dma_start3A_128] : memref<163840x256xi32, #tpu.memory_space<hbm>> -> memref<80x256xi32, #tpu.memory_space<hbm>>
      tpu.enqueue_dma source(%arg8 : memref<80x256xi32, #tpu.memory_space<vmem>>) target(%dma_start3A_129 : memref<80x256xi32, #tpu.memory_space<hbm>>) target_semaphore(%arg16 : memref<!tpu.dma_semaphore, #tpu.memory_space<semaphore_mem>>)
      %add3A_130 = arith.constant 4 : i32
      %add3A_131 = arith.addi %add3A_115, %add3A_130 : i32
      %sub3A_132 = arith.constant 1 : i32
      %sub3A_133 = arith.subi %add3A_131, %sub3A_132 : i32
      %lt3A_134 = arith.constant 64 : i32
      %lt3A_135 = arith.cmpi slt, %sub3A_133, %lt3A_134 : i32
      %ge3A_136 = arith.constant 4 : i32
      %ge3A_137 = arith.cmpi sge, %sub3A_133, %ge3A_136 : i32
      %and3A_138 = arith.andi %lt3A_135, %ge3A_137 : i1
      %convert_element_type3A_139 = arith.extui %and3A_138 : i1 to i32
      %cond3A_140 = arith.constant 0 : i32
      %cond3A_141 = arith.cmpi ne, %convert_element_type3A_139, %cond3A_140 : i32
      scf.if %cond3A_141 {
        %dma_wait3A_186 = arith.constant 0 : i32
        %dma_wait3A_187 = tpu.memref_slice %arg4[%mul3A_2, %dma_wait3A_186] : memref<163840x256xi32, #tpu.memory_space<hbm>> -> memref<80x256xi32, #tpu.memory_space<hbm>>
        %dma_wait3A_188 = arith.constant 0 : i32
        %dma_wait3A_189 = tpu.memref_slice %arg4[%mul3A_2, %dma_wait3A_188] : memref<163840x256xi32, #tpu.memory_space<hbm>> -> memref<80x256xi32, #tpu.memory_space<hbm>>
        tpu.wait_dma2 semaphore(%arg15 : memref<!tpu.dma_semaphore, #tpu.memory_space<semaphore_mem>>) src(%arg7 : memref<80x256xi32, #tpu.memory_space<vmem>>) dst(%dma_wait3A_189 : memref<80x256xi32, #tpu.memory_space<hbm>>)
        %dma_start3A_190 = arith.constant 0 : i32
        %dma_start3A_191 = tpu.memref_slice %arg5[%sub3A_133, %dma_start3A_190] : memref<64x80xi32, #tpu.memory_space<vmem>> -> memref<1x80xi32, #tpu.memory_space<vmem>>
        %dma_start3A_192 = tpu.memref_squeeze %dma_start3A_191 : memref<1x80xi32, #tpu.memory_space<vmem>> -> memref<80xi32, #tpu.memory_space<vmem>>
        %dma_start3A_193 = arith.constant 0 : i32
        %dma_start3A_194 = arith.constant 0 : i32
        %dma_start3A_195 = tpu.memref_slice %arg2[%dma_start3A_193, %dma_start3A_194] : memref<10240x256xi32, #tpu.memory_space<hbm>> -> memref<10240x256xi32, #tpu.memory_space<hbm>>
        tpu.enqueue_indirect_dma source(%dma_start3A_195 : memref<10240x256xi32, #tpu.memory_space<hbm>>) target(%arg7 : memref<80x256xi32, #tpu.memory_space<vmem>>) offsets(%dma_start3A_192 : memref<80xi32, #tpu.memory_space<vmem>>) semaphore(%arg11 : memref<!tpu.dma_semaphore, #tpu.memory_space<semaphore_mem>>)
      } else {
      }
      %lt3A_142 = arith.constant 64 : i32
      %lt3A_143 = arith.cmpi slt, %sub3A_133, %lt3A_142 : i32
      %lt3A_144 = arith.constant 4 : i32
      %lt3A_145 = arith.cmpi slt, %sub3A_133, %lt3A_144 : i32
      %and3A_146 = arith.andi %lt3A_143, %lt3A_145 : i1
      %convert_element_type3A_147 = arith.extui %and3A_146 : i1 to i32
      %cond3A_148 = arith.constant 0 : i32
      %cond3A_149 = arith.cmpi ne, %convert_element_type3A_147, %cond3A_148 : i32
      scf.if %cond3A_149 {
        %dma_start3A_186 = arith.constant 0 : i32
        %dma_start3A_187 = tpu.memref_slice %arg5[%sub3A_133, %dma_start3A_186] : memref<64x80xi32, #tpu.memory_space<vmem>> -> memref<1x80xi32, #tpu.memory_space<vmem>>
        %dma_start3A_188 = tpu.memref_squeeze %dma_start3A_187 : memref<1x80xi32, #tpu.memory_space<vmem>> -> memref<80xi32, #tpu.memory_space<vmem>>
        %dma_start3A_189 = arith.constant 0 : i32
        %dma_start3A_190 = arith.constant 0 : i32
        %dma_start3A_191 = tpu.memref_slice %arg2[%dma_start3A_189, %dma_start3A_190] : memref<10240x256xi32, #tpu.memory_space<hbm>> -> memref<10240x256xi32, #tpu.memory_space<hbm>>
        tpu.enqueue_indirect_dma source(%dma_start3A_191 : memref<10240x256xi32, #tpu.memory_space<hbm>>) target(%arg7 : memref<80x256xi32, #tpu.memory_space<vmem>>) offsets(%dma_start3A_188 : memref<80xi32, #tpu.memory_space<vmem>>) semaphore(%arg11 : memref<!tpu.dma_semaphore, #tpu.memory_space<semaphore_mem>>)
      } else {
      }
      %add3A_150 = arith.constant 3 : i32
      %add3A_151 = arith.addi %mul3A_47, %add3A_150 : i32
      %dma_wait3A_152 = arith.constant 0 : i32
      %dma_wait3A_153 = arith.constant 0 : i32
      %dma_wait3A_154 = tpu.memref_slice %arg5[%dma_wait3A_152, %dma_wait3A_153] : memref<64x80xi32, #tpu.memory_space<vmem>> -> memref<1x80xi32, #tpu.memory_space<vmem>>
      %dma_wait3A_155 = tpu.memref_squeeze %dma_wait3A_154 : memref<1x80xi32, #tpu.memory_space<vmem>> -> memref<80xi32, #tpu.memory_space<vmem>>
      %dma_wait3A_156 = arith.constant 0 : i32
      %dma_wait3A_157 = arith.constant 0 : i32
      %dma_wait3A_158 = tpu.memref_slice %arg2[%dma_wait3A_156, %dma_wait3A_157] : memref<10240x256xi32, #tpu.memory_space<hbm>> -> memref<10240x256xi32, #tpu.memory_space<hbm>>
      tpu.wait_indirect_dma semaphore(%arg13 : memref<!tpu.dma_semaphore, #tpu.memory_space<semaphore_mem>>) src(%dma_wait3A_158 : memref<10240x256xi32, #tpu.memory_space<hbm>>) dst(%arg9 : memref<80x256xi32, #tpu.memory_space<vmem>>)
      %mul3A_159 = arith.constant 80 : i32
      %mul3A_160 = arith.muli %add3A_151, %mul3A_159 : i32
      %add3A_161 = arith.addi %mul3A_2, %mul3A_160 : i32
      %dma_start3A_162 = arith.constant 0 : i32
      %dma_start3A_163 = tpu.memref_slice %arg4[%add3A_161, %dma_start3A_162] : memref<163840x256xi32, #tpu.memory_space<hbm>> -> memref<80x256xi32, #tpu.memory_space<hbm>>
      %dma_start3A_164 = arith.constant 0 : i32
      %dma_start3A_165 = tpu.memref_slice %arg4[%add3A_161, %dma_start3A_164] : memref<163840x256xi32, #tpu.memory_space<hbm>> -> memref<80x256xi32, #tpu.memory_space<hbm>>
      tpu.enqueue_dma source(%arg9 : memref<80x256xi32, #tpu.memory_space<vmem>>) target(%dma_start3A_165 : memref<80x256xi32, #tpu.memory_space<hbm>>) target_semaphore(%arg17 : memref<!tpu.dma_semaphore, #tpu.memory_space<semaphore_mem>>)
      %add3A_166 = arith.constant 4 : i32
      %add3A_167 = arith.addi %add3A_151, %add3A_166 : i32
      %sub3A_168 = arith.constant 1 : i32
      %sub3A_169 = arith.subi %add3A_167, %sub3A_168 : i32
      %lt3A_170 = arith.constant 64 : i32
      %lt3A_171 = arith.cmpi slt, %sub3A_169, %lt3A_170 : i32
      %ge3A_172 = arith.constant 4 : i32
      %ge3A_173 = arith.cmpi sge, %sub3A_169, %ge3A_172 : i32
      %and3A_174 = arith.andi %lt3A_171, %ge3A_173 : i1
      %convert_element_type3A_175 = arith.extui %and3A_174 : i1 to i32
      %cond3A_176 = arith.constant 0 : i32
      %cond3A_177 = arith.cmpi ne, %convert_element_type3A_175, %cond3A_176 : i32
      scf.if %cond3A_177 {
        %dma_wait3A_186 = arith.constant 0 : i32
        %dma_wait3A_187 = tpu.memref_slice %arg4[%mul3A_2, %dma_wait3A_186] : memref<163840x256xi32, #tpu.memory_space<hbm>> -> memref<80x256xi32, #tpu.memory_space<hbm>>
        %dma_wait3A_188 = arith.constant 0 : i32
        %dma_wait3A_189 = tpu.memref_slice %arg4[%mul3A_2, %dma_wait3A_188] : memref<163840x256xi32, #tpu.memory_space<hbm>> -> memref<80x256xi32, #tpu.memory_space<hbm>>
        tpu.wait_dma2 semaphore(%arg16 : memref<!tpu.dma_semaphore, #tpu.memory_space<semaphore_mem>>) src(%arg8 : memref<80x256xi32, #tpu.memory_space<vmem>>) dst(%dma_wait3A_189 : memref<80x256xi32, #tpu.memory_space<hbm>>)
        %dma_start3A_190 = arith.constant 0 : i32
        %dma_start3A_191 = tpu.memref_slice %arg5[%sub3A_169, %dma_start3A_190] : memref<64x80xi32, #tpu.memory_space<vmem>> -> memref<1x80xi32, #tpu.memory_space<vmem>>
        %dma_start3A_192 = tpu.memref_squeeze %dma_start3A_191 : memref<1x80xi32, #tpu.memory_space<vmem>> -> memref<80xi32, #tpu.memory_space<vmem>>
        %dma_start3A_193 = arith.constant 0 : i32
        %dma_start3A_194 = arith.constant 0 : i32
        %dma_start3A_195 = tpu.memref_slice %arg2[%dma_start3A_193, %dma_start3A_194] : memref<10240x256xi32, #tpu.memory_space<hbm>> -> memref<10240x256xi32, #tpu.memory_space<hbm>>
        tpu.enqueue_indirect_dma source(%dma_start3A_195 : memref<10240x256xi32, #tpu.memory_space<hbm>>) target(%arg8 : memref<80x256xi32, #tpu.memory_space<vmem>>) offsets(%dma_start3A_192 : memref<80xi32, #tpu.memory_space<vmem>>) semaphore(%arg12 : memref<!tpu.dma_semaphore, #tpu.memory_space<semaphore_mem>>)
      } else {
      }
      %lt3A_178 = arith.constant 64 : i32
      %lt3A_179 = arith.cmpi slt, %sub3A_169, %lt3A_178 : i32
      %lt3A_180 = arith.constant 4 : i32
      %lt3A_181 = arith.cmpi slt, %sub3A_169, %lt3A_180 : i32
      %and3A_182 = arith.andi %lt3A_179, %lt3A_181 : i1
      %convert_element_type3A_183 = arith.extui %and3A_182 : i1 to i32
      %cond3A_184 = arith.constant 0 : i32
      %cond3A_185 = arith.cmpi ne, %convert_element_type3A_183, %cond3A_184 : i32
      scf.if %cond3A_185 {
        %dma_start3A_186 = arith.constant 0 : i32
        %dma_start3A_187 = tpu.memref_slice %arg5[%sub3A_169, %dma_start3A_186] : memref<64x80xi32, #tpu.memory_space<vmem>> -> memref<1x80xi32, #tpu.memory_space<vmem>>
        %dma_start3A_188 = tpu.memref_squeeze %dma_start3A_187 : memref<1x80xi32, #tpu.memory_space<vmem>> -> memref<80xi32, #tpu.memory_space<vmem>>
        %dma_start3A_189 = arith.constant 0 : i32
        %dma_start3A_190 = arith.constant 0 : i32
        %dma_start3A_191 = tpu.memref_slice %arg2[%dma_start3A_189, %dma_start3A_190] : memref<10240x256xi32, #tpu.memory_space<hbm>> -> memref<10240x256xi32, #tpu.memory_space<hbm>>
        tpu.enqueue_indirect_dma source(%dma_start3A_191 : memref<10240x256xi32, #tpu.memory_space<hbm>>) target(%arg8 : memref<80x256xi32, #tpu.memory_space<vmem>>) offsets(%dma_start3A_188 : memref<80xi32, #tpu.memory_space<vmem>>) semaphore(%arg12 : memref<!tpu.dma_semaphore, #tpu.memory_space<semaphore_mem>>)
      } else {
      }
    }
    %scan3A_29 = arith.constant 16 : i32
    %dma_wait3A = arith.constant 0 : i32
    %dma_wait3A_30 = tpu.memref_slice %arg4[%mul3A_2, %dma_wait3A] : memref<163840x256xi32, #tpu.memory_space<hbm>> -> memref<80x256xi32, #tpu.memory_space<hbm>>
    %dma_wait3A_31 = arith.constant 0 : i32
    %dma_wait3A_32 = tpu.memref_slice %arg4[%mul3A_2, %dma_wait3A_31] : memref<163840x256xi32, #tpu.memory_space<hbm>> -> memref<80x256xi32, #tpu.memory_space<hbm>>
    tpu.wait_dma2 semaphore(%arg14 : memref<!tpu.dma_semaphore, #tpu.memory_space<semaphore_mem>>) src(%arg6 : memref<80x256xi32, #tpu.memory_space<vmem>>) dst(%dma_wait3A_32 : memref<80x256xi32, #tpu.memory_space<hbm>>)
    %dma_wait3A_33 = arith.constant 0 : i32
    %dma_wait3A_34 = tpu.memref_slice %arg4[%mul3A_2, %dma_wait3A_33] : memref<163840x256xi32, #tpu.memory_space<hbm>> -> memref<80x256xi32, #tpu.memory_space<hbm>>
    %dma_wait3A_35 = arith.constant 0 : i32
    %dma_wait3A_36 = tpu.memref_slice %arg4[%mul3A_2, %dma_wait3A_35] : memref<163840x256xi32, #tpu.memory_space<hbm>> -> memref<80x256xi32, #tpu.memory_space<hbm>>
    tpu.wait_dma2 semaphore(%arg15 : memref<!tpu.dma_semaphore, #tpu.memory_space<semaphore_mem>>) src(%arg7 : memref<80x256xi32, #tpu.memory_space<vmem>>) dst(%dma_wait3A_36 : memref<80x256xi32, #tpu.memory_space<hbm>>)
    %dma_wait3A_37 = arith.constant 0 : i32
    %dma_wait3A_38 = tpu.memref_slice %arg4[%mul3A_2, %dma_wait3A_37] : memref<163840x256xi32, #tpu.memory_space<hbm>> -> memref<80x256xi32, #tpu.memory_space<hbm>>
    %dma_wait3A_39 = arith.constant 0 : i32
    %dma_wait3A_40 = tpu.memref_slice %arg4[%mul3A_2, %dma_wait3A_39] : memref<163840x256xi32, #tpu.memory_space<hbm>> -> memref<80x256xi32, #tpu.memory_space<hbm>>
    tpu.wait_dma2 semaphore(%arg16 : memref<!tpu.dma_semaphore, #tpu.memory_space<semaphore_mem>>) src(%arg8 : memref<80x256xi32, #tpu.memory_space<vmem>>) dst(%dma_wait3A_40 : memref<80x256xi32, #tpu.memory_space<hbm>>)
    %dma_wait3A_41 = arith.constant 0 : i32
    %dma_wait3A_42 = tpu.memref_slice %arg4[%mul3A_2, %dma_wait3A_41] : memref<163840x256xi32, #tpu.memory_space<hbm>> -> memref<80x256xi32, #tpu.memory_space<hbm>>
    %dma_wait3A_43 = arith.constant 0 : i32
    %dma_wait3A_44 = tpu.memref_slice %arg4[%mul3A_2, %dma_wait3A_43] : memref<163840x256xi32, #tpu.memory_space<hbm>> -> memref<80x256xi32, #tpu.memory_space<hbm>>
    tpu.wait_dma2 semaphore(%arg17 : memref<!tpu.dma_semaphore, #tpu.memory_space<semaphore_mem>>) src(%arg9 : memref<80x256xi32, #tpu.memory_space<vmem>>) dst(%dma_wait3A_44 : memref<80x256xi32, #tpu.memory_space<hbm>>)
    return
  }
}

module attributes {stable_mosaic.version = 14 : i64} {
  func.func @_deg_body(%arg0: i32, %arg1: memref<330xi32, #tpu.memory_space<smem>>, %arg2: memref<330xi32, #tpu.memory_space<smem>>, %arg3: memref<330xi32, #tpu.memory_space<smem>>, %arg4: memref<330xi32, #tpu.memory_space<smem>>, %arg5: memref<330xi32, #tpu.memory_space<smem>>, %arg6: memref<1x1x1024xi32, #tpu.memory_space<vmem>>, %arg7: memref<1x1x128xf32, #tpu.memory_space<vmem>>) attributes {dimension_semantics = [#tpu.dimension_semantics<arbitrary>], iteration_bounds = array<i64: 330>, scalar_prefetch = 5 : i64, scratch_operands = 0 : i64, tpu.core_type = #tpu.core_type<tc>, window_params = [{transform_indices = @transform_0, window_bounds = array<i64: 1, 1, 1024>}, {transform_indices = @transform_1, window_bounds = array<i64: 1, 1, 128>}]} {
    %get3A = arith.index_cast %arg0 : i32 to index
    %get3A_0 = memref.load %arg1[%get3A] : memref<330xi32, #tpu.memory_space<smem>>
    %mul3A = arith.constant 128 : i32
    %mul3A_1 = arith.muli %get3A_0, %mul3A : i32
    %get3A_2 = arith.index_cast %arg0 : i32 to index
    %get3A_3 = memref.load %arg5[%get3A_2] : memref<330xi32, #tpu.memory_space<smem>>
    %eq3A = arith.constant 1 : i32
    %eq3A_4 = arith.cmpi eq, %get3A_3, %eq3A : i32
    %convert_element_type3A = arith.extui %eq3A_4 : i1 to i32
    %cond3A = arith.constant 0 : i32
    %cond3A_5 = arith.cmpi ne, %convert_element_type3A, %cond3A : i32
    scf.if %cond3A_5 {
      %get3A_6 = arith.constant 0 : index
      %get3A_7 = arith.constant 0 : index
      %get3A_8 = arith.constant 0 : index
      %get3A_9 = vector.load %arg6[%get3A_6, %get3A_7, %get3A_8] : memref<1x1x1024xi32, #tpu.memory_space<vmem>>, vector<1x1x1024xi32>
      %get3A_10 = vector.shape_cast %get3A_9 : vector<1x1x1024xi32> to vector<1x1024xi32>
      %iota3A = tpu.iota {dimensions = array<i32: 0>} : vector<128x1024xi32>
      %add3A = vector.broadcast %mul3A_1 : i32 to vector<128x1024xi32>
      %add3A_11 = arith.addi %iota3A, %add3A : vector<128x1024xi32>
      %broadcast_in_dim3A = vector.shape_cast %get3A_10 : vector<1x1024xi32> to vector<1x1024xi32>
      %broadcast_in_dim3A_12 = vector.broadcast %broadcast_in_dim3A : vector<1x1024xi32> to vector<128x1024xi32>
      %eq3A_13 = arith.cmpi eq, %add3A_11, %broadcast_in_dim3A_12 : vector<128x1024xi32>
      %convert_element_type3A_14 = arith.extui %eq3A_13 : vector<128x1024xi1> to vector<128x1024xi32>
      %convert_element_type3A_15 = arith.sitofp %convert_element_type3A_14 : vector<128x1024xi32> to vector<128x1024xf32>
      %reduce_sum3A = arith.constant dense<0.000000e+00> : vector<128xf32>
      %reduce_sum3A_16 = vector.multi_reduction <add>, %convert_element_type3A_15, %reduce_sum3A [1] : vector<128x1024xf32> to vector<128xf32>
      %reshape3A = vector.shape_cast %reduce_sum3A_16 : vector<128xf32> to vector<1x1x128xf32>
      %get3A_17 = arith.index_cast %arg0 : i32 to index
      %get3A_18 = memref.load %arg3[%get3A_17] : memref<330xi32, #tpu.memory_space<smem>>
      %eq3A_19 = arith.constant 1 : i32
      %eq3A_20 = arith.cmpi eq, %get3A_18, %eq3A_19 : i32
      %convert_element_type3A_21 = arith.extui %eq3A_20 : i1 to i32
      %cond3A_22 = arith.constant 0 : i32
      %cond3A_23 = arith.cmpi ne, %convert_element_type3A_21, %cond3A_22 : i32
      scf.if %cond3A_23 {
        %swap3A = arith.constant 0 : index
        %swap3A_38 = arith.constant 0 : index
        %swap3A_39 = arith.constant 0 : index
        %swap3A_40 = vector.load %arg7[%swap3A, %swap3A_38, %swap3A_39] : memref<1x1x128xf32, #tpu.memory_space<vmem>>, vector<1x1x128xf32>
        tpu.vector_store %arg7[%swap3A, %swap3A_38, %swap3A_39], %reshape3A {strides = array<i32>} : memref<1x1x128xf32, #tpu.memory_space<vmem>>, vector<1x1x128xf32>,
      } else {
      }
      %get3A_24 = arith.index_cast %arg0 : i32 to index
      %get3A_25 = memref.load %arg3[%get3A_24] : memref<330xi32, #tpu.memory_space<smem>>
      %eq3A_26 = arith.constant 0 : i32
      %eq3A_27 = arith.cmpi eq, %get3A_25, %eq3A_26 : i32
      %convert_element_type3A_28 = arith.extui %eq3A_27 : i1 to i32
      %cond3A_29 = arith.constant 0 : i32
      %cond3A_30 = arith.cmpi ne, %convert_element_type3A_28, %cond3A_29 : i32
      scf.if %cond3A_30 {
        %get3A_38 = arith.constant 0 : index
        %get3A_39 = arith.constant 0 : index
        %get3A_40 = arith.constant 0 : index
        %get3A_41 = vector.load %arg7[%get3A_38, %get3A_39, %get3A_40] : memref<1x1x128xf32, #tpu.memory_space<vmem>>, vector<1x1x128xf32>
        %add3A_42 = arith.addf %get3A_41, %reshape3A : vector<1x1x128xf32>
        %swap3A = arith.constant 0 : index
        %swap3A_43 = arith.constant 0 : index
        %swap3A_44 = arith.constant 0 : index
        %swap3A_45 = vector.load %arg7[%swap3A, %swap3A_43, %swap3A_44] : memref<1x1x128xf32, #tpu.memory_space<vmem>>, vector<1x1x128xf32>
        tpu.vector_store %arg7[%swap3A, %swap3A_43, %swap3A_44], %add3A_42 {strides = array<i32>} : memref<1x1x128xf32, #tpu.memory_space<vmem>>, vector<1x1x128xf32>,
      } else {
      }
      %get3A_31 = arith.index_cast %arg0 : i32 to index
      %get3A_32 = memref.load %arg4[%get3A_31] : memref<330xi32, #tpu.memory_space<smem>>
      %eq3A_33 = arith.constant 1 : i32
      %eq3A_34 = arith.cmpi eq, %get3A_32, %eq3A_33 : i32
      %convert_element_type3A_35 = arith.extui %eq3A_34 : i1 to i32
      %cond3A_36 = arith.constant 0 : i32
      %cond3A_37 = arith.cmpi ne, %convert_element_type3A_35, %cond3A_36 : i32
      scf.if %cond3A_37 {
        %iota3A_38 = tpu.iota {dimensions = array<i32: 2>} : vector<1x1x128xi32>
        %add3A_39 = vector.broadcast %mul3A_1 : i32 to vector<1x1x128xi32>
        %add3A_40 = arith.addi %iota3A_38, %add3A_39 : vector<1x1x128xi32>
        %lt3A = arith.constant 10000 : i32
        %lt3A_41 = vector.broadcast %lt3A : i32 to vector<1x1x128xi32>
        %lt3A_42 = arith.cmpi slt, %add3A_40, %lt3A_41 : vector<1x1x128xi32>
        %get3A_43 = arith.constant 0 : index
        %get3A_44 = arith.constant 0 : index
        %get3A_45 = arith.constant 0 : index
        %get3A_46 = vector.load %arg7[%get3A_43, %get3A_44, %get3A_45] : memref<1x1x128xf32, #tpu.memory_space<vmem>>, vector<1x1x128xf32>
        %add3A_47 = arith.constant 1.000000e+00 : f32
        %add3A_48 = vector.broadcast %add3A_47 : f32 to vector<1x1x128xf32>
        %add3A_49 = arith.addf %get3A_46, %add3A_48 : vector<1x1x128xf32>
        %rsqrt3A = math.rsqrt %add3A_49 : vector<1x1x128xf32>
        %jit3A = arith.constant 0.000000e+00 : f32
        %broadcast_in_dim3A_50 = vector.broadcast %jit3A : f32 to vector<1x1x128xf32>
        %select_n3A = arith.select %lt3A_42, %rsqrt3A, %broadcast_in_dim3A_50 : vector<1x1x128xi1>, vector<1x1x128xf32>
        %swap3A = arith.constant 0 : index
        %swap3A_51 = arith.constant 0 : index
        %swap3A_52 = arith.constant 0 : index
        %swap3A_53 = vector.load %arg7[%swap3A, %swap3A_51, %swap3A_52] : memref<1x1x128xf32, #tpu.memory_space<vmem>>, vector<1x1x128xf32>
        tpu.vector_store %arg7[%swap3A, %swap3A_51, %swap3A_52], %select_n3A {strides = array<i32>} : memref<1x1x128xf32, #tpu.memory_space<vmem>>, vector<1x1x128xf32>,
      } else {
      }
    } else {
    }
    return
  }
  func.func @transform_0(%arg0: i32, %arg1: memref<330xi32, #tpu.memory_space<smem>>, %arg2: memref<330xi32, #tpu.memory_space<smem>>, %arg3: memref<330xi32, #tpu.memory_space<smem>>, %arg4: memref<330xi32, #tpu.memory_space<smem>>, %arg5: memref<330xi32, #tpu.memory_space<smem>>) -> (i32, i32, i32) {
    %get3A = arith.index_cast %arg0 : i32 to index
    %get3A_0 = memref.load %arg2[%get3A] : memref<330xi32, #tpu.memory_space<smem>>
    %c0_i32 = arith.constant 0 : i32
    %c0_i32_1 = arith.constant 0 : i32
    %c0_i32_2 = arith.constant 0 : i32
    return %get3A_0, %c0_i32, %c0_i32_1 : i32, i32, i32
  }
  func.func @transform_1(%arg0: i32, %arg1: memref<330xi32, #tpu.memory_space<smem>>, %arg2: memref<330xi32, #tpu.memory_space<smem>>, %arg3: memref<330xi32, #tpu.memory_space<smem>>, %arg4: memref<330xi32, #tpu.memory_space<smem>>, %arg5: memref<330xi32, #tpu.memory_space<smem>>) -> (i32, i32, i32) {
    %get3A = arith.index_cast %arg0 : i32 to index
    %get3A_0 = memref.load %arg1[%get3A] : memref<330xi32, #tpu.memory_space<smem>>
    %c0_i32 = arith.constant 0 : i32
    %c0_i32_1 = arith.constant 0 : i32
    %c0_i32_2 = arith.constant 0 : i32
    return %get3A_0, %c0_i32, %c0_i32_1 : i32, i32, i32
  }
}

module attributes {stable_mosaic.version = 14 : i64} {
  func.func @_matmul_scale_body(%arg0: i32, %arg1: memref<256x256xf32, #tpu.memory_space<vmem>>, %arg2: memref<256x512xf32, #tpu.memory_space<vmem>>, %arg3: memref<256x1xf32, #tpu.memory_space<vmem>>, %arg4: memref<256x256xi32, #tpu.memory_space<vmem>>) attributes {dimension_semantics = [#tpu.dimension_semantics<arbitrary>], iteration_bounds = array<i64: 40>, scalar_prefetch = 0 : i64, scratch_operands = 0 : i64, tpu.core_type = #tpu.core_type<tc>, window_params = [{transform_indices = @transform_0, window_bounds = array<i64: 256, 256>}, {pipeline_mode = #tpu.pipeline_mode<synchronous>, transform_indices = @transform_1, window_bounds = array<i64: 256, 512>}, {transform_indices = @transform_2, window_bounds = array<i64: 256, 1>}, {transform_indices = @transform_3, window_bounds = array<i64: 256, 256>}]} {
    %get3A = arith.constant 0 : index
    %get3A_0 = arith.constant 0 : index
    %get3A_1 = vector.load %arg1[%get3A, %get3A_0] : memref<256x256xf32, #tpu.memory_space<vmem>>, vector<256x256xf32>
    %convert_element_type3A = arith.truncf %get3A_1 : vector<256x256xf32> to vector<256x256xbf16>
    %get3A_2 = arith.constant 0 : index
    %get3A_3 = arith.constant 0 : index
    %get3A_4 = vector.load %arg2[%get3A_2, %get3A_3] : memref<256x512xf32, #tpu.memory_space<vmem>>, vector<256x512xf32>
    %convert_element_type3A_5 = arith.truncf %get3A_4 : vector<256x512xf32> to vector<256x512xbf16>
    %dot_general3A = arith.constant dense<0.000000e+00> : vector<256x512xf32>
    %dot_general3A_6 = tpu.matmul %convert_element_type3A, %convert_element_type3A_5, %dot_general3A {dimension_numbers = #tpu.dot_dimension_numbers<[1], [0], [0], [1], [0, 0, 1, 1], [], []>, transpose_lhs_hint = false} : vector<256x256xbf16>, vector<256x512xbf16>, vector<256x512xf32> -> vector<256x512xf32>
    %get3A_7 = arith.constant 0 : index
    %get3A_8 = arith.constant 0 : index
    %get3A_9 = vector.load %arg3[%get3A_7, %get3A_8] : memref<256x1xf32, #tpu.memory_space<vmem>>, vector<256x1xf32>
    %mul3A = vector.broadcast %get3A_9 : vector<256x1xf32> to vector<256x512xf32>
    %mul3A_10 = arith.mulf %mul3A, %dot_general3A_6 : vector<256x512xf32>
    %convert_element_type3A_11 = arith.truncf %mul3A_10 : vector<256x512xf32> to vector<256x512xbf16>
    %reshape3A = vector.shape_cast %convert_element_type3A_11 : vector<256x512xbf16> to vector<256x2x256xbf16>
    %bitcast3A = tpu.bitcast %reshape3A : vector<256x2x256xbf16> -> vector<256x1x256xi32>
    %reshape3A_12 = vector.shape_cast %bitcast3A : vector<256x1x256xi32> to vector<256x256xi32>
    %swap3A = arith.constant 0 : index
    %swap3A_13 = arith.constant 0 : index
    %swap3A_14 = vector.load %arg4[%swap3A, %swap3A_13] : memref<256x256xi32, #tpu.memory_space<vmem>>, vector<256x256xi32>
    tpu.vector_store %arg4[%swap3A, %swap3A_13], %reshape3A_12 {strides = array<i32>} : memref<256x256xi32, #tpu.memory_space<vmem>>, vector<256x256xi32>,
    return
  }
  func.func @transform_0(%arg0: i32) -> (i32, i32) {
    %c0_i32 = arith.constant 0 : i32
    %c0_i32_0 = arith.constant 0 : i32
    return %arg0, %c0_i32 : i32, i32
  }
  func.func @transform_1(%arg0: i32) -> (i32, i32) {
    %c0_i32 = arith.constant 0 : i32
    %c0_i32_0 = arith.constant 0 : i32
    %c0_i32_1 = arith.constant 0 : i32
    return %c0_i32, %c0_i32_0 : i32, i32
  }
  func.func @transform_2(%arg0: i32) -> (i32, i32) {
    %c0_i32 = arith.constant 0 : i32
    %c0_i32_0 = arith.constant 0 : i32
    return %arg0, %c0_i32 : i32, i32
  }
  func.func @transform_3(%arg0: i32) -> (i32, i32) {
    %c0_i32 = arith.constant 0 : i32
    %c0_i32_0 = arith.constant 0 : i32
    return %arg0, %c0_i32 : i32, i32
  }
}

module attributes {stable_mosaic.version = 14 : i64} {
  func.func @_seg_body(%arg0: i32, %arg1: memref<330xi32, #tpu.memory_space<smem>>, %arg2: memref<330xi32, #tpu.memory_space<smem>>, %arg3: memref<330xi32, #tpu.memory_space<smem>>, %arg4: memref<330xi32, #tpu.memory_space<smem>>, %arg5: memref<1x1x1024xi32, #tpu.memory_space<vmem>>, %arg6: memref<1x1024x256xi32, #tpu.memory_space<vmem>>, %arg7: memref<1x128x512xf32, #tpu.memory_space<vmem>>) attributes {dimension_semantics = [#tpu.dimension_semantics<arbitrary>], iteration_bounds = array<i64: 330>, scalar_prefetch = 4 : i64, scratch_operands = 0 : i64, tpu.core_type = #tpu.core_type<tc>, window_params = [{transform_indices = @transform_0, window_bounds = array<i64: 1, 1, 1024>}, {transform_indices = @transform_1, window_bounds = array<i64: 1, 1024, 256>}, {transform_indices = @transform_2, window_bounds = array<i64: 1, 128, 512>}]} {
    %get3A = arith.index_cast %arg0 : i32 to index
    %get3A_0 = memref.load %arg1[%get3A] : memref<330xi32, #tpu.memory_space<smem>>
    %mul3A = arith.constant 128 : i32
    %mul3A_1 = arith.muli %get3A_0, %mul3A : i32
    %get3A_2 = arith.index_cast %arg0 : i32 to index
    %get3A_3 = memref.load %arg4[%get3A_2] : memref<330xi32, #tpu.memory_space<smem>>
    %eq3A = arith.constant 1 : i32
    %eq3A_4 = arith.cmpi eq, %get3A_3, %eq3A : i32
    %convert_element_type3A = arith.extui %eq3A_4 : i1 to i32
    %cond3A = arith.constant 0 : i32
    %cond3A_5 = arith.cmpi ne, %convert_element_type3A, %cond3A : i32
    scf.if %cond3A_5 {
      %get3A_6 = arith.constant 0 : index
      %get3A_7 = arith.constant 0 : index
      %get3A_8 = arith.constant 0 : index
      %get3A_9 = vector.load %arg5[%get3A_6, %get3A_7, %get3A_8] : memref<1x1x1024xi32, #tpu.memory_space<vmem>>, vector<1x1x1024xi32>
      %get3A_10 = vector.shape_cast %get3A_9 : vector<1x1x1024xi32> to vector<1x1024xi32>
      %iota3A = tpu.iota {dimensions = array<i32: 0>} : vector<128x1024xi32>
      %add3A = vector.broadcast %mul3A_1 : i32 to vector<128x1024xi32>
      %add3A_11 = arith.addi %iota3A, %add3A : vector<128x1024xi32>
      %broadcast_in_dim3A = vector.shape_cast %get3A_10 : vector<1x1024xi32> to vector<1x1024xi32>
      %broadcast_in_dim3A_12 = vector.broadcast %broadcast_in_dim3A : vector<1x1024xi32> to vector<128x1024xi32>
      %eq3A_13 = arith.cmpi eq, %add3A_11, %broadcast_in_dim3A_12 : vector<128x1024xi32>
      %convert_element_type3A_14 = arith.extui %eq3A_13 : vector<128x1024xi1> to vector<128x1024xi32>
      %convert_element_type3A_15 = arith.sitofp %convert_element_type3A_14 : vector<128x1024xi32> to vector<128x1024xf32>
      %convert_element_type3A_16 = arith.truncf %convert_element_type3A_15 : vector<128x1024xf32> to vector<128x1024xbf16>
      %get3A_17 = arith.constant 0 : index
      %get3A_18 = arith.constant 0 : index
      %get3A_19 = arith.constant 0 : index
      %get3A_20 = vector.load %arg6[%get3A_17, %get3A_18, %get3A_19] : memref<1x1024x256xi32, #tpu.memory_space<vmem>>, vector<1x1024x256xi32>
      %get3A_21 = vector.shape_cast %get3A_20 : vector<1x1024x256xi32> to vector<1024x256xi32>
      %reshape3A = vector.shape_cast %get3A_21 : vector<1024x256xi32> to vector<1024x1x256xi32>
      %bitcast3A = tpu.bitcast %reshape3A : vector<1024x1x256xi32> -> vector<1024x2x256xbf16>
      %reshape3A_22 = vector.shape_cast %bitcast3A : vector<1024x2x256xbf16> to vector<1024x512xbf16>
      %dot_general3A = arith.constant dense<0.000000e+00> : vector<128x512xf32>
      %dot_general3A_23 = tpu.matmul %convert_element_type3A_16, %reshape3A_22, %dot_general3A {dimension_numbers = #tpu.dot_dimension_numbers<[1], [0], [0], [1], [0, 0, 1, 1], [], []>, transpose_lhs_hint = false} : vector<128x1024xbf16>, vector<1024x512xbf16>, vector<128x512xf32> -> vector<128x512xf32>
      %broadcast_in_dim3A_24 = vector.shape_cast %dot_general3A_23 : vector<128x512xf32> to vector<1x128x512xf32>
      %get3A_25 = arith.index_cast %arg0 : i32 to index
      %get3A_26 = memref.load %arg3[%get3A_25] : memref<330xi32, #tpu.memory_space<smem>>
      %eq3A_27 = arith.constant 1 : i32
      %eq3A_28 = arith.cmpi eq, %get3A_26, %eq3A_27 : i32
      %convert_element_type3A_29 = arith.extui %eq3A_28 : i1 to i32
      %cond3A_30 = arith.constant 0 : i32
      %cond3A_31 = arith.cmpi ne, %convert_element_type3A_29, %cond3A_30 : i32
      scf.if %cond3A_31 {
        %swap3A = arith.constant 0 : index
        %swap3A_39 = arith.constant 0 : index
        %swap3A_40 = arith.constant 0 : index
        %swap3A_41 = vector.load %arg7[%swap3A, %swap3A_39, %swap3A_40] : memref<1x128x512xf32, #tpu.memory_space<vmem>>, vector<1x128x512xf32>
        tpu.vector_store %arg7[%swap3A, %swap3A_39, %swap3A_40], %broadcast_in_dim3A_24 {strides = array<i32>} : memref<1x128x512xf32, #tpu.memory_space<vmem>>, vector<1x128x512xf32>,
      } else {
      }
      %get3A_32 = arith.index_cast %arg0 : i32 to index
      %get3A_33 = memref.load %arg3[%get3A_32] : memref<330xi32, #tpu.memory_space<smem>>
      %eq3A_34 = arith.constant 0 : i32
      %eq3A_35 = arith.cmpi eq, %get3A_33, %eq3A_34 : i32
      %convert_element_type3A_36 = arith.extui %eq3A_35 : i1 to i32
      %cond3A_37 = arith.constant 0 : i32
      %cond3A_38 = arith.cmpi ne, %convert_element_type3A_36, %cond3A_37 : i32
      scf.if %cond3A_38 {
        %get3A_39 = arith.constant 0 : index
        %get3A_40 = arith.constant 0 : index
        %get3A_41 = arith.constant 0 : index
        %get3A_42 = vector.load %arg7[%get3A_39, %get3A_40, %get3A_41] : memref<1x128x512xf32, #tpu.memory_space<vmem>>, vector<1x128x512xf32>
        %add3A_43 = arith.addf %get3A_42, %broadcast_in_dim3A_24 : vector<1x128x512xf32>
        %swap3A = arith.constant 0 : index
        %swap3A_44 = arith.constant 0 : index
        %swap3A_45 = arith.constant 0 : index
        %swap3A_46 = vector.load %arg7[%swap3A, %swap3A_44, %swap3A_45] : memref<1x128x512xf32, #tpu.memory_space<vmem>>, vector<1x128x512xf32>
        tpu.vector_store %arg7[%swap3A, %swap3A_44, %swap3A_45], %add3A_43 {strides = array<i32>} : memref<1x128x512xf32, #tpu.memory_space<vmem>>, vector<1x128x512xf32>,
      } else {
      }
    } else {
    }
    return
  }
  func.func @transform_0(%arg0: i32, %arg1: memref<330xi32, #tpu.memory_space<smem>>, %arg2: memref<330xi32, #tpu.memory_space<smem>>, %arg3: memref<330xi32, #tpu.memory_space<smem>>, %arg4: memref<330xi32, #tpu.memory_space<smem>>) -> (i32, i32, i32) {
    %get3A = arith.index_cast %arg0 : i32 to index
    %get3A_0 = memref.load %arg2[%get3A] : memref<330xi32, #tpu.memory_space<smem>>
    %c0_i32 = arith.constant 0 : i32
    %c0_i32_1 = arith.constant 0 : i32
    %c0_i32_2 = arith.constant 0 : i32
    return %get3A_0, %c0_i32, %c0_i32_1 : i32, i32, i32
  }
  func.func @transform_1(%arg0: i32, %arg1: memref<330xi32, #tpu.memory_space<smem>>, %arg2: memref<330xi32, #tpu.memory_space<smem>>, %arg3: memref<330xi32, #tpu.memory_space<smem>>, %arg4: memref<330xi32, #tpu.memory_space<smem>>) -> (i32, i32, i32) {
    %get3A = arith.index_cast %arg0 : i32 to index
    %get3A_0 = memref.load %arg2[%get3A] : memref<330xi32, #tpu.memory_space<smem>>
    %c0_i32 = arith.constant 0 : i32
    %c0_i32_1 = arith.constant 0 : i32
    %c0_i32_2 = arith.constant 0 : i32
    return %get3A_0, %c0_i32, %c0_i32_1 : i32, i32, i32
  }
  func.func @transform_2(%arg0: i32, %arg1: memref<330xi32, #tpu.memory_space<smem>>, %arg2: memref<330xi32, #tpu.memory_space<smem>>, %arg3: memref<330xi32, #tpu.memory_space<smem>>, %arg4: memref<330xi32, #tpu.memory_space<smem>>) -> (i32, i32, i32) {
    %get3A = arith.index_cast %arg0 : i32 to index
    %get3A_0 = memref.load %arg1[%get3A] : memref<330xi32, #tpu.memory_space<smem>>
    %c0_i32 = arith.constant 0 : i32
    %c0_i32_1 = arith.constant 0 : i32
    %c0_i32_2 = arith.constant 0 : i32
    return %get3A_0, %c0_i32, %c0_i32_1 : i32, i32, i32
  }
}

module attributes {stable_mosaic.version = 14 : i64} {
  func.func @_passa_body(%arg0: i32, %arg1: memref<1x128x512xf32, #tpu.memory_space<vmem>>, %arg2: memref<128x256xi32, #tpu.memory_space<vmem>>, %arg3: memref<128x1xf32, #tpu.memory_space<vmem>>, %arg4: memref<1x512xf32, #tpu.memory_space<vmem>>, %arg5: memref<128x512xf32, #tpu.memory_space<vmem>>, %arg6: memref<1x2x512xf32, #tpu.memory_space<vmem>>) attributes {dimension_semantics = [#tpu.dimension_semantics<arbitrary>], iteration_bounds = array<i64: 80>, scalar_prefetch = 0 : i64, scratch_operands = 0 : i64, tpu.core_type = #tpu.core_type<tc>, window_params = [{transform_indices = @transform_0, window_bounds = array<i64: 1, 128, 512>}, {transform_indices = @transform_1, window_bounds = array<i64: 128, 256>}, {transform_indices = @transform_2, window_bounds = array<i64: 128, 1>}, {pipeline_mode = #tpu.pipeline_mode<synchronous>, transform_indices = @transform_3, window_bounds = array<i64: 1, 512>}, {transform_indices = @transform_4, window_bounds = array<i64: 128, 512>}, {pipeline_mode = #tpu.pipeline_mode<synchronous>, transform_indices = @transform_5, window_bounds = array<i64: 1, 2, 512>}]} {
    %get3A = arith.constant 0 : index
    %get3A_0 = arith.constant 0 : index
    %get3A_1 = vector.load %arg2[%get3A, %get3A_0] : memref<128x256xi32, #tpu.memory_space<vmem>>, vector<128x256xi32>
    %reshape3A = vector.shape_cast %get3A_1 : vector<128x256xi32> to vector<128x1x256xi32>
    %bitcast3A = tpu.bitcast %reshape3A : vector<128x1x256xi32> -> vector<128x2x256xbf16>
    %reshape3A_2 = vector.shape_cast %bitcast3A : vector<128x2x256xbf16> to vector<128x512xbf16>
    %convert_element_type3A = arith.extf %reshape3A_2 : vector<128x512xbf16> to vector<128x512xf32>
    %get3A_3 = arith.constant 0 : index
    %get3A_4 = arith.constant 0 : index
    %get3A_5 = vector.load %arg3[%get3A_3, %get3A_4] : memref<128x1xf32, #tpu.memory_space<vmem>>, vector<128x1xf32>
    %get3A_6 = arith.constant 0 : index
    %get3A_7 = arith.constant 0 : index
    %get3A_8 = arith.constant 0 : index
    %get3A_9 = vector.load %arg1[%get3A_6, %get3A_7, %get3A_8] : memref<1x128x512xf32, #tpu.memory_space<vmem>>, vector<1x128x512xf32>
    %get3A_10 = vector.shape_cast %get3A_9 : vector<1x128x512xf32> to vector<128x512xf32>
    %add3A = arith.addf %get3A_10, %convert_element_type3A : vector<128x512xf32>
    %mul3A = vector.broadcast %get3A_5 : vector<128x1xf32> to vector<128x512xf32>
    %mul3A_11 = arith.mulf %mul3A, %add3A : vector<128x512xf32>
    %get3A_12 = arith.constant 0 : index
    %get3A_13 = arith.constant 0 : index
    %get3A_14 = vector.load %arg4[%get3A_12, %get3A_13] : memref<1x512xf32, #tpu.memory_space<vmem>>, vector<1x512xf32>
    %add3A_15 = vector.broadcast %get3A_14 : vector<1x512xf32> to vector<128x512xf32>
    %add3A_16 = arith.addf %mul3A_11, %add3A_15 : vector<128x512xf32>
    %swap3A = arith.constant 0 : index
    %swap3A_17 = arith.constant 0 : index
    %swap3A_18 = vector.load %arg5[%swap3A, %swap3A_17] : memref<128x512xf32, #tpu.memory_space<vmem>>, vector<128x512xf32>
    tpu.vector_store %arg5[%swap3A, %swap3A_17], %add3A_16 {strides = array<i32>} : memref<128x512xf32, #tpu.memory_space<vmem>>, vector<128x512xf32>,
    %iota3A = tpu.iota {dimensions = array<i32: 0>} : vector<128x512xi32>
    %mul3A_19 = arith.constant 128 : i32
    %mul3A_20 = arith.muli %arg0, %mul3A_19 : i32
    %add3A_21 = vector.broadcast %mul3A_20 : i32 to vector<128x512xi32>
    %add3A_22 = arith.addi %iota3A, %add3A_21 : vector<128x512xi32>
    %lt3A = arith.constant 10000 : i32
    %lt3A_23 = vector.broadcast %lt3A : i32 to vector<128x512xi32>
    %lt3A_24 = arith.cmpi slt, %add3A_22, %lt3A_23 : vector<128x512xi32>
    %jit3A = arith.constant 0.000000e+00 : f32
    %broadcast_in_dim3A = vector.broadcast %jit3A : f32 to vector<128x512xf32>
    %select_n3A = arith.select %lt3A_24, %add3A_16, %broadcast_in_dim3A : vector<128x512xi1>, vector<128x512xf32>
    %reduce_sum3A = arith.constant dense<0.000000e+00> : vector<512xf32>
    %reduce_sum3A_25 = vector.multi_reduction <add>, %select_n3A, %reduce_sum3A [0] : vector<128x512xf32> to vector<512xf32>
    %broadcast_in_dim3A_26 = vector.shape_cast %reduce_sum3A_25 : vector<512xf32> to vector<1x512xf32>
    %mul3A_27 = arith.mulf %select_n3A, %select_n3A : vector<128x512xf32>
    %reduce_sum3A_28 = arith.constant dense<0.000000e+00> : vector<512xf32>
    %reduce_sum3A_29 = vector.multi_reduction <add>, %mul3A_27, %reduce_sum3A_28 [0] : vector<128x512xf32> to vector<512xf32>
    %broadcast_in_dim3A_30 = vector.shape_cast %reduce_sum3A_29 : vector<512xf32> to vector<1x512xf32>
    %concatenate3A = tpu.concatenate %broadcast_in_dim3A_26, %broadcast_in_dim3A_30 in 0 : vector<1x512xf32>, vector<1x512xf32> -> vector<2x512xf32>
    %broadcast_in_dim3A_31 = vector.shape_cast %concatenate3A : vector<2x512xf32> to vector<1x2x512xf32>
    %eq3A = arith.constant 0 : i32
    %eq3A_32 = arith.cmpi eq, %arg0, %eq3A : i32
    %convert_element_type3A_33 = arith.extui %eq3A_32 : i1 to i32
    %cond3A = arith.constant 0 : i32
    %cond3A_34 = arith.cmpi ne, %convert_element_type3A_33, %cond3A : i32
    scf.if %cond3A_34 {
      %swap3A_39 = arith.constant 0 : index
      %swap3A_40 = arith.constant 0 : index
      %swap3A_41 = arith.constant 0 : index
      %swap3A_42 = vector.load %arg6[%swap3A_39, %swap3A_40, %swap3A_41] : memref<1x2x512xf32, #tpu.memory_space<vmem>>, vector<1x2x512xf32>
      tpu.vector_store %arg6[%swap3A_39, %swap3A_40, %swap3A_41], %broadcast_in_dim3A_31 {strides = array<i32>} : memref<1x2x512xf32, #tpu.memory_space<vmem>>, vector<1x2x512xf32>,
    } else {
    }
    %ne3A = arith.constant 0 : i32
    %ne3A_35 = arith.cmpi ne, %arg0, %ne3A : i32
    %convert_element_type3A_36 = arith.extui %ne3A_35 : i1 to i32
    %cond3A_37 = arith.constant 0 : i32
    %cond3A_38 = arith.cmpi ne, %convert_element_type3A_36, %cond3A_37 : i32
    scf.if %cond3A_38 {
      %get3A_39 = arith.constant 0 : index
      %get3A_40 = arith.constant 0 : index
      %get3A_41 = arith.constant 0 : index
      %get3A_42 = vector.load %arg6[%get3A_39, %get3A_40, %get3A_41] : memref<1x2x512xf32, #tpu.memory_space<vmem>>, vector<1x2x512xf32>
      %add3A_43 = arith.addf %get3A_42, %broadcast_in_dim3A_31 : vector<1x2x512xf32>
      %swap3A_44 = arith.constant 0 : index
      %swap3A_45 = arith.constant 0 : index
      %swap3A_46 = arith.constant 0 : index
      %swap3A_47 = vector.load %arg6[%swap3A_44, %swap3A_45, %swap3A_46] : memref<1x2x512xf32, #tpu.memory_space<vmem>>, vector<1x2x512xf32>
      tpu.vector_store %arg6[%swap3A_44, %swap3A_45, %swap3A_46], %add3A_43 {strides = array<i32>} : memref<1x2x512xf32, #tpu.memory_space<vmem>>, vector<1x2x512xf32>,
    } else {
    }
    return
  }
  func.func @transform_0(%arg0: i32) -> (i32, i32, i32) {
    %c0_i32 = arith.constant 0 : i32
    %c0_i32_0 = arith.constant 0 : i32
    %c0_i32_1 = arith.constant 0 : i32
    return %arg0, %c0_i32, %c0_i32_0 : i32, i32, i32
  }
  func.func @transform_1(%arg0: i32) -> (i32, i32) {
    %c0_i32 = arith.constant 0 : i32
    %c0_i32_0 = arith.constant 0 : i32
    return %arg0, %c0_i32 : i32, i32
  }
  func.func @transform_2(%arg0: i32) -> (i32, i32) {
    %c0_i32 = arith.constant 0 : i32
    %c0_i32_0 = arith.constant 0 : i32
    return %arg0, %c0_i32 : i32, i32
  }
  func.func @transform_3(%arg0: i32) -> (i32, i32) {
    %c0_i32 = arith.constant 0 : i32
    %c0_i32_0 = arith.constant 0 : i32
    %c0_i32_1 = arith.constant 0 : i32
    return %c0_i32, %c0_i32_0 : i32, i32
  }
  func.func @transform_4(%arg0: i32) -> (i32, i32) {
    %c0_i32 = arith.constant 0 : i32
    %c0_i32_0 = arith.constant 0 : i32
    return %arg0, %c0_i32 : i32, i32
  }
  func.func @transform_5(%arg0: i32) -> (i32, i32, i32) {
    %c0_i32 = arith.constant 0 : i32
    %c0_i32_0 = arith.constant 0 : i32
    %c0_i32_1 = arith.constant 0 : i32
    %c0_i32_2 = arith.constant 0 : i32
    return %c0_i32, %c0_i32_0, %c0_i32_1 : i32, i32, i32
  }
}

module attributes {stable_mosaic.version = 14 : i64} {
  func.func @_passb_body(%arg0: i32, %arg1: memref<256x512xf32, #tpu.memory_space<vmem>>, %arg2: memref<1x2x512xf32, #tpu.memory_space<vmem>>, %arg3: memref<1x512xf32, #tpu.memory_space<vmem>>, %arg4: memref<1x512xf32, #tpu.memory_space<vmem>>, %arg5: memref<512x512xf32, #tpu.memory_space<vmem>>, %arg6: memref<256x1xf32, #tpu.memory_space<vmem>>, %arg7: memref<256x256xi32, #tpu.memory_space<vmem>>) attributes {dimension_semantics = [#tpu.dimension_semantics<arbitrary>], iteration_bounds = array<i64: 40>, scalar_prefetch = 0 : i64, scratch_operands = 0 : i64, tpu.core_type = #tpu.core_type<tc>, window_params = [{transform_indices = @transform_0, window_bounds = array<i64: 256, 512>}, {pipeline_mode = #tpu.pipeline_mode<synchronous>, transform_indices = @transform_1, window_bounds = array<i64: 1, 2, 512>}, {pipeline_mode = #tpu.pipeline_mode<synchronous>, transform_indices = @transform_2, window_bounds = array<i64: 1, 512>}, {pipeline_mode = #tpu.pipeline_mode<synchronous>, transform_indices = @transform_3, window_bounds = array<i64: 1, 512>}, {pipeline_mode = #tpu.pipeline_mode<synchronous>, transform_indices = @transform_4, window_bounds = array<i64: 512, 512>}, {transform_indices = @transform_5, window_bounds = array<i64: 256, 1>}, {transform_indices = @transform_6, window_bounds = array<i64: 256, 256>}]} {
    %get3A = arith.constant 0 : index
    %get3A_0 = arith.constant 0 : index
    %get3A_1 = vector.load %arg1[%get3A, %get3A_0] : memref<256x512xf32, #tpu.memory_space<vmem>>, vector<256x512xf32>
    %get3A_2 = arith.constant 0 : index
    %get3A_3 = arith.constant 0 : index
    %get3A_4 = arith.constant 0 : index
    %get3A_5 = vector.load %arg2[%get3A_2, %get3A_3, %get3A_4] : memref<1x2x512xf32, #tpu.memory_space<vmem>>, vector<1x1x512xf32>
    %get3A_6 = vector.shape_cast %get3A_5 : vector<1x1x512xf32> to vector<512xf32>
    %mul3A = arith.constant 9.99999974E-5 : f32
    %mul3A_7 = vector.broadcast %mul3A : f32 to vector<512xf32>
    %mul3A_8 = arith.mulf %get3A_6, %mul3A_7 : vector<512xf32>
    %get3A_9 = arith.constant 0 : index
    %get3A_10 = arith.constant 1 : index
    %get3A_11 = arith.constant 0 : index
    %get3A_12 = vector.load %arg2[%get3A_9, %get3A_10, %get3A_11] : memref<1x2x512xf32, #tpu.memory_space<vmem>>, vector<1x1x512xf32>
    %get3A_13 = vector.shape_cast %get3A_12 : vector<1x1x512xf32> to vector<512xf32>
    %mul3A_14 = arith.constant 9.99999974E-5 : f32
    %mul3A_15 = vector.broadcast %mul3A_14 : f32 to vector<512xf32>
    %mul3A_16 = arith.mulf %get3A_13, %mul3A_15 : vector<512xf32>
    %mul3A_17 = arith.mulf %mul3A_8, %mul3A_8 : vector<512xf32>
    %sub3A = arith.subf %mul3A_16, %mul3A_17 : vector<512xf32>
    %add3A = arith.constant 9.99999974E-6 : f32
    %add3A_18 = vector.broadcast %add3A : f32 to vector<512xf32>
    %add3A_19 = arith.addf %sub3A, %add3A_18 : vector<512xf32>
    %rsqrt3A = math.rsqrt %add3A_19 : vector<512xf32>
    %broadcast_in_dim3A = vector.shape_cast %mul3A_8 : vector<512xf32> to vector<1x512xf32>
    %sub3A_20 = vector.broadcast %broadcast_in_dim3A : vector<1x512xf32> to vector<256x512xf32>
    %sub3A_21 = arith.subf %get3A_1, %sub3A_20 : vector<256x512xf32>
    %broadcast_in_dim3A_22 = vector.shape_cast %rsqrt3A : vector<512xf32> to vector<1x512xf32>
    %mul3A_23 = vector.broadcast %broadcast_in_dim3A_22 : vector<1x512xf32> to vector<256x512xf32>
    %mul3A_24 = arith.mulf %sub3A_21, %mul3A_23 : vector<256x512xf32>
    %get3A_25 = arith.constant 0 : index
    %get3A_26 = arith.constant 0 : index
    %get3A_27 = vector.load %arg3[%get3A_25, %get3A_26] : memref<1x512xf32, #tpu.memory_space<vmem>>, vector<1x512xf32>
    %mul3A_28 = vector.broadcast %get3A_27 : vector<1x512xf32> to vector<256x512xf32>
    %mul3A_29 = arith.mulf %mul3A_24, %mul3A_28 : vector<256x512xf32>
    %get3A_30 = arith.constant 0 : index
    %get3A_31 = arith.constant 0 : index
    %get3A_32 = vector.load %arg4[%get3A_30, %get3A_31] : memref<1x512xf32, #tpu.memory_space<vmem>>, vector<1x512xf32>
    %add3A_33 = vector.broadcast %get3A_32 : vector<1x512xf32> to vector<256x512xf32>
    %add3A_34 = arith.addf %mul3A_29, %add3A_33 : vector<256x512xf32>
    %max3A = arith.constant 0.000000e+00 : f32
    %max3A_35 = vector.broadcast %max3A : f32 to vector<256x512xf32>
    %max3A_36 = arith.maximumf %add3A_34, %max3A_35 : vector<256x512xf32>
    %convert_element_type3A = arith.truncf %max3A_36 : vector<256x512xf32> to vector<256x512xbf16>
    %get3A_37 = arith.constant 0 : index
    %get3A_38 = arith.constant 0 : index
    %get3A_39 = vector.load %arg5[%get3A_37, %get3A_38] : memref<512x512xf32, #tpu.memory_space<vmem>>, vector<512x512xf32>
    %convert_element_type3A_40 = arith.truncf %get3A_39 : vector<512x512xf32> to vector<512x512xbf16>
    %dot_general3A = arith.constant dense<0.000000e+00> : vector<256x512xf32>
    %dot_general3A_41 = tpu.matmul %convert_element_type3A, %convert_element_type3A_40, %dot_general3A {dimension_numbers = #tpu.dot_dimension_numbers<[1], [0], [0], [1], [0, 0, 1, 1], [], []>, transpose_lhs_hint = false} : vector<256x512xbf16>, vector<512x512xbf16>, vector<256x512xf32> -> vector<256x512xf32>
    %get3A_42 = arith.constant 0 : index
    %get3A_43 = arith.constant 0 : index
    %get3A_44 = vector.load %arg6[%get3A_42, %get3A_43] : memref<256x1xf32, #tpu.memory_space<vmem>>, vector<256x1xf32>
    %mul3A_45 = vector.broadcast %get3A_44 : vector<256x1xf32> to vector<256x512xf32>
    %mul3A_46 = arith.mulf %mul3A_45, %dot_general3A_41 : vector<256x512xf32>
    %convert_element_type3A_47 = arith.truncf %mul3A_46 : vector<256x512xf32> to vector<256x512xbf16>
    %reshape3A = vector.shape_cast %convert_element_type3A_47 : vector<256x512xbf16> to vector<256x2x256xbf16>
    %bitcast3A = tpu.bitcast %reshape3A : vector<256x2x256xbf16> -> vector<256x1x256xi32>
    %reshape3A_48 = vector.shape_cast %bitcast3A : vector<256x1x256xi32> to vector<256x256xi32>
    %swap3A = arith.constant 0 : index
    %swap3A_49 = arith.constant 0 : index
    %swap3A_50 = vector.load %arg7[%swap3A, %swap3A_49] : memref<256x256xi32, #tpu.memory_space<vmem>>, vector<256x256xi32>
    tpu.vector_store %arg7[%swap3A, %swap3A_49], %reshape3A_48 {strides = array<i32>} : memref<256x256xi32, #tpu.memory_space<vmem>>, vector<256x256xi32>,
    return
  }
  func.func @transform_0(%arg0: i32) -> (i32, i32) {
    %c0_i32 = arith.constant 0 : i32
    %c0_i32_0 = arith.constant 0 : i32
    return %arg0, %c0_i32 : i32, i32
  }
  func.func @transform_1(%arg0: i32) -> (i32, i32, i32) {
    %c0_i32 = arith.constant 0 : i32
    %c0_i32_0 = arith.constant 0 : i32
    %c0_i32_1 = arith.constant 0 : i32
    %c0_i32_2 = arith.constant 0 : i32
    return %c0_i32, %c0_i32_0, %c0_i32_1 : i32, i32, i32
  }
  func.func @transform_2(%arg0: i32) -> (i32, i32) {
    %c0_i32 = arith.constant 0 : i32
    %c0_i32_0 = arith.constant 0 : i32
    %c0_i32_1 = arith.constant 0 : i32
    return %c0_i32, %c0_i32_0 : i32, i32
  }
  func.func @transform_3(%arg0: i32) -> (i32, i32) {
    %c0_i32 = arith.constant 0 : i32
    %c0_i32_0 = arith.constant 0 : i32
    %c0_i32_1 = arith.constant 0 : i32
    return %c0_i32, %c0_i32_0 : i32, i32
  }
  func.func @transform_4(%arg0: i32) -> (i32, i32) {
    %c0_i32 = arith.constant 0 : i32
    %c0_i32_0 = arith.constant 0 : i32
    %c0_i32_1 = arith.constant 0 : i32
    return %c0_i32, %c0_i32_0 : i32, i32
  }
  func.func @transform_5(%arg0: i32) -> (i32, i32) {
    %c0_i32 = arith.constant 0 : i32
    %c0_i32_0 = arith.constant 0 : i32
    return %arg0, %c0_i32 : i32, i32
  }
  func.func @transform_6(%arg0: i32) -> (i32, i32) {
    %c0_i32 = arith.constant 0 : i32
    %c0_i32_0 = arith.constant 0 : i32
    return %arg0, %c0_i32 : i32, i32
  }
}

module attributes {stable_mosaic.version = 14 : i64} {
  func.func @_bn_only_body(%arg0: i32, %arg1: memref<256x512xf32, #tpu.memory_space<vmem>>, %arg2: memref<1x2x512xf32, #tpu.memory_space<vmem>>, %arg3: memref<1x512xf32, #tpu.memory_space<vmem>>, %arg4: memref<1x512xf32, #tpu.memory_space<vmem>>, %arg5: memref<256x512xbf16, #tpu.memory_space<vmem>>) attributes {dimension_semantics = [#tpu.dimension_semantics<arbitrary>], iteration_bounds = array<i64: 40>, scalar_prefetch = 0 : i64, scratch_operands = 0 : i64, tpu.core_type = #tpu.core_type<tc>, window_params = [{transform_indices = @transform_0, window_bounds = array<i64: 256, 512>}, {pipeline_mode = #tpu.pipeline_mode<synchronous>, transform_indices = @transform_1, window_bounds = array<i64: 1, 2, 512>}, {pipeline_mode = #tpu.pipeline_mode<synchronous>, transform_indices = @transform_2, window_bounds = array<i64: 1, 512>}, {pipeline_mode = #tpu.pipeline_mode<synchronous>, transform_indices = @transform_3, window_bounds = array<i64: 1, 512>}, {transform_indices = @transform_4, window_bounds = array<i64: 256, 512>}]} {
    %get3A = arith.constant 0 : index
    %get3A_0 = arith.constant 0 : index
    %get3A_1 = vector.load %arg1[%get3A, %get3A_0] : memref<256x512xf32, #tpu.memory_space<vmem>>, vector<256x512xf32>
    %get3A_2 = arith.constant 0 : index
    %get3A_3 = arith.constant 0 : index
    %get3A_4 = arith.constant 0 : index
    %get3A_5 = vector.load %arg2[%get3A_2, %get3A_3, %get3A_4] : memref<1x2x512xf32, #tpu.memory_space<vmem>>, vector<1x1x512xf32>
    %get3A_6 = vector.shape_cast %get3A_5 : vector<1x1x512xf32> to vector<512xf32>
    %mul3A = arith.constant 9.99999974E-5 : f32
    %mul3A_7 = vector.broadcast %mul3A : f32 to vector<512xf32>
    %mul3A_8 = arith.mulf %get3A_6, %mul3A_7 : vector<512xf32>
    %get3A_9 = arith.constant 0 : index
    %get3A_10 = arith.constant 1 : index
    %get3A_11 = arith.constant 0 : index
    %get3A_12 = vector.load %arg2[%get3A_9, %get3A_10, %get3A_11] : memref<1x2x512xf32, #tpu.memory_space<vmem>>, vector<1x1x512xf32>
    %get3A_13 = vector.shape_cast %get3A_12 : vector<1x1x512xf32> to vector<512xf32>
    %mul3A_14 = arith.constant 9.99999974E-5 : f32
    %mul3A_15 = vector.broadcast %mul3A_14 : f32 to vector<512xf32>
    %mul3A_16 = arith.mulf %get3A_13, %mul3A_15 : vector<512xf32>
    %mul3A_17 = arith.mulf %mul3A_8, %mul3A_8 : vector<512xf32>
    %sub3A = arith.subf %mul3A_16, %mul3A_17 : vector<512xf32>
    %add3A = arith.constant 9.99999974E-6 : f32
    %add3A_18 = vector.broadcast %add3A : f32 to vector<512xf32>
    %add3A_19 = arith.addf %sub3A, %add3A_18 : vector<512xf32>
    %rsqrt3A = math.rsqrt %add3A_19 : vector<512xf32>
    %broadcast_in_dim3A = vector.shape_cast %mul3A_8 : vector<512xf32> to vector<1x512xf32>
    %sub3A_20 = vector.broadcast %broadcast_in_dim3A : vector<1x512xf32> to vector<256x512xf32>
    %sub3A_21 = arith.subf %get3A_1, %sub3A_20 : vector<256x512xf32>
    %broadcast_in_dim3A_22 = vector.shape_cast %rsqrt3A : vector<512xf32> to vector<1x512xf32>
    %mul3A_23 = vector.broadcast %broadcast_in_dim3A_22 : vector<1x512xf32> to vector<256x512xf32>
    %mul3A_24 = arith.mulf %sub3A_21, %mul3A_23 : vector<256x512xf32>
    %get3A_25 = arith.constant 0 : index
    %get3A_26 = arith.constant 0 : index
    %get3A_27 = vector.load %arg3[%get3A_25, %get3A_26] : memref<1x512xf32, #tpu.memory_space<vmem>>, vector<1x512xf32>
    %mul3A_28 = vector.broadcast %get3A_27 : vector<1x512xf32> to vector<256x512xf32>
    %mul3A_29 = arith.mulf %mul3A_24, %mul3A_28 : vector<256x512xf32>
    %get3A_30 = arith.constant 0 : index
    %get3A_31 = arith.constant 0 : index
    %get3A_32 = vector.load %arg4[%get3A_30, %get3A_31] : memref<1x512xf32, #tpu.memory_space<vmem>>, vector<1x512xf32>
    %add3A_33 = vector.broadcast %get3A_32 : vector<1x512xf32> to vector<256x512xf32>
    %add3A_34 = arith.addf %mul3A_29, %add3A_33 : vector<256x512xf32>
    %max3A = arith.constant 0.000000e+00 : f32
    %max3A_35 = vector.broadcast %max3A : f32 to vector<256x512xf32>
    %max3A_36 = arith.maximumf %add3A_34, %max3A_35 : vector<256x512xf32>
    %convert_element_type3A = arith.truncf %max3A_36 : vector<256x512xf32> to vector<256x512xbf16>
    %swap3A = arith.constant 0 : index
    %swap3A_37 = arith.constant 0 : index
    %swap3A_38 = vector.load %arg5[%swap3A, %swap3A_37] : memref<256x512xbf16, #tpu.memory_space<vmem>>, vector<256x512xbf16>
    tpu.vector_store %arg5[%swap3A, %swap3A_37], %convert_element_type3A {strides = array<i32>} : memref<256x512xbf16, #tpu.memory_space<vmem>>, vector<256x512xbf16>,
    return
  }
  func.func @transform_0(%arg0: i32) -> (i32, i32) {
    %c0_i32 = arith.constant 0 : i32
    %c0_i32_0 = arith.constant 0 : i32
    return %arg0, %c0_i32 : i32, i32
  }
  func.func @transform_1(%arg0: i32) -> (i32, i32, i32) {
    %c0_i32 = arith.constant 0 : i32
    %c0_i32_0 = arith.constant 0 : i32
    %c0_i32_1 = arith.constant 0 : i32
    %c0_i32_2 = arith.constant 0 : i32
    return %c0_i32, %c0_i32_0, %c0_i32_1 : i32, i32, i32
  }
  func.func @transform_2(%arg0: i32) -> (i32, i32) {
    %c0_i32 = arith.constant 0 : i32
    %c0_i32_0 = arith.constant 0 : i32
    %c0_i32_1 = arith.constant 0 : i32
    return %c0_i32, %c0_i32_0 : i32, i32
  }
  func.func @transform_3(%arg0: i32) -> (i32, i32) {
    %c0_i32 = arith.constant 0 : i32
    %c0_i32_0 = arith.constant 0 : i32
    %c0_i32_1 = arith.constant 0 : i32
    return %c0_i32, %c0_i32_0 : i32, i32
  }
  func.func @transform_4(%arg0: i32) -> (i32, i32) {
    %c0_i32 = arith.constant 0 : i32
    %c0_i32_0 = arith.constant 0 : i32
    return %arg0, %c0_i32 : i32, i32
  }
}

module attributes {stable_mosaic.version = 14 : i64} {
  func.func @_head_body(%arg0: memref<10240x512xbf16, #tpu.memory_space<vmem>>, %arg1: memref<1x10240xi32, #tpu.memory_space<vmem>>, %arg2: memref<512x256xf32, #tpu.memory_space<vmem>>, %arg3: memref<1x256xf32, #tpu.memory_space<vmem>>, %arg4: memref<256x128xf32, #tpu.memory_space<vmem>>, %arg5: memref<1x128xf32, #tpu.memory_space<vmem>>, %arg6: memref<128x1xf32, #tpu.memory_space<vmem>>, %arg7: memref<1x1xf32, #tpu.memory_space<vmem>>, %arg8: memref<64x1xf32, #tpu.memory_space<vmem>>) attributes {dimension_semantics = [], scalar_prefetch = 0 : i64, scratch_operands = 0 : i64, tpu.core_type = #tpu.core_type<tc>} {
    %get3A = arith.constant 0 : index
    %get3A_0 = arith.constant 0 : index
    %get3A_1 = vector.load %arg1[%get3A, %get3A_0] : memref<1x10240xi32, #tpu.memory_space<vmem>>, vector<1x10240xi32>
    %iota3A = tpu.iota {dimensions = array<i32: 0>} : vector<64x10240xi32>
    %broadcast_in_dim3A = vector.shape_cast %get3A_1 : vector<1x10240xi32> to vector<1x10240xi32>
    %broadcast_in_dim3A_2 = vector.broadcast %broadcast_in_dim3A : vector<1x10240xi32> to vector<64x10240xi32>
    %eq3A = arith.cmpi eq, %iota3A, %broadcast_in_dim3A_2 : vector<64x10240xi32>
    %convert_element_type3A = arith.extui %eq3A : vector<64x10240xi1> to vector<64x10240xi32>
    %convert_element_type3A_3 = arith.sitofp %convert_element_type3A : vector<64x10240xi32> to vector<64x10240xf32>
    %convert_element_type3A_4 = arith.truncf %convert_element_type3A_3 : vector<64x10240xf32> to vector<64x10240xbf16>
    %convert_element_type3A_5 = arith.extf %convert_element_type3A_4 : vector<64x10240xbf16> to vector<64x10240xf32>
    %reduce_sum3A = arith.constant dense<0.000000e+00> : vector<64xf32>
    %reduce_sum3A_6 = vector.multi_reduction <add>, %convert_element_type3A_5, %reduce_sum3A [1] : vector<64x10240xf32> to vector<64xf32>
    %broadcast_in_dim3A_7 = vector.shape_cast %reduce_sum3A_6 : vector<64xf32> to vector<64x1xf32>
    %get3A_8 = arith.constant 0 : index
    %get3A_9 = arith.constant 0 : index
    %get3A_10 = vector.load %arg0[%get3A_8, %get3A_9] : memref<10240x512xbf16, #tpu.memory_space<vmem>>, vector<10240x512xbf16>
    %dot_general3A = arith.constant dense<0.000000e+00> : vector<64x512xf32>
    %dot_general3A_11 = tpu.matmul %convert_element_type3A_4, %get3A_10, %dot_general3A {dimension_numbers = #tpu.dot_dimension_numbers<[1], [0], [0], [1], [0, 0, 1, 1], [], []>, transpose_lhs_hint = false} : vector<64x10240xbf16>, vector<10240x512xbf16>, vector<64x512xf32> -> vector<64x512xf32>
    %max3A = arith.constant 1.000000e+00 : f32
    %max3A_12 = vector.broadcast %max3A : f32 to vector<64x1xf32>
    %max3A_13 = arith.maximumf %broadcast_in_dim3A_7, %max3A_12 : vector<64x1xf32>
    %div3A = vector.broadcast %max3A_13 : vector<64x1xf32> to vector<64x512xf32>
    %div3A_14 = arith.divf %dot_general3A_11, %div3A : vector<64x512xf32>
    %get3A_15 = arith.constant 0 : index
    %get3A_16 = arith.constant 0 : index
    %get3A_17 = vector.load %arg2[%get3A_15, %get3A_16] : memref<512x256xf32, #tpu.memory_space<vmem>>, vector<512x256xf32>
    %dot_general3A_18 = arith.constant dense<0.000000e+00> : vector<64x256xf32>
    %dot_general3A_19 = tpu.matmul %div3A_14, %get3A_17, %dot_general3A_18 {dimension_numbers = #tpu.dot_dimension_numbers<[1], [0], [0], [1], [0, 0, 1, 1], [], []>, transpose_lhs_hint = false} : vector<64x512xf32>, vector<512x256xf32>, vector<64x256xf32> -> vector<64x256xf32>
    %get3A_20 = arith.constant 0 : index
    %get3A_21 = arith.constant 0 : index
    %get3A_22 = vector.load %arg3[%get3A_20, %get3A_21] : memref<1x256xf32, #tpu.memory_space<vmem>>, vector<1x256xf32>
    %add3A = vector.broadcast %get3A_22 : vector<1x256xf32> to vector<64x256xf32>
    %add3A_23 = arith.addf %dot_general3A_19, %add3A : vector<64x256xf32>
    %max3A_24 = arith.constant 0.000000e+00 : f32
    %max3A_25 = vector.broadcast %max3A_24 : f32 to vector<64x256xf32>
    %max3A_26 = arith.maximumf %add3A_23, %max3A_25 : vector<64x256xf32>
    %get3A_27 = arith.constant 0 : index
    %get3A_28 = arith.constant 0 : index
    %get3A_29 = vector.load %arg4[%get3A_27, %get3A_28] : memref<256x128xf32, #tpu.memory_space<vmem>>, vector<256x128xf32>
    %dot_general3A_30 = arith.constant dense<0.000000e+00> : vector<64x128xf32>
    %dot_general3A_31 = tpu.matmul %max3A_26, %get3A_29, %dot_general3A_30 {dimension_numbers = #tpu.dot_dimension_numbers<[1], [0], [0], [1], [0, 0, 1, 1], [], []>, transpose_lhs_hint = false} : vector<64x256xf32>, vector<256x128xf32>, vector<64x128xf32> -> vector<64x128xf32>
    %get3A_32 = arith.constant 0 : index
    %get3A_33 = arith.constant 0 : index
    %get3A_34 = vector.load %arg5[%get3A_32, %get3A_33] : memref<1x128xf32, #tpu.memory_space<vmem>>, vector<1x128xf32>
    %add3A_35 = vector.broadcast %get3A_34 : vector<1x128xf32> to vector<64x128xf32>
    %add3A_36 = arith.addf %dot_general3A_31, %add3A_35 : vector<64x128xf32>
    %max3A_37 = arith.constant 0.000000e+00 : f32
    %max3A_38 = vector.broadcast %max3A_37 : f32 to vector<64x128xf32>
    %max3A_39 = arith.maximumf %add3A_36, %max3A_38 : vector<64x128xf32>
    %get3A_40 = arith.constant 0 : index
    %get3A_41 = arith.constant 0 : index
    %get3A_42 = vector.load %arg6[%get3A_40, %get3A_41] : memref<128x1xf32, #tpu.memory_space<vmem>>, vector<128x1xf32>
    %dot_general3A_43 = arith.constant dense<0.000000e+00> : vector<64x1xf32>
    %dot_general3A_44 = tpu.matmul %max3A_39, %get3A_42, %dot_general3A_43 {dimension_numbers = #tpu.dot_dimension_numbers<[1], [0], [0], [1], [0, 0, 1, 1], [], []>, transpose_lhs_hint = false} : vector<64x128xf32>, vector<128x1xf32>, vector<64x1xf32> -> vector<64x1xf32>
    %get3A_45 = arith.constant 0 : index
    %get3A_46 = arith.constant 0 : index
    %get3A_47 = vector.load %arg7[%get3A_45, %get3A_46] : memref<1x1xf32, #tpu.memory_space<vmem>>, vector<1x1xf32>
    %add3A_48 = vector.broadcast %get3A_47 : vector<1x1xf32> to vector<64x1xf32>
    %add3A_49 = arith.addf %dot_general3A_44, %add3A_48 : vector<64x1xf32>
    %swap3A = arith.constant 0 : index
    %swap3A_50 = arith.constant 0 : index
    %swap3A_51 = vector.load %arg8[%swap3A, %swap3A_50] : memref<64x1xf32, #tpu.memory_space<vmem>>, vector<64x1xf32>
    tpu.vector_store %arg8[%swap3A, %swap3A_50], %add3A_49 {strides = array<i32>} : memref<64x1xf32, #tpu.memory_space<vmem>>, vector<64x1xf32>,
    return
  }
}

</mosaic_0001>

<sc_bundles>
// kernel: gather_offload_async_start
scs
__scs_entry_jumppad:
0x0: {  	(pc) =	sbr.rel $0x88, $3  }
0x1: {  	(tag) =	ssettag $0x0;
	lr =	simm.s32 $0x1  }
0x2: {  	[smem:$0x3F8C] =	sst lr;
	_ =	strace $0xD0000000  }
0x3: {  	_ = 	snop  }
0x4: {  	_ = 	snop  }
0x5: {  	_ = 	snop  }
0x6: {  	_ = 	snop  }
0x7: {  	_ = 	snop  }
__scs_overlays_trampoline_lowered:
0x8: {  	[smem:$0x3F9B] =	sst s0  }
0x9: {  	[smem:$0x3F9C] =	sst s1  }
0xa: {  	[smem:$0x3F9D] =	sst s2  }
0xb: {  	[smem:$0x3F9E] =	sst s3  }
0xc: {  	[smem:$0x3F9F] =	sst s4  }
0xd: {  	[smem:$0x3FA0] =	sst s5  }
0xe: {  	[smem:$0x3FA1] =	sst s6  }
0xf: {  	[smem:$0x3FA2] =	sst s7  }
0x10: {  	[smem:$0x3FA3] =	sst s8  }
0x11: {  	[smem:$0x3FA4] =	sst s9;
	s0 =	simm.s32 @!p0 $0x0  }
0x12: {  	s1 =	sld [smem:$0x3F8A];
	s0 =	simm.s32 @p0 $0x1  }
0x13: {  	[smem:$0x3FA5] =	sst s0;
	s0 =	simm.s32 @!p1 $0x0  }
0x14: {  	s2 =	sld [smem:$0x3F89];
	s0 =	simm.s32 @p1 $0x1  }
0x15: {  	[smem:$0x3FA6] =	sst s0;
	s0 =	simm.s32 @!p2 $0x0  }
0x16: {  	s3 =	sld [smem:$0x3FDB];
	s0 =	simm.s32 @p2 $0x1  }
0x17: {  	s4 =	simm.s32 $0x1BF5;
	[smem:$0x3FA8] =	sst s0  }
0x18: {  	s0 =	sld [smem:$0x3F8B];
	_ =	swait.ge [sflag:s4], $0x0  }
0x19: {  	s7 =	sld [smem:$0x3F8C]  }
0x1a: {  	s8 =	sadd.s32 $0xFFFFE003, lr  }
0x1b: {  	s9 =	sadd.s32 $0xFFFFFEF7, lr;
	s5 =	simm.s32 $0xFFFFFFFF;
	p2 =	slt.u32 s8, $0xFFFFF086  }
0x1c: {  	p1 =	slt.u32 s9, $0xF7A;
	s5 =	simm.s32 @!p2 $0x0  }
0x1d: {  	s5 =	simm.s32 @p1 $0x1;
	p0 =	seq.s32 s7, s2  }
0x1e: {  	s7 =	smul.u32 @!p0 $0xF7A, s2;
	p2 =	seq.s32 @!p0 s5, $0x0  }
0x1f: {  	s9 =	smul.u32 $0xF7A, s1;
	s8 =	simm.s32 @!p0 $0x1BF5;
	p2 =	por !p2, p0  }
0x20: {  	[sflag:s8] =	ssyncset.s32 @!p0 $0xFFFFF086;
	s6 =	sadd.s32 @!p0 s3, s7;
	s7 =	simm.s32 @!p0 $0x108  }
0x21: {  	s3 =	sadd.s32 s3, s9;
	s6 =	sadd.s32 @!p0 $0x88, s6;
	s7 =	simm.s32 @p2 $0x1082  }
0x22: {  	[simem:s7], [sflag:s8] =	dma.local @!p0 [hbm:s6], $0xF7A  }
0x23: {  	s9 =	sor.u32 $0xD0000000, s2;
	s6 =	simm.s32 $0x108;
	_ =	swait.ge @!p0 [sflag:s8], $0x0  }
0x24: {  	s3 =	sadd.s32 $0x88, s3;
	s6 =	simm.s32 @!p1 $0x1082;
	[sflag:s4] =	ssyncset.s32 $0xFFFFF086  }
0x25: {  	[simem:s6], [sflag:s4] =	dma.local [hbm:s3], $0xF7A  }
0x26: {  	[smem:$0x3F8C] =	sst s1;
	(tag) =	ssettag s2;
	_ =	strace s9  }
0x27: {  	s1 =	sld [smem:$0x3F9C]  }
0x28: {  	s2 =	sld [smem:$0x3F9D]  }
0x29: {  	s4 =	sld [smem:$0x3F9F]  }
0x2a: {  	p0 =	seq.s32 s5, $0x0;
	s5 =	sld [smem:$0x3FA0]  }
0x2b: {  	s6 =	sld [smem:$0x3FA1]  }
0x2c: {  	s7 =	sld [smem:$0x3FA2]  }
0x2d: {  	s3 =	simm.s32 $0x108;
	s8 =	sld [smem:$0x3FA3]  }
0x2e: {  	s3 =	simm.s32 @!p0 $0x1082;
	s9 =	sld [smem:$0x3FA4]  }
0x2f: {  	lr =	sadd.s32 s0, s3;
	s0 =	sld [smem:$0x3F9B]  }
0x30: {  	s3 =	sld [smem:$0x3F9E]  }
0x31: {  	[smem:$0x3FA7] =	sst s10  }
0x32: {  	s10 =	sld [smem:$0x3FA5];
	_ =	sdelay $0x3  }
0x33: {  	p0 =	seq.s32 s10, $0x1;
	s10 =	sld [smem:$0x3FA7];
	_ =	sdelay $0x3  }
0x34: {  	[smem:$0x3FA7] =	sst s10  }
0x35: {  	s10 =	sld [smem:$0x3FA6];
	_ =	sdelay $0x3  }
0x36: {  	p1 =	seq.s32 s10, $0x1;
	s10 =	sld [smem:$0x3FA7];
	_ =	sdelay $0x3  }
0x37: {  	[smem:$0x3FA7] =	sst s10  }
0x38: {  	s10 =	sld [smem:$0x3FA8]  }
0x39: {  	_ = 	snop;
	(pc) =	sbr.ind lr, $3  }
0x3a: {  	_ = 	snop  }
0x3b: {  	_ = 	snop  }
0x3c: {  	p2 =	seq.s32 s10, $0x1;
	s10 =	sld [smem:$0x3FA7]  }
0x3d: {  	_ =	shalt  }
0x3e: {  	_ =	shalt  }
0x3f: {  	_ =	shalt  }
0x40: {  	_ =	shalt  }
0x41: {  	_ =	shalt  }
0x42: {  	_ =	shalt  }
0x43: {  	_ =	shalt  }
0x44: {  	_ =	shalt  }
0x45: {  	_ =	shalt  }
0x46: {  	_ =	shalt  }
0x47: {  	_ =	shalt  }
0x48: {  	_ =	shalt  }
0x49: {  	_ =	shalt  }
0x4a: {  	_ =	shalt  }
0x4b: {  	_ =	shalt  }
0x4c: {  	_ =	shalt  }
0x4d: {  	_ =	shalt  }
0x4e: {  	_ =	shalt  }
0x4f: {  	_ =	shalt  }
0x50: {  	_ =	shalt  }
0x51: {  	_ =	shalt  }
0x52: {  	_ =	shalt  }
0x53: {  	_ =	shalt  }
0x54: {  	_ =	shalt  }
0x55: {  	_ =	shalt  }
0x56: {  	_ =	shalt  }
0x57: {  	_ =	shalt  }
0x58: {  	_ =	shalt  }
0x59: {  	_ =	shalt  }
0x5a: {  	_ =	shalt  }
0x5b: {  	_ =	shalt  }
0x5c: {  	_ =	shalt  }
0x5d: {  	_ =	shalt  }
0x5e: {  	_ =	shalt  }
0x5f: {  	_ =	shalt  }
0x60: {  	_ =	shalt  }
0x61: {  	_ =	shalt  }
0x62: {  	_ =	shalt  }
0x63: {  	_ =	shalt  }
0x64: {  	_ =	shalt  }
0x65: {  	_ =	shalt  }
0x66: {  	_ =	shalt  }
0x67: {  	_ =	shalt  }
0x68: {  	_ =	shalt  }
0x69: {  	_ =	shalt  }
0x6a: {  	_ =	shalt  }
0x6b: {  	_ =	shalt  }
0x6c: {  	_ =	shalt  }
0x6d: {  	_ =	shalt  }
0x6e: {  	_ =	shalt  }
0x6f: {  	_ =	shalt  }
0x70: {  	_ =	shalt  }
0x71: {  	_ =	shalt  }
0x72: {  	_ =	shalt  }
0x73: {  	_ =	shalt  }
0x74: {  	_ =	shalt  }
0x75: {  	_ =	shalt  }
0x76: {  	_ =	shalt  }
0x77: {  	_ =	shalt  }
0x78: {  	_ =	shalt  }
0x79: {  	_ =	shalt  }
0x7a: {  	_ =	shalt  }
0x7b: {  	_ =	shalt  }
0x7c: {  	_ =	shalt  }
0x7d: {  	_ =	shalt  }
0x7e: {  	_ =	shalt  }
0x7f: {  	_ =	shalt  }
0x80: {  	_ =	shalt  }
0x81: {  	_ =	shalt  }
0x82: {  	_ =	shalt  }
0x83: {  	_ =	shalt  }
0x84: {  	_ =	shalt  }
0x85: {  	_ =	shalt  }
0x86: {  	_ =	shalt  }
0x87: {  	_ =	shalt  }
.Lfunc_end0:
.L_simem_size_0:
called_computation_lowered:
.L_overlay_start_0:
0x88: {  	s2 =	sld [smem:$0x3FD9]  }
0x89: {  	s3 =	sld [smem:$0x3FFE];
	_ =	sdelay $0x1  }
0x8a: {  	s1 =	srdreg.scid  }
0x8b: {  	s0 =	sand.u32 $0x1, s1  }
0x8c: {  	s16 =	sshll.u32 s0, $0xA;
	s2 =	sadd.s32 s3, s2  }
0x8d: {  	s2 =	sadd.s32 s2, s16  }
0x8e: {  	[smem:$0x3FB3] =	sst s2  }
0x8f: {  	_ = 	snop  }
0x90: {  	(tm) =	ssettm $0x1  }
0x91: {  	s17 =	sld [smem:$0x3FFB];
	_ =	sdelay $0x3  }
0x92: {  	_ =	strace s17  }
0x93: {  	s2 =	sld [smem:$0x3FFC];
	_ =	sdelay $0x3  }
0x94: {  	_ =	strace s2  }
0x95: {  	s2 =	sld [smem:$0x3FFD];
	_ =	sdelay $0x3  }
0x96: {  	_ =	strace s2  }
0x97: {  	_ =	strace $0x8FFFFFFF  }
0x98: {  	s18 =	sld [smem:$0x3FDB];
	_ =	sdelay $0x1  }
0x99: {  	s19 =	simm.s32 $_scs_section_size  }
0x9a: {  	s4 =	simm.s32 $_size__tile_overlayer_lowered;
	s5 =	simm.s32 $_tile_overlayer_lowered  }
0x9b: {  	s22 =	simm.s32 $0x1BFF;
	s21 =	sshll.u32 s5, $0x1;
	s2 =	sadd.s32 s19, s18  }
0x9c: {  	s6 =	simm.s32 $0x0;
	s20 =	sshll.u32 s4, $0x1;
	s4 =	sadd.s32 s21, s2  }
0x9d: {  	[timem:s6], [sflag:s22] =	dma.local [hbm:s4], s20  }
0x9e: {  	_ =	swait.ge [sflag:s22], s20  }
0x9f: {  	s3 =	ssub.s32 $0x0, s20;
	[sflag:s22] =	ssyncset.done $0x0  }
0xa0: {  	[sflag:s22] =	ssyncadd.s32 s3;
	_ =	sdelay $0x1  }
0xa1: {  	s23 =	simm.s32 $0x1B8B  }
0xa2: {  	_ =	swait.ge [sflag:s23], $0x1  }
0xa3: {  	[sflag:s23] =	ssyncset.done $0x0  }
0xa4: {  	s25 =	simm.s32 $0x1B8E;
	s24 =	sld [smem:$0x3FFE];
	[sflag:s23] =	ssyncadd.s32 $0xFFFFFFFF  }
0xa5: {  	s26 =	simm.s32 $execute0_lowered;
	[smem:$0x3FD2] =	sst s25  }
0xa6: {  	s4 =	sshll.u32 s26, $0x1;
	_ =	strace $0x80000046;
	[dreg:$0x1] =	wrdreg $0xFFFFFFFF  }
0xa7: {  	s28 =	simm.s32 $_size_execute0_lowered;
	s2 =	sadd.s32 s2, s4;
	[dreg:$0x0] =	wrdreg $0x0  }
0xa8: {  	s4 =	sshll.u32 s28, $0x1;
	[dreg:$0x2] =	wrdreg s2  }
0xa9: {  	[dreg:$0x3] =	wrdreg s4  }
0xaa: {  	[dreg:$0x4] =	wrdreg $0xC0  }
0xab: {  	_ =	task [dreg:s6], $0x5FFFF  }
0xac: {  	[dreg:$0x1] =	wrdreg $0xFFFFFFFF  }
0xad: {  	[dreg:$0x0] =	wrdreg $0x60  }
0xae: {  	[dreg:$0x2] =	wrdreg s24  }
0xaf: {  	[dreg:$0x3] =	wrdreg $0x9  }
0xb0: {  	_ =	task.clear_ibuf [dreg:s6], $0x4FFFF;
	_ =	strace $0x90000046  }
0xb1: {  	s29 =	simm.s32 $0x9;
	_ =	strace $0x80000048  }
0xb2: {  	_ =	swait.ge [sflag:s29], $0x1  }
0xb3: {  	[sflag:s29] =	ssyncadd.s32 $0xFFFFFFFF  }
0xb4: {  	_ =	strace $0x90000048  }
0xb5: {  	_ =	sfence  }
0xb6: {  	s30 =	sld [smem:$0x0];
	_ =	sdelay $0x2  }
0xb7: {  	s31 =	sshll.u32 s1, $0xD;
	s1 =	sshrl.u32 s1, $0x2  }
0xb8: {  	s3 =	sand.u32 $0x4000, s31;
	s1 =	sadd.s32 s1, s30  }
0xb9: {  	s0 =	sor.u32 s3, s0;
	s1 =	sshll.u32 s1, $0x11  }
0xba: {  	s0 =	sor.u32 s1, s0  }
0xbb: {  	s0 =	sadd.s32 $0x8F2B, s0  }
0xbc: {  	[sflag:s0] =	ssyncadd.remote.s32 $0x1  }
0xbd: {  	_ =	sfence.sel $0xFFFF  }
0xbe: {  	[dreg:$0x0] =	wrdreg $0xFFFFFFFF;
	(pc) =	sbr.abs _section_cstart, $3  }
0xbf: {  	[dreg:$0x1] =	wrdreg $0xFFFFFFFF  }
0xc0: {  	_ =	task.clear_ibuf [dreg:s6], $0x2FFFF;
	_ =	strace $0x9FFFFFFF  }
0xc1: {  	(tm) =	ssettm $0x7FFFFFFF  }
tec
execute0_lowered:
.L_overlay_start_1:
0x0: {  	(tag) =	ssettag $0x1  }
0x1: {  	s8 =	rddreg [dreg:$0x0]  }
0x2: {  	s0 =	rddreg [dreg:$0x1];
	_ =	strace $0x80000047;
	s1 =	stileid.u32  }
0x3: {  	s3 =	srdreg.scid;
	s4 =	simm.s32 $0x1;
	s7 =	simm.s32 $0x1  }
0x4: {  	s9 =	simm.s32 $0x1;
	s10 =	simm.s32 $0x3;
	s13 =	simm.s32 $0x0  }
0x5: {  	s12 =	simm.s32 $0x0;
	s5 =	sand.u32 $0x1, s3;
	s6 =	sshll.u32 s1, $0x1  }
0x6: {  	s2 =	sadd.s32 $0xCC00, s8;
	s3 =	sadd.s32 $0x3A200, s8;
	s5 =	sor.u32 s6, s5  }
.Ltmp0:
0x7: {  	[sflag:s4] =	ssyncpa.u1 $0x0;
	p0 =	slt.u32 s5, $0x9;
	(pc) =	sbr.rel .LBB2_1-.Ltmp0, $4  }
0x8: {  	s6 =	simm.s32 $0x2;
	s7 =	simm.s32 @!p0 $0x0;
	p0 =	sne.s32 s5, $0x8  }
0x9: {  	[sflag:s6] =	ssyncpa.u1 $0x0;
	s5 =	smul.u32 $0xFA0, s5;
	s9 =	simm.s32 @!p0 $0x0  }
0xa: {  	s8 =	sadd.s32 $0x8F200, s8;
	[sflag:s10] =	ssyncpa.u1 $0x0;
	s7 =	sadd.s32 s9, s7  }
0xb: {  	vm0 =	vmmov $0xffff;
	s10 =	simm.s32 $0x0;
	s11 =	smov.u32 s5;
	s9 =	sadd.s32 $0x1, s7  }
.LBB2_4:
0xc: {  	v2 =	vnsel vm1, $0x0, v2  }
0xd: {  	vm1 =	vgt.s32 v0, $0x0;
	v2 =	vmin.u32 v2, $0x270FF  }
0xe: {  	v0 =	vnsel vm1, $0x0, v0  }
0xf: {  	v0 =	vmin.u32 v0, $0x270FF  }
0x10: {  	[tilespmem:s18], [sflag:$0x1] =	stream.indirect_vreg.gather [hbm4b:s2+s10], $0x1, v1, vm0, $0x4038;
	[tilespmem:$0x3E80] =	vst v63  }
0x11: {  	(ifvalue) =	ssetifvalue $0x7FFFFFFF  }
0x12: {  	[tilespmem:s15], [sflag:$0x1] =	stream.indirect_vreg.gather [hbm4b:s2+s10], $0x1, v2, vm0, $0x4038;
	[tilespmem:$0x3E80] =	vst v63  }
0x13: {  	s29 =	sadd.s32 $0x10, s15;
	(ifvalue) =	ssetifvalue $0x7FFFFFFF  }
0x14: {  	[tilespmem:s29], [sflag:$0x1] =	stream.indirect_vreg.gather [hbm4b:s2+s10], $0x1, v0, vm0, $0x4038;
	[tilespmem:$0x3E80] =	vst v63  }
0x15: {  	_ =	swait.ge [sflag:s4], $0xFA0  }
0x16: {  	s30 =	sshrl.u32 s13, $0x3;
	[sflag:s4] =	ssyncset.done $0x0  }
0x17: {  	s31 =	sand.u32 $0x7, s13;
	s15 =	sadd.s32 s8, s30;
	[sflag:s4] =	ssyncadd.s32 $0xFFFFF060  }
0x18: {  	[hbm4b:s15+s31] =	stream.linear.scatter [tilespmem:s14], [sflag:$0x3], $0xFA0, $0x38;
	[tilespmem:$0x3E80] =	vst v63  }
.LBB2_5:
0x19: {  	s15 =	sadd.s32 $0x1F400, s11  }
0x1a: {  	p1 =	sgt.s32 s15, $0x270FF  }
0x1b: {  	s15 =	smov.u32 @p1 s5;
	p1 =	sne.s32 s12, s9  }
.Ltmp1:
0x1c: {  	p0 =	slt.u32 s12, $0x2;
	(pc) =	sbr.rel @!p1 .LBB2_6-.Ltmp1, $4  }
0x1d: {  	s14 =	simm.s32 @!p0 $0x3  }
0x1e: {  	_ =	swait.ge @!p0 [sflag:s14], $0xFA0  }
0x1f: {  	s16 =	sadd.s32 $0x1, s12;
	s13 =	smov.u32 s11;
	[sflag:s14] =	ssyncset.done @!p0 $0x0  }
0x20: {  	s12 =	smov.u32 s16;
	s11 =	smov.u32 s15;
	[sflag:s14] =	ssyncadd.s32 @!p0 $0xFFFFF060  }
.LBB2_1:
0x21: {  	p0 =	sge.u32 s12, s7  }
0x22: {  	s14 =	sxor.u32 @!p0 $0x1, s12  }
0x23: {  	s14 =	smul.u32 @!p0 $0x3E80, s14  }
0x24: {  	s31 =	sadd.s32 $0xFFFFFFFF, s12;
	s15 =	sshrl.u32 @!p0 s11, $0x3  }
0x25: {  	s16 =	sand.u32 @!p0 $0x7, s11;
	s15 =	sadd.s32 @!p0 s3, s15;
	s14 =	sshra.s32 @!p0 s14, $0x2  }
0x26: {  	[tilespmem:s14], [sflag:$0x2] =	stream.linear.gather @!p0 [hbm4b:s15+s16], $0xFA0, $0x38;
	[tilespmem:$0x3E80] =	vst v63  }
0x27: {  	p0 =	sge.u32 s31, s7  }
.Ltmp2:
0x28: {  	_ = 	snop;
	(pc) =	sbr.rel @p0 .LBB2_5-.Ltmp2, $1  }
0x29: {  	_ =	sdelay $0x3  }
0x2a: {  	s14 =	sand.u32 $0x1, s12  }
0x2b: {  	_ =	swait.ge [sflag:s6], $0xFA0;
	p0 =	seq.s32 s14, $0x1;
	s14 =	simm.s32 $0xFA0  }
0x2c: {  	[sflag:s6] =	ssyncset.done $0x0;
	s14 =	simm.s32 @!p0 $0x0  }
0x2d: {  	[sflag:s6] =	ssyncadd.s32 $0xFFFFF060;
	(ifvalue) =	ssetifvalue $0x7FFFFFFF;
	v0 =	vld.msk [tilespmem:s14+$0x0 ss:$0x1], $0xffff;
	_ =	sdelay $0x4  }
0x2e: {  	s15 =	sadd.s32 $0x10, s14;
	vm1 =	vgt.s32 v0, $0x0  }
0x2f: {  	v2 =	vld.msk [tilespmem:s15+$0x0 ss:$0x1], $0xffff;
	v1 =	vnsel vm1, $0x0, v0  }
0x30: {  	v1 =	vmin.u32 v1, $0x270FF;
	_ =	sdelay $0x2  }
0x31: {  	s17 =	simm.s32 $0x20;
	s14 =	sadd.s32 $0x1F40, s14;
	s16 =	sadd.s32 $0x10, s15  }
0x32: {  	s15 =	sadd.s32 $0x10, s14;
	s18 =	smov.u32 s14;
	v0 =	vld.msk [tilespmem:s16+$0x0 ss:$0x1], $0xffff;
	vm1 =	vgt.s32 v2, $0x0;
	(ifvalue) =	ssetifvalue $0x7FFFFFFF  }
.LBB2_3:
0x33: {  	[tilespmem:s18], [sflag:$0x1] =	stream.indirect_vreg.gather [hbm4b:s2+s10], $0x1, v1, vm0, $0x4038;
	[tilespmem:$0x3E80] =	vst v63  }
0x34: {  	s17 =	sadd.s32 $0x10, s17  }
0x35: {  	v2 =	vnsel vm1, $0x0, v2;
	p0 =	slt.u32 s17, $0xF90  }
.Ltmp3:
0x36: {  	s18 =	smov.u32 s15;
	v1 =	vmin.u32 v2, $0x270FF;
	(pc) =	sbr.rel @p0 .LBB2_3-.Ltmp3, $3  }
0x37: {  	_ =	sdelay $0x1  }
0x38: {  	s16 =	sadd.s32 $0x10, s16  }
0x39: {  	vm1 =	vgt.s32 v0, $0x0;
	s15 =	sadd.s32 $0x10, s15;
	v2 =	vmov v0;
	(ifvalue) =	ssetifvalue $0x7FFFFFFF;
	v0 =	vld.msk [tilespmem:s16+$0x0 ss:$0x1], $0xffff  }
.Ltmp4:
0x3a: {  	_ = 	snop;
	(pc) =	sbr.rel .LBB2_4-.Ltmp4, $1  }
0x3b: {  	_ =	sdelay $0x3  }
.LBB2_6:
0x3c: {  	_ =	sfence.sel $0x180000  }
0x3d: {  	s2 =	simm.s32 $0x2;
	[bflag:$0x0] =	sbarrier.arrive $0xFFFF  }
0x3e: {  	s30 =	simm.s32 $0x3;
	[sflag:s2] =	ssyncpa.u1 $0x1  }
0x3f: {  	s31 =	simm.s32 $0x1;
	[sflag:s30] =	ssyncpa.u1 $0x1  }
0x40: {  	[sflag:s31] =	ssyncpa.u1 $0x1  }
0x41: {  	p0 =	sne.s32 s1, $0x0;
	_ =	strace $0x90000047  }
0x42: {  	s0 =	sadd.s32 @!p0 $0x100000, s0;
	[bflag:$0x2] =	sbarrier.arrive $0xFFFF  }
0x43: {  	[sflag:s0] =	ssyncadd.tile.s32 @!p0 $0x1;
	_ =	shalt  }
.Lfunc_end2:
_tile_overlayer_lowered:
.L_overlay_start_2:
0x44: {  	(tag) =	ssettag $0x2  }
0x45: {  	s0 =	rddreg [dreg:$0x0];
	s2 =	stileid.u32  }
0x46: {  	s1 =	rddreg [dreg:$0x1];
	p0 =	sne.s32 s2, $0x0  }
0x47: {  	s3 =	rddreg [dreg:$0x2];
	[bflag:$0x3] =	sbarrier.arrive $0xFFFF;
	s2 =	simm.s32 @!p0 $0x1C01  }
0x48: {  	[timem:s3], [sflag:s2] =	dma.local @!p0 [hbm:s0], s1  }
0x49: {  	s0 =	simm.s32 @!p0 $0x1  }
0x4a: {  	_ =	swait.ge @!p0 [sflag:s0], s1  }
0x4b: {  	s1 =	ssub.s32 @!p0 $0x0, s1;
	[sflag:s0] =	ssyncset.done @!p0 $0x0  }
0x4c: {  	[sflag:s0] =	ssyncadd.s32 @!p0 s1  }
0x4d: {  	[bflag:$0x3] =	sbarrier.arrive $0xFFFF  }
0x4e: {  	_ =	shalt  }

// kernel: kernel.17.cloned.1.call-start
scs
__scs_entry_jumppad:
0x0: {  	(pc) =	sbr.rel $0x88, $3  }
0x1: {  	(tag) =	ssettag $0x0;
	lr =	simm.s32 $0x1  }
0x2: {  	[smem:$0x3F8C] =	sst lr;
	_ =	strace $0xD0000000  }
0x3: {  	_ = 	snop  }
0x4: {  	_ = 	snop  }
0x5: {  	_ = 	snop  }
0x6: {  	_ = 	snop  }
0x7: {  	_ = 	snop  }
__scs_overlays_trampoline_lowered:
0x8: {  	[smem:$0x3F9B] =	sst s0  }
0x9: {  	[smem:$0x3F9C] =	sst s1  }
0xa: {  	[smem:$0x3F9D] =	sst s2  }
0xb: {  	[smem:$0x3F9E] =	sst s3  }
0xc: {  	[smem:$0x3F9F] =	sst s4  }
0xd: {  	[smem:$0x3FA0] =	sst s5  }
0xe: {  	[smem:$0x3FA1] =	sst s6  }
0xf: {  	[smem:$0x3FA2] =	sst s7  }
0x10: {  	[smem:$0x3FA3] =	sst s8  }
0x11: {  	[smem:$0x3FA4] =	sst s9;
	s0 =	simm.s32 @!p0 $0x0  }
0x12: {  	s1 =	sld [smem:$0x3F8A];
	s0 =	simm.s32 @p0 $0x1  }
0x13: {  	[smem:$0x3FA5] =	sst s0;
	s0 =	simm.s32 @!p1 $0x0  }
0x14: {  	s2 =	sld [smem:$0x3F89];
	s0 =	simm.s32 @p1 $0x1  }
0x15: {  	[smem:$0x3FA6] =	sst s0;
	s0 =	simm.s32 @!p2 $0x0  }
0x16: {  	s3 =	sld [smem:$0x3FDB];
	s0 =	simm.s32 @p2 $0x1  }
0x17: {  	s4 =	simm.s32 $0x1BF5;
	[smem:$0x3FA8] =	sst s0  }
0x18: {  	s0 =	sld [smem:$0x3F8B];
	_ =	swait.ge [sflag:s4], $0x0  }
0x19: {  	s7 =	sld [smem:$0x3F8C]  }
0x1a: {  	s8 =	sadd.s32 $0xFFFFE003, lr  }
0x1b: {  	s9 =	sadd.s32 $0xFFFFFEF7, lr;
	s5 =	simm.s32 $0xFFFFFFFF;
	p2 =	slt.u32 s8, $0xFFFFF086  }
0x1c: {  	p1 =	slt.u32 s9, $0xF7A;
	s5 =	simm.s32 @!p2 $0x0  }
0x1d: {  	s5 =	simm.s32 @p1 $0x1;
	p0 =	seq.s32 s7, s2  }
0x1e: {  	s7 =	smul.u32 @!p0 $0xF7A, s2;
	p2 =	seq.s32 @!p0 s5, $0x0  }
0x1f: {  	s9 =	smul.u32 $0xF7A, s1;
	s8 =	simm.s32 @!p0 $0x1BF5;
	p2 =	por !p2, p0  }
0x20: {  	[sflag:s8] =	ssyncset.s32 @!p0 $0xFFFFF086;
	s6 =	sadd.s32 @!p0 s3, s7;
	s7 =	simm.s32 @!p0 $0x108  }
0x21: {  	s3 =	sadd.s32 s3, s9;
	s6 =	sadd.s32 @!p0 $0x88, s6;
	s7 =	simm.s32 @p2 $0x1082  }
0x22: {  	[simem:s7], [sflag:s8] =	dma.local @!p0 [hbm:s6], $0xF7A  }
0x23: {  	s9 =	sor.u32 $0xD0000000, s2;
	s6 =	simm.s32 $0x108;
	_ =	swait.ge @!p0 [sflag:s8], $0x0  }
0x24: {  	s3 =	sadd.s32 $0x88, s3;
	s6 =	simm.s32 @!p1 $0x1082;
	[sflag:s4] =	ssyncset.s32 $0xFFFFF086  }
0x25: {  	[simem:s6], [sflag:s4] =	dma.local [hbm:s3], $0xF7A  }
0x26: {  	[smem:$0x3F8C] =	sst s1;
	(tag) =	ssettag s2;
	_ =	strace s9  }
0x27: {  	s1 =	sld [smem:$0x3F9C]  }
0x28: {  	s2 =	sld [smem:$0x3F9D]  }
0x29: {  	s4 =	sld [smem:$0x3F9F]  }
0x2a: {  	p0 =	seq.s32 s5, $0x0;
	s5 =	sld [smem:$0x3FA0]  }
0x2b: {  	s6 =	sld [smem:$0x3FA1]  }
0x2c: {  	s7 =	sld [smem:$0x3FA2]  }
0x2d: {  	s3 =	simm.s32 $0x108;
	s8 =	sld [smem:$0x3FA3]  }
0x2e: {  	s3 =	simm.s32 @!p0 $0x1082;
	s9 =	sld [smem:$0x3FA4]  }
0x2f: {  	lr =	sadd.s32 s0, s3;
	s0 =	sld [smem:$0x3F9B]  }
0x30: {  	s3 =	sld [smem:$0x3F9E]  }
0x31: {  	[smem:$0x3FA7] =	sst s10  }
0x32: {  	s10 =	sld [smem:$0x3FA5];
	_ =	sdelay $0x3  }
0x33: {  	p0 =	seq.s32 s10, $0x1;
	s10 =	sld [smem:$0x3FA7];
	_ =	sdelay $0x3  }
0x34: {  	[smem:$0x3FA7] =	sst s10  }
0x35: {  	s10 =	sld [smem:$0x3FA6];
	_ =	sdelay $0x3  }
0x36: {  	p1 =	seq.s32 s10, $0x1;
	s10 =	sld [smem:$0x3FA7];
	_ =	sdelay $0x3  }
0x37: {  	[smem:$0x3FA7] =	sst s10  }
0x38: {  	s10 =	sld [smem:$0x3FA8]  }
0x39: {  	_ = 	snop;
	(pc) =	sbr.ind lr, $3  }
0x3a: {  	_ = 	snop  }
0x3b: {  	_ = 	snop  }
0x3c: {  	p2 =	seq.s32 s10, $0x1;
	s10 =	sld [smem:$0x3FA7]  }
0x3d: {  	_ =	shalt  }
0x3e: {  	_ =	shalt  }
0x3f: {  	_ =	shalt  }
0x40: {  	_ =	shalt  }
0x41: {  	_ =	shalt  }
0x42: {  	_ =	shalt  }
0x43: {  	_ =	shalt  }
0x44: {  	_ =	shalt  }
0x45: {  	_ =	shalt  }
0x46: {  	_ =	shalt  }
0x47: {  	_ =	shalt  }
0x48: {  	_ =	shalt  }
0x49: {  	_ =	shalt  }
0x4a: {  	_ =	shalt  }
0x4b: {  	_ =	shalt  }
0x4c: {  	_ =	shalt  }
0x4d: {  	_ =	shalt  }
0x4e: {  	_ =	shalt  }
0x4f: {  	_ =	shalt  }
0x50: {  	_ =	shalt  }
0x51: {  	_ =	shalt  }
0x52: {  	_ =	shalt  }
0x53: {  	_ =	shalt  }
0x54: {  	_ =	shalt  }
0x55: {  	_ =	shalt  }
0x56: {  	_ =	shalt  }
0x57: {  	_ =	shalt  }
0x58: {  	_ =	shalt  }
0x59: {  	_ =	shalt  }
0x5a: {  	_ =	shalt  }
0x5b: {  	_ =	shalt  }
0x5c: {  	_ =	shalt  }
0x5d: {  	_ =	shalt  }
0x5e: {  	_ =	shalt  }
0x5f: {  	_ =	shalt  }
0x60: {  	_ =	shalt  }
0x61: {  	_ =	shalt  }
0x62: {  	_ =	shalt  }
0x63: {  	_ =	shalt  }
0x64: {  	_ =	shalt  }
0x65: {  	_ =	shalt  }
0x66: {  	_ =	shalt  }
0x67: {  	_ =	shalt  }
0x68: {  	_ =	shalt  }
0x69: {  	_ =	shalt  }
0x6a: {  	_ =	shalt  }
0x6b: {  	_ =	shalt  }
0x6c: {  	_ =	shalt  }
0x6d: {  	_ =	shalt  }
0x6e: {  	_ =	shalt  }
0x6f: {  	_ =	shalt  }
0x70: {  	_ =	shalt  }
0x71: {  	_ =	shalt  }
0x72: {  	_ =	shalt  }
0x73: {  	_ =	shalt  }
0x74: {  	_ =	shalt  }
0x75: {  	_ =	shalt  }
0x76: {  	_ =	shalt  }
0x77: {  	_ =	shalt  }
0x78: {  	_ =	shalt  }
0x79: {  	_ =	shalt  }
0x7a: {  	_ =	shalt  }
0x7b: {  	_ =	shalt  }
0x7c: {  	_ =	shalt  }
0x7d: {  	_ =	shalt  }
0x7e: {  	_ =	shalt  }
0x7f: {  	_ =	shalt  }
0x80: {  	_ =	shalt  }
0x81: {  	_ =	shalt  }
0x82: {  	_ =	shalt  }
0x83: {  	_ =	shalt  }
0x84: {  	_ =	shalt  }
0x85: {  	_ =	shalt  }
0x86: {  	_ =	shalt  }
0x87: {  	_ =	shalt  }
.Lfunc_end0:
.L_simem_size_0:
called_computation.1_lowered:
.L_overlay_start_0:
0x88: {  	s2 =	sld [smem:$0x3FD9]  }
0x89: {  	s3 =	sld [smem:$0x3FFE];
	_ =	sdelay $0x1  }
0x8a: {  	s1 =	srdreg.scid  }
0x8b: {  	s0 =	sand.u32 $0x1, s1  }
0x8c: {  	s16 =	sshll.u32 s0, $0xA;
	s2 =	sadd.s32 s3, s2  }
0x8d: {  	s2 =	sadd.s32 s2, s16  }
0x8e: {  	[smem:$0x3FB3] =	sst s2  }
0x8f: {  	_ = 	snop  }
0x90: {  	(tm) =	ssettm $0x1  }
0x91: {  	s17 =	sld [smem:$0x3FFB];
	_ =	sdelay $0x3  }
0x92: {  	_ =	strace s17  }
0x93: {  	s2 =	sld [smem:$0x3FFC];
	_ =	sdelay $0x3  }
0x94: {  	_ =	strace s2  }
0x95: {  	s2 =	sld [smem:$0x3FFD];
	_ =	sdelay $0x3  }
0x96: {  	_ =	strace s2  }
0x97: {  	_ =	strace $0x8FFFFFFF  }
0x98: {  	s18 =	sld [smem:$0x3FDB];
	_ =	sdelay $0x1  }
0x99: {  	s19 =	simm.s32 $_scs_section_size  }
0x9a: {  	s4 =	simm.s32 $_size__tile_overlayer_lowered;
	s5 =	simm.s32 $_tile_overlayer_lowered  }
0x9b: {  	s22 =	simm.s32 $0x1BFF;
	s21 =	sshll.u32 s5, $0x1;
	s2 =	sadd.s32 s19, s18  }
0x9c: {  	s6 =	simm.s32 $0x0;
	s20 =	sshll.u32 s4, $0x1;
	s4 =	sadd.s32 s21, s2  }
0x9d: {  	[timem:s6], [sflag:s22] =	dma.local [hbm:s4], s20  }
0x9e: {  	_ =	swait.ge [sflag:s22], s20  }
0x9f: {  	s3 =	ssub.s32 $0x0, s20;
	[sflag:s22] =	ssyncset.done $0x0  }
0xa0: {  	[sflag:s22] =	ssyncadd.s32 s3;
	_ =	sdelay $0x1  }
0xa1: {  	s23 =	simm.s32 $0x1B8B  }
0xa2: {  	_ =	swait.ge [sflag:s23], $0x1  }
0xa3: {  	[sflag:s23] =	ssyncset.done $0x0  }
0xa4: {  	s25 =	simm.s32 $0x1B8E;
	s24 =	sld [smem:$0x3FFE];
	[sflag:s23] =	ssyncadd.s32 $0xFFFFFFFF  }
0xa5: {  	s26 =	simm.s32 $execute0_lowered;
	[smem:$0x3FD2] =	sst s25  }
0xa6: {  	s4 =	sshll.u32 s26, $0x1;
	_ =	strace $0x80000049;
	[dreg:$0x1] =	wrdreg $0xFFFFFFFF  }
0xa7: {  	s28 =	simm.s32 $_size_execute0_lowered;
	s2 =	sadd.s32 s2, s4;
	[dreg:$0x0] =	wrdreg $0x0  }
0xa8: {  	s4 =	sshll.u32 s28, $0x1;
	[dreg:$0x2] =	wrdreg s2  }
0xa9: {  	[dreg:$0x3] =	wrdreg s4  }
0xaa: {  	[dreg:$0x4] =	wrdreg $0xC0  }
0xab: {  	_ =	task [dreg:s6], $0x5FFFF  }
0xac: {  	[dreg:$0x1] =	wrdreg $0xFFFFFFFF  }
0xad: {  	[dreg:$0x0] =	wrdreg $0x60  }
0xae: {  	[dreg:$0x2] =	wrdreg s24  }
0xaf: {  	[dreg:$0x3] =	wrdreg $0x9  }
0xb0: {  	_ =	task.clear_ibuf [dreg:s6], $0x4FFFF;
	_ =	strace $0x90000049  }
0xb1: {  	s29 =	simm.s32 $0x9;
	_ =	strace $0x8000004B  }
0xb2: {  	_ =	swait.ge [sflag:s29], $0x1  }
0xb3: {  	[sflag:s29] =	ssyncadd.s32 $0xFFFFFFFF  }
0xb4: {  	_ =	strace $0x9000004B  }
0xb5: {  	_ =	sfence  }
0xb6: {  	s30 =	sld [smem:$0x0];
	_ =	sdelay $0x2  }
0xb7: {  	s31 =	sshll.u32 s1, $0xD;
	s1 =	sshrl.u32 s1, $0x2  }
0xb8: {  	s3 =	sand.u32 $0x4000, s31;
	s1 =	sadd.s32 s1, s30  }
0xb9: {  	s0 =	sor.u32 s3, s0;
	s1 =	sshll.u32 s1, $0x11  }
0xba: {  	s0 =	sor.u32 s1, s0  }
0xbb: {  	s0 =	sadd.s32 $0x8F2B, s0  }
0xbc: {  	[sflag:s0] =	ssyncadd.remote.s32 $0x1  }
0xbd: {  	_ =	sfence.sel $0xFFFF  }
0xbe: {  	[dreg:$0x0] =	wrdreg $0xFFFFFFFF;
	(pc) =	sbr.abs _section_cstart, $3  }
0xbf: {  	[dreg:$0x1] =	wrdreg $0xFFFFFFFF  }
0xc0: {  	_ =	task.clear_ibuf [dreg:s6], $0x2FFFF;
	_ =	strace $0x9FFFFFFF  }
0xc1: {  	(tm) =	ssettm $0x7FFFFFFF  }
tec
execute0_lowered:
.L_overlay_start_1:
0x0: {  	(tag) =	ssettag $0x1  }
0x1: {  	s0 =	rddreg [dreg:$0x0]  }
0x2: {  	s1 =	srdreg.scid;
	s8 =	stileid.u32  }
0x3: {  	s2 =	simm.s32 $0x0;
	s9 =	simm.s32 $0x2000;
	s19 =	simm.s32 $0x7000  }
0x4: {  	s30 =	simm.s32 $0xC000;
	s31 =	simm.s32 $0xC800;
	s10 =	simm.s32 $0xF800  }
0x5: {  	s11 =	simm.s32 $0x10000;
	s12 =	simm.s32 $0x10800;
	s13 =	simm.s32 $0x1  }
0x6: {  	s14 =	simm.s32 $0x15000;
	s15 =	simm.s32 $0x15800;
	s16 =	simm.s32 $0x2  }
0x7: {  	s17 =	simm.s32 $0x3;
	s18 =	simm.s32 $0x4;
	s20 =	simm.s32 $0x11000  }
0x8: {  	s21 =	simm.s32 $0x5;
	s22 =	simm.s32 $0x6;
	s23 =	simm.s32 $0x7  }
0x9: {  	s26 =	simm.s32 $0x0;
	s1 =	sand.u32 $0x1, s1;
	s3 =	sshll.u32 s8, $0x1  }
0xa: {  	[smem:$0x7FF] =	sst s2;
	s8 =	smul.u32 $0x50000, s8;
	s4 =	sor.u32 s1, s3  }
0xb: {  	_ =	strace $0x8000004A;
	s6 =	ssub.s32 $0x2, s1;
	s1 =	smul.u32 $0x28000, s1  }
0xc: {  	s3 =	sadd.s32 $0x3F200, s0;
	s5 =	sshll.u32 s4, $0xA;
	s4 =	smul.u32 $0x28000, s4  }
0xd: {  	s7 =	sshrl.u32 s6, $0x1;
	s5 =	sadd.s32 s5, s0;
	s0 =	sadd.s32 $0x97200, s0  }
.Ltmp0:
0xe: {  	s6 =	ssub.s32 s6, s7;
	s5 =	sadd.s32 $0x8F200, s5;
	(pc) =	sbr.rel .LBB2_1-.Ltmp0, $4  }
0xf: {  	s29 =	smax.u32 s6, $0x1;
	s4 =	sadd.s32 s0, s4;
	[dreg:$0x2] =	wrdreg s5  }
0x10: {  	v2 =	vlaneseq.u32;
	s0 =	sadd.s32 s8, s0;
	s8 =	simm.s32 $0xF000;
	[dreg:$0x3] =	wrdreg s29  }
0x11: {  	vm0 =	vmmov $0xffff;
	v1 =	vshrl.u32 v2, $0x3;
	s6 =	sadd.s32 $0x26C00, s4;
	s7 =	sadd.s32 s1, s0;
	s0 =	simm.s32 $0xD000  }
0x12: {  	v0 =	vand.u32 $0x7, v2;
	v2 =	vor.u32 $0x8, v2;
	v1 =	vmul.u32 $0x8, v1;
	s1 =	simm.s32 $0xD800;
	s4 =	simm.s32 $0xE000;
	s5 =	simm.s32 $0xE800  }
.LBB2_7:
0x13: {  	_ =	swait.ge [sflag:s21], $0x5000  }
0x14: {  	[sflag:s21] =	ssyncset.done $0x0  }
0x15: {  	[sflag:s21] =	ssyncadd.s32 $0xFFFFB000  }
0x16: {  	_ =	swait.ge [sflag:s22], $0x5000  }
0x17: {  	[sflag:s22] =	ssyncset.done $0x0  }
0x18: {  	[sflag:s22] =	ssyncadd.s32 $0xFFFFB000  }
0x19: {  	_ =	swait.ge [sflag:s23], $0x5000  }
0x1a: {  	[sflag:s23] =	ssyncset.done $0x0  }
0x1b: {  	s25 =	simm.s32 $0x8;
	[sflag:s23] =	ssyncadd.s32 $0xFFFFB000  }
0x1c: {  	_ =	swait.ge [sflag:s25], $0x5000  }
0x1d: {  	s26 =	rddreg [dreg:$0x4]  }
0x1e: {  	s24 =	rddreg [dreg:$0x3];
	s26 =	sadd.s32 $0x1, s26  }
0x1f: {  	p0 =	sne.s32 s26, s24  }
.Ltmp1:
0x20: {  	_ = 	snop;
	(pc) =	sbr.rel @!p0 .LBB2_8-.Ltmp1, $3  }
0x21: {  	_ =	sdelay $0x1  }
0x22: {  	[sflag:s25] =	ssyncset.done $0x0  }
0x23: {  	[sflag:s25] =	ssyncadd.s32 $0xFFFFB000  }
.LBB2_1:
0x24: {  	[dreg:$0x4] =	wrdreg s26  }
0x25: {  	s24 =	rddreg [dreg:$0x2];
	s26 =	simm.s32 $0x9  }
0x26: {  	[tilespmem:s2], [sflag:$0x9] =	stream.linear.gather [hbm4b:s24+s2], $0x2000, $0x38;
	[tilespmem:$0x16000] =	vst v63  }
0x27: {  	_ =	swait.ge [sflag:s26], $0x2000  }
0x28: {  	[sflag:s26] =	ssyncset.done $0x0  }
0x29: {  	[sflag:s26] =	ssyncadd.s32 $0xFFFFE000  }
0x2a: {  	v3 =	vld [tilespmem:$0x0];
	_ =	sdelay $0x4  }
0x2b: {  	v4 =	vshll.u32 v3, $0x1  }
0x2c: {  	v3 =	vand.u32 $0x7, v3;
	v4 =	vand.u32 $0xFFFFFFF0, v4  }
0x2d: {  	v3 =	vor.u32 v3, v4  }
0x2e: {  	v4 =	vperm.xlane v3, v0;
	_ =	sdelay $0x1  }
0x2f: {  	v3 =	vperm.xlane v3, v2;
	v4 =	vadd.s32 v1, v4;
	_ =	sdelay $0x1  }
0x30: {  	v3 =	vadd.s32 v1, v3;
	_ =	sdelay $0x2  }
0x31: {  	[tilespmem:s9], [sflag:$0x1] =	stream.indirect_vreg.gather [hbm4b:s3+s2], $0x80, v4, vm0, $0xb8;
	[tilespmem:$0x16000] =	vst v63  }
0x32: {  	s28 =	simm.s32 $0x2800  }
0x33: {  	[tilespmem:s28], [sflag:$0x1] =	stream.indirect_vreg.gather [hbm4b:s3+s2], $0x80, v3, vm0, $0xb8;
	[tilespmem:$0x16000] =	vst v63  }
0x34: {  	v3 =	vld [tilespmem:$0x10];
	_ =	sdelay $0x4  }
0x35: {  	v50 =	vshll.u32 v3, $0x1  }
0x36: {  	v3 =	vand.u32 $0x7, v3;
	v4 =	vand.u32 $0xFFFFFFF0, v50  }
0x37: {  	v3 =	vor.u32 v3, v4  }
0x38: {  	v4 =	vperm.xlane v3, v0;
	_ =	sdelay $0x1  }
0x39: {  	v3 =	vperm.xlane v3, v2;
	v4 =	vadd.s32 v1, v4;
	_ =	sdelay $0x1  }
0x3a: {  	v3 =	vadd.s32 v1, v3;
	_ =	sdelay $0x1  }
0x3b: {  	s29 =	simm.s32 $0x3000  }
0x3c: {  	[tilespmem:s29], [sflag:$0x1] =	stream.indirect_vreg.gather [hbm4b:s3+s2], $0x80, v4, vm0, $0xb8;
	[tilespmem:$0x16000] =	vst v63  }
0x3d: {  	s25 =	simm.s32 $0x3800  }
0x3e: {  	[tilespmem:s25], [sflag:$0x1] =	stream.indirect_vreg.gather [hbm4b:s3+s2], $0x80, v3, vm0, $0xb8;
	[tilespmem:$0x16000] =	vst v63  }
0x3f: {  	v3 =	vld [tilespmem:$0x20];
	_ =	sdelay $0x4  }
0x40: {  	v51 =	vshll.u32 v3, $0x1  }
0x41: {  	v3 =	vand.u32 $0x7, v3;
	v4 =	vand.u32 $0xFFFFFFF0, v51  }
0x42: {  	v3 =	vor.u32 v3, v4  }
0x43: {  	v4 =	vperm.xlane v3, v0;
	_ =	sdelay $0x1  }
0x44: {  	v3 =	vperm.xlane v3, v2;
	v4 =	vadd.s32 v1, v4;
	_ =	sdelay $0x1  }
0x45: {  	v3 =	vadd.s32 v1, v3;
	_ =	sdelay $0x1  }
0x46: {  	s26 =	simm.s32 $0x4000  }
0x47: {  	[tilespmem:s26], [sflag:$0x1] =	stream.indirect_vreg.gather [hbm4b:s3+s2], $0x80, v4, vm0, $0xb8;
	[tilespmem:$0x16000] =	vst v63  }
0x48: {  	s28 =	simm.s32 $0x4800  }
0x49: {  	[tilespmem:s28], [sflag:$0x1] =	stream.indirect_vreg.gather [hbm4b:s3+s2], $0x80, v3, vm0, $0xb8;
	[tilespmem:$0x16000] =	vst v63  }
0x4a: {  	v3 =	vld [tilespmem:$0x30];
	_ =	sdelay $0x4  }
0x4b: {  	v52 =	vshll.u32 v3, $0x1  }
0x4c: {  	v3 =	vand.u32 $0x7, v3;
	v4 =	vand.u32 $0xFFFFFFF0, v52  }
0x4d: {  	v3 =	vor.u32 v3, v4  }
0x4e: {  	v4 =	vperm.xlane v3, v0;
	_ =	sdelay $0x1  }
0x4f: {  	v3 =	vperm.xlane v3, v2;
	v4 =	vadd.s32 v1, v4;
	_ =	sdelay $0x1  }
0x50: {  	v3 =	vadd.s32 v1, v3;
	_ =	sdelay $0x1  }
0x51: {  	s29 =	simm.s32 $0x5000  }
0x52: {  	[tilespmem:s29], [sflag:$0x1] =	stream.indirect_vreg.gather [hbm4b:s3+s2], $0x80, v4, vm0, $0xb8;
	[tilespmem:$0x16000] =	vst v63  }
0x53: {  	s25 =	simm.s32 $0x5800  }
0x54: {  	[tilespmem:s25], [sflag:$0x1] =	stream.indirect_vreg.gather [hbm4b:s3+s2], $0x80, v3, vm0, $0xb8;
	[tilespmem:$0x16000] =	vst v63  }
0x55: {  	v3 =	vld [tilespmem:$0x40];
	_ =	sdelay $0x4  }
0x56: {  	v53 =	vshll.u32 v3, $0x1  }
0x57: {  	v3 =	vand.u32 $0x7, v3;
	v4 =	vand.u32 $0xFFFFFFF0, v53  }
0x58: {  	v3 =	vor.u32 v3, v4  }
0x59: {  	v4 =	vperm.xlane v3, v0;
	_ =	sdelay $0x1  }
0x5a: {  	v3 =	vperm.xlane v3, v2;
	v4 =	vadd.s32 v1, v4;
	_ =	sdelay $0x1  }
0x5b: {  	v3 =	vadd.s32 v1, v3;
	_ =	sdelay $0x1  }
0x5c: {  	s26 =	simm.s32 $0x6000  }
0x5d: {  	[tilespmem:s26], [sflag:$0x1] =	stream.indirect_vreg.gather [hbm4b:s3+s2], $0x80, v4, vm0, $0xb8;
	[tilespmem:$0x16000] =	vst v63  }
0x5e: {  	s28 =	simm.s32 $0x6800  }
0x5f: {  	[tilespmem:s28], [sflag:$0x1] =	stream.indirect_vreg.gather [hbm4b:s3+s2], $0x80, v3, vm0, $0xb8;
	[tilespmem:$0x16000] =	vst v63  }
0x60: {  	v3 =	vld [tilespmem:$0x80];
	_ =	sdelay $0x4  }
0x61: {  	v54 =	vshll.u32 v3, $0x1  }
0x62: {  	v3 =	vand.u32 $0x7, v3;
	v4 =	vand.u32 $0xFFFFFFF0, v54  }
0x63: {  	v3 =	vor.u32 v3, v4  }
0x64: {  	v4 =	vperm.xlane v3, v0;
	_ =	sdelay $0x1  }
0x65: {  	v3 =	vperm.xlane v3, v2;
	v4 =	vadd.s32 v1, v4;
	_ =	sdelay $0x1  }
0x66: {  	v3 =	vadd.s32 v1, v3;
	_ =	sdelay $0x2  }
0x67: {  	[tilespmem:s19], [sflag:$0x2] =	stream.indirect_vreg.gather [hbm4b:s3+s2], $0x80, v4, vm0, $0xb8;
	[tilespmem:$0x16000] =	vst v63  }
0x68: {  	s29 =	simm.s32 $0x7800  }
0x69: {  	[tilespmem:s29], [sflag:$0x2] =	stream.indirect_vreg.gather [hbm4b:s3+s2], $0x80, v3, vm0, $0xb8;
	[tilespmem:$0x16000] =	vst v63  }
0x6a: {  	v3 =	vld [tilespmem:$0x90];
	_ =	sdelay $0x4  }
0x6b: {  	v55 =	vshll.u32 v3, $0x1  }
0x6c: {  	v3 =	vand.u32 $0x7, v3;
	v4 =	vand.u32 $0xFFFFFFF0, v55  }
0x6d: {  	v3 =	vor.u32 v3, v4  }
0x6e: {  	v4 =	vperm.xlane v3, v0;
	_ =	sdelay $0x1  }
0x6f: {  	v3 =	vperm.xlane v3, v2;
	v4 =	vadd.s32 v1, v4;
	_ =	sdelay $0x1  }
0x70: {  	v3 =	vadd.s32 v1, v3;
	_ =	sdelay $0x1  }
0x71: {  	s25 =	simm.s32 $0x8000  }
0x72: {  	[tilespmem:s25], [sflag:$0x2] =	stream.indirect_vreg.gather [hbm4b:s3+s2], $0x80, v4, vm0, $0xb8;
	[tilespmem:$0x16000] =	vst v63  }
0x73: {  	s26 =	simm.s32 $0x8800  }
0x74: {  	[tilespmem:s26], [sflag:$0x2] =	stream.indirect_vreg.gather [hbm4b:s3+s2], $0x80, v3, vm0, $0xb8;
	[tilespmem:$0x16000] =	vst v63  }
0x75: {  	v3 =	vld [tilespmem:$0xA0];
	_ =	sdelay $0x4  }
0x76: {  	v56 =	vshll.u32 v3, $0x1  }
0x77: {  	v3 =	vand.u32 $0x7, v3;
	v4 =	vand.u32 $0xFFFFFFF0, v56  }
0x78: {  	v3 =	vor.u32 v3, v4  }
0x79: {  	v4 =	vperm.xlane v3, v0;
	_ =	sdelay $0x1  }
0x7a: {  	v3 =	vperm.xlane v3, v2;
	v4 =	vadd.s32 v1, v4;
	_ =	sdelay $0x1  }
0x7b: {  	v3 =	vadd.s32 v1, v3;
	_ =	sdelay $0x1  }
0x7c: {  	s28 =	simm.s32 $0x9000  }
0x7d: {  	[tilespmem:s28], [sflag:$0x2] =	stream.indirect_vreg.gather [hbm4b:s3+s2], $0x80, v4, vm0, $0xb8;
	[tilespmem:$0x16000] =	vst v63  }
0x7e: {  	s29 =	simm.s32 $0x9800  }
0x7f: {  	[tilespmem:s29], [sflag:$0x2] =	stream.indirect_vreg.gather [hbm4b:s3+s2], $0x80, v3, vm0, $0xb8;
	[tilespmem:$0x16000] =	vst v63  }
0x80: {  	v3 =	vld [tilespmem:$0xB0];
	_ =	sdelay $0x4  }
0x81: {  	v57 =	vshll.u32 v3, $0x1  }
0x82: {  	v3 =	vand.u32 $0x7, v3;
	v4 =	vand.u32 $0xFFFFFFF0, v57  }
0x83: {  	v3 =	vor.u32 v3, v4  }
0x84: {  	v4 =	vperm.xlane v3, v0;
	_ =	sdelay $0x1  }
0x85: {  	v3 =	vperm.xlane v3, v2;
	v4 =	vadd.s32 v1, v4;
	_ =	sdelay $0x1  }
0x86: {  	v3 =	vadd.s32 v1, v3;
	_ =	sdelay $0x1  }
0x87: {  	s25 =	simm.s32 $0xA000  }
0x88: {  	[tilespmem:s25], [sflag:$0x2] =	stream.indirect_vreg.gather [hbm4b:s3+s2], $0x80, v4, vm0, $0xb8;
	[tilespmem:$0x16000] =	vst v63  }
0x89: {  	s26 =	simm.s32 $0xA800  }
0x8a: {  	[tilespmem:s26], [sflag:$0x2] =	stream.indirect_vreg.gather [hbm4b:s3+s2], $0x80, v3, vm0, $0xb8;
	[tilespmem:$0x16000] =	vst v63  }
0x8b: {  	v3 =	vld [tilespmem:$0xC0];
	_ =	sdelay $0x4  }
0x8c: {  	v58 =	vshll.u32 v3, $0x1  }
0x8d: {  	v3 =	vand.u32 $0x7, v3;
	v4 =	vand.u32 $0xFFFFFFF0, v58  }
0x8e: {  	v3 =	vor.u32 v3, v4  }
0x8f: {  	v4 =	vperm.xlane v3, v0;
	_ =	sdelay $0x1  }
0x90: {  	v3 =	vperm.xlane v3, v2;
	v4 =	vadd.s32 v1, v4;
	_ =	sdelay $0x1  }
0x91: {  	v3 =	vadd.s32 v1, v3;
	_ =	sdelay $0x1  }
0x92: {  	s28 =	simm.s32 $0xB000  }
0x93: {  	[tilespmem:s28], [sflag:$0x2] =	stream.indirect_vreg.gather [hbm4b:s3+s2], $0x80, v4, vm0, $0xb8;
	[tilespmem:$0x16000] =	vst v63  }
0x94: {  	s29 =	simm.s32 $0xB800  }
0x95: {  	[tilespmem:s29], [sflag:$0x2] =	stream.indirect_vreg.gather [hbm4b:s3+s2], $0x80, v3, vm0, $0xb8;
	[tilespmem:$0x16000] =	vst v63  }
0x96: {  	v3 =	vld [tilespmem:$0x100];
	_ =	sdelay $0x4  }
0x97: {  	v59 =	vshll.u32 v3, $0x1  }
0x98: {  	v3 =	vand.u32 $0x7, v3;
	v4 =	vand.u32 $0xFFFFFFF0, v59  }
0x99: {  	v3 =	vor.u32 v3, v4  }
0x9a: {  	v4 =	vperm.xlane v3, v0;
	_ =	sdelay $0x1  }
0x9b: {  	v3 =	vperm.xlane v3, v2;
	v4 =	vadd.s32 v1, v4;
	_ =	sdelay $0x1  }
0x9c: {  	v3 =	vadd.s32 v1, v3;
	_ =	sdelay $0x2  }
0x9d: {  	[tilespmem:s30], [sflag:$0x3] =	stream.indirect_vreg.gather [hbm4b:s3+s2], $0x80, v4, vm0, $0xb8;
	[tilespmem:$0x16000] =	vst v63  }
0x9e: {  	_ = 	snop  }
0x9f: {  	[tilespmem:s31], [sflag:$0x3] =	stream.indirect_vreg.gather [hbm4b:s3+s2], $0x80, v3, vm0, $0xb8;
	[tilespmem:$0x16000] =	vst v63  }
0xa0: {  	v3 =	vld [tilespmem:$0x110];
	_ =	sdelay $0x4  }
0xa1: {  	v60 =	vshll.u32 v3, $0x1  }
0xa2: {  	v3 =	vand.u32 $0x7, v3;
	v4 =	vand.u32 $0xFFFFFFF0, v60  }
0xa3: {  	v3 =	vor.u32 v3, v4  }
0xa4: {  	v4 =	vperm.xlane v3, v0;
	_ =	sdelay $0x1  }
0xa5: {  	v3 =	vperm.xlane v3, v2;
	v4 =	vadd.s32 v1, v4;
	_ =	sdelay $0x1  }
0xa6: {  	v3 =	vadd.s32 v1, v3;
	_ =	sdelay $0x2  }
0xa7: {  	[tilespmem:s0], [sflag:$0x3] =	stream.indirect_vreg.gather [hbm4b:s3+s2], $0x80, v4, vm0, $0xb8;
	[tilespmem:$0x16000] =	vst v63  }
0xa8: {  	_ = 	snop  }
0xa9: {  	[tilespmem:s1], [sflag:$0x3] =	stream.indirect_vreg.gather [hbm4b:s3+s2], $0x80, v3, vm0, $0xb8;
	[tilespmem:$0x16000] =	vst v63  }
0xaa: {  	v3 =	vld [tilespmem:$0x120];
	_ =	sdelay $0x4  }
0xab: {  	v61 =	vshll.u32 v3, $0x1  }
0xac: {  	v3 =	vand.u32 $0x7, v3;
	v4 =	vand.u32 $0xFFFFFFF0, v61  }
0xad: {  	v3 =	vor.u32 v3, v4  }
0xae: {  	v4 =	vperm.xlane v3, v0;
	_ =	sdelay $0x1  }
0xaf: {  	v3 =	vperm.xlane v3, v2;
	v4 =	vadd.s32 v1, v4;
	_ =	sdelay $0x1  }
0xb0: {  	v3 =	vadd.s32 v1, v3;
	_ =	sdelay $0x2  }
0xb1: {  	[tilespmem:s4], [sflag:$0x3] =	stream.indirect_vreg.gather [hbm4b:s3+s2], $0x80, v4, vm0, $0xb8;
	[tilespmem:$0x16000] =	vst v63  }
0xb2: {  	_ = 	snop  }
0xb3: {  	[tilespmem:s5], [sflag:$0x3] =	stream.indirect_vreg.gather [hbm4b:s3+s2], $0x80, v3, vm0, $0xb8;
	[tilespmem:$0x16000] =	vst v63  }
0xb4: {  	v3 =	vld [tilespmem:$0x130];
	_ =	sdelay $0x4  }
0xb5: {  	v62 =	vshll.u32 v3, $0x1  }
0xb6: {  	v3 =	vand.u32 $0x7, v3;
	v4 =	vand.u32 $0xFFFFFFF0, v62  }
0xb7: {  	v3 =	vor.u32 v3, v4  }
0xb8: {  	v4 =	vperm.xlane v3, v0;
	_ =	sdelay $0x1  }
0xb9: {  	v3 =	vperm.xlane v3, v2;
	v4 =	vadd.s32 v1, v4;
	_ =	sdelay $0x1  }
0xba: {  	v3 =	vadd.s32 v1, v3;
	_ =	sdelay $0x2  }
0xbb: {  	[tilespmem:s8], [sflag:$0x3] =	stream.indirect_vreg.gather [hbm4b:s3+s2], $0x80, v4, vm0, $0xb8;
	[tilespmem:$0x16000] =	vst v63  }
0xbc: {  	_ = 	snop  }
0xbd: {  	[tilespmem:s10], [sflag:$0x3] =	stream.indirect_vreg.gather [hbm4b:s3+s2], $0x80, v3, vm0, $0xb8;
	[tilespmem:$0x16000] =	vst v63  }
0xbe: {  	v3 =	vld [tilespmem:$0x140];
	_ =	sdelay $0x4  }
0xbf: {  	v63 =	vshll.u32 v3, $0x1  }
0xc0: {  	v3 =	vand.u32 $0x7, v3;
	v4 =	vand.u32 $0xFFFFFFF0, v63  }
0xc1: {  	v3 =	vor.u32 v3, v4  }
0xc2: {  	v4 =	vperm.xlane v3, v0;
	_ =	sdelay $0x1  }
0xc3: {  	v3 =	vperm.xlane v3, v2;
	v4 =	vadd.s32 v1, v4;
	_ =	sdelay $0x1  }
0xc4: {  	v3 =	vadd.s32 v1, v3;
	_ =	sdelay $0x2  }
0xc5: {  	[tilespmem:s11], [sflag:$0x3] =	stream.indirect_vreg.gather [hbm4b:s3+s2], $0x80, v4, vm0, $0xb8;
	[tilespmem:$0x16000] =	vst v63  }
0xc6: {  	s24 =	simm.s32 $0x1A0;
	s25 =	simm.s32 $0x0  }
0xc7: {  	[tilespmem:s12], [sflag:$0x3] =	stream.indirect_vreg.gather [hbm4b:s3+s2], $0x80, v3, vm0, $0xb8;
	[tilespmem:$0x16000] =	vst v63  }
.LBB2_2:
0xc8: {  	_ =	swait.ge [sflag:s13], $0x5000  }
0xc9: {  	[sflag:s13] =	ssyncset.done $0x0  }
0xca: {  	s26 =	sadd.s32 s25, s7;
	p0 =	seq.s32 s25, $0x0;
	[sflag:s13] =	ssyncadd.s32 $0xFFFFB000  }
0xcb: {  	[hbm4b:s26+s2] =	stream.linear.scatter [tilespmem:s9], [sflag:$0x5], $0x5000, $0x38;
	[tilespmem:$0x16000] =	vst v63  }
0xcc: {  	v3 =	vld @p0 [tilespmem:$0x180];
	_ =	sdelay $0x4  }
0xcd: {  	v4 =	vshll.u32 @p0 v3, $0x1  }
0xce: {  	v5 =	vlaneseq.u32 @p0;
	v3 =	vand.u32 @p0 $0x7, v3;
	v4 =	vand.u32 @p0 $0xFFFFFFF0, v4  }
0xcf: {  	v6 =	vshrl.u32 @p0 v5, $0x3;
	v3 =	vor.u32 @p0 v3, v4;
	v4 =	vand.u32 @p0 $0x7, v5  }
0xd0: {  	v6 =	vmul.u32 @p0 $0x8, v6;
	v7 =	vperm.xlane @p0 v3, v4  }
0xd1: {  	v5 =	vor.u32 @p0 $0x8, v5  }
0xd2: {  	v3 =	vperm.xlane @p0 v3, v5;
	v7 =	vadd.s32 @p0 v6, v7;
	_ =	sdelay $0x1  }
0xd3: {  	v3 =	vadd.s32 @p0 v6, v3;
	_ =	sdelay $0x1  }
0xd4: {  	vm1 =	vmmov @p0 $0xffff;
	s28 =	simm.s32 @p0 $0x0;
	s29 =	simm.s32 @p0 $0x11000  }
0xd5: {  	[tilespmem:s29], [sflag:$0x4] =	stream.indirect_vreg.gather @p0 [hbm4b:s3+s28], $0x80, v7, vm1, $0xb8;
	[tilespmem:$0x16000] =	vst v63  }
0xd6: {  	s29 =	simm.s32 @p0 $0x11800  }
0xd7: {  	[tilespmem:s29], [sflag:$0x4] =	stream.indirect_vreg.gather @p0 [hbm4b:s3+s28], $0x80, v3, vm1, $0xb8;
	[tilespmem:$0x16000] =	vst v63  }
0xd8: {  	v3 =	vld @p0 [tilespmem:$0x190];
	_ =	sdelay $0x4  }
0xd9: {  	v7 =	vshll.u32 @p0 v3, $0x1  }
0xda: {  	v3 =	vand.u32 @p0 $0x7, v3;
	v7 =	vand.u32 @p0 $0xFFFFFFF0, v7  }
0xdb: {  	v3 =	vor.u32 @p0 v3, v7  }
0xdc: {  	v7 =	vperm.xlane @p0 v3, v4;
	_ =	sdelay $0x1  }
0xdd: {  	v3 =	vperm.xlane @p0 v3, v5;
	v7 =	vadd.s32 @p0 v6, v7;
	_ =	sdelay $0x1  }
0xde: {  	v3 =	vadd.s32 @p0 v6, v3;
	_ =	sdelay $0x1  }
0xdf: {  	s29 =	simm.s32 @p0 $0x12000  }
0xe0: {  	[tilespmem:s29], [sflag:$0x4] =	stream.indirect_vreg.gather @p0 [hbm4b:s3+s28], $0x80, v7, vm1, $0xb8;
	[tilespmem:$0x16000] =	vst v63  }
0xe1: {  	s29 =	simm.s32 @p0 $0x12800  }
0xe2: {  	[tilespmem:s29], [sflag:$0x4] =	stream.indirect_vreg.gather @p0 [hbm4b:s3+s28], $0x80, v3, vm1, $0xb8;
	[tilespmem:$0x16000] =	vst v63  }
0xe3: {  	v3 =	vld @p0 [tilespmem:$0x1A0];
	_ =	sdelay $0x4  }
0xe4: {  	v7 =	vshll.u32 @p0 v3, $0x1  }
0xe5: {  	v3 =	vand.u32 @p0 $0x7, v3;
	v7 =	vand.u32 @p0 $0xFFFFFFF0, v7  }
0xe6: {  	v3 =	vor.u32 @p0 v3, v7  }
0xe7: {  	v7 =	vperm.xlane @p0 v3, v4;
	_ =	sdelay $0x1  }
0xe8: {  	v3 =	vperm.xlane @p0 v3, v5;
	v7 =	vadd.s32 @p0 v6, v7;
	_ =	sdelay $0x1  }
0xe9: {  	v3 =	vadd.s32 @p0 v6, v3;
	_ =	sdelay $0x1  }
0xea: {  	s29 =	simm.s32 @p0 $0x13000  }
0xeb: {  	[tilespmem:s29], [sflag:$0x4] =	stream.indirect_vreg.gather @p0 [hbm4b:s3+s28], $0x80, v7, vm1, $0xb8;
	[tilespmem:$0x16000] =	vst v63  }
0xec: {  	s29 =	simm.s32 @p0 $0x13800  }
0xed: {  	[tilespmem:s29], [sflag:$0x4] =	stream.indirect_vreg.gather @p0 [hbm4b:s3+s28], $0x80, v3, vm1, $0xb8;
	[tilespmem:$0x16000] =	vst v63  }
0xee: {  	v3 =	vld @p0 [tilespmem:$0x1B0];
	_ =	sdelay $0x4  }
0xef: {  	v7 =	vshll.u32 @p0 v3, $0x1  }
0xf0: {  	v3 =	vand.u32 @p0 $0x7, v3;
	v7 =	vand.u32 @p0 $0xFFFFFFF0, v7  }
0xf1: {  	v3 =	vor.u32 @p0 v3, v7  }
0xf2: {  	v4 =	vperm.xlane @p0 v3, v4;
	_ =	sdelay $0x1  }
0xf3: {  	v3 =	vperm.xlane @p0 v3, v5;
	v4 =	vadd.s32 @p0 v6, v4;
	_ =	sdelay $0x1  }
0xf4: {  	v3 =	vadd.s32 @p0 v6, v3;
	_ =	sdelay $0x1  }
0xf5: {  	s29 =	simm.s32 @p0 $0x14000  }
0xf6: {  	[tilespmem:s29], [sflag:$0x4] =	stream.indirect_vreg.gather @p0 [hbm4b:s3+s28], $0x80, v4, vm1, $0xb8;
	[tilespmem:$0x16000] =	vst v63  }
0xf7: {  	s29 =	simm.s32 @p0 $0x14800  }
0xf8: {  	[tilespmem:s29], [sflag:$0x4] =	stream.indirect_vreg.gather @p0 [hbm4b:s3+s28], $0x80, v3, vm1, $0xb8;
	[tilespmem:$0x16000] =	vst v63  }
0xf9: {  	s28 =	simm.s32 @!p0 $0x8  }
0xfa: {  	_ =	swait.ge @!p0 [sflag:s28], $0x5000  }
0xfb: {  	[sflag:s28] =	ssyncset.done @!p0 $0x0  }
0xfc: {  	[sflag:s28] =	ssyncadd.s32 @!p0 $0xFFFFB000  }
0xfd: {  	v3 =	vld @!p0 [tilespmem:s24+$0xFFFFFFE0];
	_ =	sdelay $0x4  }
0xfe: {  	v4 =	vshll.u32 @!p0 v3, $0x1  }
0xff: {  	v5 =	vlaneseq.u32 @!p0;
	v3 =	vand.u32 @!p0 $0x7, v3;
	v4 =	vand.u32 @!p0 $0xFFFFFFF0, v4  }
0x100: {  	v6 =	vshrl.u32 @!p0 v5, $0x3;
	v3 =	vor.u32 @!p0 v3, v4;
	v4 =	vand.u32 @!p0 $0x7, v5  }
0x101: {  	v6 =	vmul.u32 @!p0 $0x8, v6;
	v7 =	vperm.xlane @!p0 v3, v4  }
0x102: {  	v5 =	vor.u32 @!p0 $0x8, v5  }
0x103: {  	v3 =	vperm.xlane @!p0 v3, v5;
	v7 =	vadd.s32 @!p0 v6, v7;
	_ =	sdelay $0x1  }
0x104: {  	v3 =	vadd.s32 @!p0 v6, v3;
	_ =	sdelay $0x1  }
0x105: {  	vm1 =	vmmov @!p0 $0xffff;
	s29 =	simm.s32 @!p0 $0x11000;
	s28 =	simm.s32 @!p0 $0x0  }
0x106: {  	[tilespmem:s29], [sflag:$0x4] =	stream.indirect_vreg.gather @!p0 [hbm4b:s3+s28], $0x80, v7, vm1, $0xb8;
	[tilespmem:$0x16000] =	vst v63  }
0x107: {  	s29 =	simm.s32 @!p0 $0x11800  }
0x108: {  	[tilespmem:s29], [sflag:$0x4] =	stream.indirect_vreg.gather @!p0 [hbm4b:s3+s28], $0x80, v3, vm1, $0xb8;
	[tilespmem:$0x16000] =	vst v63  }
0x109: {  	v3 =	vld @!p0 [tilespmem:s24+$0xFFFFFFF0];
	_ =	sdelay $0x4  }
0x10a: {  	v7 =	vshll.u32 @!p0 v3, $0x1  }
0x10b: {  	v3 =	vand.u32 @!p0 $0x7, v3;
	v7 =	vand.u32 @!p0 $0xFFFFFFF0, v7  }
0x10c: {  	v3 =	vor.u32 @!p0 v3, v7  }
0x10d: {  	v7 =	vperm.xlane @!p0 v3, v4;
	_ =	sdelay $0x1  }
0x10e: {  	v3 =	vperm.xlane @!p0 v3, v5;
	v7 =	vadd.s32 @!p0 v6, v7;
	_ =	sdelay $0x1  }
0x10f: {  	v3 =	vadd.s32 @!p0 v6, v3;
	_ =	sdelay $0x1  }
0x110: {  	s29 =	simm.s32 @!p0 $0x12000  }
0x111: {  	[tilespmem:s29], [sflag:$0x4] =	stream.indirect_vreg.gather @!p0 [hbm4b:s3+s28], $0x80, v7, vm1, $0xb8;
	[tilespmem:$0x16000] =	vst v63  }
0x112: {  	s29 =	simm.s32 @!p0 $0x12800  }
0x113: {  	[tilespmem:s29], [sflag:$0x4] =	stream.indirect_vreg.gather @!p0 [hbm4b:s3+s28], $0x80, v3, vm1, $0xb8;
	[tilespmem:$0x16000] =	vst v63  }
0x114: {  	v3 =	vld @!p0 [tilespmem:s24+$0x0];
	_ =	sdelay $0x4  }
0x115: {  	v7 =	vshll.u32 @!p0 v3, $0x1  }
0x116: {  	v3 =	vand.u32 @!p0 $0x7, v3;
	v7 =	vand.u32 @!p0 $0xFFFFFFF0, v7  }
0x117: {  	v3 =	vor.u32 @!p0 v3, v7  }
0x118: {  	v7 =	vperm.xlane @!p0 v3, v4;
	_ =	sdelay $0x1  }
0x119: {  	v3 =	vperm.xlane @!p0 v3, v5;
	v7 =	vadd.s32 @!p0 v6, v7;
	_ =	sdelay $0x1  }
0x11a: {  	v3 =	vadd.s32 @!p0 v6, v3;
	_ =	sdelay $0x1  }
0x11b: {  	s29 =	simm.s32 @!p0 $0x13000  }
0x11c: {  	[tilespmem:s29], [sflag:$0x4] =	stream.indirect_vreg.gather @!p0 [hbm4b:s3+s28], $0x80, v7, vm1, $0xb8;
	[tilespmem:$0x16000] =	vst v63  }
0x11d: {  	s29 =	simm.s32 @!p0 $0x13800  }
0x11e: {  	[tilespmem:s29], [sflag:$0x4] =	stream.indirect_vreg.gather @!p0 [hbm4b:s3+s28], $0x80, v3, vm1, $0xb8;
	[tilespmem:$0x16000] =	vst v63  }
0x11f: {  	v3 =	vld @!p0 [tilespmem:s24+$0x10];
	_ =	sdelay $0x4  }
0x120: {  	v7 =	vshll.u32 @!p0 v3, $0x1  }
0x121: {  	v3 =	vand.u32 @!p0 $0x7, v3;
	v7 =	vand.u32 @!p0 $0xFFFFFFF0, v7  }
0x122: {  	v3 =	vor.u32 @!p0 v3, v7  }
0x123: {  	v4 =	vperm.xlane @!p0 v3, v4;
	_ =	sdelay $0x1  }
0x124: {  	v3 =	vperm.xlane @!p0 v3, v5;
	v4 =	vadd.s32 @!p0 v6, v4;
	_ =	sdelay $0x1  }
0x125: {  	v3 =	vadd.s32 @!p0 v6, v3;
	_ =	sdelay $0x1  }
0x126: {  	s29 =	simm.s32 @!p0 $0x14000  }
0x127: {  	[tilespmem:s29], [sflag:$0x4] =	stream.indirect_vreg.gather @!p0 [hbm4b:s3+s28], $0x80, v4, vm1, $0xb8;
	[tilespmem:$0x16000] =	vst v63  }
0x128: {  	s29 =	simm.s32 @!p0 $0x14800  }
0x129: {  	[tilespmem:s29], [sflag:$0x4] =	stream.indirect_vreg.gather @!p0 [hbm4b:s3+s28], $0x80, v3, vm1, $0xb8;
	[tilespmem:$0x16000] =	vst v63  }
0x12a: {  	s28 =	sadd.s32 @!p0 $0x20, s24  }
0x12b: {  	s28 =	simm.s32 @p0 $0x1C0  }
0x12c: {  	v3 =	vld [tilespmem:s28+$0x0];
	_ =	sdelay $0x4  }
0x12d: {  	v63 =	vshll.u32 v3, $0x1  }
0x12e: {  	v3 =	vand.u32 $0x7, v3;
	v4 =	vand.u32 $0xFFFFFFF0, v63  }
0x12f: {  	v3 =	vor.u32 v3, v4  }
0x130: {  	v4 =	vperm.xlane v3, v0;
	_ =	sdelay $0x1  }
0x131: {  	v3 =	vperm.xlane v3, v2;
	v4 =	vadd.s32 v1, v4;
	_ =	sdelay $0x1  }
0x132: {  	v3 =	vadd.s32 v1, v3;
	_ =	sdelay $0x2  }
0x133: {  	[tilespmem:s14], [sflag:$0x4] =	stream.indirect_vreg.gather [hbm4b:s3+s2], $0x80, v4, vm0, $0xb8;
	[tilespmem:$0x16000] =	vst v63  }
0x134: {  	p0 =	seq.s32 s25, $0x25800  }
0x135: {  	[tilespmem:s15], [sflag:$0x4] =	stream.indirect_vreg.gather [hbm4b:s3+s2], $0x80, v3, vm0, $0xb8;
	[tilespmem:$0x16000] =	vst v63  }
.Ltmp2:
0x136: {  	_ = 	snop;
	(pc) =	sbr.rel @!p0 .LBB2_3-.Ltmp2, $4  }
0x137: {  	_ =	swait.ge [sflag:s16], $0x5000  }
0x138: {  	[sflag:s16] =	ssyncset.done $0x0  }
0x139: {  	s29 =	sadd.s32 $0xA00, s26;
	[sflag:s16] =	ssyncadd.s32 $0xFFFFB000  }
0x13a: {  	[hbm4b:s29+s2] =	stream.linear.scatter [tilespmem:s19], [sflag:$0x6], $0x5000, $0x38;
	[tilespmem:$0x16000] =	vst v63  }
.Ltmp3:
0x13b: {  	(pc) =	sbr.rel .LBB2_5-.Ltmp3, $4  }
0x13c: {  	_ =	swait.ge [sflag:s17], $0x5000  }
0x13d: {  	[sflag:s17] =	ssyncset.done $0x0  }
0x13e: {  	[sflag:s17] =	ssyncadd.s32 $0xFFFFB000  }
0x13f: {  	[hbm4b:s6+s2] =	stream.linear.scatter [tilespmem:s30], [sflag:$0x7], $0x5000, $0x38;
	[tilespmem:$0x16000] =	vst v63  }
.LBB2_3:
0x140: {  	_ =	swait.ge [sflag:s21], $0x5000  }
0x141: {  	[sflag:s21] =	ssyncset.done $0x0  }
0x142: {  	[sflag:s21] =	ssyncadd.s32 $0xFFFFB000  }
0x143: {  	v3 =	vld [tilespmem:s24+$0x60];
	_ =	sdelay $0x4  }
0x144: {  	v4 =	vshll.u32 v3, $0x1  }
0x145: {  	v3 =	vand.u32 $0x7, v3;
	v4 =	vand.u32 $0xFFFFFFF0, v4  }
0x146: {  	v3 =	vor.u32 v3, v4  }
0x147: {  	v4 =	vperm.xlane v3, v0;
	_ =	sdelay $0x1  }
0x148: {  	v3 =	vperm.xlane v3, v2;
	v4 =	vadd.s32 v1, v4;
	_ =	sdelay $0x1  }
0x149: {  	v3 =	vadd.s32 v1, v3;
	_ =	sdelay $0x2  }
0x14a: {  	[tilespmem:s9], [sflag:$0x1] =	stream.indirect_vreg.gather [hbm4b:s3+s2], $0x80, v4, vm0, $0xb8;
	[tilespmem:$0x16000] =	vst v63  }
0x14b: {  	s28 =	simm.s32 $0x2800  }
0x14c: {  	[tilespmem:s28], [sflag:$0x1] =	stream.indirect_vreg.gather [hbm4b:s3+s2], $0x80, v3, vm0, $0xb8;
	[tilespmem:$0x16000] =	vst v63  }
0x14d: {  	v3 =	vld [tilespmem:s24+$0x70];
	_ =	sdelay $0x4  }
0x14e: {  	v55 =	vshll.u32 v3, $0x1  }
0x14f: {  	v3 =	vand.u32 $0x7, v3;
	v4 =	vand.u32 $0xFFFFFFF0, v55  }
0x150: {  	v3 =	vor.u32 v3, v4  }
0x151: {  	v4 =	vperm.xlane v3, v0;
	_ =	sdelay $0x1  }
0x152: {  	v3 =	vperm.xlane v3, v2;
	v4 =	vadd.s32 v1, v4;
	_ =	sdelay $0x1  }
0x153: {  	v3 =	vadd.s32 v1, v3;
	_ =	sdelay $0x1  }
0x154: {  	s29 =	simm.s32 $0x3000  }
0x155: {  	[tilespmem:s29], [sflag:$0x1] =	stream.indirect_vreg.gather [hbm4b:s3+s2], $0x80, v4, vm0, $0xb8;
	[tilespmem:$0x16000] =	vst v63  }
0x156: {  	s29 =	simm.s32 $0x3800  }
0x157: {  	[tilespmem:s29], [sflag:$0x1] =	stream.indirect_vreg.gather [hbm4b:s3+s2], $0x80, v3, vm0, $0xb8;
	[tilespmem:$0x16000] =	vst v63  }
0x158: {  	v3 =	vld [tilespmem:s24+$0x80];
	_ =	sdelay $0x4  }
0x159: {  	v56 =	vshll.u32 v3, $0x1  }
0x15a: {  	v3 =	vand.u32 $0x7, v3;
	v4 =	vand.u32 $0xFFFFFFF0, v56  }
0x15b: {  	v3 =	vor.u32 v3, v4  }
0x15c: {  	v4 =	vperm.xlane v3, v0;
	_ =	sdelay $0x1  }
0x15d: {  	v3 =	vperm.xlane v3, v2;
	v4 =	vadd.s32 v1, v4;
	_ =	sdelay $0x1  }
0x15e: {  	v3 =	vadd.s32 v1, v3;
	_ =	sdelay $0x1  }
0x15f: {  	s29 =	simm.s32 $0x4000  }
0x160: {  	[tilespmem:s29], [sflag:$0x1] =	stream.indirect_vreg.gather [hbm4b:s3+s2], $0x80, v4, vm0, $0xb8;
	[tilespmem:$0x16000] =	vst v63  }
0x161: {  	s29 =	simm.s32 $0x4800  }
0x162: {  	[tilespmem:s29], [sflag:$0x1] =	stream.indirect_vreg.gather [hbm4b:s3+s2], $0x80, v3, vm0, $0xb8;
	[tilespmem:$0x16000] =	vst v63  }
0x163: {  	v3 =	vld [tilespmem:s24+$0x90];
	_ =	sdelay $0x4  }
0x164: {  	v57 =	vshll.u32 v3, $0x1  }
0x165: {  	v3 =	vand.u32 $0x7, v3;
	v4 =	vand.u32 $0xFFFFFFF0, v57  }
0x166: {  	v3 =	vor.u32 v3, v4  }
0x167: {  	v4 =	vperm.xlane v3, v0;
	_ =	sdelay $0x1  }
0x168: {  	v3 =	vperm.xlane v3, v2;
	v4 =	vadd.s32 v1, v4;
	_ =	sdelay $0x1  }
0x169: {  	v3 =	vadd.s32 v1, v3;
	_ =	sdelay $0x1  }
0x16a: {  	s29 =	simm.s32 $0x5000  }
0x16b: {  	[tilespmem:s29], [sflag:$0x1] =	stream.indirect_vreg.gather [hbm4b:s3+s2], $0x80, v4, vm0, $0xb8;
	[tilespmem:$0x16000] =	vst v63  }
0x16c: {  	s29 =	simm.s32 $0x5800  }
0x16d: {  	[tilespmem:s29], [sflag:$0x1] =	stream.indirect_vreg.gather [hbm4b:s3+s2], $0x80, v3, vm0, $0xb8;
	[tilespmem:$0x16000] =	vst v63  }
0x16e: {  	v3 =	vld [tilespmem:s24+$0xA0];
	_ =	sdelay $0x4  }
0x16f: {  	v58 =	vshll.u32 v3, $0x1  }
0x170: {  	v3 =	vand.u32 $0x7, v3;
	v4 =	vand.u32 $0xFFFFFFF0, v58  }
0x171: {  	v3 =	vor.u32 v3, v4  }
0x172: {  	v4 =	vperm.xlane v3, v0;
	_ =	sdelay $0x1  }
0x173: {  	v3 =	vperm.xlane v3, v2;
	v4 =	vadd.s32 v1, v4;
	_ =	sdelay $0x1  }
0x174: {  	v3 =	vadd.s32 v1, v3;
	_ =	sdelay $0x1  }
0x175: {  	s29 =	simm.s32 $0x6000  }
0x176: {  	[tilespmem:s29], [sflag:$0x1] =	stream.indirect_vreg.gather [hbm4b:s3+s2], $0x80, v4, vm0, $0xb8;
	[tilespmem:$0x16000] =	vst v63  }
0x177: {  	s29 =	simm.s32 $0x6800  }
0x178: {  	[tilespmem:s29], [sflag:$0x1] =	stream.indirect_vreg.gather [hbm4b:s3+s2], $0x80, v3, vm0, $0xb8;
	[tilespmem:$0x16000] =	vst v63  }
0x179: {  	_ =	swait.ge [sflag:s17], $0x5000  }
0x17a: {  	[sflag:s17] =	ssyncset.done $0x0  }
0x17b: {  	s29 =	sadd.s32 $0x1400, s26;
	[sflag:s17] =	ssyncadd.s32 $0xFFFFB000  }
0x17c: {  	[hbm4b:s29+s2] =	stream.linear.scatter [tilespmem:s30], [sflag:$0x7], $0x5000, $0x38;
	[tilespmem:$0x16000] =	vst v63  }
0x17d: {  	_ =	swait.ge [sflag:s22], $0x5000  }
0x17e: {  	[sflag:s22] =	ssyncset.done $0x0  }
0x17f: {  	[sflag:s22] =	ssyncadd.s32 $0xFFFFB000  }
0x180: {  	v3 =	vld [tilespmem:s24+$0xE0];
	_ =	sdelay $0x4  }
0x181: {  	v59 =	vshll.u32 v3, $0x1  }
0x182: {  	v3 =	vand.u32 $0x7, v3;
	v4 =	vand.u32 $0xFFFFFFF0, v59  }
0x183: {  	v3 =	vor.u32 v3, v4  }
0x184: {  	v4 =	vperm.xlane v3, v0;
	_ =	sdelay $0x1  }
0x185: {  	v3 =	vperm.xlane v3, v2;
	v4 =	vadd.s32 v1, v4;
	_ =	sdelay $0x1  }
0x186: {  	v3 =	vadd.s32 v1, v3;
	_ =	sdelay $0x2  }
0x187: {  	[tilespmem:s19], [sflag:$0x2] =	stream.indirect_vreg.gather [hbm4b:s3+s2], $0x80, v4, vm0, $0xb8;
	[tilespmem:$0x16000] =	vst v63  }
0x188: {  	s29 =	simm.s32 $0x7800  }
0x189: {  	[tilespmem:s29], [sflag:$0x2] =	stream.indirect_vreg.gather [hbm4b:s3+s2], $0x80, v3, vm0, $0xb8;
	[tilespmem:$0x16000] =	vst v63  }
0x18a: {  	v3 =	vld [tilespmem:s24+$0xF0];
	_ =	sdelay $0x4  }
0x18b: {  	v60 =	vshll.u32 v3, $0x1  }
0x18c: {  	v3 =	vand.u32 $0x7, v3;
	v4 =	vand.u32 $0xFFFFFFF0, v60  }
0x18d: {  	v3 =	vor.u32 v3, v4  }
0x18e: {  	v4 =	vperm.xlane v3, v0;
	_ =	sdelay $0x1  }
0x18f: {  	v3 =	vperm.xlane v3, v2;
	v4 =	vadd.s32 v1, v4;
	_ =	sdelay $0x1  }
0x190: {  	v3 =	vadd.s32 v1, v3;
	_ =	sdelay $0x1  }
0x191: {  	s29 =	simm.s32 $0x8000  }
0x192: {  	[tilespmem:s29], [sflag:$0x2] =	stream.indirect_vreg.gather [hbm4b:s3+s2], $0x80, v4, vm0, $0xb8;
	[tilespmem:$0x16000] =	vst v63  }
0x193: {  	s29 =	simm.s32 $0x8800  }
0x194: {  	[tilespmem:s29], [sflag:$0x2] =	stream.indirect_vreg.gather [hbm4b:s3+s2], $0x80, v3, vm0, $0xb8;
	[tilespmem:$0x16000] =	vst v63  }
0x195: {  	v3 =	vld [tilespmem:s24+$0x100];
	_ =	sdelay $0x4  }
0x196: {  	v61 =	vshll.u32 v3, $0x1  }
0x197: {  	v3 =	vand.u32 $0x7, v3;
	v4 =	vand.u32 $0xFFFFFFF0, v61  }
0x198: {  	v3 =	vor.u32 v3, v4  }
0x199: {  	v4 =	vperm.xlane v3, v0;
	_ =	sdelay $0x1  }
0x19a: {  	v3 =	vperm.xlane v3, v2;
	v4 =	vadd.s32 v1, v4;
	_ =	sdelay $0x1  }
0x19b: {  	v3 =	vadd.s32 v1, v3;
	_ =	sdelay $0x1  }
0x19c: {  	s29 =	simm.s32 $0x9000  }
0x19d: {  	[tilespmem:s29], [sflag:$0x2] =	stream.indirect_vreg.gather [hbm4b:s3+s2], $0x80, v4, vm0, $0xb8;
	[tilespmem:$0x16000] =	vst v63  }
0x19e: {  	s29 =	simm.s32 $0x9800  }
0x19f: {  	[tilespmem:s29], [sflag:$0x2] =	stream.indirect_vreg.gather [hbm4b:s3+s2], $0x80, v3, vm0, $0xb8;
	[tilespmem:$0x16000] =	vst v63  }
0x1a0: {  	v3 =	vld [tilespmem:s24+$0x110];
	_ =	sdelay $0x4  }
0x1a1: {  	v62 =	vshll.u32 v3, $0x1  }
0x1a2: {  	v3 =	vand.u32 $0x7, v3;
	v4 =	vand.u32 $0xFFFFFFF0, v62  }
0x1a3: {  	v3 =	vor.u32 v3, v4  }
0x1a4: {  	v4 =	vperm.xlane v3, v0;
	_ =	sdelay $0x1  }
0x1a5: {  	v3 =	vperm.xlane v3, v2;
	v4 =	vadd.s32 v1, v4;
	_ =	sdelay $0x1  }
0x1a6: {  	v3 =	vadd.s32 v1, v3;
	_ =	sdelay $0x1  }
0x1a7: {  	s29 =	simm.s32 $0xA000  }
0x1a8: {  	[tilespmem:s29], [sflag:$0x2] =	stream.indirect_vreg.gather [hbm4b:s3+s2], $0x80, v4, vm0, $0xb8;
	[tilespmem:$0x16000] =	vst v63  }
0x1a9: {  	s29 =	simm.s32 $0xA800  }
0x1aa: {  	[tilespmem:s29], [sflag:$0x2] =	stream.indirect_vreg.gather [hbm4b:s3+s2], $0x80, v3, vm0, $0xb8;
	[tilespmem:$0x16000] =	vst v63  }
0x1ab: {  	v3 =	vld [tilespmem:s24+$0x120];
	_ =	sdelay $0x4  }
0x1ac: {  	v63 =	vshll.u32 v3, $0x1  }
0x1ad: {  	v3 =	vand.u32 $0x7, v3;
	v4 =	vand.u32 $0xFFFFFFF0, v63  }
0x1ae: {  	v3 =	vor.u32 v3, v4  }
0x1af: {  	v4 =	vperm.xlane v3, v0;
	_ =	sdelay $0x1  }
0x1b0: {  	v3 =	vperm.xlane v3, v2;
	v4 =	vadd.s32 v1, v4;
	_ =	sdelay $0x1  }
0x1b1: {  	v3 =	vadd.s32 v1, v3;
	_ =	sdelay $0x1  }
0x1b2: {  	s29 =	simm.s32 $0xB000  }
0x1b3: {  	[tilespmem:s29], [sflag:$0x2] =	stream.indirect_vreg.gather [hbm4b:s3+s2], $0x80, v4, vm0, $0xb8;
	[tilespmem:$0x16000] =	vst v63  }
0x1b4: {  	s29 =	simm.s32 $0xB800  }
0x1b5: {  	[tilespmem:s29], [sflag:$0x2] =	stream.indirect_vreg.gather [hbm4b:s3+s2], $0x80, v3, vm0, $0xb8;
	[tilespmem:$0x16000] =	vst v63  }
.LBB2_5:
.Ltmp4:
0x1b6: {  	(pc) =	sbr.rel @p0 .LBB2_7-.Ltmp4, $4  }
0x1b7: {  	_ =	swait.ge [sflag:s18], $0x5000  }
0x1b8: {  	[sflag:s18] =	ssyncset.done $0x0  }
0x1b9: {  	s26 =	sadd.s32 $0x1E00, s26;
	[sflag:s18] =	ssyncadd.s32 $0xFFFFB000  }
0x1ba: {  	[hbm4b:s26+s2] =	stream.linear.scatter [tilespmem:s20], [sflag:$0x8], $0x5000, $0x38;
	[tilespmem:$0x16000] =	vst v63  }
0x1bb: {  	_ =	swait.ge [sflag:s23], $0x5000  }
0x1bc: {  	[sflag:s23] =	ssyncset.done $0x0  }
0x1bd: {  	[sflag:s23] =	ssyncadd.s32 $0xFFFFB000  }
0x1be: {  	v3 =	vld [tilespmem:s24+$0x160];
	_ =	sdelay $0x4  }
0x1bf: {  	v4 =	vshll.u32 v3, $0x1  }
0x1c0: {  	v3 =	vand.u32 $0x7, v3;
	v4 =	vand.u32 $0xFFFFFFF0, v4  }
0x1c1: {  	v3 =	vor.u32 v3, v4  }
0x1c2: {  	v4 =	vperm.xlane v3, v0;
	_ =	sdelay $0x1  }
0x1c3: {  	v3 =	vperm.xlane v3, v2;
	v4 =	vadd.s32 v1, v4;
	_ =	sdelay $0x1  }
0x1c4: {  	v3 =	vadd.s32 v1, v3;
	_ =	sdelay $0x2  }
0x1c5: {  	[tilespmem:s30], [sflag:$0x3] =	stream.indirect_vreg.gather [hbm4b:s3+s2], $0x80, v4, vm0, $0xb8;
	[tilespmem:$0x16000] =	vst v63  }
0x1c6: {  	_ = 	snop  }
0x1c7: {  	[tilespmem:s31], [sflag:$0x3] =	stream.indirect_vreg.gather [hbm4b:s3+s2], $0x80, v3, vm0, $0xb8;
	[tilespmem:$0x16000] =	vst v63  }
0x1c8: {  	v3 =	vld [tilespmem:s24+$0x170];
	_ =	sdelay $0x4  }
0x1c9: {  	v60 =	vshll.u32 v3, $0x1  }
0x1ca: {  	v3 =	vand.u32 $0x7, v3;
	v4 =	vand.u32 $0xFFFFFFF0, v60  }
0x1cb: {  	v3 =	vor.u32 v3, v4  }
0x1cc: {  	v4 =	vperm.xlane v3, v0;
	_ =	sdelay $0x1  }
0x1cd: {  	v3 =	vperm.xlane v3, v2;
	v4 =	vadd.s32 v1, v4;
	_ =	sdelay $0x1  }
0x1ce: {  	v3 =	vadd.s32 v1, v3;
	_ =	sdelay $0x2  }
0x1cf: {  	[tilespmem:s0], [sflag:$0x3] =	stream.indirect_vreg.gather [hbm4b:s3+s2], $0x80, v4, vm0, $0xb8;
	[tilespmem:$0x16000] =	vst v63  }
0x1d0: {  	_ = 	snop  }
0x1d1: {  	[tilespmem:s1], [sflag:$0x3] =	stream.indirect_vreg.gather [hbm4b:s3+s2], $0x80, v3, vm0, $0xb8;
	[tilespmem:$0x16000] =	vst v63  }
0x1d2: {  	v3 =	vld [tilespmem:s24+$0x180];
	_ =	sdelay $0x4  }
0x1d3: {  	v61 =	vshll.u32 v3, $0x1  }
0x1d4: {  	v3 =	vand.u32 $0x7, v3;
	v4 =	vand.u32 $0xFFFFFFF0, v61  }
0x1d5: {  	v3 =	vor.u32 v3, v4  }
0x1d6: {  	v4 =	vperm.xlane v3, v0;
	_ =	sdelay $0x1  }
0x1d7: {  	v3 =	vperm.xlane v3, v2;
	v4 =	vadd.s32 v1, v4;
	_ =	sdelay $0x1  }
0x1d8: {  	v3 =	vadd.s32 v1, v3;
	_ =	sdelay $0x2  }
0x1d9: {  	[tilespmem:s4], [sflag:$0x3] =	stream.indirect_vreg.gather [hbm4b:s3+s2], $0x80, v4, vm0, $0xb8;
	[tilespmem:$0x16000] =	vst v63  }
0x1da: {  	_ = 	snop  }
0x1db: {  	[tilespmem:s5], [sflag:$0x3] =	stream.indirect_vreg.gather [hbm4b:s3+s2], $0x80, v3, vm0, $0xb8;
	[tilespmem:$0x16000] =	vst v63  }
0x1dc: {  	v3 =	vld [tilespmem:s24+$0x190];
	_ =	sdelay $0x4  }
0x1dd: {  	v62 =	vshll.u32 v3, $0x1  }
0x1de: {  	v3 =	vand.u32 $0x7, v3;
	v4 =	vand.u32 $0xFFFFFFF0, v62  }
0x1df: {  	v3 =	vor.u32 v3, v4  }
0x1e0: {  	v4 =	vperm.xlane v3, v0;
	_ =	sdelay $0x1  }
0x1e1: {  	v3 =	vperm.xlane v3, v2;
	v4 =	vadd.s32 v1, v4;
	_ =	sdelay $0x1  }
0x1e2: {  	v3 =	vadd.s32 v1, v3;
	_ =	sdelay $0x2  }
0x1e3: {  	[tilespmem:s8], [sflag:$0x3] =	stream.indirect_vreg.gather [hbm4b:s3+s2], $0x80, v4, vm0, $0xb8;
	[tilespmem:$0x16000] =	vst v63  }
0x1e4: {  	_ = 	snop  }
0x1e5: {  	[tilespmem:s10], [sflag:$0x3] =	stream.indirect_vreg.gather [hbm4b:s3+s2], $0x80, v3, vm0, $0xb8;
	[tilespmem:$0x16000] =	vst v63  }
0x1e6: {  	v3 =	vld [tilespmem:s24+$0x1A0];
	_ =	sdelay $0x4  }
0x1e7: {  	v63 =	vshll.u32 v3, $0x1  }
0x1e8: {  	v3 =	vand.u32 $0x7, v3;
	v4 =	vand.u32 $0xFFFFFFF0, v63  }
0x1e9: {  	v3 =	vor.u32 v3, v4  }
0x1ea: {  	v4 =	vperm.xlane v3, v0;
	_ =	sdelay $0x1  }
0x1eb: {  	v3 =	vperm.xlane v3, v2;
	v4 =	vadd.s32 v1, v4;
	_ =	sdelay $0x1  }
0x1ec: {  	v3 =	vadd.s32 v1, v3  }
.Ltmp5:
0x1ed: {  	_ = 	snop;
	(pc) =	sbr.rel .LBB2_2-.Ltmp5, $4  }
0x1ee: {  	_ = 	snop  }
0x1ef: {  	[tilespmem:s11], [sflag:$0x3] =	stream.indirect_vreg.gather [hbm4b:s3+s2], $0x80, v4, vm0, $0xb8;
	[tilespmem:$0x16000] =	vst v63  }
0x1f0: {  	s25 =	sadd.s32 $0x2800, s25;
	s24 =	sadd.s32 $0x200, s24  }
0x1f1: {  	[tilespmem:s12], [sflag:$0x3] =	stream.indirect_vreg.gather [hbm4b:s3+s2], $0x80, v3, vm0, $0xb8;
	[tilespmem:$0x16000] =	vst v63  }
.LBB2_8:
0x1f2: {  	_ =	sfence.sel $0x180000  }
0x1f3: {  	[bflag:$0x0] =	sbarrier.arrive $0xFFFF  }
0x1f4: {  	_ =	strace $0x9000004A  }
0x1f5: {  	s0 =	stileid.u32;
	[bflag:$0x2] =	sbarrier.arrive $0xFFFF  }
0x1f6: {  	p0 =	sne.s32 s0, $0x0;
	s0 =	rddreg [dreg:$0x1]  }
0x1f7: {  	s0 =	sadd.s32 @!p0 $0x100000, s0  }
0x1f8: {  	[sflag:s0] =	ssyncadd.tile.s32 @!p0 $0x1;
	_ =	shalt  }
.Lfunc_end2:
_tile_overlayer_lowered:
.L_overlay_start_2:
0x1f9: {  	(tag) =	ssettag $0x2  }
0x1fa: {  	s0 =	rddreg [dreg:$0x0];
	s2 =	stileid.u32  }
0x1fb: {  	s1 =	rddreg [dreg:$0x1];
	p0 =	sne.s32 s2, $0x0  }
0x1fc: {  	s3 =	rddreg [dreg:$0x2];
	[bflag:$0x3] =	sbarrier.arrive $0xFFFF;
	s2 =	simm.s32 @!p0 $0x1C09  }
0x1fd: {  	[timem:s3], [sflag:s2] =	dma.local @!p0 [hbm:s0], s1  }
0x1fe: {  	s0 =	simm.s32 @!p0 $0x9  }
0x1ff: {  	_ =	swait.ge @!p0 [sflag:s0], s1  }
0x200: {  	s1 =	ssub.s32 @!p0 $0x0, s1;
	[sflag:s0] =	ssyncset.done @!p0 $0x0  }
0x201: {  	[sflag:s0] =	ssyncadd.s32 @!p0 s1  }
0x202: {  	[bflag:$0x3] =	sbarrier.arrive $0xFFFF  }
0x203: {  	_ =	shalt  }

// kernel: kernel.20.cloned.1.call-start
scs
__scs_entry_jumppad:
0x0: {  	(pc) =	sbr.rel $0x88, $3  }
0x1: {  	(tag) =	ssettag $0x0;
	lr =	simm.s32 $0x1  }
0x2: {  	[smem:$0x3F8C] =	sst lr;
	_ =	strace $0xD0000000  }
0x3: {  	_ = 	snop  }
0x4: {  	_ = 	snop  }
0x5: {  	_ = 	snop  }
0x6: {  	_ = 	snop  }
0x7: {  	_ = 	snop  }
__scs_overlays_trampoline_lowered:
0x8: {  	[smem:$0x3F9B] =	sst s0  }
0x9: {  	[smem:$0x3F9C] =	sst s1  }
0xa: {  	[smem:$0x3F9D] =	sst s2  }
0xb: {  	[smem:$0x3F9E] =	sst s3  }
0xc: {  	[smem:$0x3F9F] =	sst s4  }
0xd: {  	[smem:$0x3FA0] =	sst s5  }
0xe: {  	[smem:$0x3FA1] =	sst s6  }
0xf: {  	[smem:$0x3FA2] =	sst s7  }
0x10: {  	[smem:$0x3FA3] =	sst s8  }
0x11: {  	[smem:$0x3FA4] =	sst s9;
	s0 =	simm.s32 @!p0 $0x0  }
0x12: {  	s1 =	sld [smem:$0x3F8A];
	s0 =	simm.s32 @p0 $0x1  }
0x13: {  	[smem:$0x3FA5] =	sst s0;
	s0 =	simm.s32 @!p1 $0x0  }
0x14: {  	s2 =	sld [smem:$0x3F89];
	s0 =	simm.s32 @p1 $0x1  }
0x15: {  	[smem:$0x3FA6] =	sst s0;
	s0 =	simm.s32 @!p2 $0x0  }
0x16: {  	s3 =	sld [smem:$0x3FDB];
	s0 =	simm.s32 @p2 $0x1  }
0x17: {  	s4 =	simm.s32 $0x1BF5;
	[smem:$0x3FA8] =	sst s0  }
0x18: {  	s0 =	sld [smem:$0x3F8B];
	_ =	swait.ge [sflag:s4], $0x0  }
0x19: {  	s7 =	sld [smem:$0x3F8C]  }
0x1a: {  	s8 =	sadd.s32 $0xFFFFE003, lr  }
0x1b: {  	s9 =	sadd.s32 $0xFFFFFEF7, lr;
	s5 =	simm.s32 $0xFFFFFFFF;
	p2 =	slt.u32 s8, $0xFFFFF086  }
0x1c: {  	p1 =	slt.u32 s9, $0xF7A;
	s5 =	simm.s32 @!p2 $0x0  }
0x1d: {  	s5 =	simm.s32 @p1 $0x1;
	p0 =	seq.s32 s7, s2  }
0x1e: {  	s7 =	smul.u32 @!p0 $0xF7A, s2;
	p2 =	seq.s32 @!p0 s5, $0x0  }
0x1f: {  	s9 =	smul.u32 $0xF7A, s1;
	s8 =	simm.s32 @!p0 $0x1BF5;
	p2 =	por !p2, p0  }
0x20: {  	[sflag:s8] =	ssyncset.s32 @!p0 $0xFFFFF086;
	s6 =	sadd.s32 @!p0 s3, s7;
	s7 =	simm.s32 @!p0 $0x108  }
0x21: {  	s3 =	sadd.s32 s3, s9;
	s6 =	sadd.s32 @!p0 $0x88, s6;
	s7 =	simm.s32 @p2 $0x1082  }
0x22: {  	[simem:s7], [sflag:s8] =	dma.local @!p0 [hbm:s6], $0xF7A  }
0x23: {  	s9 =	sor.u32 $0xD0000000, s2;
	s6 =	simm.s32 $0x108;
	_ =	swait.ge @!p0 [sflag:s8], $0x0  }
0x24: {  	s3 =	sadd.s32 $0x88, s3;
	s6 =	simm.s32 @!p1 $0x1082;
	[sflag:s4] =	ssyncset.s32 $0xFFFFF086  }
0x25: {  	[simem:s6], [sflag:s4] =	dma.local [hbm:s3], $0xF7A  }
0x26: {  	[smem:$0x3F8C] =	sst s1;
	(tag) =	ssettag s2;
	_ =	strace s9  }
0x27: {  	s1 =	sld [smem:$0x3F9C]  }
0x28: {  	s2 =	sld [smem:$0x3F9D]  }
0x29: {  	s4 =	sld [smem:$0x3F9F]  }
0x2a: {  	p0 =	seq.s32 s5, $0x0;
	s5 =	sld [smem:$0x3FA0]  }
0x2b: {  	s6 =	sld [smem:$0x3FA1]  }
0x2c: {  	s7 =	sld [smem:$0x3FA2]  }
0x2d: {  	s3 =	simm.s32 $0x108;
	s8 =	sld [smem:$0x3FA3]  }
0x2e: {  	s3 =	simm.s32 @!p0 $0x1082;
	s9 =	sld [smem:$0x3FA4]  }
0x2f: {  	lr =	sadd.s32 s0, s3;
	s0 =	sld [smem:$0x3F9B]  }
0x30: {  	s3 =	sld [smem:$0x3F9E]  }
0x31: {  	[smem:$0x3FA7] =	sst s10  }
0x32: {  	s10 =	sld [smem:$0x3FA5];
	_ =	sdelay $0x3  }
0x33: {  	p0 =	seq.s32 s10, $0x1;
	s10 =	sld [smem:$0x3FA7];
	_ =	sdelay $0x3  }
0x34: {  	[smem:$0x3FA7] =	sst s10  }
0x35: {  	s10 =	sld [smem:$0x3FA6];
	_ =	sdelay $0x3  }
0x36: {  	p1 =	seq.s32 s10, $0x1;
	s10 =	sld [smem:$0x3FA7];
	_ =	sdelay $0x3  }
0x37: {  	[smem:$0x3FA7] =	sst s10  }
0x38: {  	s10 =	sld [smem:$0x3FA8]  }
0x39: {  	_ = 	snop;
	(pc) =	sbr.ind lr, $3  }
0x3a: {  	_ = 	snop  }
0x3b: {  	_ = 	snop  }
0x3c: {  	p2 =	seq.s32 s10, $0x1;
	s10 =	sld [smem:$0x3FA7]  }
0x3d: {  	_ =	shalt  }
0x3e: {  	_ =	shalt  }
0x3f: {  	_ =	shalt  }
0x40: {  	_ =	shalt  }
0x41: {  	_ =	shalt  }
0x42: {  	_ =	shalt  }
0x43: {  	_ =	shalt  }
0x44: {  	_ =	shalt  }
0x45: {  	_ =	shalt  }
0x46: {  	_ =	shalt  }
0x47: {  	_ =	shalt  }
0x48: {  	_ =	shalt  }
0x49: {  	_ =	shalt  }
0x4a: {  	_ =	shalt  }
0x4b: {  	_ =	shalt  }
0x4c: {  	_ =	shalt  }
0x4d: {  	_ =	shalt  }
0x4e: {  	_ =	shalt  }
0x4f: {  	_ =	shalt  }
0x50: {  	_ =	shalt  }
0x51: {  	_ =	shalt  }
0x52: {  	_ =	shalt  }
0x53: {  	_ =	shalt  }
0x54: {  	_ =	shalt  }
0x55: {  	_ =	shalt  }
0x56: {  	_ =	shalt  }
0x57: {  	_ =	shalt  }
0x58: {  	_ =	shalt  }
0x59: {  	_ =	shalt  }
0x5a: {  	_ =	shalt  }
0x5b: {  	_ =	shalt  }
0x5c: {  	_ =	shalt  }
0x5d: {  	_ =	shalt  }
0x5e: {  	_ =	shalt  }
0x5f: {  	_ =	shalt  }
0x60: {  	_ =	shalt  }
0x61: {  	_ =	shalt  }
0x62: {  	_ =	shalt  }
0x63: {  	_ =	shalt  }
0x64: {  	_ =	shalt  }
0x65: {  	_ =	shalt  }
0x66: {  	_ =	shalt  }
0x67: {  	_ =	shalt  }
0x68: {  	_ =	shalt  }
0x69: {  	_ =	shalt  }
0x6a: {  	_ =	shalt  }
0x6b: {  	_ =	shalt  }
0x6c: {  	_ =	shalt  }
0x6d: {  	_ =	shalt  }
0x6e: {  	_ =	shalt  }
0x6f: {  	_ =	shalt  }
0x70: {  	_ =	shalt  }
0x71: {  	_ =	shalt  }
0x72: {  	_ =	shalt  }
0x73: {  	_ =	shalt  }
0x74: {  	_ =	shalt  }
0x75: {  	_ =	shalt  }
0x76: {  	_ =	shalt  }
0x77: {  	_ =	shalt  }
0x78: {  	_ =	shalt  }
0x79: {  	_ =	shalt  }
0x7a: {  	_ =	shalt  }
0x7b: {  	_ =	shalt  }
0x7c: {  	_ =	shalt  }
0x7d: {  	_ =	shalt  }
0x7e: {  	_ =	shalt  }
0x7f: {  	_ =	shalt  }
0x80: {  	_ =	shalt  }
0x81: {  	_ =	shalt  }
0x82: {  	_ =	shalt  }
0x83: {  	_ =	shalt  }
0x84: {  	_ =	shalt  }
0x85: {  	_ =	shalt  }
0x86: {  	_ =	shalt  }
0x87: {  	_ =	shalt  }
.Lfunc_end0:
.L_simem_size_0:
called_computation.2_lowered:
.L_overlay_start_0:
0x88: {  	s2 =	sld [smem:$0x3FD9]  }
0x89: {  	s3 =	sld [smem:$0x3FFE];
	_ =	sdelay $0x1  }
0x8a: {  	s1 =	srdreg.scid  }
0x8b: {  	s0 =	sand.u32 $0x1, s1  }
0x8c: {  	s16 =	sshll.u32 s0, $0xA;
	s2 =	sadd.s32 s3, s2  }
0x8d: {  	s2 =	sadd.s32 s2, s16  }
0x8e: {  	[smem:$0x3FB3] =	sst s2  }
0x8f: {  	_ = 	snop  }
0x90: {  	(tm) =	ssettm $0x1  }
0x91: {  	s17 =	sld [smem:$0x3FFB];
	_ =	sdelay $0x3  }
0x92: {  	_ =	strace s17  }
0x93: {  	s2 =	sld [smem:$0x3FFC];
	_ =	sdelay $0x3  }
0x94: {  	_ =	strace s2  }
0x95: {  	s2 =	sld [smem:$0x3FFD];
	_ =	sdelay $0x3  }
0x96: {  	_ =	strace s2  }
0x97: {  	_ =	strace $0x8FFFFFFF  }
0x98: {  	s18 =	sld [smem:$0x3FDB];
	_ =	sdelay $0x1  }
0x99: {  	s19 =	simm.s32 $_scs_section_size  }
0x9a: {  	s4 =	simm.s32 $_size__tile_overlayer_lowered;
	s5 =	simm.s32 $_tile_overlayer_lowered  }
0x9b: {  	s22 =	simm.s32 $0x1BFF;
	s21 =	sshll.u32 s5, $0x1;
	s2 =	sadd.s32 s19, s18  }
0x9c: {  	s6 =	simm.s32 $0x0;
	s20 =	sshll.u32 s4, $0x1;
	s4 =	sadd.s32 s21, s2  }
0x9d: {  	[timem:s6], [sflag:s22] =	dma.local [hbm:s4], s20  }
0x9e: {  	_ =	swait.ge [sflag:s22], s20  }
0x9f: {  	s3 =	ssub.s32 $0x0, s20;
	[sflag:s22] =	ssyncset.done $0x0  }
0xa0: {  	[sflag:s22] =	ssyncadd.s32 s3;
	_ =	sdelay $0x1  }
0xa1: {  	s23 =	simm.s32 $0x1B8B  }
0xa2: {  	_ =	swait.ge [sflag:s23], $0x1  }
0xa3: {  	[sflag:s23] =	ssyncset.done $0x0  }
0xa4: {  	s25 =	simm.s32 $0x1B8E;
	s24 =	sld [smem:$0x3FFE];
	[sflag:s23] =	ssyncadd.s32 $0xFFFFFFFF  }
0xa5: {  	s26 =	simm.s32 $execute0_lowered;
	[smem:$0x3FD2] =	sst s25  }
0xa6: {  	s4 =	sshll.u32 s26, $0x1;
	_ =	strace $0x8000004C;
	[dreg:$0x1] =	wrdreg $0xFFFFFFFF  }
0xa7: {  	s28 =	simm.s32 $_size_execute0_lowered;
	s2 =	sadd.s32 s2, s4;
	[dreg:$0x0] =	wrdreg $0x0  }
0xa8: {  	s4 =	sshll.u32 s28, $0x1;
	[dreg:$0x2] =	wrdreg s2  }
0xa9: {  	[dreg:$0x3] =	wrdreg s4  }
0xaa: {  	[dreg:$0x4] =	wrdreg $0xC0  }
0xab: {  	_ =	task [dreg:s6], $0x5FFFF  }
0xac: {  	[dreg:$0x1] =	wrdreg $0xFFFFFFFF  }
0xad: {  	[dreg:$0x0] =	wrdreg $0x60  }
0xae: {  	[dreg:$0x2] =	wrdreg s24  }
0xaf: {  	[dreg:$0x3] =	wrdreg $0x9  }
0xb0: {  	_ =	task.clear_ibuf [dreg:s6], $0x4FFFF;
	_ =	strace $0x9000004C  }
0xb1: {  	s29 =	simm.s32 $0x9;
	_ =	strace $0x8000004E  }
0xb2: {  	_ =	swait.ge [sflag:s29], $0x1  }
0xb3: {  	[sflag:s29] =	ssyncadd.s32 $0xFFFFFFFF  }
0xb4: {  	_ =	strace $0x9000004E  }
0xb5: {  	_ =	sfence  }
0xb6: {  	s30 =	sld [smem:$0x0];
	_ =	sdelay $0x2  }
0xb7: {  	s31 =	sshll.u32 s1, $0xD;
	s1 =	sshrl.u32 s1, $0x2  }
0xb8: {  	s3 =	sand.u32 $0x4000, s31;
	s1 =	sadd.s32 s1, s30  }
0xb9: {  	s0 =	sor.u32 s3, s0;
	s1 =	sshll.u32 s1, $0x11  }
0xba: {  	s0 =	sor.u32 s1, s0  }
0xbb: {  	s0 =	sadd.s32 $0x8F2B, s0  }
0xbc: {  	[sflag:s0] =	ssyncadd.remote.s32 $0x1  }
0xbd: {  	_ =	sfence.sel $0xFFFF  }
0xbe: {  	[dreg:$0x0] =	wrdreg $0xFFFFFFFF;
	(pc) =	sbr.abs _section_cstart, $3  }
0xbf: {  	[dreg:$0x1] =	wrdreg $0xFFFFFFFF  }
0xc0: {  	_ =	task.clear_ibuf [dreg:s6], $0x2FFFF;
	_ =	strace $0x9FFFFFFF  }
0xc1: {  	(tm) =	ssettm $0x7FFFFFFF  }
tec
execute0_lowered:
.L_overlay_start_1:
0x0: {  	(tag) =	ssettag $0x1  }
0x1: {  	s0 =	rddreg [dreg:$0x0]  }
0x2: {  	s1 =	srdreg.scid;
	s8 =	stileid.u32  }
0x3: {  	s2 =	simm.s32 $0x0;
	s9 =	simm.s32 $0x2000;
	s19 =	simm.s32 $0x7000  }
0x4: {  	s30 =	simm.s32 $0xC000;
	s31 =	simm.s32 $0xC800;
	s10 =	simm.s32 $0xF800  }
0x5: {  	s11 =	simm.s32 $0x10000;
	s12 =	simm.s32 $0x10800;
	s13 =	simm.s32 $0x1  }
0x6: {  	s14 =	simm.s32 $0x15000;
	s15 =	simm.s32 $0x15800;
	s16 =	simm.s32 $0x2  }
0x7: {  	s17 =	simm.s32 $0x3;
	s18 =	simm.s32 $0x4;
	s20 =	simm.s32 $0x11000  }
0x8: {  	s21 =	simm.s32 $0x5;
	s22 =	simm.s32 $0x6;
	s23 =	simm.s32 $0x7  }
0x9: {  	s26 =	simm.s32 $0x0;
	s1 =	sand.u32 $0x1, s1;
	s3 =	sshll.u32 s8, $0x1  }
0xa: {  	[smem:$0x7FF] =	sst s2;
	s8 =	smul.u32 $0x50000, s8;
	s4 =	sor.u32 s1, s3  }
0xb: {  	_ =	strace $0x8000004D;
	s6 =	ssub.s32 $0x2, s1;
	s1 =	smul.u32 $0x28000, s1  }
0xc: {  	s3 =	sadd.s32 $0x3A200, s0;
	s5 =	sshll.u32 s4, $0xA;
	s4 =	smul.u32 $0x28000, s4  }
0xd: {  	s7 =	sshrl.u32 s6, $0x1;
	s5 =	sadd.s32 s5, s0;
	s0 =	sadd.s32 $0x97200, s0  }
.Ltmp0:
0xe: {  	s6 =	ssub.s32 s6, s7;
	s5 =	sadd.s32 $0x8F200, s5;
	(pc) =	sbr.rel .LBB2_1-.Ltmp0, $4  }
0xf: {  	s29 =	smax.u32 s6, $0x1;
	s4 =	sadd.s32 s0, s4;
	[dreg:$0x2] =	wrdreg s5  }
0x10: {  	v2 =	vlaneseq.u32;
	s0 =	sadd.s32 s8, s0;
	s8 =	simm.s32 $0xF000;
	[dreg:$0x3] =	wrdreg s29  }
0x11: {  	vm0 =	vmmov $0xffff;
	v1 =	vshrl.u32 v2, $0x3;
	s6 =	sadd.s32 $0x26C00, s4;
	s7 =	sadd.s32 s1, s0;
	s0 =	simm.s32 $0xD000  }
0x12: {  	v0 =	vand.u32 $0x7, v2;
	v2 =	vor.u32 $0x8, v2;
	v1 =	vmul.u32 $0x8, v1;
	s1 =	simm.s32 $0xD800;
	s4 =	simm.s32 $0xE000;
	s5 =	simm.s32 $0xE800  }
.LBB2_7:
0x13: {  	_ =	swait.ge [sflag:s21], $0x5000  }
0x14: {  	[sflag:s21] =	ssyncset.done $0x0  }
0x15: {  	[sflag:s21] =	ssyncadd.s32 $0xFFFFB000  }
0x16: {  	_ =	swait.ge [sflag:s22], $0x5000  }
0x17: {  	[sflag:s22] =	ssyncset.done $0x0  }
0x18: {  	[sflag:s22] =	ssyncadd.s32 $0xFFFFB000  }
0x19: {  	_ =	swait.ge [sflag:s23], $0x5000  }
0x1a: {  	[sflag:s23] =	ssyncset.done $0x0  }
0x1b: {  	s25 =	simm.s32 $0x8;
	[sflag:s23] =	ssyncadd.s32 $0xFFFFB000  }
0x1c: {  	_ =	swait.ge [sflag:s25], $0x5000  }
0x1d: {  	s26 =	rddreg [dreg:$0x4]  }
0x1e: {  	s24 =	rddreg [dreg:$0x3];
	s26 =	sadd.s32 $0x1, s26  }
0x1f: {  	p0 =	sne.s32 s26, s24  }
.Ltmp1:
0x20: {  	_ = 	snop;
	(pc) =	sbr.rel @!p0 .LBB2_8-.Ltmp1, $3  }
0x21: {  	_ =	sdelay $0x1  }
0x22: {  	[sflag:s25] =	ssyncset.done $0x0  }
0x23: {  	[sflag:s25] =	ssyncadd.s32 $0xFFFFB000  }
.LBB2_1:
0x24: {  	[dreg:$0x4] =	wrdreg s26  }
0x25: {  	s24 =	rddreg [dreg:$0x2];
	s26 =	simm.s32 $0x9  }
0x26: {  	[tilespmem:s2], [sflag:$0x9] =	stream.linear.gather [hbm4b:s24+s2], $0x2000, $0x38;
	[tilespmem:$0x16000] =	vst v63  }
0x27: {  	_ =	swait.ge [sflag:s26], $0x2000  }
0x28: {  	[sflag:s26] =	ssyncset.done $0x0  }
0x29: {  	[sflag:s26] =	ssyncadd.s32 $0xFFFFE000  }
0x2a: {  	v3 =	vld [tilespmem:$0x0];
	_ =	sdelay $0x4  }
0x2b: {  	v4 =	vshll.u32 v3, $0x1  }
0x2c: {  	v3 =	vand.u32 $0x7, v3;
	v4 =	vand.u32 $0xFFFFFFF0, v4  }
0x2d: {  	v3 =	vor.u32 v3, v4  }
0x2e: {  	v4 =	vperm.xlane v3, v0;
	_ =	sdelay $0x1  }
0x2f: {  	v3 =	vperm.xlane v3, v2;
	v4 =	vadd.s32 v1, v4;
	_ =	sdelay $0x1  }
0x30: {  	v3 =	vadd.s32 v1, v3;
	_ =	sdelay $0x2  }
0x31: {  	[tilespmem:s9], [sflag:$0x1] =	stream.indirect_vreg.gather [hbm4b:s3+s2], $0x80, v4, vm0, $0xb8;
	[tilespmem:$0x16000] =	vst v63  }
0x32: {  	s28 =	simm.s32 $0x2800  }
0x33: {  	[tilespmem:s28], [sflag:$0x1] =	stream.indirect_vreg.gather [hbm4b:s3+s2], $0x80, v3, vm0, $0xb8;
	[tilespmem:$0x16000] =	vst v63  }
0x34: {  	v3 =	vld [tilespmem:$0x10];
	_ =	sdelay $0x4  }
0x35: {  	v50 =	vshll.u32 v3, $0x1  }
0x36: {  	v3 =	vand.u32 $0x7, v3;
	v4 =	vand.u32 $0xFFFFFFF0, v50  }
0x37: {  	v3 =	vor.u32 v3, v4  }
0x38: {  	v4 =	vperm.xlane v3, v0;
	_ =	sdelay $0x1  }
0x39: {  	v3 =	vperm.xlane v3, v2;
	v4 =	vadd.s32 v1, v4;
	_ =	sdelay $0x1  }
0x3a: {  	v3 =	vadd.s32 v1, v3;
	_ =	sdelay $0x1  }
0x3b: {  	s29 =	simm.s32 $0x3000  }
0x3c: {  	[tilespmem:s29], [sflag:$0x1] =	stream.indirect_vreg.gather [hbm4b:s3+s2], $0x80, v4, vm0, $0xb8;
	[tilespmem:$0x16000] =	vst v63  }
0x3d: {  	s25 =	simm.s32 $0x3800  }
0x3e: {  	[tilespmem:s25], [sflag:$0x1] =	stream.indirect_vreg.gather [hbm4b:s3+s2], $0x80, v3, vm0, $0xb8;
	[tilespmem:$0x16000] =	vst v63  }
0x3f: {  	v3 =	vld [tilespmem:$0x20];
	_ =	sdelay $0x4  }
0x40: {  	v51 =	vshll.u32 v3, $0x1  }
0x41: {  	v3 =	vand.u32 $0x7, v3;
	v4 =	vand.u32 $0xFFFFFFF0, v51  }
0x42: {  	v3 =	vor.u32 v3, v4  }
0x43: {  	v4 =	vperm.xlane v3, v0;
	_ =	sdelay $0x1  }
0x44: {  	v3 =	vperm.xlane v3, v2;
	v4 =	vadd.s32 v1, v4;
	_ =	sdelay $0x1  }
0x45: {  	v3 =	vadd.s32 v1, v3;
	_ =	sdelay $0x1  }
0x46: {  	s26 =	simm.s32 $0x4000  }
0x47: {  	[tilespmem:s26], [sflag:$0x1] =	stream.indirect_vreg.gather [hbm4b:s3+s2], $0x80, v4, vm0, $0xb8;
	[tilespmem:$0x16000] =	vst v63  }
0x48: {  	s28 =	simm.s32 $0x4800  }
0x49: {  	[tilespmem:s28], [sflag:$0x1] =	stream.indirect_vreg.gather [hbm4b:s3+s2], $0x80, v3, vm0, $0xb8;
	[tilespmem:$0x16000] =	vst v63  }
0x4a: {  	v3 =	vld [tilespmem:$0x30];
	_ =	sdelay $0x4  }
0x4b: {  	v52 =	vshll.u32 v3, $0x1  }
0x4c: {  	v3 =	vand.u32 $0x7, v3;
	v4 =	vand.u32 $0xFFFFFFF0, v52  }
0x4d: {  	v3 =	vor.u32 v3, v4  }
0x4e: {  	v4 =	vperm.xlane v3, v0;
	_ =	sdelay $0x1  }
0x4f: {  	v3 =	vperm.xlane v3, v2;
	v4 =	vadd.s32 v1, v4;
	_ =	sdelay $0x1  }
0x50: {  	v3 =	vadd.s32 v1, v3;
	_ =	sdelay $0x1  }
0x51: {  	s29 =	simm.s32 $0x5000  }
0x52: {  	[tilespmem:s29], [sflag:$0x1] =	stream.indirect_vreg.gather [hbm4b:s3+s2], $0x80, v4, vm0, $0xb8;
	[tilespmem:$0x16000] =	vst v63  }
0x53: {  	s25 =	simm.s32 $0x5800  }
0x54: {  	[tilespmem:s25], [sflag:$0x1] =	stream.indirect_vreg.gather [hbm4b:s3+s2], $0x80, v3, vm0, $0xb8;
	[tilespmem:$0x16000] =	vst v63  }
0x55: {  	v3 =	vld [tilespmem:$0x40];
	_ =	sdelay $0x4  }
0x56: {  	v53 =	vshll.u32 v3, $0x1  }
0x57: {  	v3 =	vand.u32 $0x7, v3;
	v4 =	vand.u32 $0xFFFFFFF0, v53  }
0x58: {  	v3 =	vor.u32 v3, v4  }
0x59: {  	v4 =	vperm.xlane v3, v0;
	_ =	sdelay $0x1  }
0x5a: {  	v3 =	vperm.xlane v3, v2;
	v4 =	vadd.s32 v1, v4;
	_ =	sdelay $0x1  }
0x5b: {  	v3 =	vadd.s32 v1, v3;
	_ =	sdelay $0x1  }
0x5c: {  	s26 =	simm.s32 $0x6000  }
0x5d: {  	[tilespmem:s26], [sflag:$0x1] =	stream.indirect_vreg.gather [hbm4b:s3+s2], $0x80, v4, vm0, $0xb8;
	[tilespmem:$0x16000] =	vst v63  }
0x5e: {  	s28 =	simm.s32 $0x6800  }
0x5f: {  	[tilespmem:s28], [sflag:$0x1] =	stream.indirect_vreg.gather [hbm4b:s3+s2], $0x80, v3, vm0, $0xb8;
	[tilespmem:$0x16000] =	vst v63  }
0x60: {  	v3 =	vld [tilespmem:$0x80];
	_ =	sdelay $0x4  }
0x61: {  	v54 =	vshll.u32 v3, $0x1  }
0x62: {  	v3 =	vand.u32 $0x7, v3;
	v4 =	vand.u32 $0xFFFFFFF0, v54  }
0x63: {  	v3 =	vor.u32 v3, v4  }
0x64: {  	v4 =	vperm.xlane v3, v0;
	_ =	sdelay $0x1  }
0x65: {  	v3 =	vperm.xlane v3, v2;
	v4 =	vadd.s32 v1, v4;
	_ =	sdelay $0x1  }
0x66: {  	v3 =	vadd.s32 v1, v3;
	_ =	sdelay $0x2  }
0x67: {  	[tilespmem:s19], [sflag:$0x2] =	stream.indirect_vreg.gather [hbm4b:s3+s2], $0x80, v4, vm0, $0xb8;
	[tilespmem:$0x16000] =	vst v63  }
0x68: {  	s29 =	simm.s32 $0x7800  }
0x69: {  	[tilespmem:s29], [sflag:$0x2] =	stream.indirect_vreg.gather [hbm4b:s3+s2], $0x80, v3, vm0, $0xb8;
	[tilespmem:$0x16000] =	vst v63  }
0x6a: {  	v3 =	vld [tilespmem:$0x90];
	_ =	sdelay $0x4  }
0x6b: {  	v55 =	vshll.u32 v3, $0x1  }
0x6c: {  	v3 =	vand.u32 $0x7, v3;
	v4 =	vand.u32 $0xFFFFFFF0, v55  }
0x6d: {  	v3 =	vor.u32 v3, v4  }
0x6e: {  	v4 =	vperm.xlane v3, v0;
	_ =	sdelay $0x1  }
0x6f: {  	v3 =	vperm.xlane v3, v2;
	v4 =	vadd.s32 v1, v4;
	_ =	sdelay $0x1  }
0x70: {  	v3 =	vadd.s32 v1, v3;
	_ =	sdelay $0x1  }
0x71: {  	s25 =	simm.s32 $0x8000  }
0x72: {  	[tilespmem:s25], [sflag:$0x2] =	stream.indirect_vreg.gather [hbm4b:s3+s2], $0x80, v4, vm0, $0xb8;
	[tilespmem:$0x16000] =	vst v63  }
0x73: {  	s26 =	simm.s32 $0x8800  }
0x74: {  	[tilespmem:s26], [sflag:$0x2] =	stream.indirect_vreg.gather [hbm4b:s3+s2], $0x80, v3, vm0, $0xb8;
	[tilespmem:$0x16000] =	vst v63  }
0x75: {  	v3 =	vld [tilespmem:$0xA0];
	_ =	sdelay $0x4  }
0x76: {  	v56 =	vshll.u32 v3, $0x1  }
0x77: {  	v3 =	vand.u32 $0x7, v3;
	v4 =	vand.u32 $0xFFFFFFF0, v56  }
0x78: {  	v3 =	vor.u32 v3, v4  }
0x79: {  	v4 =	vperm.xlane v3, v0;
	_ =	sdelay $0x1  }
0x7a: {  	v3 =	vperm.xlane v3, v2;
	v4 =	vadd.s32 v1, v4;
	_ =	sdelay $0x1  }
0x7b: {  	v3 =	vadd.s32 v1, v3;
	_ =	sdelay $0x1  }
0x7c: {  	s28 =	simm.s32 $0x9000  }
0x7d: {  	[tilespmem:s28], [sflag:$0x2] =	stream.indirect_vreg.gather [hbm4b:s3+s2], $0x80, v4, vm0, $0xb8;
	[tilespmem:$0x16000] =	vst v63  }
0x7e: {  	s29 =	simm.s32 $0x9800  }
0x7f: {  	[tilespmem:s29], [sflag:$0x2] =	stream.indirect_vreg.gather [hbm4b:s3+s2], $0x80, v3, vm0, $0xb8;
	[tilespmem:$0x16000] =	vst v63  }
0x80: {  	v3 =	vld [tilespmem:$0xB0];
	_ =	sdelay $0x4  }
0x81: {  	v57 =	vshll.u32 v3, $0x1  }
0x82: {  	v3 =	vand.u32 $0x7, v3;
	v4 =	vand.u32 $0xFFFFFFF0, v57  }
0x83: {  	v3 =	vor.u32 v3, v4  }
0x84: {  	v4 =	vperm.xlane v3, v0;
	_ =	sdelay $0x1  }
0x85: {  	v3 =	vperm.xlane v3, v2;
	v4 =	vadd.s32 v1, v4;
	_ =	sdelay $0x1  }
0x86: {  	v3 =	vadd.s32 v1, v3;
	_ =	sdelay $0x1  }
0x87: {  	s25 =	simm.s32 $0xA000  }
0x88: {  	[tilespmem:s25], [sflag:$0x2] =	stream.indirect_vreg.gather [hbm4b:s3+s2], $0x80, v4, vm0, $0xb8;
	[tilespmem:$0x16000] =	vst v63  }
0x89: {  	s26 =	simm.s32 $0xA800  }
0x8a: {  	[tilespmem:s26], [sflag:$0x2] =	stream.indirect_vreg.gather [hbm4b:s3+s2], $0x80, v3, vm0, $0xb8;
	[tilespmem:$0x16000] =	vst v63  }
0x8b: {  	v3 =	vld [tilespmem:$0xC0];
	_ =	sdelay $0x4  }
0x8c: {  	v58 =	vshll.u32 v3, $0x1  }
0x8d: {  	v3 =	vand.u32 $0x7, v3;
	v4 =	vand.u32 $0xFFFFFFF0, v58  }
0x8e: {  	v3 =	vor.u32 v3, v4  }
0x8f: {  	v4 =	vperm.xlane v3, v0;
	_ =	sdelay $0x1  }
0x90: {  	v3 =	vperm.xlane v3, v2;
	v4 =	vadd.s32 v1, v4;
	_ =	sdelay $0x1  }
0x91: {  	v3 =	vadd.s32 v1, v3;
	_ =	sdelay $0x1  }
0x92: {  	s28 =	simm.s32 $0xB000  }
0x93: {  	[tilespmem:s28], [sflag:$0x2] =	stream.indirect_vreg.gather [hbm4b:s3+s2], $0x80, v4, vm0, $0xb8;
	[tilespmem:$0x16000] =	vst v63  }
0x94: {  	s29 =	simm.s32 $0xB800  }
0x95: {  	[tilespmem:s29], [sflag:$0x2] =	stream.indirect_vreg.gather [hbm4b:s3+s2], $0x80, v3, vm0, $0xb8;
	[tilespmem:$0x16000] =	vst v63  }
0x96: {  	v3 =	vld [tilespmem:$0x100];
	_ =	sdelay $0x4  }
0x97: {  	v59 =	vshll.u32 v3, $0x1  }
0x98: {  	v3 =	vand.u32 $0x7, v3;
	v4 =	vand.u32 $0xFFFFFFF0, v59  }
0x99: {  	v3 =	vor.u32 v3, v4  }
0x9a: {  	v4 =	vperm.xlane v3, v0;
	_ =	sdelay $0x1  }
0x9b: {  	v3 =	vperm.xlane v3, v2;
	v4 =	vadd.s32 v1, v4;
	_ =	sdelay $0x1  }
0x9c: {  	v3 =	vadd.s32 v1, v3;
	_ =	sdelay $0x2  }
0x9d: {  	[tilespmem:s30], [sflag:$0x3] =	stream.indirect_vreg.gather [hbm4b:s3+s2], $0x80, v4, vm0, $0xb8;
	[tilespmem:$0x16000] =	vst v63  }
0x9e: {  	_ = 	snop  }
0x9f: {  	[tilespmem:s31], [sflag:$0x3] =	stream.indirect_vreg.gather [hbm4b:s3+s2], $0x80, v3, vm0, $0xb8;
	[tilespmem:$0x16000] =	vst v63  }
0xa0: {  	v3 =	vld [tilespmem:$0x110];
	_ =	sdelay $0x4  }
0xa1: {  	v60 =	vshll.u32 v3, $0x1  }
0xa2: {  	v3 =	vand.u32 $0x7, v3;
	v4 =	vand.u32 $0xFFFFFFF0, v60  }
0xa3: {  	v3 =	vor.u32 v3, v4  }
0xa4: {  	v4 =	vperm.xlane v3, v0;
	_ =	sdelay $0x1  }
0xa5: {  	v3 =	vperm.xlane v3, v2;
	v4 =	vadd.s32 v1, v4;
	_ =	sdelay $0x1  }
0xa6: {  	v3 =	vadd.s32 v1, v3;
	_ =	sdelay $0x2  }
0xa7: {  	[tilespmem:s0], [sflag:$0x3] =	stream.indirect_vreg.gather [hbm4b:s3+s2], $0x80, v4, vm0, $0xb8;
	[tilespmem:$0x16000] =	vst v63  }
0xa8: {  	_ = 	snop  }
0xa9: {  	[tilespmem:s1], [sflag:$0x3] =	stream.indirect_vreg.gather [hbm4b:s3+s2], $0x80, v3, vm0, $0xb8;
	[tilespmem:$0x16000] =	vst v63  }
0xaa: {  	v3 =	vld [tilespmem:$0x120];
	_ =	sdelay $0x4  }
0xab: {  	v61 =	vshll.u32 v3, $0x1  }
0xac: {  	v3 =	vand.u32 $0x7, v3;
	v4 =	vand.u32 $0xFFFFFFF0, v61  }
0xad: {  	v3 =	vor.u32 v3, v4  }
0xae: {  	v4 =	vperm.xlane v3, v0;
	_ =	sdelay $0x1  }
0xaf: {  	v3 =	vperm.xlane v3, v2;
	v4 =	vadd.s32 v1, v4;
	_ =	sdelay $0x1  }
0xb0: {  	v3 =	vadd.s32 v1, v3;
	_ =	sdelay $0x2  }
0xb1: {  	[tilespmem:s4], [sflag:$0x3] =	stream.indirect_vreg.gather [hbm4b:s3+s2], $0x80, v4, vm0, $0xb8;
	[tilespmem:$0x16000] =	vst v63  }
0xb2: {  	_ = 	snop  }
0xb3: {  	[tilespmem:s5], [sflag:$0x3] =	stream.indirect_vreg.gather [hbm4b:s3+s2], $0x80, v3, vm0, $0xb8;
	[tilespmem:$0x16000] =	vst v63  }
0xb4: {  	v3 =	vld [tilespmem:$0x130];
	_ =	sdelay $0x4  }
0xb5: {  	v62 =	vshll.u32 v3, $0x1  }
0xb6: {  	v3 =	vand.u32 $0x7, v3;
	v4 =	vand.u32 $0xFFFFFFF0, v62  }
0xb7: {  	v3 =	vor.u32 v3, v4  }
0xb8: {  	v4 =	vperm.xlane v3, v0;
	_ =	sdelay $0x1  }
0xb9: {  	v3 =	vperm.xlane v3, v2;
	v4 =	vadd.s32 v1, v4;
	_ =	sdelay $0x1  }
0xba: {  	v3 =	vadd.s32 v1, v3;
	_ =	sdelay $0x2  }
0xbb: {  	[tilespmem:s8], [sflag:$0x3] =	stream.indirect_vreg.gather [hbm4b:s3+s2], $0x80, v4, vm0, $0xb8;
	[tilespmem:$0x16000] =	vst v63  }
0xbc: {  	_ = 	snop  }
0xbd: {  	[tilespmem:s10], [sflag:$0x3] =	stream.indirect_vreg.gather [hbm4b:s3+s2], $0x80, v3, vm0, $0xb8;
	[tilespmem:$0x16000] =	vst v63  }
0xbe: {  	v3 =	vld [tilespmem:$0x140];
	_ =	sdelay $0x4  }
0xbf: {  	v63 =	vshll.u32 v3, $0x1  }
0xc0: {  	v3 =	vand.u32 $0x7, v3;
	v4 =	vand.u32 $0xFFFFFFF0, v63  }
0xc1: {  	v3 =	vor.u32 v3, v4  }
0xc2: {  	v4 =	vperm.xlane v3, v0;
	_ =	sdelay $0x1  }
0xc3: {  	v3 =	vperm.xlane v3, v2;
	v4 =	vadd.s32 v1, v4;
	_ =	sdelay $0x1  }
0xc4: {  	v3 =	vadd.s32 v1, v3;
	_ =	sdelay $0x2  }
0xc5: {  	[tilespmem:s11], [sflag:$0x3] =	stream.indirect_vreg.gather [hbm4b:s3+s2], $0x80, v4, vm0, $0xb8;
	[tilespmem:$0x16000] =	vst v63  }
0xc6: {  	s24 =	simm.s32 $0x1A0;
	s25 =	simm.s32 $0x0  }
0xc7: {  	[tilespmem:s12], [sflag:$0x3] =	stream.indirect_vreg.gather [hbm4b:s3+s2], $0x80, v3, vm0, $0xb8;
	[tilespmem:$0x16000] =	vst v63  }
.LBB2_2:
0xc8: {  	_ =	swait.ge [sflag:s13], $0x5000  }
0xc9: {  	[sflag:s13] =	ssyncset.done $0x0  }
0xca: {  	s26 =	sadd.s32 s25, s7;
	p0 =	seq.s32 s25, $0x0;
	[sflag:s13] =	ssyncadd.s32 $0xFFFFB000  }
0xcb: {  	[hbm4b:s26+s2] =	stream.linear.scatter [tilespmem:s9], [sflag:$0x5], $0x5000, $0x38;
	[tilespmem:$0x16000] =	vst v63  }
0xcc: {  	v3 =	vld @p0 [tilespmem:$0x180];
	_ =	sdelay $0x4  }
0xcd: {  	v4 =	vshll.u32 @p0 v3, $0x1  }
0xce: {  	v5 =	vlaneseq.u32 @p0;
	v3 =	vand.u32 @p0 $0x7, v3;
	v4 =	vand.u32 @p0 $0xFFFFFFF0, v4  }
0xcf: {  	v6 =	vshrl.u32 @p0 v5, $0x3;
	v3 =	vor.u32 @p0 v3, v4;
	v4 =	vand.u32 @p0 $0x7, v5  }
0xd0: {  	v6 =	vmul.u32 @p0 $0x8, v6;
	v7 =	vperm.xlane @p0 v3, v4  }
0xd1: {  	v5 =	vor.u32 @p0 $0x8, v5  }
0xd2: {  	v3 =	vperm.xlane @p0 v3, v5;
	v7 =	vadd.s32 @p0 v6, v7;
	_ =	sdelay $0x1  }
0xd3: {  	v3 =	vadd.s32 @p0 v6, v3;
	_ =	sdelay $0x1  }
0xd4: {  	vm1 =	vmmov @p0 $0xffff;
	s28 =	simm.s32 @p0 $0x0;
	s29 =	simm.s32 @p0 $0x11000  }
0xd5: {  	[tilespmem:s29], [sflag:$0x4] =	stream.indirect_vreg.gather @p0 [hbm4b:s3+s28], $0x80, v7, vm1, $0xb8;
	[tilespmem:$0x16000] =	vst v63  }
0xd6: {  	s29 =	simm.s32 @p0 $0x11800  }
0xd7: {  	[tilespmem:s29], [sflag:$0x4] =	stream.indirect_vreg.gather @p0 [hbm4b:s3+s28], $0x80, v3, vm1, $0xb8;
	[tilespmem:$0x16000] =	vst v63  }
0xd8: {  	v3 =	vld @p0 [tilespmem:$0x190];
	_ =	sdelay $0x4  }
0xd9: {  	v7 =	vshll.u32 @p0 v3, $0x1  }
0xda: {  	v3 =	vand.u32 @p0 $0x7, v3;
	v7 =	vand.u32 @p0 $0xFFFFFFF0, v7  }
0xdb: {  	v3 =	vor.u32 @p0 v3, v7  }
0xdc: {  	v7 =	vperm.xlane @p0 v3, v4;
	_ =	sdelay $0x1  }
0xdd: {  	v3 =	vperm.xlane @p0 v3, v5;
	v7 =	vadd.s32 @p0 v6, v7;
	_ =	sdelay $0x1  }
0xde: {  	v3 =	vadd.s32 @p0 v6, v3;
	_ =	sdelay $0x1  }
0xdf: {  	s29 =	simm.s32 @p0 $0x12000  }
0xe0: {  	[tilespmem:s29], [sflag:$0x4] =	stream.indirect_vreg.gather @p0 [hbm4b:s3+s28], $0x80, v7, vm1, $0xb8;
	[tilespmem:$0x16000] =	vst v63  }
0xe1: {  	s29 =	simm.s32 @p0 $0x12800  }
0xe2: {  	[tilespmem:s29], [sflag:$0x4] =	stream.indirect_vreg.gather @p0 [hbm4b:s3+s28], $0x80, v3, vm1, $0xb8;
	[tilespmem:$0x16000] =	vst v63  }
0xe3: {  	v3 =	vld @p0 [tilespmem:$0x1A0];
	_ =	sdelay $0x4  }
0xe4: {  	v7 =	vshll.u32 @p0 v3, $0x1  }
0xe5: {  	v3 =	vand.u32 @p0 $0x7, v3;
	v7 =	vand.u32 @p0 $0xFFFFFFF0, v7  }
0xe6: {  	v3 =	vor.u32 @p0 v3, v7  }
0xe7: {  	v7 =	vperm.xlane @p0 v3, v4;
	_ =	sdelay $0x1  }
0xe8: {  	v3 =	vperm.xlane @p0 v3, v5;
	v7 =	vadd.s32 @p0 v6, v7;
	_ =	sdelay $0x1  }
0xe9: {  	v3 =	vadd.s32 @p0 v6, v3;
	_ =	sdelay $0x1  }
0xea: {  	s29 =	simm.s32 @p0 $0x13000  }
0xeb: {  	[tilespmem:s29], [sflag:$0x4] =	stream.indirect_vreg.gather @p0 [hbm4b:s3+s28], $0x80, v7, vm1, $0xb8;
	[tilespmem:$0x16000] =	vst v63  }
0xec: {  	s29 =	simm.s32 @p0 $0x13800  }
0xed: {  	[tilespmem:s29], [sflag:$0x4] =	stream.indirect_vreg.gather @p0 [hbm4b:s3+s28], $0x80, v3, vm1, $0xb8;
	[tilespmem:$0x16000] =	vst v63  }
0xee: {  	v3 =	vld @p0 [tilespmem:$0x1B0];
	_ =	sdelay $0x4  }
0xef: {  	v7 =	vshll.u32 @p0 v3, $0x1  }
0xf0: {  	v3 =	vand.u32 @p0 $0x7, v3;
	v7 =	vand.u32 @p0 $0xFFFFFFF0, v7  }
0xf1: {  	v3 =	vor.u32 @p0 v3, v7  }
0xf2: {  	v4 =	vperm.xlane @p0 v3, v4;
	_ =	sdelay $0x1  }
0xf3: {  	v3 =	vperm.xlane @p0 v3, v5;
	v4 =	vadd.s32 @p0 v6, v4;
	_ =	sdelay $0x1  }
0xf4: {  	v3 =	vadd.s32 @p0 v6, v3;
	_ =	sdelay $0x1  }
0xf5: {  	s29 =	simm.s32 @p0 $0x14000  }
0xf6: {  	[tilespmem:s29], [sflag:$0x4] =	stream.indirect_vreg.gather @p0 [hbm4b:s3+s28], $0x80, v4, vm1, $0xb8;
	[tilespmem:$0x16000] =	vst v63  }
0xf7: {  	s29 =	simm.s32 @p0 $0x14800  }
0xf8: {  	[tilespmem:s29], [sflag:$0x4] =	stream.indirect_vreg.gather @p0 [hbm4b:s3+s28], $0x80, v3, vm1, $0xb8;
	[tilespmem:$0x16000] =	vst v63  }
0xf9: {  	s28 =	simm.s32 @!p0 $0x8  }
0xfa: {  	_ =	swait.ge @!p0 [sflag:s28], $0x5000  }
0xfb: {  	[sflag:s28] =	ssyncset.done @!p0 $0x0  }
0xfc: {  	[sflag:s28] =	ssyncadd.s32 @!p0 $0xFFFFB000  }
0xfd: {  	v3 =	vld @!p0 [tilespmem:s24+$0xFFFFFFE0];
	_ =	sdelay $0x4  }
0xfe: {  	v4 =	vshll.u32 @!p0 v3, $0x1  }
0xff: {  	v5 =	vlaneseq.u32 @!p0;
	v3 =	vand.u32 @!p0 $0x7, v3;
	v4 =	vand.u32 @!p0 $0xFFFFFFF0, v4  }
0x100: {  	v6 =	vshrl.u32 @!p0 v5, $0x3;
	v3 =	vor.u32 @!p0 v3, v4;
	v4 =	vand.u32 @!p0 $0x7, v5  }
0x101: {  	v6 =	vmul.u32 @!p0 $0x8, v6;
	v7 =	vperm.xlane @!p0 v3, v4  }
0x102: {  	v5 =	vor.u32 @!p0 $0x8, v5  }
0x103: {  	v3 =	vperm.xlane @!p0 v3, v5;
	v7 =	vadd.s32 @!p0 v6, v7;
	_ =	sdelay $0x1  }
0x104: {  	v3 =	vadd.s32 @!p0 v6, v3;
	_ =	sdelay $0x1  }
0x105: {  	vm1 =	vmmov @!p0 $0xffff;
	s29 =	simm.s32 @!p0 $0x11000;
	s28 =	simm.s32 @!p0 $0x0  }
0x106: {  	[tilespmem:s29], [sflag:$0x4] =	stream.indirect_vreg.gather @!p0 [hbm4b:s3+s28], $0x80, v7, vm1, $0xb8;
	[tilespmem:$0x16000] =	vst v63  }
0x107: {  	s29 =	simm.s32 @!p0 $0x11800  }
0x108: {  	[tilespmem:s29], [sflag:$0x4] =	stream.indirect_vreg.gather @!p0 [hbm4b:s3+s28], $0x80, v3, vm1, $0xb8;
	[tilespmem:$0x16000] =	vst v63  }
0x109: {  	v3 =	vld @!p0 [tilespmem:s24+$0xFFFFFFF0];
	_ =	sdelay $0x4  }
0x10a: {  	v7 =	vshll.u32 @!p0 v3, $0x1  }
0x10b: {  	v3 =	vand.u32 @!p0 $0x7, v3;
	v7 =	vand.u32 @!p0 $0xFFFFFFF0, v7  }
0x10c: {  	v3 =	vor.u32 @!p0 v3, v7  }
0x10d: {  	v7 =	vperm.xlane @!p0 v3, v4;
	_ =	sdelay $0x1  }
0x10e: {  	v3 =	vperm.xlane @!p0 v3, v5;
	v7 =	vadd.s32 @!p0 v6, v7;
	_ =	sdelay $0x1  }
0x10f: {  	v3 =	vadd.s32 @!p0 v6, v3;
	_ =	sdelay $0x1  }
0x110: {  	s29 =	simm.s32 @!p0 $0x12000  }
0x111: {  	[tilespmem:s29], [sflag:$0x4] =	stream.indirect_vreg.gather @!p0 [hbm4b:s3+s28], $0x80, v7, vm1, $0xb8;
	[tilespmem:$0x16000] =	vst v63  }
0x112: {  	s29 =	simm.s32 @!p0 $0x12800  }
0x113: {  	[tilespmem:s29], [sflag:$0x4] =	stream.indirect_vreg.gather @!p0 [hbm4b:s3+s28], $0x80, v3, vm1, $0xb8;
	[tilespmem:$0x16000] =	vst v63  }
0x114: {  	v3 =	vld @!p0 [tilespmem:s24+$0x0];
	_ =	sdelay $0x4  }
0x115: {  	v7 =	vshll.u32 @!p0 v3, $0x1  }
0x116: {  	v3 =	vand.u32 @!p0 $0x7, v3;
	v7 =	vand.u32 @!p0 $0xFFFFFFF0, v7  }
0x117: {  	v3 =	vor.u32 @!p0 v3, v7  }
0x118: {  	v7 =	vperm.xlane @!p0 v3, v4;
	_ =	sdelay $0x1  }
0x119: {  	v3 =	vperm.xlane @!p0 v3, v5;
	v7 =	vadd.s32 @!p0 v6, v7;
	_ =	sdelay $0x1  }
0x11a: {  	v3 =	vadd.s32 @!p0 v6, v3;
	_ =	sdelay $0x1  }
0x11b: {  	s29 =	simm.s32 @!p0 $0x13000  }
0x11c: {  	[tilespmem:s29], [sflag:$0x4] =	stream.indirect_vreg.gather @!p0 [hbm4b:s3+s28], $0x80, v7, vm1, $0xb8;
	[tilespmem:$0x16000] =	vst v63  }
0x11d: {  	s29 =	simm.s32 @!p0 $0x13800  }
0x11e: {  	[tilespmem:s29], [sflag:$0x4] =	stream.indirect_vreg.gather @!p0 [hbm4b:s3+s28], $0x80, v3, vm1, $0xb8;
	[tilespmem:$0x16000] =	vst v63  }
0x11f: {  	v3 =	vld @!p0 [tilespmem:s24+$0x10];
	_ =	sdelay $0x4  }
0x120: {  	v7 =	vshll.u32 @!p0 v3, $0x1  }
0x121: {  	v3 =	vand.u32 @!p0 $0x7, v3;
	v7 =	vand.u32 @!p0 $0xFFFFFFF0, v7  }
0x122: {  	v3 =	vor.u32 @!p0 v3, v7  }
0x123: {  	v4 =	vperm.xlane @!p0 v3, v4;
	_ =	sdelay $0x1  }
0x124: {  	v3 =	vperm.xlane @!p0 v3, v5;
	v4 =	vadd.s32 @!p0 v6, v4;
	_ =	sdelay $0x1  }
0x125: {  	v3 =	vadd.s32 @!p0 v6, v3;
	_ =	sdelay $0x1  }
0x126: {  	s29 =	simm.s32 @!p0 $0x14000  }
0x127: {  	[tilespmem:s29], [sflag:$0x4] =	stream.indirect_vreg.gather @!p0 [hbm4b:s3+s28], $0x80, v4, vm1, $0xb8;
	[tilespmem:$0x16000] =	vst v63  }
0x128: {  	s29 =	simm.s32 @!p0 $0x14800  }
0x129: {  	[tilespmem:s29], [sflag:$0x4] =	stream.indirect_vreg.gather @!p0 [hbm4b:s3+s28], $0x80, v3, vm1, $0xb8;
	[tilespmem:$0x16000] =	vst v63  }
0x12a: {  	s28 =	sadd.s32 @!p0 $0x20, s24  }
0x12b: {  	s28 =	simm.s32 @p0 $0x1C0  }
0x12c: {  	v3 =	vld [tilespmem:s28+$0x0];
	_ =	sdelay $0x4  }
0x12d: {  	v63 =	vshll.u32 v3, $0x1  }
0x12e: {  	v3 =	vand.u32 $0x7, v3;
	v4 =	vand.u32 $0xFFFFFFF0, v63  }
0x12f: {  	v3 =	vor.u32 v3, v4  }
0x130: {  	v4 =	vperm.xlane v3, v0;
	_ =	sdelay $0x1  }
0x131: {  	v3 =	vperm.xlane v3, v2;
	v4 =	vadd.s32 v1, v4;
	_ =	sdelay $0x1  }
0x132: {  	v3 =	vadd.s32 v1, v3;
	_ =	sdelay $0x2  }
0x133: {  	[tilespmem:s14], [sflag:$0x4] =	stream.indirect_vreg.gather [hbm4b:s3+s2], $0x80, v4, vm0, $0xb8;
	[tilespmem:$0x16000] =	vst v63  }
0x134: {  	p0 =	seq.s32 s25, $0x25800  }
0x135: {  	[tilespmem:s15], [sflag:$0x4] =	stream.indirect_vreg.gather [hbm4b:s3+s2], $0x80, v3, vm0, $0xb8;
	[tilespmem:$0x16000] =	vst v63  }
.Ltmp2:
0x136: {  	_ = 	snop;
	(pc) =	sbr.rel @!p0 .LBB2_3-.Ltmp2, $4  }
0x137: {  	_ =	swait.ge [sflag:s16], $0x5000  }
0x138: {  	[sflag:s16] =	ssyncset.done $0x0  }
0x139: {  	s29 =	sadd.s32 $0xA00, s26;
	[sflag:s16] =	ssyncadd.s32 $0xFFFFB000  }
0x13a: {  	[hbm4b:s29+s2] =	stream.linear.scatter [tilespmem:s19], [sflag:$0x6], $0x5000, $0x38;
	[tilespmem:$0x16000] =	vst v63  }
.Ltmp3:
0x13b: {  	(pc) =	sbr.rel .LBB2_5-.Ltmp3, $4  }
0x13c: {  	_ =	swait.ge [sflag:s17], $0x5000  }
0x13d: {  	[sflag:s17] =	ssyncset.done $0x0  }
0x13e: {  	[sflag:s17] =	ssyncadd.s32 $0xFFFFB000  }
0x13f: {  	[hbm4b:s6+s2] =	stream.linear.scatter [tilespmem:s30], [sflag:$0x7], $0x5000, $0x38;
	[tilespmem:$0x16000] =	vst v63  }
.LBB2_3:
0x140: {  	_ =	swait.ge [sflag:s21], $0x5000  }
0x141: {  	[sflag:s21] =	ssyncset.done $0x0  }
0x142: {  	[sflag:s21] =	ssyncadd.s32 $0xFFFFB000  }
0x143: {  	v3 =	vld [tilespmem:s24+$0x60];
	_ =	sdelay $0x4  }
0x144: {  	v4 =	vshll.u32 v3, $0x1  }
0x145: {  	v3 =	vand.u32 $0x7, v3;
	v4 =	vand.u32 $0xFFFFFFF0, v4  }
0x146: {  	v3 =	vor.u32 v3, v4  }
0x147: {  	v4 =	vperm.xlane v3, v0;
	_ =	sdelay $0x1  }
0x148: {  	v3 =	vperm.xlane v3, v2;
	v4 =	vadd.s32 v1, v4;
	_ =	sdelay $0x1  }
0x149: {  	v3 =	vadd.s32 v1, v3;
	_ =	sdelay $0x2  }
0x14a: {  	[tilespmem:s9], [sflag:$0x1] =	stream.indirect_vreg.gather [hbm4b:s3+s2], $0x80, v4, vm0, $0xb8;
	[tilespmem:$0x16000] =	vst v63  }
0x14b: {  	s28 =	simm.s32 $0x2800  }
0x14c: {  	[tilespmem:s28], [sflag:$0x1] =	stream.indirect_vreg.gather [hbm4b:s3+s2], $0x80, v3, vm0, $0xb8;
	[tilespmem:$0x16000] =	vst v63  }
0x14d: {  	v3 =	vld [tilespmem:s24+$0x70];
	_ =	sdelay $0x4  }
0x14e: {  	v55 =	vshll.u32 v3, $0x1  }
0x14f: {  	v3 =	vand.u32 $0x7, v3;
	v4 =	vand.u32 $0xFFFFFFF0, v55  }
0x150: {  	v3 =	vor.u32 v3, v4  }
0x151: {  	v4 =	vperm.xlane v3, v0;
	_ =	sdelay $0x1  }
0x152: {  	v3 =	vperm.xlane v3, v2;
	v4 =	vadd.s32 v1, v4;
	_ =	sdelay $0x1  }
0x153: {  	v3 =	vadd.s32 v1, v3;
	_ =	sdelay $0x1  }
0x154: {  	s29 =	simm.s32 $0x3000  }
0x155: {  	[tilespmem:s29], [sflag:$0x1] =	stream.indirect_vreg.gather [hbm4b:s3+s2], $0x80, v4, vm0, $0xb8;
	[tilespmem:$0x16000] =	vst v63  }
0x156: {  	s29 =	simm.s32 $0x3800  }
0x157: {  	[tilespmem:s29], [sflag:$0x1] =	stream.indirect_vreg.gather [hbm4b:s3+s2], $0x80, v3, vm0, $0xb8;
	[tilespmem:$0x16000] =	vst v63  }
0x158: {  	v3 =	vld [tilespmem:s24+$0x80];
	_ =	sdelay $0x4  }
0x159: {  	v56 =	vshll.u32 v3, $0x1  }
0x15a: {  	v3 =	vand.u32 $0x7, v3;
	v4 =	vand.u32 $0xFFFFFFF0, v56  }
0x15b: {  	v3 =	vor.u32 v3, v4  }
0x15c: {  	v4 =	vperm.xlane v3, v0;
	_ =	sdelay $0x1  }
0x15d: {  	v3 =	vperm.xlane v3, v2;
	v4 =	vadd.s32 v1, v4;
	_ =	sdelay $0x1  }
0x15e: {  	v3 =	vadd.s32 v1, v3;
	_ =	sdelay $0x1  }
0x15f: {  	s29 =	simm.s32 $0x4000  }
0x160: {  	[tilespmem:s29], [sflag:$0x1] =	stream.indirect_vreg.gather [hbm4b:s3+s2], $0x80, v4, vm0, $0xb8;
	[tilespmem:$0x16000] =	vst v63  }
0x161: {  	s29 =	simm.s32 $0x4800  }
0x162: {  	[tilespmem:s29], [sflag:$0x1] =	stream.indirect_vreg.gather [hbm4b:s3+s2], $0x80, v3, vm0, $0xb8;
	[tilespmem:$0x16000] =	vst v63  }
0x163: {  	v3 =	vld [tilespmem:s24+$0x90];
	_ =	sdelay $0x4  }
0x164: {  	v57 =	vshll.u32 v3, $0x1  }
0x165: {  	v3 =	vand.u32 $0x7, v3;
	v4 =	vand.u32 $0xFFFFFFF0, v57  }
0x166: {  	v3 =	vor.u32 v3, v4  }
0x167: {  	v4 =	vperm.xlane v3, v0;
	_ =	sdelay $0x1  }
0x168: {  	v3 =	vperm.xlane v3, v2;
	v4 =	vadd.s32 v1, v4;
	_ =	sdelay $0x1  }
0x169: {  	v3 =	vadd.s32 v1, v3;
	_ =	sdelay $0x1  }
0x16a: {  	s29 =	simm.s32 $0x5000  }
0x16b: {  	[tilespmem:s29], [sflag:$0x1] =	stream.indirect_vreg.gather [hbm4b:s3+s2], $0x80, v4, vm0, $0xb8;
	[tilespmem:$0x16000] =	vst v63  }
0x16c: {  	s29 =	simm.s32 $0x5800  }
0x16d: {  	[tilespmem:s29], [sflag:$0x1] =	stream.indirect_vreg.gather [hbm4b:s3+s2], $0x80, v3, vm0, $0xb8;
	[tilespmem:$0x16000] =	vst v63  }
0x16e: {  	v3 =	vld [tilespmem:s24+$0xA0];
	_ =	sdelay $0x4  }
0x16f: {  	v58 =	vshll.u32 v3, $0x1  }
0x170: {  	v3 =	vand.u32 $0x7, v3;
	v4 =	vand.u32 $0xFFFFFFF0, v58  }
0x171: {  	v3 =	vor.u32 v3, v4  }
0x172: {  	v4 =	vperm.xlane v3, v0;
	_ =	sdelay $0x1  }
0x173: {  	v3 =	vperm.xlane v3, v2;
	v4 =	vadd.s32 v1, v4;
	_ =	sdelay $0x1  }
0x174: {  	v3 =	vadd.s32 v1, v3;
	_ =	sdelay $0x1  }
0x175: {  	s29 =	simm.s32 $0x6000  }
0x176: {  	[tilespmem:s29], [sflag:$0x1] =	stream.indirect_vreg.gather [hbm4b:s3+s2], $0x80, v4, vm0, $0xb8;
	[tilespmem:$0x16000] =	vst v63  }
0x177: {  	s29 =	simm.s32 $0x6800  }
0x178: {  	[tilespmem:s29], [sflag:$0x1] =	stream.indirect_vreg.gather [hbm4b:s3+s2], $0x80, v3, vm0, $0xb8;
	[tilespmem:$0x16000] =	vst v63  }
0x179: {  	_ =	swait.ge [sflag:s17], $0x5000  }
0x17a: {  	[sflag:s17] =	ssyncset.done $0x0  }
0x17b: {  	s29 =	sadd.s32 $0x1400, s26;
	[sflag:s17] =	ssyncadd.s32 $0xFFFFB000  }
0x17c: {  	[hbm4b:s29+s2] =	stream.linear.scatter [tilespmem:s30], [sflag:$0x7], $0x5000, $0x38;
	[tilespmem:$0x16000] =	vst v63  }
0x17d: {  	_ =	swait.ge [sflag:s22], $0x5000  }
0x17e: {  	[sflag:s22] =	ssyncset.done $0x0  }
0x17f: {  	[sflag:s22] =	ssyncadd.s32 $0xFFFFB000  }
0x180: {  	v3 =	vld [tilespmem:s24+$0xE0];
	_ =	sdelay $0x4  }
0x181: {  	v59 =	vshll.u32 v3, $0x1  }
0x182: {  	v3 =	vand.u32 $0x7, v3;
	v4 =	vand.u32 $0xFFFFFFF0, v59  }
0x183: {  	v3 =	vor.u32 v3, v4  }
0x184: {  	v4 =	vperm.xlane v3, v0;
	_ =	sdelay $0x1  }
0x185: {  	v3 =	vperm.xlane v3, v2;
	v4 =	vadd.s32 v1, v4;
	_ =	sdelay $0x1  }
0x186: {  	v3 =	vadd.s32 v1, v3;
	_ =	sdelay $0x2  }
0x187: {  	[tilespmem:s19], [sflag:$0x2] =	stream.indirect_vreg.gather [hbm4b:s3+s2], $0x80, v4, vm0, $0xb8;
	[tilespmem:$0x16000] =	vst v63  }
0x188: {  	s29 =	simm.s32 $0x7800  }
0x189: {  	[tilespmem:s29], [sflag:$0x2] =	stream.indirect_vreg.gather [hbm4b:s3+s2], $0x80, v3, vm0, $0xb8;
	[tilespmem:$0x16000] =	vst v63  }
0x18a: {  	v3 =	vld [tilespmem:s24+$0xF0];
	_ =	sdelay $0x4  }
0x18b: {  	v60 =	vshll.u32 v3, $0x1  }
0x18c: {  	v3 =	vand.u32 $0x7, v3;
	v4 =	vand.u32 $0xFFFFFFF0, v60  }
0x18d: {  	v3 =	vor.u32 v3, v4  }
0x18e: {  	v4 =	vperm.xlane v3, v0;
	_ =	sdelay $0x1  }
0x18f: {  	v3 =	vperm.xlane v3, v2;
	v4 =	vadd.s32 v1, v4;
	_ =	sdelay $0x1  }
0x190: {  	v3 =	vadd.s32 v1, v3;
	_ =	sdelay $0x1  }
0x191: {  	s29 =	simm.s32 $0x8000  }
0x192: {  	[tilespmem:s29], [sflag:$0x2] =	stream.indirect_vreg.gather [hbm4b:s3+s2], $0x80, v4, vm0, $0xb8;
	[tilespmem:$0x16000] =	vst v63  }
0x193: {  	s29 =	simm.s32 $0x8800  }
0x194: {  	[tilespmem:s29], [sflag:$0x2] =	stream.indirect_vreg.gather [hbm4b:s3+s2], $0x80, v3, vm0, $0xb8;
	[tilespmem:$0x16000] =	vst v63  }
0x195: {  	v3 =	vld [tilespmem:s24+$0x100];
	_ =	sdelay $0x4  }
0x196: {  	v61 =	vshll.u32 v3, $0x1  }
0x197: {  	v3 =	vand.u32 $0x7, v3;
	v4 =	vand.u32 $0xFFFFFFF0, v61  }
0x198: {  	v3 =	vor.u32 v3, v4  }
0x199: {  	v4 =	vperm.xlane v3, v0;
	_ =	sdelay $0x1  }
0x19a: {  	v3 =	vperm.xlane v3, v2;
	v4 =	vadd.s32 v1, v4;
	_ =	sdelay $0x1  }
0x19b: {  	v3 =	vadd.s32 v1, v3;
	_ =	sdelay $0x1  }
0x19c: {  	s29 =	simm.s32 $0x9000  }
0x19d: {  	[tilespmem:s29], [sflag:$0x2] =	stream.indirect_vreg.gather [hbm4b:s3+s2], $0x80, v4, vm0, $0xb8;
	[tilespmem:$0x16000] =	vst v63  }
0x19e: {  	s29 =	simm.s32 $0x9800  }
0x19f: {  	[tilespmem:s29], [sflag:$0x2] =	stream.indirect_vreg.gather [hbm4b:s3+s2], $0x80, v3, vm0, $0xb8;
	[tilespmem:$0x16000] =	vst v63  }
0x1a0: {  	v3 =	vld [tilespmem:s24+$0x110];
	_ =	sdelay $0x4  }
0x1a1: {  	v62 =	vshll.u32 v3, $0x1  }
0x1a2: {  	v3 =	vand.u32 $0x7, v3;
	v4 =	vand.u32 $0xFFFFFFF0, v62  }
0x1a3: {  	v3 =	vor.u32 v3, v4  }
0x1a4: {  	v4 =	vperm.xlane v3, v0;
	_ =	sdelay $0x1  }
0x1a5: {  	v3 =	vperm.xlane v3, v2;
	v4 =	vadd.s32 v1, v4;
	_ =	sdelay $0x1  }
0x1a6: {  	v3 =	vadd.s32 v1, v3;
	_ =	sdelay $0x1  }
0x1a7: {  	s29 =	simm.s32 $0xA000  }
0x1a8: {  	[tilespmem:s29], [sflag:$0x2] =	stream.indirect_vreg.gather [hbm4b:s3+s2], $0x80, v4, vm0, $0xb8;
	[tilespmem:$0x16000] =	vst v63  }
0x1a9: {  	s29 =	simm.s32 $0xA800  }
0x1aa: {  	[tilespmem:s29], [sflag:$0x2] =	stream.indirect_vreg.gather [hbm4b:s3+s2], $0x80, v3, vm0, $0xb8;
	[tilespmem:$0x16000] =	vst v63  }
0x1ab: {  	v3 =	vld [tilespmem:s24+$0x120];
	_ =	sdelay $0x4  }
0x1ac: {  	v63 =	vshll.u32 v3, $0x1  }
0x1ad: {  	v3 =	vand.u32 $0x7, v3;
	v4 =	vand.u32 $0xFFFFFFF0, v63  }
0x1ae: {  	v3 =	vor.u32 v3, v4  }
0x1af: {  	v4 =	vperm.xlane v3, v0;
	_ =	sdelay $0x1  }
0x1b0: {  	v3 =	vperm.xlane v3, v2;
	v4 =	vadd.s32 v1, v4;
	_ =	sdelay $0x1  }
0x1b1: {  	v3 =	vadd.s32 v1, v3;
	_ =	sdelay $0x1  }
0x1b2: {  	s29 =	simm.s32 $0xB000  }
0x1b3: {  	[tilespmem:s29], [sflag:$0x2] =	stream.indirect_vreg.gather [hbm4b:s3+s2], $0x80, v4, vm0, $0xb8;
	[tilespmem:$0x16000] =	vst v63  }
0x1b4: {  	s29 =	simm.s32 $0xB800  }
0x1b5: {  	[tilespmem:s29], [sflag:$0x2] =	stream.indirect_vreg.gather [hbm4b:s3+s2], $0x80, v3, vm0, $0xb8;
	[tilespmem:$0x16000] =	vst v63  }
.LBB2_5:
.Ltmp4:
0x1b6: {  	(pc) =	sbr.rel @p0 .LBB2_7-.Ltmp4, $4  }
0x1b7: {  	_ =	swait.ge [sflag:s18], $0x5000  }
0x1b8: {  	[sflag:s18] =	ssyncset.done $0x0  }
0x1b9: {  	s26 =	sadd.s32 $0x1E00, s26;
	[sflag:s18] =	ssyncadd.s32 $0xFFFFB000  }
0x1ba: {  	[hbm4b:s26+s2] =	stream.linear.scatter [tilespmem:s20], [sflag:$0x8], $0x5000, $0x38;
	[tilespmem:$0x16000] =	vst v63  }
0x1bb: {  	_ =	swait.ge [sflag:s23], $0x5000  }
0x1bc: {  	[sflag:s23] =	ssyncset.done $0x0  }
0x1bd: {  	[sflag:s23] =	ssyncadd.s32 $0xFFFFB000  }
0x1be: {  	v3 =	vld [tilespmem:s24+$0x160];
	_ =	sdelay $0x4  }
0x1bf: {  	v4 =	vshll.u32 v3, $0x1  }
0x1c0: {  	v3 =	vand.u32 $0x7, v3;
	v4 =	vand.u32 $0xFFFFFFF0, v4  }
0x1c1: {  	v3 =	vor.u32 v3, v4  }
0x1c2: {  	v4 =	vperm.xlane v3, v0;
	_ =	sdelay $0x1  }
0x1c3: {  	v3 =	vperm.xlane v3, v2;
	v4 =	vadd.s32 v1, v4;
	_ =	sdelay $0x1  }
0x1c4: {  	v3 =	vadd.s32 v1, v3;
	_ =	sdelay $0x2  }
0x1c5: {  	[tilespmem:s30], [sflag:$0x3] =	stream.indirect_vreg.gather [hbm4b:s3+s2], $0x80, v4, vm0, $0xb8;
	[tilespmem:$0x16000] =	vst v63  }
0x1c6: {  	_ = 	snop  }
0x1c7: {  	[tilespmem:s31], [sflag:$0x3] =	stream.indirect_vreg.gather [hbm4b:s3+s2], $0x80, v3, vm0, $0xb8;
	[tilespmem:$0x16000] =	vst v63  }
0x1c8: {  	v3 =	vld [tilespmem:s24+$0x170];
	_ =	sdelay $0x4  }
0x1c9: {  	v60 =	vshll.u32 v3, $0x1  }
0x1ca: {  	v3 =	vand.u32 $0x7, v3;
	v4 =	vand.u32 $0xFFFFFFF0, v60  }
0x1cb: {  	v3 =	vor.u32 v3, v4  }
0x1cc: {  	v4 =	vperm.xlane v3, v0;
	_ =	sdelay $0x1  }
0x1cd: {  	v3 =	vperm.xlane v3, v2;
	v4 =	vadd.s32 v1, v4;
	_ =	sdelay $0x1  }
0x1ce: {  	v3 =	vadd.s32 v1, v3;
	_ =	sdelay $0x2  }
0x1cf: {  	[tilespmem:s0], [sflag:$0x3] =	stream.indirect_vreg.gather [hbm4b:s3+s2], $0x80, v4, vm0, $0xb8;
	[tilespmem:$0x16000] =	vst v63  }
0x1d0: {  	_ = 	snop  }
0x1d1: {  	[tilespmem:s1], [sflag:$0x3] =	stream.indirect_vreg.gather [hbm4b:s3+s2], $0x80, v3, vm0, $0xb8;
	[tilespmem:$0x16000] =	vst v63  }
0x1d2: {  	v3 =	vld [tilespmem:s24+$0x180];
	_ =	sdelay $0x4  }
0x1d3: {  	v61 =	vshll.u32 v3, $0x1  }
0x1d4: {  	v3 =	vand.u32 $0x7, v3;
	v4 =	vand.u32 $0xFFFFFFF0, v61  }
0x1d5: {  	v3 =	vor.u32 v3, v4  }
0x1d6: {  	v4 =	vperm.xlane v3, v0;
	_ =	sdelay $0x1  }
0x1d7: {  	v3 =	vperm.xlane v3, v2;
	v4 =	vadd.s32 v1, v4;
	_ =	sdelay $0x1  }
0x1d8: {  	v3 =	vadd.s32 v1, v3;
	_ =	sdelay $0x2  }
0x1d9: {  	[tilespmem:s4], [sflag:$0x3] =	stream.indirect_vreg.gather [hbm4b:s3+s2], $0x80, v4, vm0, $0xb8;
	[tilespmem:$0x16000] =	vst v63  }
0x1da: {  	_ = 	snop  }
0x1db: {  	[tilespmem:s5], [sflag:$0x3] =	stream.indirect_vreg.gather [hbm4b:s3+s2], $0x80, v3, vm0, $0xb8;
	[tilespmem:$0x16000] =	vst v63  }
0x1dc: {  	v3 =	vld [tilespmem:s24+$0x190];
	_ =	sdelay $0x4  }
0x1dd: {  	v62 =	vshll.u32 v3, $0x1  }
0x1de: {  	v3 =	vand.u32 $0x7, v3;
	v4 =	vand.u32 $0xFFFFFFF0, v62  }
0x1df: {  	v3 =	vor.u32 v3, v4  }
0x1e0: {  	v4 =	vperm.xlane v3, v0;
	_ =	sdelay $0x1  }
0x1e1: {  	v3 =	vperm.xlane v3, v2;
	v4 =	vadd.s32 v1, v4;
	_ =	sdelay $0x1  }
0x1e2: {  	v3 =	vadd.s32 v1, v3;
	_ =	sdelay $0x2  }
0x1e3: {  	[tilespmem:s8], [sflag:$0x3] =	stream.indirect_vreg.gather [hbm4b:s3+s2], $0x80, v4, vm0, $0xb8;
	[tilespmem:$0x16000] =	vst v63  }
0x1e4: {  	_ = 	snop  }
0x1e5: {  	[tilespmem:s10], [sflag:$0x3] =	stream.indirect_vreg.gather [hbm4b:s3+s2], $0x80, v3, vm0, $0xb8;
	[tilespmem:$0x16000] =	vst v63  }
0x1e6: {  	v3 =	vld [tilespmem:s24+$0x1A0];
	_ =	sdelay $0x4  }
0x1e7: {  	v63 =	vshll.u32 v3, $0x1  }
0x1e8: {  	v3 =	vand.u32 $0x7, v3;
	v4 =	vand.u32 $0xFFFFFFF0, v63  }
0x1e9: {  	v3 =	vor.u32 v3, v4  }
0x1ea: {  	v4 =	vperm.xlane v3, v0;
	_ =	sdelay $0x1  }
0x1eb: {  	v3 =	vperm.xlane v3, v2;
	v4 =	vadd.s32 v1, v4;
	_ =	sdelay $0x1  }
0x1ec: {  	v3 =	vadd.s32 v1, v3  }
.Ltmp5:
0x1ed: {  	_ = 	snop;
	(pc) =	sbr.rel .LBB2_2-.Ltmp5, $4  }
0x1ee: {  	_ = 	snop  }
0x1ef: {  	[tilespmem:s11], [sflag:$0x3] =	stream.indirect_vreg.gather [hbm4b:s3+s2], $0x80, v4, vm0, $0xb8;
	[tilespmem:$0x16000] =	vst v63  }
0x1f0: {  	s25 =	sadd.s32 $0x2800, s25;
	s24 =	sadd.s32 $0x200, s24  }
0x1f1: {  	[tilespmem:s12], [sflag:$0x3] =	stream.indirect_vreg.gather [hbm4b:s3+s2], $0x80, v3, vm0, $0xb8;
	[tilespmem:$0x16000] =	vst v63  }
.LBB2_8:
0x1f2: {  	_ =	sfence.sel $0x180000  }
0x1f3: {  	[bflag:$0x0] =	sbarrier.arrive $0xFFFF  }
0x1f4: {  	_ =	strace $0x9000004D  }
0x1f5: {  	s0 =	stileid.u32;
	[bflag:$0x2] =	sbarrier.arrive $0xFFFF  }
0x1f6: {  	p0 =	sne.s32 s0, $0x0;
	s0 =	rddreg [dreg:$0x1]  }
0x1f7: {  	s0 =	sadd.s32 @!p0 $0x100000, s0  }
0x1f8: {  	[sflag:s0] =	ssyncadd.tile.s32 @!p0 $0x1;
	_ =	shalt  }
.Lfunc_end2:
_tile_overlayer_lowered:
.L_overlay_start_2:
0x1f9: {  	(tag) =	ssettag $0x2  }
0x1fa: {  	s0 =	rddreg [dreg:$0x0];
	s2 =	stileid.u32  }
0x1fb: {  	s1 =	rddreg [dreg:$0x1];
	p0 =	sne.s32 s2, $0x0  }
0x1fc: {  	s3 =	rddreg [dreg:$0x2];
	[bflag:$0x3] =	sbarrier.arrive $0xFFFF;
	s2 =	simm.s32 @!p0 $0x1C09  }
0x1fd: {  	[timem:s3], [sflag:s2] =	dma.local @!p0 [hbm:s0], s1  }
0x1fe: {  	s0 =	simm.s32 @!p0 $0x9  }
0x1ff: {  	_ =	swait.ge @!p0 [sflag:s0], s1  }
0x200: {  	s1 =	ssub.s32 @!p0 $0x0, s1;
	[sflag:s0] =	ssyncset.done @!p0 $0x0  }
0x201: {  	[sflag:s0] =	ssyncadd.s32 @!p0 s1  }
0x202: {  	[bflag:$0x3] =	sbarrier.arrive $0xFFFF  }
0x203: {  	_ =	shalt  }

// kernel: kernel.23.cloned.1.call-start
scs
__scs_entry_jumppad:
0x0: {  	(pc) =	sbr.rel $0x88, $3  }
0x1: {  	(tag) =	ssettag $0x0;
	lr =	simm.s32 $0x1  }
0x2: {  	[smem:$0x3F8C] =	sst lr;
	_ =	strace $0xD0000000  }
0x3: {  	_ = 	snop  }
0x4: {  	_ = 	snop  }
0x5: {  	_ = 	snop  }
0x6: {  	_ = 	snop  }
0x7: {  	_ = 	snop  }
__scs_overlays_trampoline_lowered:
0x8: {  	[smem:$0x3F9B] =	sst s0  }
0x9: {  	[smem:$0x3F9C] =	sst s1  }
0xa: {  	[smem:$0x3F9D] =	sst s2  }
0xb: {  	[smem:$0x3F9E] =	sst s3  }
0xc: {  	[smem:$0x3F9F] =	sst s4  }
0xd: {  	[smem:$0x3FA0] =	sst s5  }
0xe: {  	[smem:$0x3FA1] =	sst s6  }
0xf: {  	[smem:$0x3FA2] =	sst s7  }
0x10: {  	[smem:$0x3FA3] =	sst s8  }
0x11: {  	[smem:$0x3FA4] =	sst s9;
	s0 =	simm.s32 @!p0 $0x0  }
0x12: {  	s1 =	sld [smem:$0x3F8A];
	s0 =	simm.s32 @p0 $0x1  }
0x13: {  	[smem:$0x3FA5] =	sst s0;
	s0 =	simm.s32 @!p1 $0x0  }
0x14: {  	s2 =	sld [smem:$0x3F89];
	s0 =	simm.s32 @p1 $0x1  }
0x15: {  	[smem:$0x3FA6] =	sst s0;
	s0 =	simm.s32 @!p2 $0x0  }
0x16: {  	s3 =	sld [smem:$0x3FDB];
	s0 =	simm.s32 @p2 $0x1  }
0x17: {  	s4 =	simm.s32 $0x1BF5;
	[smem:$0x3FA8] =	sst s0  }
0x18: {  	s0 =	sld [smem:$0x3F8B];
	_ =	swait.ge [sflag:s4], $0x0  }
0x19: {  	s7 =	sld [smem:$0x3F8C]  }
0x1a: {  	s8 =	sadd.s32 $0xFFFFE003, lr  }
0x1b: {  	s9 =	sadd.s32 $0xFFFFFEF7, lr;
	s5 =	simm.s32 $0xFFFFFFFF;
	p2 =	slt.u32 s8, $0xFFFFF086  }
0x1c: {  	p1 =	slt.u32 s9, $0xF7A;
	s5 =	simm.s32 @!p2 $0x0  }
0x1d: {  	s5 =	simm.s32 @p1 $0x1;
	p0 =	seq.s32 s7, s2  }
0x1e: {  	s7 =	smul.u32 @!p0 $0xF7A, s2;
	p2 =	seq.s32 @!p0 s5, $0x0  }
0x1f: {  	s9 =	smul.u32 $0xF7A, s1;
	s8 =	simm.s32 @!p0 $0x1BF5;
	p2 =	por !p2, p0  }
0x20: {  	[sflag:s8] =	ssyncset.s32 @!p0 $0xFFFFF086;
	s6 =	sadd.s32 @!p0 s3, s7;
	s7 =	simm.s32 @!p0 $0x108  }
0x21: {  	s3 =	sadd.s32 s3, s9;
	s6 =	sadd.s32 @!p0 $0x88, s6;
	s7 =	simm.s32 @p2 $0x1082  }
0x22: {  	[simem:s7], [sflag:s8] =	dma.local @!p0 [hbm:s6], $0xF7A  }
0x23: {  	s9 =	sor.u32 $0xD0000000, s2;
	s6 =	simm.s32 $0x108;
	_ =	swait.ge @!p0 [sflag:s8], $0x0  }
0x24: {  	s3 =	sadd.s32 $0x88, s3;
	s6 =	simm.s32 @!p1 $0x1082;
	[sflag:s4] =	ssyncset.s32 $0xFFFFF086  }
0x25: {  	[simem:s6], [sflag:s4] =	dma.local [hbm:s3], $0xF7A  }
0x26: {  	[smem:$0x3F8C] =	sst s1;
	(tag) =	ssettag s2;
	_ =	strace s9  }
0x27: {  	s1 =	sld [smem:$0x3F9C]  }
0x28: {  	s2 =	sld [smem:$0x3F9D]  }
0x29: {  	s4 =	sld [smem:$0x3F9F]  }
0x2a: {  	p0 =	seq.s32 s5, $0x0;
	s5 =	sld [smem:$0x3FA0]  }
0x2b: {  	s6 =	sld [smem:$0x3FA1]  }
0x2c: {  	s7 =	sld [smem:$0x3FA2]  }
0x2d: {  	s3 =	simm.s32 $0x108;
	s8 =	sld [smem:$0x3FA3]  }
0x2e: {  	s3 =	simm.s32 @!p0 $0x1082;
	s9 =	sld [smem:$0x3FA4]  }
0x2f: {  	lr =	sadd.s32 s0, s3;
	s0 =	sld [smem:$0x3F9B]  }
0x30: {  	s3 =	sld [smem:$0x3F9E]  }
0x31: {  	[smem:$0x3FA7] =	sst s10  }
0x32: {  	s10 =	sld [smem:$0x3FA5];
	_ =	sdelay $0x3  }
0x33: {  	p0 =	seq.s32 s10, $0x1;
	s10 =	sld [smem:$0x3FA7];
	_ =	sdelay $0x3  }
0x34: {  	[smem:$0x3FA7] =	sst s10  }
0x35: {  	s10 =	sld [smem:$0x3FA6];
	_ =	sdelay $0x3  }
0x36: {  	p1 =	seq.s32 s10, $0x1;
	s10 =	sld [smem:$0x3FA7];
	_ =	sdelay $0x3  }
0x37: {  	[smem:$0x3FA7] =	sst s10  }
0x38: {  	s10 =	sld [smem:$0x3FA8]  }
0x39: {  	_ = 	snop;
	(pc) =	sbr.ind lr, $3  }
0x3a: {  	_ = 	snop  }
0x3b: {  	_ = 	snop  }
0x3c: {  	p2 =	seq.s32 s10, $0x1;
	s10 =	sld [smem:$0x3FA7]  }
0x3d: {  	_ =	shalt  }
0x3e: {  	_ =	shalt  }
0x3f: {  	_ =	shalt  }
0x40: {  	_ =	shalt  }
0x41: {  	_ =	shalt  }
0x42: {  	_ =	shalt  }
0x43: {  	_ =	shalt  }
0x44: {  	_ =	shalt  }
0x45: {  	_ =	shalt  }
0x46: {  	_ =	shalt  }
0x47: {  	_ =	shalt  }
0x48: {  	_ =	shalt  }
0x49: {  	_ =	shalt  }
0x4a: {  	_ =	shalt  }
0x4b: {  	_ =	shalt  }
0x4c: {  	_ =	shalt  }
0x4d: {  	_ =	shalt  }
0x4e: {  	_ =	shalt  }
0x4f: {  	_ =	shalt  }
0x50: {  	_ =	shalt  }
0x51: {  	_ =	shalt  }
0x52: {  	_ =	shalt  }
0x53: {  	_ =	shalt  }
0x54: {  	_ =	shalt  }
0x55: {  	_ =	shalt  }
0x56: {  	_ =	shalt  }
0x57: {  	_ =	shalt  }
0x58: {  	_ =	shalt  }
0x59: {  	_ =	shalt  }
0x5a: {  	_ =	shalt  }
0x5b: {  	_ =	shalt  }
0x5c: {  	_ =	shalt  }
0x5d: {  	_ =	shalt  }
0x5e: {  	_ =	shalt  }
0x5f: {  	_ =	shalt  }
0x60: {  	_ =	shalt  }
0x61: {  	_ =	shalt  }
0x62: {  	_ =	shalt  }
0x63: {  	_ =	shalt  }
0x64: {  	_ =	shalt  }
0x65: {  	_ =	shalt  }
0x66: {  	_ =	shalt  }
0x67: {  	_ =	shalt  }
0x68: {  	_ =	shalt  }
0x69: {  	_ =	shalt  }
0x6a: {  	_ =	shalt  }
0x6b: {  	_ =	shalt  }
0x6c: {  	_ =	shalt  }
0x6d: {  	_ =	shalt  }
0x6e: {  	_ =	shalt  }
0x6f: {  	_ =	shalt  }
0x70: {  	_ =	shalt  }
0x71: {  	_ =	shalt  }
0x72: {  	_ =	shalt  }
0x73: {  	_ =	shalt  }
0x74: {  	_ =	shalt  }
0x75: {  	_ =	shalt  }
0x76: {  	_ =	shalt  }
0x77: {  	_ =	shalt  }
0x78: {  	_ =	shalt  }
0x79: {  	_ =	shalt  }
0x7a: {  	_ =	shalt  }
0x7b: {  	_ =	shalt  }
0x7c: {  	_ =	shalt  }
0x7d: {  	_ =	shalt  }
0x7e: {  	_ =	shalt  }
0x7f: {  	_ =	shalt  }
0x80: {  	_ =	shalt  }
0x81: {  	_ =	shalt  }
0x82: {  	_ =	shalt  }
0x83: {  	_ =	shalt  }
0x84: {  	_ =	shalt  }
0x85: {  	_ =	shalt  }
0x86: {  	_ =	shalt  }
0x87: {  	_ =	shalt  }
.Lfunc_end0:
.L_simem_size_0:
called_computation.3_lowered:
.L_overlay_start_0:
0x88: {  	s2 =	sld [smem:$0x3FD9]  }
0x89: {  	s3 =	sld [smem:$0x3FFE];
	_ =	sdelay $0x1  }
0x8a: {  	s1 =	srdreg.scid  }
0x8b: {  	s0 =	sand.u32 $0x1, s1  }
0x8c: {  	s16 =	sshll.u32 s0, $0xA;
	s2 =	sadd.s32 s3, s2  }
0x8d: {  	s2 =	sadd.s32 s2, s16  }
0x8e: {  	[smem:$0x3FB3] =	sst s2  }
0x8f: {  	_ = 	snop  }
0x90: {  	(tm) =	ssettm $0x1  }
0x91: {  	s17 =	sld [smem:$0x3FFB];
	_ =	sdelay $0x3  }
0x92: {  	_ =	strace s17  }
0x93: {  	s2 =	sld [smem:$0x3FFC];
	_ =	sdelay $0x3  }
0x94: {  	_ =	strace s2  }
0x95: {  	s2 =	sld [smem:$0x3FFD];
	_ =	sdelay $0x3  }
0x96: {  	_ =	strace s2  }
0x97: {  	_ =	strace $0x8FFFFFFF  }
0x98: {  	s18 =	sld [smem:$0x3FDB];
	_ =	sdelay $0x1  }
0x99: {  	s19 =	simm.s32 $_scs_section_size  }
0x9a: {  	s4 =	simm.s32 $_size__tile_overlayer_lowered;
	s5 =	simm.s32 $_tile_overlayer_lowered  }
0x9b: {  	s22 =	simm.s32 $0x1BFF;
	s21 =	sshll.u32 s5, $0x1;
	s2 =	sadd.s32 s19, s18  }
0x9c: {  	s6 =	simm.s32 $0x0;
	s20 =	sshll.u32 s4, $0x1;
	s4 =	sadd.s32 s21, s2  }
0x9d: {  	[timem:s6], [sflag:s22] =	dma.local [hbm:s4], s20  }
0x9e: {  	_ =	swait.ge [sflag:s22], s20  }
0x9f: {  	s3 =	ssub.s32 $0x0, s20;
	[sflag:s22] =	ssyncset.done $0x0  }
0xa0: {  	[sflag:s22] =	ssyncadd.s32 s3;
	_ =	sdelay $0x1  }
0xa1: {  	s23 =	simm.s32 $0x1B8B  }
0xa2: {  	_ =	swait.ge [sflag:s23], $0x1  }
0xa3: {  	[sflag:s23] =	ssyncset.done $0x0  }
0xa4: {  	s25 =	simm.s32 $0x1B8E;
	s24 =	sld [smem:$0x3FFE];
	[sflag:s23] =	ssyncadd.s32 $0xFFFFFFFF  }
0xa5: {  	s26 =	simm.s32 $execute0_lowered;
	[smem:$0x3FD2] =	sst s25  }
0xa6: {  	s4 =	sshll.u32 s26, $0x1;
	_ =	strace $0x8000004F;
	[dreg:$0x1] =	wrdreg $0xFFFFFFFF  }
0xa7: {  	s28 =	simm.s32 $_size_execute0_lowered;
	s2 =	sadd.s32 s2, s4;
	[dreg:$0x0] =	wrdreg $0x0  }
0xa8: {  	s4 =	sshll.u32 s28, $0x1;
	[dreg:$0x2] =	wrdreg s2  }
0xa9: {  	[dreg:$0x3] =	wrdreg s4  }
0xaa: {  	[dreg:$0x4] =	wrdreg $0xC0  }
0xab: {  	_ =	task [dreg:s6], $0x5FFFF  }
0xac: {  	[dreg:$0x1] =	wrdreg $0xFFFFFFFF  }
0xad: {  	[dreg:$0x0] =	wrdreg $0x60  }
0xae: {  	[dreg:$0x2] =	wrdreg s24  }
0xaf: {  	[dreg:$0x3] =	wrdreg $0x9  }
0xb0: {  	_ =	task.clear_ibuf [dreg:s6], $0x4FFFF;
	_ =	strace $0x9000004F  }
0xb1: {  	s29 =	simm.s32 $0x9;
	_ =	strace $0x80000051  }
0xb2: {  	_ =	swait.ge [sflag:s29], $0x1  }
0xb3: {  	[sflag:s29] =	ssyncadd.s32 $0xFFFFFFFF  }
0xb4: {  	_ =	strace $0x90000051  }
0xb5: {  	_ =	sfence  }
0xb6: {  	s30 =	sld [smem:$0x0];
	_ =	sdelay $0x2  }
0xb7: {  	s31 =	sshll.u32 s1, $0xD;
	s1 =	sshrl.u32 s1, $0x2  }
0xb8: {  	s3 =	sand.u32 $0x4000, s31;
	s1 =	sadd.s32 s1, s30  }
0xb9: {  	s0 =	sor.u32 s3, s0;
	s1 =	sshll.u32 s1, $0x11  }
0xba: {  	s0 =	sor.u32 s1, s0  }
0xbb: {  	s0 =	sadd.s32 $0x8F2B, s0  }
0xbc: {  	[sflag:s0] =	ssyncadd.remote.s32 $0x1  }
0xbd: {  	_ =	sfence.sel $0xFFFF  }
0xbe: {  	[dreg:$0x0] =	wrdreg $0xFFFFFFFF;
	(pc) =	sbr.abs _section_cstart, $3  }
0xbf: {  	[dreg:$0x1] =	wrdreg $0xFFFFFFFF  }
0xc0: {  	_ =	task.clear_ibuf [dreg:s6], $0x2FFFF;
	_ =	strace $0x9FFFFFFF  }
0xc1: {  	(tm) =	ssettm $0x7FFFFFFF  }
tec
execute0_lowered:
.L_overlay_start_1:
0x0: {  	(tag) =	ssettag $0x1  }
0x1: {  	s0 =	rddreg [dreg:$0x0]  }
0x2: {  	s1 =	srdreg.scid;
	s8 =	stileid.u32  }
0x3: {  	s2 =	simm.s32 $0x0;
	s9 =	simm.s32 $0x2000;
	s19 =	simm.s32 $0x7000  }
0x4: {  	s30 =	simm.s32 $0xC000;
	s31 =	simm.s32 $0xC800;
	s10 =	simm.s32 $0xF800  }
0x5: {  	s11 =	simm.s32 $0x10000;
	s12 =	simm.s32 $0x10800;
	s13 =	simm.s32 $0x1  }
0x6: {  	s14 =	simm.s32 $0x15000;
	s15 =	simm.s32 $0x15800;
	s16 =	simm.s32 $0x2  }
0x7: {  	s17 =	simm.s32 $0x3;
	s18 =	simm.s32 $0x4;
	s20 =	simm.s32 $0x11000  }
0x8: {  	s21 =	simm.s32 $0x5;
	s22 =	simm.s32 $0x6;
	s23 =	simm.s32 $0x7  }
0x9: {  	s26 =	simm.s32 $0x0;
	s1 =	sand.u32 $0x1, s1;
	s3 =	sshll.u32 s8, $0x1  }
0xa: {  	[smem:$0x7FF] =	sst s2;
	s8 =	smul.u32 $0x50000, s8;
	s4 =	sor.u32 s1, s3  }
0xb: {  	_ =	strace $0x80000050;
	s6 =	ssub.s32 $0x2, s1;
	s1 =	smul.u32 $0x28000, s1  }
0xc: {  	s3 =	sadd.s32 $0x3A200, s0;
	s5 =	sshll.u32 s4, $0xA;
	s4 =	smul.u32 $0x28000, s4  }
0xd: {  	s7 =	sshrl.u32 s6, $0x1;
	s5 =	sadd.s32 s5, s0;
	s0 =	sadd.s32 $0x97200, s0  }
.Ltmp0:
0xe: {  	s6 =	ssub.s32 s6, s7;
	s5 =	sadd.s32 $0x8F200, s5;
	(pc) =	sbr.rel .LBB2_1-.Ltmp0, $4  }
0xf: {  	s29 =	smax.u32 s6, $0x1;
	s4 =	sadd.s32 s0, s4;
	[dreg:$0x2] =	wrdreg s5  }
0x10: {  	v2 =	vlaneseq.u32;
	s0 =	sadd.s32 s8, s0;
	s8 =	simm.s32 $0xF000;
	[dreg:$0x3] =	wrdreg s29  }
0x11: {  	vm0 =	vmmov $0xffff;
	v1 =	vshrl.u32 v2, $0x3;
	s6 =	sadd.s32 $0x26C00, s4;
	s7 =	sadd.s32 s1, s0;
	s0 =	simm.s32 $0xD000  }
0x12: {  	v0 =	vand.u32 $0x7, v2;
	v2 =	vor.u32 $0x8, v2;
	v1 =	vmul.u32 $0x8, v1;
	s1 =	simm.s32 $0xD800;
	s4 =	simm.s32 $0xE000;
	s5 =	simm.s32 $0xE800  }
.LBB2_7:
0x13: {  	_ =	swait.ge [sflag:s21], $0x5000  }
0x14: {  	[sflag:s21] =	ssyncset.done $0x0  }
0x15: {  	[sflag:s21] =	ssyncadd.s32 $0xFFFFB000  }
0x16: {  	_ =	swait.ge [sflag:s22], $0x5000  }
0x17: {  	[sflag:s22] =	ssyncset.done $0x0  }
0x18: {  	[sflag:s22] =	ssyncadd.s32 $0xFFFFB000  }
0x19: {  	_ =	swait.ge [sflag:s23], $0x5000  }
0x1a: {  	[sflag:s23] =	ssyncset.done $0x0  }
0x1b: {  	s25 =	simm.s32 $0x8;
	[sflag:s23] =	ssyncadd.s32 $0xFFFFB000  }
0x1c: {  	_ =	swait.ge [sflag:s25], $0x5000  }
0x1d: {  	s26 =	rddreg [dreg:$0x4]  }
0x1e: {  	s24 =	rddreg [dreg:$0x3];
	s26 =	sadd.s32 $0x1, s26  }
0x1f: {  	p0 =	sne.s32 s26, s24  }
.Ltmp1:
0x20: {  	_ = 	snop;
	(pc) =	sbr.rel @!p0 .LBB2_8-.Ltmp1, $3  }
0x21: {  	_ =	sdelay $0x1  }
0x22: {  	[sflag:s25] =	ssyncset.done $0x0  }
0x23: {  	[sflag:s25] =	ssyncadd.s32 $0xFFFFB000  }
.LBB2_1:
0x24: {  	[dreg:$0x4] =	wrdreg s26  }
0x25: {  	s24 =	rddreg [dreg:$0x2];
	s26 =	simm.s32 $0x9  }
0x26: {  	[tilespmem:s2], [sflag:$0x9] =	stream.linear.gather [hbm4b:s24+s2], $0x2000, $0x38;
	[tilespmem:$0x16000] =	vst v63  }
0x27: {  	_ =	swait.ge [sflag:s26], $0x2000  }
0x28: {  	[sflag:s26] =	ssyncset.done $0x0  }
0x29: {  	[sflag:s26] =	ssyncadd.s32 $0xFFFFE000  }
0x2a: {  	v3 =	vld [tilespmem:$0x0];
	_ =	sdelay $0x4  }
0x2b: {  	v4 =	vshll.u32 v3, $0x1  }
0x2c: {  	v3 =	vand.u32 $0x7, v3;
	v4 =	vand.u32 $0xFFFFFFF0, v4  }
0x2d: {  	v3 =	vor.u32 v3, v4  }
0x2e: {  	v4 =	vperm.xlane v3, v0;
	_ =	sdelay $0x1  }
0x2f: {  	v3 =	vperm.xlane v3, v2;
	v4 =	vadd.s32 v1, v4;
	_ =	sdelay $0x1  }
0x30: {  	v3 =	vadd.s32 v1, v3;
	_ =	sdelay $0x2  }
0x31: {  	[tilespmem:s9], [sflag:$0x1] =	stream.indirect_vreg.gather [hbm4b:s3+s2], $0x80, v4, vm0, $0xb8;
	[tilespmem:$0x16000] =	vst v63  }
0x32: {  	s28 =	simm.s32 $0x2800  }
0x33: {  	[tilespmem:s28], [sflag:$0x1] =	stream.indirect_vreg.gather [hbm4b:s3+s2], $0x80, v3, vm0, $0xb8;
	[tilespmem:$0x16000] =	vst v63  }
0x34: {  	v3 =	vld [tilespmem:$0x10];
	_ =	sdelay $0x4  }
0x35: {  	v50 =	vshll.u32 v3, $0x1  }
0x36: {  	v3 =	vand.u32 $0x7, v3;
	v4 =	vand.u32 $0xFFFFFFF0, v50  }
0x37: {  	v3 =	vor.u32 v3, v4  }
0x38: {  	v4 =	vperm.xlane v3, v0;
	_ =	sdelay $0x1  }
0x39: {  	v3 =	vperm.xlane v3, v2;
	v4 =	vadd.s32 v1, v4;
	_ =	sdelay $0x1  }
0x3a: {  	v3 =	vadd.s32 v1, v3;
	_ =	sdelay $0x1  }
0x3b: {  	s29 =	simm.s32 $0x3000  }
0x3c: {  	[tilespmem:s29], [sflag:$0x1] =	stream.indirect_vreg.gather [hbm4b:s3+s2], $0x80, v4, vm0, $0xb8;
	[tilespmem:$0x16000] =	vst v63  }
0x3d: {  	s25 =	simm.s32 $0x3800  }
0x3e: {  	[tilespmem:s25], [sflag:$0x1] =	stream.indirect_vreg.gather [hbm4b:s3+s2], $0x80, v3, vm0, $0xb8;
	[tilespmem:$0x16000] =	vst v63  }
0x3f: {  	v3 =	vld [tilespmem:$0x20];
	_ =	sdelay $0x4  }
0x40: {  	v51 =	vshll.u32 v3, $0x1  }
0x41: {  	v3 =	vand.u32 $0x7, v3;
	v4 =	vand.u32 $0xFFFFFFF0, v51  }
0x42: {  	v3 =	vor.u32 v3, v4  }
0x43: {  	v4 =	vperm.xlane v3, v0;
	_ =	sdelay $0x1  }
0x44: {  	v3 =	vperm.xlane v3, v2;
	v4 =	vadd.s32 v1, v4;
	_ =	sdelay $0x1  }
0x45: {  	v3 =	vadd.s32 v1, v3;
	_ =	sdelay $0x1  }
0x46: {  	s26 =	simm.s32 $0x4000  }
0x47: {  	[tilespmem:s26], [sflag:$0x1] =	stream.indirect_vreg.gather [hbm4b:s3+s2], $0x80, v4, vm0, $0xb8;
	[tilespmem:$0x16000] =	vst v63  }
0x48: {  	s28 =	simm.s32 $0x4800  }
0x49: {  	[tilespmem:s28], [sflag:$0x1] =	stream.indirect_vreg.gather [hbm4b:s3+s2], $0x80, v3, vm0, $0xb8;
	[tilespmem:$0x16000] =	vst v63  }
0x4a: {  	v3 =	vld [tilespmem:$0x30];
	_ =	sdelay $0x4  }
0x4b: {  	v52 =	vshll.u32 v3, $0x1  }
0x4c: {  	v3 =	vand.u32 $0x7, v3;
	v4 =	vand.u32 $0xFFFFFFF0, v52  }
0x4d: {  	v3 =	vor.u32 v3, v4  }
0x4e: {  	v4 =	vperm.xlane v3, v0;
	_ =	sdelay $0x1  }
0x4f: {  	v3 =	vperm.xlane v3, v2;
	v4 =	vadd.s32 v1, v4;
	_ =	sdelay $0x1  }
0x50: {  	v3 =	vadd.s32 v1, v3;
	_ =	sdelay $0x1  }
0x51: {  	s29 =	simm.s32 $0x5000  }
0x52: {  	[tilespmem:s29], [sflag:$0x1] =	stream.indirect_vreg.gather [hbm4b:s3+s2], $0x80, v4, vm0, $0xb8;
	[tilespmem:$0x16000] =	vst v63  }
0x53: {  	s25 =	simm.s32 $0x5800  }
0x54: {  	[tilespmem:s25], [sflag:$0x1] =	stream.indirect_vreg.gather [hbm4b:s3+s2], $0x80, v3, vm0, $0xb8;
	[tilespmem:$0x16000] =	vst v63  }
0x55: {  	v3 =	vld [tilespmem:$0x40];
	_ =	sdelay $0x4  }
0x56: {  	v53 =	vshll.u32 v3, $0x1  }
0x57: {  	v3 =	vand.u32 $0x7, v3;
	v4 =	vand.u32 $0xFFFFFFF0, v53  }
0x58: {  	v3 =	vor.u32 v3, v4  }
0x59: {  	v4 =	vperm.xlane v3, v0;
	_ =	sdelay $0x1  }
0x5a: {  	v3 =	vperm.xlane v3, v2;
	v4 =	vadd.s32 v1, v4;
	_ =	sdelay $0x1  }
0x5b: {  	v3 =	vadd.s32 v1, v3;
	_ =	sdelay $0x1  }
0x5c: {  	s26 =	simm.s32 $0x6000  }
0x5d: {  	[tilespmem:s26], [sflag:$0x1] =	stream.indirect_vreg.gather [hbm4b:s3+s2], $0x80, v4, vm0, $0xb8;
	[tilespmem:$0x16000] =	vst v63  }
0x5e: {  	s28 =	simm.s32 $0x6800  }
0x5f: {  	[tilespmem:s28], [sflag:$0x1] =	stream.indirect_vreg.gather [hbm4b:s3+s2], $0x80, v3, vm0, $0xb8;
	[tilespmem:$0x16000] =	vst v63  }
0x60: {  	v3 =	vld [tilespmem:$0x80];
	_ =	sdelay $0x4  }
0x61: {  	v54 =	vshll.u32 v3, $0x1  }
0x62: {  	v3 =	vand.u32 $0x7, v3;
	v4 =	vand.u32 $0xFFFFFFF0, v54  }
0x63: {  	v3 =	vor.u32 v3, v4  }
0x64: {  	v4 =	vperm.xlane v3, v0;
	_ =	sdelay $0x1  }
0x65: {  	v3 =	vperm.xlane v3, v2;
	v4 =	vadd.s32 v1, v4;
	_ =	sdelay $0x1  }
0x66: {  	v3 =	vadd.s32 v1, v3;
	_ =	sdelay $0x2  }
0x67: {  	[tilespmem:s19], [sflag:$0x2] =	stream.indirect_vreg.gather [hbm4b:s3+s2], $0x80, v4, vm0, $0xb8;
	[tilespmem:$0x16000] =	vst v63  }
0x68: {  	s29 =	simm.s32 $0x7800  }
0x69: {  	[tilespmem:s29], [sflag:$0x2] =	stream.indirect_vreg.gather [hbm4b:s3+s2], $0x80, v3, vm0, $0xb8;
	[tilespmem:$0x16000] =	vst v63  }
0x6a: {  	v3 =	vld [tilespmem:$0x90];
	_ =	sdelay $0x4  }
0x6b: {  	v55 =	vshll.u32 v3, $0x1  }
0x6c: {  	v3 =	vand.u32 $0x7, v3;
	v4 =	vand.u32 $0xFFFFFFF0, v55  }
0x6d: {  	v3 =	vor.u32 v3, v4  }
0x6e: {  	v4 =	vperm.xlane v3, v0;
	_ =	sdelay $0x1  }
0x6f: {  	v3 =	vperm.xlane v3, v2;
	v4 =	vadd.s32 v1, v4;
	_ =	sdelay $0x1  }
0x70: {  	v3 =	vadd.s32 v1, v3;
	_ =	sdelay $0x1  }
0x71: {  	s25 =	simm.s32 $0x8000  }
0x72: {  	[tilespmem:s25], [sflag:$0x2] =	stream.indirect_vreg.gather [hbm4b:s3+s2], $0x80, v4, vm0, $0xb8;
	[tilespmem:$0x16000] =	vst v63  }
0x73: {  	s26 =	simm.s32 $0x8800  }
0x74: {  	[tilespmem:s26], [sflag:$0x2] =	stream.indirect_vreg.gather [hbm4b:s3+s2], $0x80, v3, vm0, $0xb8;
	[tilespmem:$0x16000] =	vst v63  }
0x75: {  	v3 =	vld [tilespmem:$0xA0];
	_ =	sdelay $0x4  }
0x76: {  	v56 =	vshll.u32 v3, $0x1  }
0x77: {  	v3 =	vand.u32 $0x7, v3;
	v4 =	vand.u32 $0xFFFFFFF0, v56  }
0x78: {  	v3 =	vor.u32 v3, v4  }
0x79: {  	v4 =	vperm.xlane v3, v0;
	_ =	sdelay $0x1  }
0x7a: {  	v3 =	vperm.xlane v3, v2;
	v4 =	vadd.s32 v1, v4;
	_ =	sdelay $0x1  }
0x7b: {  	v3 =	vadd.s32 v1, v3;
	_ =	sdelay $0x1  }
0x7c: {  	s28 =	simm.s32 $0x9000  }
0x7d: {  	[tilespmem:s28], [sflag:$0x2] =	stream.indirect_vreg.gather [hbm4b:s3+s2], $0x80, v4, vm0, $0xb8;
	[tilespmem:$0x16000] =	vst v63  }
0x7e: {  	s29 =	simm.s32 $0x9800  }
0x7f: {  	[tilespmem:s29], [sflag:$0x2] =	stream.indirect_vreg.gather [hbm4b:s3+s2], $0x80, v3, vm0, $0xb8;
	[tilespmem:$0x16000] =	vst v63  }
0x80: {  	v3 =	vld [tilespmem:$0xB0];
	_ =	sdelay $0x4  }
0x81: {  	v57 =	vshll.u32 v3, $0x1  }
0x82: {  	v3 =	vand.u32 $0x7, v3;
	v4 =	vand.u32 $0xFFFFFFF0, v57  }
0x83: {  	v3 =	vor.u32 v3, v4  }
0x84: {  	v4 =	vperm.xlane v3, v0;
	_ =	sdelay $0x1  }
0x85: {  	v3 =	vperm.xlane v3, v2;
	v4 =	vadd.s32 v1, v4;
	_ =	sdelay $0x1  }
0x86: {  	v3 =	vadd.s32 v1, v3;
	_ =	sdelay $0x1  }
0x87: {  	s25 =	simm.s32 $0xA000  }
0x88: {  	[tilespmem:s25], [sflag:$0x2] =	stream.indirect_vreg.gather [hbm4b:s3+s2], $0x80, v4, vm0, $0xb8;
	[tilespmem:$0x16000] =	vst v63  }
0x89: {  	s26 =	simm.s32 $0xA800  }
0x8a: {  	[tilespmem:s26], [sflag:$0x2] =	stream.indirect_vreg.gather [hbm4b:s3+s2], $0x80, v3, vm0, $0xb8;
	[tilespmem:$0x16000] =	vst v63  }
0x8b: {  	v3 =	vld [tilespmem:$0xC0];
	_ =	sdelay $0x4  }
0x8c: {  	v58 =	vshll.u32 v3, $0x1  }
0x8d: {  	v3 =	vand.u32 $0x7, v3;
	v4 =	vand.u32 $0xFFFFFFF0, v58  }
0x8e: {  	v3 =	vor.u32 v3, v4  }
0x8f: {  	v4 =	vperm.xlane v3, v0;
	_ =	sdelay $0x1  }
0x90: {  	v3 =	vperm.xlane v3, v2;
	v4 =	vadd.s32 v1, v4;
	_ =	sdelay $0x1  }
0x91: {  	v3 =	vadd.s32 v1, v3;
	_ =	sdelay $0x1  }
0x92: {  	s28 =	simm.s32 $0xB000  }
0x93: {  	[tilespmem:s28], [sflag:$0x2] =	stream.indirect_vreg.gather [hbm4b:s3+s2], $0x80, v4, vm0, $0xb8;
	[tilespmem:$0x16000] =	vst v63  }
0x94: {  	s29 =	simm.s32 $0xB800  }
0x95: {  	[tilespmem:s29], [sflag:$0x2] =	stream.indirect_vreg.gather [hbm4b:s3+s2], $0x80, v3, vm0, $0xb8;
	[tilespmem:$0x16000] =	vst v63  }
0x96: {  	v3 =	vld [tilespmem:$0x100];
	_ =	sdelay $0x4  }
0x97: {  	v59 =	vshll.u32 v3, $0x1  }
0x98: {  	v3 =	vand.u32 $0x7, v3;
	v4 =	vand.u32 $0xFFFFFFF0, v59  }
0x99: {  	v3 =	vor.u32 v3, v4  }
0x9a: {  	v4 =	vperm.xlane v3, v0;
	_ =	sdelay $0x1  }
0x9b: {  	v3 =	vperm.xlane v3, v2;
	v4 =	vadd.s32 v1, v4;
	_ =	sdelay $0x1  }
0x9c: {  	v3 =	vadd.s32 v1, v3;
	_ =	sdelay $0x2  }
0x9d: {  	[tilespmem:s30], [sflag:$0x3] =	stream.indirect_vreg.gather [hbm4b:s3+s2], $0x80, v4, vm0, $0xb8;
	[tilespmem:$0x16000] =	vst v63  }
0x9e: {  	_ = 	snop  }
0x9f: {  	[tilespmem:s31], [sflag:$0x3] =	stream.indirect_vreg.gather [hbm4b:s3+s2], $0x80, v3, vm0, $0xb8;
	[tilespmem:$0x16000] =	vst v63  }
0xa0: {  	v3 =	vld [tilespmem:$0x110];
	_ =	sdelay $0x4  }
0xa1: {  	v60 =	vshll.u32 v3, $0x1  }
0xa2: {  	v3 =	vand.u32 $0x7, v3;
	v4 =	vand.u32 $0xFFFFFFF0, v60  }
0xa3: {  	v3 =	vor.u32 v3, v4  }
0xa4: {  	v4 =	vperm.xlane v3, v0;
	_ =	sdelay $0x1  }
0xa5: {  	v3 =	vperm.xlane v3, v2;
	v4 =	vadd.s32 v1, v4;
	_ =	sdelay $0x1  }
0xa6: {  	v3 =	vadd.s32 v1, v3;
	_ =	sdelay $0x2  }
0xa7: {  	[tilespmem:s0], [sflag:$0x3] =	stream.indirect_vreg.gather [hbm4b:s3+s2], $0x80, v4, vm0, $0xb8;
	[tilespmem:$0x16000] =	vst v63  }
0xa8: {  	_ = 	snop  }
0xa9: {  	[tilespmem:s1], [sflag:$0x3] =	stream.indirect_vreg.gather [hbm4b:s3+s2], $0x80, v3, vm0, $0xb8;
	[tilespmem:$0x16000] =	vst v63  }
0xaa: {  	v3 =	vld [tilespmem:$0x120];
	_ =	sdelay $0x4  }
0xab: {  	v61 =	vshll.u32 v3, $0x1  }
0xac: {  	v3 =	vand.u32 $0x7, v3;
	v4 =	vand.u32 $0xFFFFFFF0, v61  }
0xad: {  	v3 =	vor.u32 v3, v4  }
0xae: {  	v4 =	vperm.xlane v3, v0;
	_ =	sdelay $0x1  }
0xaf: {  	v3 =	vperm.xlane v3, v2;
	v4 =	vadd.s32 v1, v4;
	_ =	sdelay $0x1  }
0xb0: {  	v3 =	vadd.s32 v1, v3;
	_ =	sdelay $0x2  }
0xb1: {  	[tilespmem:s4], [sflag:$0x3] =	stream.indirect_vreg.gather [hbm4b:s3+s2], $0x80, v4, vm0, $0xb8;
	[tilespmem:$0x16000] =	vst v63  }
0xb2: {  	_ = 	snop  }
0xb3: {  	[tilespmem:s5], [sflag:$0x3] =	stream.indirect_vreg.gather [hbm4b:s3+s2], $0x80, v3, vm0, $0xb8;
	[tilespmem:$0x16000] =	vst v63  }
0xb4: {  	v3 =	vld [tilespmem:$0x130];
	_ =	sdelay $0x4  }
0xb5: {  	v62 =	vshll.u32 v3, $0x1  }
0xb6: {  	v3 =	vand.u32 $0x7, v3;
	v4 =	vand.u32 $0xFFFFFFF0, v62  }
0xb7: {  	v3 =	vor.u32 v3, v4  }
0xb8: {  	v4 =	vperm.xlane v3, v0;
	_ =	sdelay $0x1  }
0xb9: {  	v3 =	vperm.xlane v3, v2;
	v4 =	vadd.s32 v1, v4;
	_ =	sdelay $0x1  }
0xba: {  	v3 =	vadd.s32 v1, v3;
	_ =	sdelay $0x2  }
0xbb: {  	[tilespmem:s8], [sflag:$0x3] =	stream.indirect_vreg.gather [hbm4b:s3+s2], $0x80, v4, vm0, $0xb8;
	[tilespmem:$0x16000] =	vst v63  }
0xbc: {  	_ = 	snop  }
0xbd: {  	[tilespmem:s10], [sflag:$0x3] =	stream.indirect_vreg.gather [hbm4b:s3+s2], $0x80, v3, vm0, $0xb8;
	[tilespmem:$0x16000] =	vst v63  }
0xbe: {  	v3 =	vld [tilespmem:$0x140];
	_ =	sdelay $0x4  }
0xbf: {  	v63 =	vshll.u32 v3, $0x1  }
0xc0: {  	v3 =	vand.u32 $0x7, v3;
	v4 =	vand.u32 $0xFFFFFFF0, v63  }
0xc1: {  	v3 =	vor.u32 v3, v4  }
0xc2: {  	v4 =	vperm.xlane v3, v0;
	_ =	sdelay $0x1  }
0xc3: {  	v3 =	vperm.xlane v3, v2;
	v4 =	vadd.s32 v1, v4;
	_ =	sdelay $0x1  }
0xc4: {  	v3 =	vadd.s32 v1, v3;
	_ =	sdelay $0x2  }
0xc5: {  	[tilespmem:s11], [sflag:$0x3] =	stream.indirect_vreg.gather [hbm4b:s3+s2], $0x80, v4, vm0, $0xb8;
	[tilespmem:$0x16000] =	vst v63  }
0xc6: {  	s24 =	simm.s32 $0x1A0;
	s25 =	simm.s32 $0x0  }
0xc7: {  	[tilespmem:s12], [sflag:$0x3] =	stream.indirect_vreg.gather [hbm4b:s3+s2], $0x80, v3, vm0, $0xb8;
	[tilespmem:$0x16000] =	vst v63  }
.LBB2_2:
0xc8: {  	_ =	swait.ge [sflag:s13], $0x5000  }
0xc9: {  	[sflag:s13] =	ssyncset.done $0x0  }
0xca: {  	s26 =	sadd.s32 s25, s7;
	p0 =	seq.s32 s25, $0x0;
	[sflag:s13] =	ssyncadd.s32 $0xFFFFB000  }
0xcb: {  	[hbm4b:s26+s2] =	stream.linear.scatter [tilespmem:s9], [sflag:$0x5], $0x5000, $0x38;
	[tilespmem:$0x16000] =	vst v63  }
0xcc: {  	v3 =	vld @p0 [tilespmem:$0x180];
	_ =	sdelay $0x4  }
0xcd: {  	v4 =	vshll.u32 @p0 v3, $0x1  }
0xce: {  	v5 =	vlaneseq.u32 @p0;
	v3 =	vand.u32 @p0 $0x7, v3;
	v4 =	vand.u32 @p0 $0xFFFFFFF0, v4  }
0xcf: {  	v6 =	vshrl.u32 @p0 v5, $0x3;
	v3 =	vor.u32 @p0 v3, v4;
	v4 =	vand.u32 @p0 $0x7, v5  }
0xd0: {  	v6 =	vmul.u32 @p0 $0x8, v6;
	v7 =	vperm.xlane @p0 v3, v4  }
0xd1: {  	v5 =	vor.u32 @p0 $0x8, v5  }
0xd2: {  	v3 =	vperm.xlane @p0 v3, v5;
	v7 =	vadd.s32 @p0 v6, v7;
	_ =	sdelay $0x1  }
0xd3: {  	v3 =	vadd.s32 @p0 v6, v3;
	_ =	sdelay $0x1  }
0xd4: {  	vm1 =	vmmov @p0 $0xffff;
	s28 =	simm.s32 @p0 $0x0;
	s29 =	simm.s32 @p0 $0x11000  }
0xd5: {  	[tilespmem:s29], [sflag:$0x4] =	stream.indirect_vreg.gather @p0 [hbm4b:s3+s28], $0x80, v7, vm1, $0xb8;
	[tilespmem:$0x16000] =	vst v63  }
0xd6: {  	s29 =	simm.s32 @p0 $0x11800  }
0xd7: {  	[tilespmem:s29], [sflag:$0x4] =	stream.indirect_vreg.gather @p0 [hbm4b:s3+s28], $0x80, v3, vm1, $0xb8;
	[tilespmem:$0x16000] =	vst v63  }
0xd8: {  	v3 =	vld @p0 [tilespmem:$0x190];
	_ =	sdelay $0x4  }
0xd9: {  	v7 =	vshll.u32 @p0 v3, $0x1  }
0xda: {  	v3 =	vand.u32 @p0 $0x7, v3;
	v7 =	vand.u32 @p0 $0xFFFFFFF0, v7  }
0xdb: {  	v3 =	vor.u32 @p0 v3, v7  }
0xdc: {  	v7 =	vperm.xlane @p0 v3, v4;
	_ =	sdelay $0x1  }
0xdd: {  	v3 =	vperm.xlane @p0 v3, v5;
	v7 =	vadd.s32 @p0 v6, v7;
	_ =	sdelay $0x1  }
0xde: {  	v3 =	vadd.s32 @p0 v6, v3;
	_ =	sdelay $0x1  }
0xdf: {  	s29 =	simm.s32 @p0 $0x12000  }
0xe0: {  	[tilespmem:s29], [sflag:$0x4] =	stream.indirect_vreg.gather @p0 [hbm4b:s3+s28], $0x80, v7, vm1, $0xb8;
	[tilespmem:$0x16000] =	vst v63  }
0xe1: {  	s29 =	simm.s32 @p0 $0x12800  }
0xe2: {  	[tilespmem:s29], [sflag:$0x4] =	stream.indirect_vreg.gather @p0 [hbm4b:s3+s28], $0x80, v3, vm1, $0xb8;
	[tilespmem:$0x16000] =	vst v63  }
0xe3: {  	v3 =	vld @p0 [tilespmem:$0x1A0];
	_ =	sdelay $0x4  }
0xe4: {  	v7 =	vshll.u32 @p0 v3, $0x1  }
0xe5: {  	v3 =	vand.u32 @p0 $0x7, v3;
	v7 =	vand.u32 @p0 $0xFFFFFFF0, v7  }
0xe6: {  	v3 =	vor.u32 @p0 v3, v7  }
0xe7: {  	v7 =	vperm.xlane @p0 v3, v4;
	_ =	sdelay $0x1  }
0xe8: {  	v3 =	vperm.xlane @p0 v3, v5;
	v7 =	vadd.s32 @p0 v6, v7;
	_ =	sdelay $0x1  }
0xe9: {  	v3 =	vadd.s32 @p0 v6, v3;
	_ =	sdelay $0x1  }
0xea: {  	s29 =	simm.s32 @p0 $0x13000  }
0xeb: {  	[tilespmem:s29], [sflag:$0x4] =	stream.indirect_vreg.gather @p0 [hbm4b:s3+s28], $0x80, v7, vm1, $0xb8;
	[tilespmem:$0x16000] =	vst v63  }
0xec: {  	s29 =	simm.s32 @p0 $0x13800  }
0xed: {  	[tilespmem:s29], [sflag:$0x4] =	stream.indirect_vreg.gather @p0 [hbm4b:s3+s28], $0x80, v3, vm1, $0xb8;
	[tilespmem:$0x16000] =	vst v63  }
0xee: {  	v3 =	vld @p0 [tilespmem:$0x1B0];
	_ =	sdelay $0x4  }
0xef: {  	v7 =	vshll.u32 @p0 v3, $0x1  }
0xf0: {  	v3 =	vand.u32 @p0 $0x7, v3;
	v7 =	vand.u32 @p0 $0xFFFFFFF0, v7  }
0xf1: {  	v3 =	vor.u32 @p0 v3, v7  }
0xf2: {  	v4 =	vperm.xlane @p0 v3, v4;
	_ =	sdelay $0x1  }
0xf3: {  	v3 =	vperm.xlane @p0 v3, v5;
	v4 =	vadd.s32 @p0 v6, v4;
	_ =	sdelay $0x1  }
0xf4: {  	v3 =	vadd.s32 @p0 v6, v3;
	_ =	sdelay $0x1  }
0xf5: {  	s29 =	simm.s32 @p0 $0x14000  }
0xf6: {  	[tilespmem:s29], [sflag:$0x4] =	stream.indirect_vreg.gather @p0 [hbm4b:s3+s28], $0x80, v4, vm1, $0xb8;
	[tilespmem:$0x16000] =	vst v63  }
0xf7: {  	s29 =	simm.s32 @p0 $0x14800  }
0xf8: {  	[tilespmem:s29], [sflag:$0x4] =	stream.indirect_vreg.gather @p0 [hbm4b:s3+s28], $0x80, v3, vm1, $0xb8;
	[tilespmem:$0x16000] =	vst v63  }
0xf9: {  	s28 =	simm.s32 @!p0 $0x8  }
0xfa: {  	_ =	swait.ge @!p0 [sflag:s28], $0x5000  }
0xfb: {  	[sflag:s28] =	ssyncset.done @!p0 $0x0  }
0xfc: {  	[sflag:s28] =	ssyncadd.s32 @!p0 $0xFFFFB000  }
0xfd: {  	v3 =	vld @!p0 [tilespmem:s24+$0xFFFFFFE0];
	_ =	sdelay $0x4  }
0xfe: {  	v4 =	vshll.u32 @!p0 v3, $0x1  }
0xff: {  	v5 =	vlaneseq.u32 @!p0;
	v3 =	vand.u32 @!p0 $0x7, v3;
	v4 =	vand.u32 @!p0 $0xFFFFFFF0, v4  }
0x100: {  	v6 =	vshrl.u32 @!p0 v5, $0x3;
	v3 =	vor.u32 @!p0 v3, v4;
	v4 =	vand.u32 @!p0 $0x7, v5  }
0x101: {  	v6 =	vmul.u32 @!p0 $0x8, v6;
	v7 =	vperm.xlane @!p0 v3, v4  }
0x102: {  	v5 =	vor.u32 @!p0 $0x8, v5  }
0x103: {  	v3 =	vperm.xlane @!p0 v3, v5;
	v7 =	vadd.s32 @!p0 v6, v7;
	_ =	sdelay $0x1  }
0x104: {  	v3 =	vadd.s32 @!p0 v6, v3;
	_ =	sdelay $0x1  }
0x105: {  	vm1 =	vmmov @!p0 $0xffff;
	s29 =	simm.s32 @!p0 $0x11000;
	s28 =	simm.s32 @!p0 $0x0  }
0x106: {  	[tilespmem:s29], [sflag:$0x4] =	stream.indirect_vreg.gather @!p0 [hbm4b:s3+s28], $0x80, v7, vm1, $0xb8;
	[tilespmem:$0x16000] =	vst v63  }
0x107: {  	s29 =	simm.s32 @!p0 $0x11800  }
0x108: {  	[tilespmem:s29], [sflag:$0x4] =	stream.indirect_vreg.gather @!p0 [hbm4b:s3+s28], $0x80, v3, vm1, $0xb8;
	[tilespmem:$0x16000] =	vst v63  }
0x109: {  	v3 =	vld @!p0 [tilespmem:s24+$0xFFFFFFF0];
	_ =	sdelay $0x4  }
0x10a: {  	v7 =	vshll.u32 @!p0 v3, $0x1  }
0x10b: {  	v3 =	vand.u32 @!p0 $0x7, v3;
	v7 =	vand.u32 @!p0 $0xFFFFFFF0, v7  }
0x10c: {  	v3 =	vor.u32 @!p0 v3, v7  }
0x10d: {  	v7 =	vperm.xlane @!p0 v3, v4;
	_ =	sdelay $0x1  }
0x10e: {  	v3 =	vperm.xlane @!p0 v3, v5;
	v7 =	vadd.s32 @!p0 v6, v7;
	_ =	sdelay $0x1  }
0x10f: {  	v3 =	vadd.s32 @!p0 v6, v3;
	_ =	sdelay $0x1  }
0x110: {  	s29 =	simm.s32 @!p0 $0x12000  }
0x111: {  	[tilespmem:s29], [sflag:$0x4] =	stream.indirect_vreg.gather @!p0 [hbm4b:s3+s28], $0x80, v7, vm1, $0xb8;
	[tilespmem:$0x16000] =	vst v63  }
0x112: {  	s29 =	simm.s32 @!p0 $0x12800  }
0x113: {  	[tilespmem:s29], [sflag:$0x4] =	stream.indirect_vreg.gather @!p0 [hbm4b:s3+s28], $0x80, v3, vm1, $0xb8;
	[tilespmem:$0x16000] =	vst v63  }
0x114: {  	v3 =	vld @!p0 [tilespmem:s24+$0x0];
	_ =	sdelay $0x4  }
0x115: {  	v7 =	vshll.u32 @!p0 v3, $0x1  }
0x116: {  	v3 =	vand.u32 @!p0 $0x7, v3;
	v7 =	vand.u32 @!p0 $0xFFFFFFF0, v7  }
0x117: {  	v3 =	vor.u32 @!p0 v3, v7  }
0x118: {  	v7 =	vperm.xlane @!p0 v3, v4;
	_ =	sdelay $0x1  }
0x119: {  	v3 =	vperm.xlane @!p0 v3, v5;
	v7 =	vadd.s32 @!p0 v6, v7;
	_ =	sdelay $0x1  }
0x11a: {  	v3 =	vadd.s32 @!p0 v6, v3;
	_ =	sdelay $0x1  }
0x11b: {  	s29 =	simm.s32 @!p0 $0x13000  }
0x11c: {  	[tilespmem:s29], [sflag:$0x4] =	stream.indirect_vreg.gather @!p0 [hbm4b:s3+s28], $0x80, v7, vm1, $0xb8;
	[tilespmem:$0x16000] =	vst v63  }
0x11d: {  	s29 =	simm.s32 @!p0 $0x13800  }
0x11e: {  	[tilespmem:s29], [sflag:$0x4] =	stream.indirect_vreg.gather @!p0 [hbm4b:s3+s28], $0x80, v3, vm1, $0xb8;
	[tilespmem:$0x16000] =	vst v63  }
0x11f: {  	v3 =	vld @!p0 [tilespmem:s24+$0x10];
	_ =	sdelay $0x4  }
0x120: {  	v7 =	vshll.u32 @!p0 v3, $0x1  }
0x121: {  	v3 =	vand.u32 @!p0 $0x7, v3;
	v7 =	vand.u32 @!p0 $0xFFFFFFF0, v7  }
0x122: {  	v3 =	vor.u32 @!p0 v3, v7  }
0x123: {  	v4 =	vperm.xlane @!p0 v3, v4;
	_ =	sdelay $0x1  }
0x124: {  	v3 =	vperm.xlane @!p0 v3, v5;
	v4 =	vadd.s32 @!p0 v6, v4;
	_ =	sdelay $0x1  }
0x125: {  	v3 =	vadd.s32 @!p0 v6, v3;
	_ =	sdelay $0x1  }
0x126: {  	s29 =	simm.s32 @!p0 $0x14000  }
0x127: {  	[tilespmem:s29], [sflag:$0x4] =	stream.indirect_vreg.gather @!p0 [hbm4b:s3+s28], $0x80, v4, vm1, $0xb8;
	[tilespmem:$0x16000] =	vst v63  }
0x128: {  	s29 =	simm.s32 @!p0 $0x14800  }
0x129: {  	[tilespmem:s29], [sflag:$0x4] =	stream.indirect_vreg.gather @!p0 [hbm4b:s3+s28], $0x80, v3, vm1, $0xb8;
	[tilespmem:$0x16000] =	vst v63  }
0x12a: {  	s28 =	sadd.s32 @!p0 $0x20, s24  }
0x12b: {  	s28 =	simm.s32 @p0 $0x1C0  }
0x12c: {  	v3 =	vld [tilespmem:s28+$0x0];
	_ =	sdelay $0x4  }
0x12d: {  	v63 =	vshll.u32 v3, $0x1  }
0x12e: {  	v3 =	vand.u32 $0x7, v3;
	v4 =	vand.u32 $0xFFFFFFF0, v63  }
0x12f: {  	v3 =	vor.u32 v3, v4  }
0x130: {  	v4 =	vperm.xlane v3, v0;
	_ =	sdelay $0x1  }
0x131: {  	v3 =	vperm.xlane v3, v2;
	v4 =	vadd.s32 v1, v4;
	_ =	sdelay $0x1  }
0x132: {  	v3 =	vadd.s32 v1, v3;
	_ =	sdelay $0x2  }
0x133: {  	[tilespmem:s14], [sflag:$0x4] =	stream.indirect_vreg.gather [hbm4b:s3+s2], $0x80, v4, vm0, $0xb8;
	[tilespmem:$0x16000] =	vst v63  }
0x134: {  	p0 =	seq.s32 s25, $0x25800  }
0x135: {  	[tilespmem:s15], [sflag:$0x4] =	stream.indirect_vreg.gather [hbm4b:s3+s2], $0x80, v3, vm0, $0xb8;
	[tilespmem:$0x16000] =	vst v63  }
.Ltmp2:
0x136: {  	_ = 	snop;
	(pc) =	sbr.rel @!p0 .LBB2_3-.Ltmp2, $4  }
0x137: {  	_ =	swait.ge [sflag:s16], $0x5000  }
0x138: {  	[sflag:s16] =	ssyncset.done $0x0  }
0x139: {  	s29 =	sadd.s32 $0xA00, s26;
	[sflag:s16] =	ssyncadd.s32 $0xFFFFB000  }
0x13a: {  	[hbm4b:s29+s2] =	stream.linear.scatter [tilespmem:s19], [sflag:$0x6], $0x5000, $0x38;
	[tilespmem:$0x16000] =	vst v63  }
.Ltmp3:
0x13b: {  	(pc) =	sbr.rel .LBB2_5-.Ltmp3, $4  }
0x13c: {  	_ =	swait.ge [sflag:s17], $0x5000  }
0x13d: {  	[sflag:s17] =	ssyncset.done $0x0  }
0x13e: {  	[sflag:s17] =	ssyncadd.s32 $0xFFFFB000  }
0x13f: {  	[hbm4b:s6+s2] =	stream.linear.scatter [tilespmem:s30], [sflag:$0x7], $0x5000, $0x38;
	[tilespmem:$0x16000] =	vst v63  }
.LBB2_3:
0x140: {  	_ =	swait.ge [sflag:s21], $0x5000  }
0x141: {  	[sflag:s21] =	ssyncset.done $0x0  }
0x142: {  	[sflag:s21] =	ssyncadd.s32 $0xFFFFB000  }
0x143: {  	v3 =	vld [tilespmem:s24+$0x60];
	_ =	sdelay $0x4  }
0x144: {  	v4 =	vshll.u32 v3, $0x1  }
0x145: {  	v3 =	vand.u32 $0x7, v3;
	v4 =	vand.u32 $0xFFFFFFF0, v4  }
0x146: {  	v3 =	vor.u32 v3, v4  }
0x147: {  	v4 =	vperm.xlane v3, v0;
	_ =	sdelay $0x1  }
0x148: {  	v3 =	vperm.xlane v3, v2;
	v4 =	vadd.s32 v1, v4;
	_ =	sdelay $0x1  }
0x149: {  	v3 =	vadd.s32 v1, v3;
	_ =	sdelay $0x2  }
0x14a: {  	[tilespmem:s9], [sflag:$0x1] =	stream.indirect_vreg.gather [hbm4b:s3+s2], $0x80, v4, vm0, $0xb8;
	[tilespmem:$0x16000] =	vst v63  }
0x14b: {  	s28 =	simm.s32 $0x2800  }
0x14c: {  	[tilespmem:s28], [sflag:$0x1] =	stream.indirect_vreg.gather [hbm4b:s3+s2], $0x80, v3, vm0, $0xb8;
	[tilespmem:$0x16000] =	vst v63  }
0x14d: {  	v3 =	vld [tilespmem:s24+$0x70];
	_ =	sdelay $0x4  }
0x14e: {  	v55 =	vshll.u32 v3, $0x1  }
0x14f: {  	v3 =	vand.u32 $0x7, v3;
	v4 =	vand.u32 $0xFFFFFFF0, v55  }
0x150: {  	v3 =	vor.u32 v3, v4  }
0x151: {  	v4 =	vperm.xlane v3, v0;
	_ =	sdelay $0x1  }
0x152: {  	v3 =	vperm.xlane v3, v2;
	v4 =	vadd.s32 v1, v4;
	_ =	sdelay $0x1  }
0x153: {  	v3 =	vadd.s32 v1, v3;
	_ =	sdelay $0x1  }
0x154: {  	s29 =	simm.s32 $0x3000  }
0x155: {  	[tilespmem:s29], [sflag:$0x1] =	stream.indirect_vreg.gather [hbm4b:s3+s2], $0x80, v4, vm0, $0xb8;
	[tilespmem:$0x16000] =	vst v63  }
0x156: {  	s29 =	simm.s32 $0x3800  }
0x157: {  	[tilespmem:s29], [sflag:$0x1] =	stream.indirect_vreg.gather [hbm4b:s3+s2], $0x80, v3, vm0, $0xb8;
	[tilespmem:$0x16000] =	vst v63  }
0x158: {  	v3 =	vld [tilespmem:s24+$0x80];
	_ =	sdelay $0x4  }
0x159: {  	v56 =	vshll.u32 v3, $0x1  }
0x15a: {  	v3 =	vand.u32 $0x7, v3;
	v4 =	vand.u32 $0xFFFFFFF0, v56  }
0x15b: {  	v3 =	vor.u32 v3, v4  }
0x15c: {  	v4 =	vperm.xlane v3, v0;
	_ =	sdelay $0x1  }
0x15d: {  	v3 =	vperm.xlane v3, v2;
	v4 =	vadd.s32 v1, v4;
	_ =	sdelay $0x1  }
0x15e: {  	v3 =	vadd.s32 v1, v3;
	_ =	sdelay $0x1  }
0x15f: {  	s29 =	simm.s32 $0x4000  }
0x160: {  	[tilespmem:s29], [sflag:$0x1] =	stream.indirect_vreg.gather [hbm4b:s3+s2], $0x80, v4, vm0, $0xb8;
	[tilespmem:$0x16000] =	vst v63  }
0x161: {  	s29 =	simm.s32 $0x4800  }
0x162: {  	[tilespmem:s29], [sflag:$0x1] =	stream.indirect_vreg.gather [hbm4b:s3+s2], $0x80, v3, vm0, $0xb8;
	[tilespmem:$0x16000] =	vst v63  }
0x163: {  	v3 =	vld [tilespmem:s24+$0x90];
	_ =	sdelay $0x4  }
0x164: {  	v57 =	vshll.u32 v3, $0x1  }
0x165: {  	v3 =	vand.u32 $0x7, v3;
	v4 =	vand.u32 $0xFFFFFFF0, v57  }
0x166: {  	v3 =	vor.u32 v3, v4  }
0x167: {  	v4 =	vperm.xlane v3, v0;
	_ =	sdelay $0x1  }
0x168: {  	v3 =	vperm.xlane v3, v2;
	v4 =	vadd.s32 v1, v4;
	_ =	sdelay $0x1  }
0x169: {  	v3 =	vadd.s32 v1, v3;
	_ =	sdelay $0x1  }
0x16a: {  	s29 =	simm.s32 $0x5000  }
0x16b: {  	[tilespmem:s29], [sflag:$0x1] =	stream.indirect_vreg.gather [hbm4b:s3+s2], $0x80, v4, vm0, $0xb8;
	[tilespmem:$0x16000] =	vst v63  }
0x16c: {  	s29 =	simm.s32 $0x5800  }
0x16d: {  	[tilespmem:s29], [sflag:$0x1] =	stream.indirect_vreg.gather [hbm4b:s3+s2], $0x80, v3, vm0, $0xb8;
	[tilespmem:$0x16000] =	vst v63  }
0x16e: {  	v3 =	vld [tilespmem:s24+$0xA0];
	_ =	sdelay $0x4  }
0x16f: {  	v58 =	vshll.u32 v3, $0x1  }
0x170: {  	v3 =	vand.u32 $0x7, v3;
	v4 =	vand.u32 $0xFFFFFFF0, v58  }
0x171: {  	v3 =	vor.u32 v3, v4  }
0x172: {  	v4 =	vperm.xlane v3, v0;
	_ =	sdelay $0x1  }
0x173: {  	v3 =	vperm.xlane v3, v2;
	v4 =	vadd.s32 v1, v4;
	_ =	sdelay $0x1  }
0x174: {  	v3 =	vadd.s32 v1, v3;
	_ =	sdelay $0x1  }
0x175: {  	s29 =	simm.s32 $0x6000  }
0x176: {  	[tilespmem:s29], [sflag:$0x1] =	stream.indirect_vreg.gather [hbm4b:s3+s2], $0x80, v4, vm0, $0xb8;
	[tilespmem:$0x16000] =	vst v63  }
0x177: {  	s29 =	simm.s32 $0x6800  }
0x178: {  	[tilespmem:s29], [sflag:$0x1] =	stream.indirect_vreg.gather [hbm4b:s3+s2], $0x80, v3, vm0, $0xb8;
	[tilespmem:$0x16000] =	vst v63  }
0x179: {  	_ =	swait.ge [sflag:s17], $0x5000  }
0x17a: {  	[sflag:s17] =	ssyncset.done $0x0  }
0x17b: {  	s29 =	sadd.s32 $0x1400, s26;
	[sflag:s17] =	ssyncadd.s32 $0xFFFFB000  }
0x17c: {  	[hbm4b:s29+s2] =	stream.linear.scatter [tilespmem:s30], [sflag:$0x7], $0x5000, $0x38;
	[tilespmem:$0x16000] =	vst v63  }
0x17d: {  	_ =	swait.ge [sflag:s22], $0x5000  }
0x17e: {  	[sflag:s22] =	ssyncset.done $0x0  }
0x17f: {  	[sflag:s22] =	ssyncadd.s32 $0xFFFFB000  }
0x180: {  	v3 =	vld [tilespmem:s24+$0xE0];
	_ =	sdelay $0x4  }
0x181: {  	v59 =	vshll.u32 v3, $0x1  }
0x182: {  	v3 =	vand.u32 $0x7, v3;
	v4 =	vand.u32 $0xFFFFFFF0, v59  }
0x183: {  	v3 =	vor.u32 v3, v4  }
0x184: {  	v4 =	vperm.xlane v3, v0;
	_ =	sdelay $0x1  }
0x185: {  	v3 =	vperm.xlane v3, v2;
	v4 =	vadd.s32 v1, v4;
	_ =	sdelay $0x1  }
0x186: {  	v3 =	vadd.s32 v1, v3;
	_ =	sdelay $0x2  }
0x187: {  	[tilespmem:s19], [sflag:$0x2] =	stream.indirect_vreg.gather [hbm4b:s3+s2], $0x80, v4, vm0, $0xb8;
	[tilespmem:$0x16000] =	vst v63  }
0x188: {  	s29 =	simm.s32 $0x7800  }
0x189: {  	[tilespmem:s29], [sflag:$0x2] =	stream.indirect_vreg.gather [hbm4b:s3+s2], $0x80, v3, vm0, $0xb8;
	[tilespmem:$0x16000] =	vst v63  }
0x18a: {  	v3 =	vld [tilespmem:s24+$0xF0];
	_ =	sdelay $0x4  }
0x18b: {  	v60 =	vshll.u32 v3, $0x1  }
0x18c: {  	v3 =	vand.u32 $0x7, v3;
	v4 =	vand.u32 $0xFFFFFFF0, v60  }
0x18d: {  	v3 =	vor.u32 v3, v4  }
0x18e: {  	v4 =	vperm.xlane v3, v0;
	_ =	sdelay $0x1  }
0x18f: {  	v3 =	vperm.xlane v3, v2;
	v4 =	vadd.s32 v1, v4;
	_ =	sdelay $0x1  }
0x190: {  	v3 =	vadd.s32 v1, v3;
	_ =	sdelay $0x1  }
0x191: {  	s29 =	simm.s32 $0x8000  }
0x192: {  	[tilespmem:s29], [sflag:$0x2] =	stream.indirect_vreg.gather [hbm4b:s3+s2], $0x80, v4, vm0, $0xb8;
	[tilespmem:$0x16000] =	vst v63  }
0x193: {  	s29 =	simm.s32 $0x8800  }
0x194: {  	[tilespmem:s29], [sflag:$0x2] =	stream.indirect_vreg.gather [hbm4b:s3+s2], $0x80, v3, vm0, $0xb8;
	[tilespmem:$0x16000] =	vst v63  }
0x195: {  	v3 =	vld [tilespmem:s24+$0x100];
	_ =	sdelay $0x4  }
0x196: {  	v61 =	vshll.u32 v3, $0x1  }
0x197: {  	v3 =	vand.u32 $0x7, v3;
	v4 =	vand.u32 $0xFFFFFFF0, v61  }
0x198: {  	v3 =	vor.u32 v3, v4  }
0x199: {  	v4 =	vperm.xlane v3, v0;
	_ =	sdelay $0x1  }
0x19a: {  	v3 =	vperm.xlane v3, v2;
	v4 =	vadd.s32 v1, v4;
	_ =	sdelay $0x1  }
0x19b: {  	v3 =	vadd.s32 v1, v3;
	_ =	sdelay $0x1  }
0x19c: {  	s29 =	simm.s32 $0x9000  }
0x19d: {  	[tilespmem:s29], [sflag:$0x2] =	stream.indirect_vreg.gather [hbm4b:s3+s2], $0x80, v4, vm0, $0xb8;
	[tilespmem:$0x16000] =	vst v63  }
0x19e: {  	s29 =	simm.s32 $0x9800  }
0x19f: {  	[tilespmem:s29], [sflag:$0x2] =	stream.indirect_vreg.gather [hbm4b:s3+s2], $0x80, v3, vm0, $0xb8;
	[tilespmem:$0x16000] =	vst v63  }
0x1a0: {  	v3 =	vld [tilespmem:s24+$0x110];
	_ =	sdelay $0x4  }
0x1a1: {  	v62 =	vshll.u32 v3, $0x1  }
0x1a2: {  	v3 =	vand.u32 $0x7, v3;
	v4 =	vand.u32 $0xFFFFFFF0, v62  }
0x1a3: {  	v3 =	vor.u32 v3, v4  }
0x1a4: {  	v4 =	vperm.xlane v3, v0;
	_ =	sdelay $0x1  }
0x1a5: {  	v3 =	vperm.xlane v3, v2;
	v4 =	vadd.s32 v1, v4;
	_ =	sdelay $0x1  }
0x1a6: {  	v3 =	vadd.s32 v1, v3;
	_ =	sdelay $0x1  }
0x1a7: {  	s29 =	simm.s32 $0xA000  }
0x1a8: {  	[tilespmem:s29], [sflag:$0x2] =	stream.indirect_vreg.gather [hbm4b:s3+s2], $0x80, v4, vm0, $0xb8;
	[tilespmem:$0x16000] =	vst v63  }
0x1a9: {  	s29 =	simm.s32 $0xA800  }
0x1aa: {  	[tilespmem:s29], [sflag:$0x2] =	stream.indirect_vreg.gather [hbm4b:s3+s2], $0x80, v3, vm0, $0xb8;
	[tilespmem:$0x16000] =	vst v63  }
0x1ab: {  	v3 =	vld [tilespmem:s24+$0x120];
	_ =	sdelay $0x4  }
0x1ac: {  	v63 =	vshll.u32 v3, $0x1  }
0x1ad: {  	v3 =	vand.u32 $0x7, v3;
	v4 =	vand.u32 $0xFFFFFFF0, v63  }
0x1ae: {  	v3 =	vor.u32 v3, v4  }
0x1af: {  	v4 =	vperm.xlane v3, v0;
	_ =	sdelay $0x1  }
0x1b0: {  	v3 =	vperm.xlane v3, v2;
	v4 =	vadd.s32 v1, v4;
	_ =	sdelay $0x1  }
0x1b1: {  	v3 =	vadd.s32 v1, v3;
	_ =	sdelay $0x1  }
0x1b2: {  	s29 =	simm.s32 $0xB000  }
0x1b3: {  	[tilespmem:s29], [sflag:$0x2] =	stream.indirect_vreg.gather [hbm4b:s3+s2], $0x80, v4, vm0, $0xb8;
	[tilespmem:$0x16000] =	vst v63  }
0x1b4: {  	s29 =	simm.s32 $0xB800  }
0x1b5: {  	[tilespmem:s29], [sflag:$0x2] =	stream.indirect_vreg.gather [hbm4b:s3+s2], $0x80, v3, vm0, $0xb8;
	[tilespmem:$0x16000] =	vst v63  }
.LBB2_5:
.Ltmp4:
0x1b6: {  	(pc) =	sbr.rel @p0 .LBB2_7-.Ltmp4, $4  }
0x1b7: {  	_ =	swait.ge [sflag:s18], $0x5000  }
0x1b8: {  	[sflag:s18] =	ssyncset.done $0x0  }
0x1b9: {  	s26 =	sadd.s32 $0x1E00, s26;
	[sflag:s18] =	ssyncadd.s32 $0xFFFFB000  }
0x1ba: {  	[hbm4b:s26+s2] =	stream.linear.scatter [tilespmem:s20], [sflag:$0x8], $0x5000, $0x38;
	[tilespmem:$0x16000] =	vst v63  }
0x1bb: {  	_ =	swait.ge [sflag:s23], $0x5000  }
0x1bc: {  	[sflag:s23] =	ssyncset.done $0x0  }
0x1bd: {  	[sflag:s23] =	ssyncadd.s32 $0xFFFFB000  }
0x1be: {  	v3 =	vld [tilespmem:s24+$0x160];
	_ =	sdelay $0x4  }
0x1bf: {  	v4 =	vshll.u32 v3, $0x1  }
0x1c0: {  	v3 =	vand.u32 $0x7, v3;
	v4 =	vand.u32 $0xFFFFFFF0, v4  }
0x1c1: {  	v3 =	vor.u32 v3, v4  }
0x1c2: {  	v4 =	vperm.xlane v3, v0;
	_ =	sdelay $0x1  }
0x1c3: {  	v3 =	vperm.xlane v3, v2;
	v4 =	vadd.s32 v1, v4;
	_ =	sdelay $0x1  }
0x1c4: {  	v3 =	vadd.s32 v1, v3;
	_ =	sdelay $0x2  }
0x1c5: {  	[tilespmem:s30], [sflag:$0x3] =	stream.indirect_vreg.gather [hbm4b:s3+s2], $0x80, v4, vm0, $0xb8;
	[tilespmem:$0x16000] =	vst v63  }
0x1c6: {  	_ = 	snop  }
0x1c7: {  	[tilespmem:s31], [sflag:$0x3] =	stream.indirect_vreg.gather [hbm4b:s3+s2], $0x80, v3, vm0, $0xb8;
	[tilespmem:$0x16000] =	vst v63  }
0x1c8: {  	v3 =	vld [tilespmem:s24+$0x170];
	_ =	sdelay $0x4  }
0x1c9: {  	v60 =	vshll.u32 v3, $0x1  }
0x1ca: {  	v3 =	vand.u32 $0x7, v3;
	v4 =	vand.u32 $0xFFFFFFF0, v60  }
0x1cb: {  	v3 =	vor.u32 v3, v4  }
0x1cc: {  	v4 =	vperm.xlane v3, v0;
	_ =	sdelay $0x1  }
0x1cd: {  	v3 =	vperm.xlane v3, v2;
	v4 =	vadd.s32 v1, v4;
	_ =	sdelay $0x1  }
0x1ce: {  	v3 =	vadd.s32 v1, v3;
	_ =	sdelay $0x2  }
0x1cf: {  	[tilespmem:s0], [sflag:$0x3] =	stream.indirect_vreg.gather [hbm4b:s3+s2], $0x80, v4, vm0, $0xb8;
	[tilespmem:$0x16000] =	vst v63  }
0x1d0: {  	_ = 	snop  }
0x1d1: {  	[tilespmem:s1], [sflag:$0x3] =	stream.indirect_vreg.gather [hbm4b:s3+s2], $0x80, v3, vm0, $0xb8;
	[tilespmem:$0x16000] =	vst v63  }
0x1d2: {  	v3 =	vld [tilespmem:s24+$0x180];
	_ =	sdelay $0x4  }
0x1d3: {  	v61 =	vshll.u32 v3, $0x1  }
0x1d4: {  	v3 =	vand.u32 $0x7, v3;
	v4 =	vand.u32 $0xFFFFFFF0, v61  }
0x1d5: {  	v3 =	vor.u32 v3, v4  }
0x1d6: {  	v4 =	vperm.xlane v3, v0;
	_ =	sdelay $0x1  }
0x1d7: {  	v3 =	vperm.xlane v3, v2;
	v4 =	vadd.s32 v1, v4;
	_ =	sdelay $0x1  }
0x1d8: {  	v3 =	vadd.s32 v1, v3;
	_ =	sdelay $0x2  }
0x1d9: {  	[tilespmem:s4], [sflag:$0x3] =	stream.indirect_vreg.gather [hbm4b:s3+s2], $0x80, v4, vm0, $0xb8;
	[tilespmem:$0x16000] =	vst v63  }
0x1da: {  	_ = 	snop  }
0x1db: {  	[tilespmem:s5], [sflag:$0x3] =	stream.indirect_vreg.gather [hbm4b:s3+s2], $0x80, v3, vm0, $0xb8;
	[tilespmem:$0x16000] =	vst v63  }
0x1dc: {  	v3 =	vld [tilespmem:s24+$0x190];
	_ =	sdelay $0x4  }
0x1dd: {  	v62 =	vshll.u32 v3, $0x1  }
0x1de: {  	v3 =	vand.u32 $0x7, v3;
	v4 =	vand.u32 $0xFFFFFFF0, v62  }
0x1df: {  	v3 =	vor.u32 v3, v4  }
0x1e0: {  	v4 =	vperm.xlane v3, v0;
	_ =	sdelay $0x1  }
0x1e1: {  	v3 =	vperm.xlane v3, v2;
	v4 =	vadd.s32 v1, v4;
	_ =	sdelay $0x1  }
0x1e2: {  	v3 =	vadd.s32 v1, v3;
	_ =	sdelay $0x2  }
0x1e3: {  	[tilespmem:s8], [sflag:$0x3] =	stream.indirect_vreg.gather [hbm4b:s3+s2], $0x80, v4, vm0, $0xb8;
	[tilespmem:$0x16000] =	vst v63  }
0x1e4: {  	_ = 	snop  }
0x1e5: {  	[tilespmem:s10], [sflag:$0x3] =	stream.indirect_vreg.gather [hbm4b:s3+s2], $0x80, v3, vm0, $0xb8;
	[tilespmem:$0x16000] =	vst v63  }
0x1e6: {  	v3 =	vld [tilespmem:s24+$0x1A0];
	_ =	sdelay $0x4  }
0x1e7: {  	v63 =	vshll.u32 v3, $0x1  }
0x1e8: {  	v3 =	vand.u32 $0x7, v3;
	v4 =	vand.u32 $0xFFFFFFF0, v63  }
0x1e9: {  	v3 =	vor.u32 v3, v4  }
0x1ea: {  	v4 =	vperm.xlane v3, v0;
	_ =	sdelay $0x1  }
0x1eb: {  	v3 =	vperm.xlane v3, v2;
	v4 =	vadd.s32 v1, v4;
	_ =	sdelay $0x1  }
0x1ec: {  	v3 =	vadd.s32 v1, v3  }
.Ltmp5:
0x1ed: {  	_ = 	snop;
	(pc) =	sbr.rel .LBB2_2-.Ltmp5, $4  }
0x1ee: {  	_ = 	snop  }
0x1ef: {  	[tilespmem:s11], [sflag:$0x3] =	stream.indirect_vreg.gather [hbm4b:s3+s2], $0x80, v4, vm0, $0xb8;
	[tilespmem:$0x16000] =	vst v63  }
0x1f0: {  	s25 =	sadd.s32 $0x2800, s25;
	s24 =	sadd.s32 $0x200, s24  }
0x1f1: {  	[tilespmem:s12], [sflag:$0x3] =	stream.indirect_vreg.gather [hbm4b:s3+s2], $0x80, v3, vm0, $0xb8;
	[tilespmem:$0x16000] =	vst v63  }
.LBB2_8:
0x1f2: {  	_ =	sfence.sel $0x180000  }
0x1f3: {  	[bflag:$0x0] =	sbarrier.arrive $0xFFFF  }
0x1f4: {  	_ =	strace $0x90000050  }
0x1f5: {  	s0 =	stileid.u32;
	[bflag:$0x2] =	sbarrier.arrive $0xFFFF  }
0x1f6: {  	p0 =	sne.s32 s0, $0x0;
	s0 =	rddreg [dreg:$0x1]  }
0x1f7: {  	s0 =	sadd.s32 @!p0 $0x100000, s0  }
0x1f8: {  	[sflag:s0] =	ssyncadd.tile.s32 @!p0 $0x1;
	_ =	shalt  }
.Lfunc_end2:
_tile_overlayer_lowered:
.L_overlay_start_2:
0x1f9: {  	(tag) =	ssettag $0x2  }
0x1fa: {  	s0 =	rddreg [dreg:$0x0];
	s2 =	stileid.u32  }
0x1fb: {  	s1 =	rddreg [dreg:$0x1];
	p0 =	sne.s32 s2, $0x0  }
0x1fc: {  	s3 =	rddreg [dreg:$0x2];
	[bflag:$0x3] =	sbarrier.arrive $0xFFFF;
	s2 =	simm.s32 @!p0 $0x1C09  }
0x1fd: {  	[timem:s3], [sflag:s2] =	dma.local @!p0 [hbm:s0], s1  }
0x1fe: {  	s0 =	simm.s32 @!p0 $0x9  }
0x1ff: {  	_ =	swait.ge @!p0 [sflag:s0], s1  }
0x200: {  	s1 =	ssub.s32 @!p0 $0x0, s1;
	[sflag:s0] =	ssyncset.done @!p0 $0x0  }
0x201: {  	[sflag:s0] =	ssyncadd.s32 @!p0 s1  }
0x202: {  	[bflag:$0x3] =	sbarrier.arrive $0xFFFF  }
0x203: {  	_ =	shalt  }

</sc_bundles>
